<compile_context>
chip_gen: v7x
topology: tpu7x:2x2x1
jax: 0.10.2.dev20260603
libtpu: 0.0.44.dev20260713+nightly
codegen_flags: <defaults>
</compile_context>

<pallas_src>
import jax
import jax.numpy as jnp
from jax import lax
from jax.experimental import pallas as pl
from jax.experimental.pallas import tpu as pltpu
from jax.experimental.pallas import tpu_sc as plsc

DIM = 768
MDIM = DIM // 4
N = 8192
NH = N // 2
R = 2048
NKEEP = N - R
B = 2

BLK1 = 512
BM = 512
CW = 128
NCH = DIM // CW
NC, NS = 2, 16
PT = N // NS
QT = NKEEP // NS

MININT = -(2 ** 31)


NBLK2 = NH // BM


def _cumsum_rows(x):
    li = lax.broadcasted_iota(jnp.int32, (BM, BM), 0)
    lj = lax.broadcasted_iota(jnp.int32, (BM, BM), 1)
    tri = (li <= lj).astype(jnp.float32)
    intra = lax.dot_general(x, tri, (((1,), (0,)), ((), ())),
                            preferred_element_type=jnp.float32)
    rowsum = jnp.sum(x, axis=1)
    si = lax.broadcasted_iota(jnp.int32, (NBLK2, NBLK2), 0)
    sj = lax.broadcasted_iota(jnp.int32, (NBLK2, NBLK2), 1)
    stri = (si < sj).astype(jnp.float32)
    off = lax.dot_general(rowsum, stri, (((0,), (0,)), ((), ())),
                          preferred_element_type=jnp.float32)
    return intra + off[:, None]


NB1 = NH // BLK1


def _scores_body(x_ref, w_ref, b_ref, idx_ref, sel_ref, ne_ref, no_ref,
                 a_scr, bb_scr, vals_scr):
    j = pl.program_id(1)

    @pl.when(j < NB1)
    def _():
        xab = x_ref[0]
        w = w_ref[...]
        bv = b_ref[...]
        ma = lax.dot_general(xab[:, :DIM], w, (((1,), (1,)), ((), ())),
                             preferred_element_type=jnp.float32) + bv
        mb = lax.dot_general(xab[:, DIM:], w, (((1,), (1,)), ((), ())),
                             preferred_element_type=jnp.float32) + bv
        sl = pl.ds(j * BLK1, BLK1)
        a_scr[sl, :] = ma / jnp.sqrt(jnp.sum(ma * ma, axis=1, keepdims=True))
        bb_scr[sl, :] = mb / jnp.sqrt(jnp.sum(mb * mb, axis=1, keepdims=True))

    @pl.when(j >= NB1)
    def _():
        jb = j - NB1
        a = a_scr[pl.ds(jb * BM, BM), :]
        bt = bb_scr[...]
        s = lax.dot_general(a, bt, (((1,), (1,)), ((), ())),
                            preferred_element_type=jnp.float32)
        v = jnp.max(s, axis=1)
        idx_ref[0, 0, 0] = jnp.argmax(s, axis=1).astype(jnp.int32)
        vals_scr[pl.ds(jb, 1), :] = v[None, :]

    @pl.when(j == NB1 + NBLK2 - 1)
    def _():
        vv = vals_scr[...]
        bits = lax.bitcast_convert_type(vv, jnp.int32)
        ikey = jnp.where(bits >= 0, bits, bits ^ jnp.int32(0x7FFFFFFF))
        mi = jnp.int32(MININT)
        tu = jnp.zeros((1, 1), jnp.int32)
        for bit in range(31, -1, -1):
            m = mi if bit == 31 else jnp.int32(1 << bit)
            cand_u = tu | m
            cand_s = cand_u ^ mi
            c = jnp.sum((ikey >= cand_s).astype(jnp.int32), axis=(0, 1),
                        keepdims=True)
            tu = jnp.where(c >= R, cand_u, tu)
        thr = tu ^ mi
        gt = ikey > thr
        eq = ikey == thr
        need = jnp.int32(R) - jnp.sum(gt.astype(jnp.int32), axis=(0, 1),
                                      keepdims=True)
        eqf = eq.astype(jnp.float32)
        r_excl = _cumsum_rows(eqf) - eqf
        sel = gt | (eq & (r_excl < need.astype(jnp.float32)))
        sel32 = sel.astype(jnp.int32)
        s_incl = _cumsum_rows(sel.astype(jnp.float32)).astype(jnp.int32)
        sub = lax.broadcasted_iota(jnp.int32, (NBLK2, BM), 0)
        lane = lax.broadcasted_iota(jnp.int32, (NBLK2, BM), 1)
        k = sub * BM + lane
        sel_ref[0] = sel32
        ne_ref[0] = 2 * k - (s_incl - sel32)
        no_ref[0] = 2 * k + 1 - s_incl


def _scores(x, W, bvec):
    xr = x.reshape(B, NH, 2 * DIM)
    nidx, sel, ne, no = pl.pallas_call(
        _scores_body,
        grid=(B, NB1 + NBLK2),
        in_specs=[
            pl.BlockSpec((1, BLK1, 2 * DIM),
                         lambda i, j: (i, jnp.where(j < NB1, j, 0), 0)),
            pl.BlockSpec((MDIM, DIM), lambda i, j: (0, 0)),
            pl.BlockSpec((1, MDIM), lambda i, j: (0, 0)),
        ],
        out_specs=[
            pl.BlockSpec((1, 1, 1, BM),
                         lambda i, j: (i, jnp.where(j >= NB1, j - NB1, 0),
                                       0, 0)),
            pl.BlockSpec((1, NBLK2, BM), lambda i, j: (i, 0, 0)),
            pl.BlockSpec((1, NBLK2, BM), lambda i, j: (i, 0, 0)),
            pl.BlockSpec((1, NBLK2, BM), lambda i, j: (i, 0, 0)),
        ],
        out_shape=[
            jax.ShapeDtypeStruct((B, NBLK2, 1, BM), jnp.int32),
            jax.ShapeDtypeStruct((B, NBLK2, BM), jnp.int32),
            jax.ShapeDtypeStruct((B, NBLK2, BM), jnp.int32),
            jax.ShapeDtypeStruct((B, NBLK2, BM), jnp.int32),
        ],
        scratch_shapes=[
            pltpu.VMEM((NH, MDIM), jnp.float32),
            pltpu.VMEM((NH, MDIM), jnp.float32),
            pltpu.VMEM((NBLK2, BM), jnp.float32),
        ],
    )(xr, W, bvec.reshape(1, MDIM))
    return (nidx.reshape(B, NH), sel.reshape(B, NH), ne.reshape(B, NH),
            no.reshape(B, NH))


def _merge(x, sel, ne, no, nidx):
    mesh = plsc.VectorSubcoreMesh(core_axis_name="c", subcore_axis_name="s",
                                  num_cores=NC, num_subcores=NS)

    def body(x_hbm, sel_hbm, ne_hbm, no_hbm, nidx_hbm, xf_hbm, own_hbm,
             cnt_hbm, sel_t, ne_t, no_t, nidx_t, slots2d, cnt_t, xbuf0,
             xbuf1, zbuf, sem_l, sem_a, sem_d, accum_sp):
        b = lax.axis_index("c")
        t = lax.axis_index("s")
        zero16 = jnp.zeros((16,), jnp.float32)
        ones16 = jnp.ones((16,), jnp.float32)
        iota16 = lax.iota(jnp.int32, 16)

        tl = [pltpu.async_copy(sel_hbm.at[b], sel_t, sem_l),
              pltpu.async_copy(ne_hbm.at[b], ne_t, sem_l),
              pltpu.async_copy(no_hbm.at[b], no_t, sem_l),
              pltpu.async_copy(nidx_hbm.at[b], nidx_t, sem_l)]
        for d in tl:
            d.wait()

        def _zero_cnt(m, carry):
            cnt_t[pl.ds(m * 16, 16)] = zero16
            return carry
        lax.fori_loop(0, NKEEP // 16, _zero_cnt, 0)

        def _zero_zbuf(m, carry):
            zbuf[m // 8, pl.ds((m % 8) * 16, 16)] = zero16
            return carry
        lax.fori_loop(0, 64 * 8, _zero_zbuf, 0)

        def _slots(j, carry):
            i16 = j * 16 + iota16
            selv = sel_t[pl.ds(j * 16, 16)]
            nov = no_t[pl.ds(j * 16, 16)]
            niv = nidx_t[pl.ds(j * 16, 16)]
            nev = ne_t[pl.ds(j * 16, 16)]
            tgt = plsc.load_gather(ne_t, [niv])
            ownodd = jnp.where(selv > 0, tgt, nov)
            pe = i16 * 2
            po = pe + 1
            plsc.store_scatter(slots2d, [pe >> 7, pe & 127], nev)
            plsc.store_scatter(slots2d, [po >> 7, po & 127], ownodd)
            plsc.addupdate_scatter(cnt_t, [nev], ones16)
            plsc.addupdate_scatter(cnt_t, [ownodd], ones16)
            return carry
        lax.fori_loop(0, NH // 16, _slots, 0)

        ow = [pltpu.async_copy(slots2d.at[pl.ds(t * 4, 4)],
                               own_hbm.at[b, pl.ds(t * 4, 4)], sem_d),
              pltpu.async_copy(cnt_t.at[pl.ds(t * QT, QT)],
                               cnt_hbm.at[b, pl.ds(t * QT, QT)], sem_d)]

        def xsrc(g):
            c, u = g // 4, g % 4
            return x_hbm.at[b, pl.ds(t * PT + u * 128, 128),
                            pl.ds(c * CW, CW)]

        nblk = 4 * NCH
        zs = [pltpu.async_copy(zbuf, accum_sp.at[pl.ds(t * QT + z * 64, 64)],
                               sem_a)
              for z in range(QT // 64)]
        lds = [None] * (nblk + 2)
        ads = [None] * nblk
        lds[0] = pltpu.async_copy(xsrc(0), xbuf0, sem_l)
        lds[1] = pltpu.async_copy(xsrc(1), xbuf1, sem_l)
        for d in ow:
            d.wait()
        for d in zs:
            d.wait()
        plsc.subcore_barrier()
        for c in range(NCH):
            for u in range(4):
                g = 4 * c + u
                lds[g].wait()
                buf = xbuf0 if g % 2 == 0 else xbuf1
                ads[g] = pltpu.async_copy(buf,
                                          accum_sp.at[slots2d.at[t * 4 + u]],
                                          sem_a, add=True)
                ads[g].wait()
                if g + 2 < nblk:
                    lds[g + 2] = pltpu.async_copy(xsrc(g + 2), buf, sem_l)
            plsc.subcore_barrier()
            dr = pltpu.async_copy(accum_sp.at[pl.ds(t * QT, QT)],
                                  xf_hbm.at[b, pl.ds(t * QT, QT),
                                            pl.ds(c * CW, CW)], sem_d)
            dr.wait()
            if c + 1 < NCH:
                zs = [pltpu.async_copy(
                          zbuf, accum_sp.at[pl.ds(t * QT + z * 64, 64)],
                          sem_d)
                      for z in range(QT // 64)]
                for d in zs:
                    d.wait()
            plsc.subcore_barrier()

    run = pl.kernel(
        body,
        out_type=(
            jax.ShapeDtypeStruct((B, NKEEP, DIM), jnp.float32),
            jax.ShapeDtypeStruct((B, 64, 128), jnp.int32),
            jax.ShapeDtypeStruct((B, NKEEP), jnp.float32),
        ),
        mesh=mesh,
        compiler_params=pltpu.CompilerParams(needs_layout_passes=False),
        scratch_types=[
            pltpu.VMEM((NH,), jnp.int32),
            pltpu.VMEM((NH,), jnp.int32),
            pltpu.VMEM((NH,), jnp.int32),
            pltpu.VMEM((NH,), jnp.int32),
            pltpu.VMEM((64, 128), jnp.int32),
            pltpu.VMEM((NKEEP,), jnp.float32),
            pltpu.VMEM((128, CW), jnp.float32),
            pltpu.VMEM((128, CW), jnp.float32),
            pltpu.VMEM((64, 128), jnp.float32),
            pltpu.SemaphoreType.DMA,
            pltpu.SemaphoreType.DMA,
            pltpu.SemaphoreType.DMA,
            pltpu.VMEM_SHARED((NKEEP, CW), jnp.float32),
        ],
    )
    xf_raw, own, cnt = run(x, sel, ne, no, nidx)
    return xf_raw, own.reshape(B, N), cnt


def _divide_body(xr_ref, c_ref, out_ref):
    out_ref[0] = xr_ref[0] / c_ref[0]


def _divide(xf_raw, cnt):
    blk = 512
    return pl.pallas_call(
        _divide_body,
        grid=(B, NKEEP // blk),
        in_specs=[
            pl.BlockSpec((1, blk, DIM), lambda i, j: (i, j, 0)),
            pl.BlockSpec((1, blk, 1), lambda i, j: (i, j, 0)),
        ],
        out_specs=pl.BlockSpec((1, blk, DIM), lambda i, j: (i, j, 0)),
        out_shape=jax.ShapeDtypeStruct((B, NKEEP, DIM), jnp.float32),
    )(xf_raw, cnt.reshape(B, NKEEP, 1))


def kernel(x, W, b):
    nidx, sel, ne, no = _scores(x, W, b)
    xf_raw, own, cnt = _merge(x, sel, ne, no, nidx)
    xf = _divide(xf_raw, cnt)
    return (xf, own)

# --- scband reference (transcript-rebuilt; emitter-appended) ---
"""Pipeline reference for scband-merge-dnalayer-90288802496787 (READ-ONLY COPY).

The authoritative reference and input builder live on the scoring server;
editing this copy changes nothing except your own understanding.
"""

import jax, jax.numpy as jnp
import numpy as np

DIM = 768
MERGE_R = 2048

def setup_inputs(seed: int = 0) -> dict:
    key = jax.random.key(seed)
    k1, k2 = jax.random.split(key, 2)
    x = jax.random.normal(k1, (2, 8192, DIM), dtype=jnp.float32)
    W = jax.random.normal(k2, (DIM // 4, DIM), dtype=jnp.float32) * 0.02
    b = jnp.zeros((DIM // 4,), dtype=jnp.float32)
    return {"x": x, "W": W, "b": b}

def reference(x, W, b):
    B, N, C = x.shape
    r = min(MERGE_R, N // 2)
    # metric projection
    metric = x @ W.T + b
    # bipartite soft matching (no-grad block in torch)
    mnorm = metric / jnp.linalg.norm(metric, axis=-1, keepdims=True)
    a = mnorm[:, 0::2]
    bb = mnorm[:, 1::2]
    scores = a @ jnp.swapaxes(bb, -1, -2)
    values = jnp.max(scores, axis=-1)
    node_indices = jnp.argmax(scores, axis=-1)
    _, top_b_indices = jax.lax.top_k(values, r)
    batch_idx = jnp.arange(B)[:, None]
    global_b_indices = top_b_indices * 2 + 1
    matched_a_local = jnp.take_along_axis(node_indices, top_b_indices, axis=1)
    global_a_indices = matched_a_local * 2
    mask = jnp.ones((B, N), dtype=bool)
    mask = mask.at[batch_idx, global_b_indices].set(False)
    # gather b features and scatter-add into their matched a tokens
    b_features = jnp.take_along_axis(x, global_b_indices[:, :, None], axis=1)
    x_out = x.at[batch_idx, global_a_indices].add(b_features)
    counts = jnp.ones((B, N), dtype=jnp.float32)
    counts = counts.at[batch_idx, global_a_indices].add(1.0)
    x_out = x_out / counts[:, :, None]
    # keep surviving tokens (exactly N - r per row)
    kept_idx = jnp.argsort((~mask).astype(jnp.int32), axis=1)[:, : N - r]
    x_final = jnp.take_along_axis(x_out, kept_idx[:, :, None], axis=1)
    # ownership map for unmerging
    new_indices = jnp.cumsum(mask.astype(jnp.int32), axis=1) - 1
    ownership = jnp.where(mask, new_indices, 0)
    target_a_new_indices = jnp.take_along_axis(new_indices, global_a_indices, axis=1)
    ownership = ownership.at[batch_idx, global_b_indices].set(target_a_new_indices)
    return (x_final, ownership)

if __name__ == "__main__":
    import jax
    _d = setup_inputs()
    print(jax.jit(kernel)(*tuple(_d.values())))

</pallas_src>

<mosaic_0001>
#map = affine_map<(d0, d1) -> (0, 0, 0)>
#map1 = affine_map<(d0, d1) -> (0, 0)>
module attributes {stable_mosaic.version = 14 : i64} {
  func.func @body(%arg0: i32, %arg1: i32, %arg2: memref<2x8192x768xf32, #tpu.memory_space<hbm>>, %arg3: memref<2x4096xi32, #tpu.memory_space<hbm>>, %arg4: memref<2x4096xi32, #tpu.memory_space<hbm>>, %arg5: memref<2x4096xi32, #tpu.memory_space<hbm>>, %arg6: memref<2x4096xi32, #tpu.memory_space<hbm>>, %arg7: memref<2x6144x768xf32, #tpu.memory_space<hbm>>, %arg8: memref<2x64x128xi32, #tpu.memory_space<hbm>>, %arg9: memref<2x6144xf32, #tpu.memory_space<hbm>>, %arg10: memref<4096xi32, #tpu.memory_space<vmem>>, %arg11: memref<4096xi32, #tpu.memory_space<vmem>>, %arg12: memref<4096xi32, #tpu.memory_space<vmem>>, %arg13: memref<4096xi32, #tpu.memory_space<vmem>>, %arg14: memref<64x128xi32, #tpu.memory_space<vmem>>, %arg15: memref<6144xf32, #tpu.memory_space<vmem>>, %arg16: memref<128x128xf32, #tpu.memory_space<vmem>>, %arg17: memref<128x128xf32, #tpu.memory_space<vmem>>, %arg18: memref<64x128xf32, #tpu.memory_space<vmem>>, %arg19: memref<!tpu.dma_semaphore, #tpu.memory_space<semaphore_mem>>, %arg20: memref<!tpu.dma_semaphore, #tpu.memory_space<semaphore_mem>>, %arg21: memref<!tpu.dma_semaphore, #tpu.memory_space<semaphore_mem>>, %arg22: memref<6144x128xf32, #tpu.memory_space<vmem_shared>>) attributes {dimension_semantics = [#tpu.dimension_semantics<core_parallel>, #tpu.dimension_semantics<subcore_parallel>], iteration_bounds = array<i64: 2, 16>, scalar_prefetch = 0 : i64, scratch_operands = 13 : i64, tpu.core_type = #tpu.core_type<sc_vector_subcore>, window_params = [{transform_indices = #map}, {transform_indices = #map1}, {transform_indices = #map1}, {transform_indices = #map1}, {transform_indices = #map1}, {transform_indices = #map}, {transform_indices = #map}, {transform_indices = #map1}]} {
    %broadcast_in_dim3A = arith.constant 0.000000e+00 : f32
    %broadcast_in_dim3A_0 = vector.broadcast %broadcast_in_dim3A : f32 to vector<16xf32>
    %broadcast_in_dim3A_1 = arith.constant 1.000000e+00 : f32
    %broadcast_in_dim3A_2 = vector.broadcast %broadcast_in_dim3A_1 : f32 to vector<16xf32>
    %iota3A = tpu.iota {dimensions = array<i32: 0>} : vector<16xi32>
    %dma_start3A = arith.constant 0 : i32
    %dma_start3A_3 = tpu.memref_slice %arg3[%arg0, %dma_start3A] : memref<2x4096xi32, #tpu.memory_space<hbm>> -> memref<1x4096xi32, #tpu.memory_space<hbm>>
    %dma_start3A_4 = tpu.memref_squeeze %dma_start3A_3 : memref<1x4096xi32, #tpu.memory_space<hbm>> -> memref<4096xi32, #tpu.memory_space<hbm>>
    %dma_start3A_5 = arith.constant 0 : i32
    %dma_start3A_6 = tpu.memref_slice %arg3[%arg0, %dma_start3A_5] : memref<2x4096xi32, #tpu.memory_space<hbm>> -> memref<1x4096xi32, #tpu.memory_space<hbm>>
    %dma_start3A_7 = tpu.memref_squeeze %dma_start3A_6 : memref<1x4096xi32, #tpu.memory_space<hbm>> -> memref<4096xi32, #tpu.memory_space<hbm>>
    tpu.enqueue_dma source(%dma_start3A_7 : memref<4096xi32, #tpu.memory_space<hbm>>) target(%arg10 : memref<4096xi32, #tpu.memory_space<vmem>>) target_semaphore(%arg19 : memref<!tpu.dma_semaphore, #tpu.memory_space<semaphore_mem>>)
    %dma_start3A_8 = arith.constant 0 : i32
    %dma_start3A_9 = tpu.memref_slice %arg4[%arg0, %dma_start3A_8] : memref<2x4096xi32, #tpu.memory_space<hbm>> -> memref<1x4096xi32, #tpu.memory_space<hbm>>
    %dma_start3A_10 = tpu.memref_squeeze %dma_start3A_9 : memref<1x4096xi32, #tpu.memory_space<hbm>> -> memref<4096xi32, #tpu.memory_space<hbm>>
    %dma_start3A_11 = arith.constant 0 : i32
    %dma_start3A_12 = tpu.memref_slice %arg4[%arg0, %dma_start3A_11] : memref<2x4096xi32, #tpu.memory_space<hbm>> -> memref<1x4096xi32, #tpu.memory_space<hbm>>
    %dma_start3A_13 = tpu.memref_squeeze %dma_start3A_12 : memref<1x4096xi32, #tpu.memory_space<hbm>> -> memref<4096xi32, #tpu.memory_space<hbm>>
    tpu.enqueue_dma source(%dma_start3A_13 : memref<4096xi32, #tpu.memory_space<hbm>>) target(%arg11 : memref<4096xi32, #tpu.memory_space<vmem>>) target_semaphore(%arg19 : memref<!tpu.dma_semaphore, #tpu.memory_space<semaphore_mem>>)
    %dma_start3A_14 = arith.constant 0 : i32
    %dma_start3A_15 = tpu.memref_slice %arg5[%arg0, %dma_start3A_14] : memref<2x4096xi32, #tpu.memory_space<hbm>> -> memref<1x4096xi32, #tpu.memory_space<hbm>>
    %dma_start3A_16 = tpu.memref_squeeze %dma_start3A_15 : memref<1x4096xi32, #tpu.memory_space<hbm>> -> memref<4096xi32, #tpu.memory_space<hbm>>
    %dma_start3A_17 = arith.constant 0 : i32
    %dma_start3A_18 = tpu.memref_slice %arg5[%arg0, %dma_start3A_17] : memref<2x4096xi32, #tpu.memory_space<hbm>> -> memref<1x4096xi32, #tpu.memory_space<hbm>>
    %dma_start3A_19 = tpu.memref_squeeze %dma_start3A_18 : memref<1x4096xi32, #tpu.memory_space<hbm>> -> memref<4096xi32, #tpu.memory_space<hbm>>
    tpu.enqueue_dma source(%dma_start3A_19 : memref<4096xi32, #tpu.memory_space<hbm>>) target(%arg12 : memref<4096xi32, #tpu.memory_space<vmem>>) target_semaphore(%arg19 : memref<!tpu.dma_semaphore, #tpu.memory_space<semaphore_mem>>)
    %dma_start3A_20 = arith.constant 0 : i32
    %dma_start3A_21 = tpu.memref_slice %arg6[%arg0, %dma_start3A_20] : memref<2x4096xi32, #tpu.memory_space<hbm>> -> memref<1x4096xi32, #tpu.memory_space<hbm>>
    %dma_start3A_22 = tpu.memref_squeeze %dma_start3A_21 : memref<1x4096xi32, #tpu.memory_space<hbm>> -> memref<4096xi32, #tpu.memory_space<hbm>>
    %dma_start3A_23 = arith.constant 0 : i32
    %dma_start3A_24 = tpu.memref_slice %arg6[%arg0, %dma_start3A_23] : memref<2x4096xi32, #tpu.memory_space<hbm>> -> memref<1x4096xi32, #tpu.memory_space<hbm>>
    %dma_start3A_25 = tpu.memref_squeeze %dma_start3A_24 : memref<1x4096xi32, #tpu.memory_space<hbm>> -> memref<4096xi32, #tpu.memory_space<hbm>>
    tpu.enqueue_dma source(%dma_start3A_25 : memref<4096xi32, #tpu.memory_space<hbm>>) target(%arg13 : memref<4096xi32, #tpu.memory_space<vmem>>) target_semaphore(%arg19 : memref<!tpu.dma_semaphore, #tpu.memory_space<semaphore_mem>>)
    %dma_wait3A = arith.constant 0 : i32
    %dma_wait3A_26 = tpu.memref_slice %arg3[%arg0, %dma_wait3A] : memref<2x4096xi32, #tpu.memory_space<hbm>> -> memref<1x4096xi32, #tpu.memory_space<hbm>>
    %dma_wait3A_27 = tpu.memref_squeeze %dma_wait3A_26 : memref<1x4096xi32, #tpu.memory_space<hbm>> -> memref<4096xi32, #tpu.memory_space<hbm>>
    %dma_wait3A_28 = arith.constant 0 : i32
    %dma_wait3A_29 = tpu.memref_slice %arg3[%arg0, %dma_wait3A_28] : memref<2x4096xi32, #tpu.memory_space<hbm>> -> memref<1x4096xi32, #tpu.memory_space<hbm>>
    %dma_wait3A_30 = tpu.memref_squeeze %dma_wait3A_29 : memref<1x4096xi32, #tpu.memory_space<hbm>> -> memref<4096xi32, #tpu.memory_space<hbm>>
    tpu.wait_dma2 semaphore(%arg19 : memref<!tpu.dma_semaphore, #tpu.memory_space<semaphore_mem>>) src(%dma_wait3A_30 : memref<4096xi32, #tpu.memory_space<hbm>>) dst(%arg10 : memref<4096xi32, #tpu.memory_space<vmem>>)
    %dma_wait3A_31 = arith.constant 0 : i32
    %dma_wait3A_32 = tpu.memref_slice %arg4[%arg0, %dma_wait3A_31] : memref<2x4096xi32, #tpu.memory_space<hbm>> -> memref<1x4096xi32, #tpu.memory_space<hbm>>
    %dma_wait3A_33 = tpu.memref_squeeze %dma_wait3A_32 : memref<1x4096xi32, #tpu.memory_space<hbm>> -> memref<4096xi32, #tpu.memory_space<hbm>>
    %dma_wait3A_34 = arith.constant 0 : i32
    %dma_wait3A_35 = tpu.memref_slice %arg4[%arg0, %dma_wait3A_34] : memref<2x4096xi32, #tpu.memory_space<hbm>> -> memref<1x4096xi32, #tpu.memory_space<hbm>>
    %dma_wait3A_36 = tpu.memref_squeeze %dma_wait3A_35 : memref<1x4096xi32, #tpu.memory_space<hbm>> -> memref<4096xi32, #tpu.memory_space<hbm>>
    tpu.wait_dma2 semaphore(%arg19 : memref<!tpu.dma_semaphore, #tpu.memory_space<semaphore_mem>>) src(%dma_wait3A_36 : memref<4096xi32, #tpu.memory_space<hbm>>) dst(%arg11 : memref<4096xi32, #tpu.memory_space<vmem>>)
    %dma_wait3A_37 = arith.constant 0 : i32
    %dma_wait3A_38 = tpu.memref_slice %arg5[%arg0, %dma_wait3A_37] : memref<2x4096xi32, #tpu.memory_space<hbm>> -> memref<1x4096xi32, #tpu.memory_space<hbm>>
    %dma_wait3A_39 = tpu.memref_squeeze %dma_wait3A_38 : memref<1x4096xi32, #tpu.memory_space<hbm>> -> memref<4096xi32, #tpu.memory_space<hbm>>
    %dma_wait3A_40 = arith.constant 0 : i32
    %dma_wait3A_41 = tpu.memref_slice %arg5[%arg0, %dma_wait3A_40] : memref<2x4096xi32, #tpu.memory_space<hbm>> -> memref<1x4096xi32, #tpu.memory_space<hbm>>
    %dma_wait3A_42 = tpu.memref_squeeze %dma_wait3A_41 : memref<1x4096xi32, #tpu.memory_space<hbm>> -> memref<4096xi32, #tpu.memory_space<hbm>>
    tpu.wait_dma2 semaphore(%arg19 : memref<!tpu.dma_semaphore, #tpu.memory_space<semaphore_mem>>) src(%dma_wait3A_42 : memref<4096xi32, #tpu.memory_space<hbm>>) dst(%arg12 : memref<4096xi32, #tpu.memory_space<vmem>>)
    %dma_wait3A_43 = arith.constant 0 : i32
    %dma_wait3A_44 = tpu.memref_slice %arg6[%arg0, %dma_wait3A_43] : memref<2x4096xi32, #tpu.memory_space<hbm>> -> memref<1x4096xi32, #tpu.memory_space<hbm>>
    %dma_wait3A_45 = tpu.memref_squeeze %dma_wait3A_44 : memref<1x4096xi32, #tpu.memory_space<hbm>> -> memref<4096xi32, #tpu.memory_space<hbm>>
    %dma_wait3A_46 = arith.constant 0 : i32
    %dma_wait3A_47 = tpu.memref_slice %arg6[%arg0, %dma_wait3A_46] : memref<2x4096xi32, #tpu.memory_space<hbm>> -> memref<1x4096xi32, #tpu.memory_space<hbm>>
    %dma_wait3A_48 = tpu.memref_squeeze %dma_wait3A_47 : memref<1x4096xi32, #tpu.memory_space<hbm>> -> memref<4096xi32, #tpu.memory_space<hbm>>
    tpu.wait_dma2 semaphore(%arg19 : memref<!tpu.dma_semaphore, #tpu.memory_space<semaphore_mem>>) src(%dma_wait3A_48 : memref<4096xi32, #tpu.memory_space<hbm>>) dst(%arg13 : memref<4096xi32, #tpu.memory_space<vmem>>)
    %scan3A = arith.constant 0 : i32
    %scan3A_49 = arith.constant 0 : i32
    %scan3A_50 = arith.constant 384 : i32
    %scan3A_51 = arith.addi %scan3A_49, %scan3A_50 : i32
    %scan3A_52 = arith.constant 1 : i32
    scf.for %scan3A_1400 = %scan3A_49 to %scan3A_51 step %scan3A_52  : i32 {
      %mul3A_1401 = arith.constant 16 : i32
      %mul3A_1402 = arith.muli %scan3A_1400, %mul3A_1401 : i32
      %swap3A = arith.index_cast %mul3A_1402 : i32 to index
      %swap3A_1403 = tpu.vector_load %arg15[%swap3A] {strides = array<i32>} : memref<6144xf32, #tpu.memory_space<vmem>>, vector<16xf32>,
      tpu.vector_store %arg15[%swap3A], %broadcast_in_dim3A_0 {strides = array<i32>} : memref<6144xf32, #tpu.memory_space<vmem>>, vector<16xf32>,
    }
    %scan3A_53 = arith.constant 384 : i32
    %scan3A_54 = arith.constant 0 : i32
    %scan3A_55 = arith.constant 0 : i32
    %scan3A_56 = arith.constant 512 : i32
    %scan3A_57 = arith.addi %scan3A_55, %scan3A_56 : i32
    %scan3A_58 = arith.constant 1 : i32
    scf.for %scan3A_1400 = %scan3A_55 to %scan3A_57 step %scan3A_58  : i32 {
      %jit3A = arith.constant 8 : i32
      %div3A = arith.divsi %scan3A_1400, %jit3A : i32
      %sign3A = arith.constant 0 : i32
      %sign3A_1401 = arith.cmpi sgt, %scan3A_1400, %sign3A : i32
      %sign3A_1402 = arith.extui %sign3A_1401 : i1 to i32
      %sign3A_1403 = arith.constant 0 : i32
      %sign3A_1404 = arith.cmpi slt, %scan3A_1400, %sign3A_1403 : i32
      %sign3A_1405 = arith.extui %sign3A_1404 : i1 to i32
      %sign3A_1406 = arith.subi %sign3A_1402, %sign3A_1405 : i32
      %sign3A_1407 = arith.constant 0 : i32
      %sign3A_1408 = arith.cmpi sgt, %jit3A, %sign3A_1407 : i32
      %sign3A_1409 = arith.extui %sign3A_1408 : i1 to i32
      %sign3A_1410 = arith.constant 0 : i32
      %sign3A_1411 = arith.cmpi slt, %jit3A, %sign3A_1410 : i32
      %sign3A_1412 = arith.extui %sign3A_1411 : i1 to i32
      %sign3A_1413 = arith.subi %sign3A_1409, %sign3A_1412 : i32
      %ne3A = arith.cmpi ne, %sign3A_1406, %sign3A_1413 : i32
      %rem3A = arith.remsi %scan3A_1400, %jit3A : i32
      %ne3A_1414 = arith.constant 0 : i32
      %ne3A_1415 = arith.cmpi ne, %rem3A, %ne3A_1414 : i32
      %and3A = arith.andi %ne3A, %ne3A_1415 : i1
      %sub3A = arith.constant 1 : i32
      %sub3A_1416 = arith.subi %div3A, %sub3A : i32
      %select_n3A = arith.select %and3A, %sub3A_1416, %div3A : i32
      %jit3A_1417 = arith.constant 8 : i32
      %eq3A = arith.constant 0 : i32
      %eq3A_1418 = arith.cmpi eq, %jit3A_1417, %eq3A : i32
      %jit3A_1419 = arith.constant 1 : i32
      %select_n3A_1420 = arith.select %eq3A_1418, %jit3A_1419, %jit3A_1417 : i32
      %rem3A_1421 = arith.remsi %scan3A_1400, %select_n3A_1420 : i32
      %ne3A_1422 = arith.constant 0 : i32
      %ne3A_1423 = arith.cmpi ne, %rem3A_1421, %ne3A_1422 : i32
      %lt3A = arith.constant 0 : i32
      %lt3A_1424 = arith.cmpi slt, %rem3A_1421, %lt3A : i32
      %lt3A_1425 = arith.constant 0 : i32
      %lt3A_1426 = arith.cmpi slt, %select_n3A_1420, %lt3A_1425 : i32
      %ne3A_1427 = arith.xori %lt3A_1424, %lt3A_1426 : i1
      %and3A_1428 = arith.andi %ne3A_1427, %ne3A_1423 : i1
      %add3A_1429 = arith.addi %rem3A_1421, %select_n3A_1420 : i32
      %select_n3A_1430 = arith.select %and3A_1428, %add3A_1429, %rem3A_1421 : i32
      %mul3A_1431 = arith.constant 16 : i32
      %mul3A_1432 = arith.muli %select_n3A_1430, %mul3A_1431 : i32
      %swap3A = arith.index_cast %select_n3A : i32 to index
      %swap3A_1433 = arith.index_cast %mul3A_1432 : i32 to index
      %swap3A_1434 = tpu.vector_load %arg18[%swap3A, %swap3A_1433] {strides = array<i32>} : memref<64x128xf32, #tpu.memory_space<vmem>>, vector<16xf32>,
      tpu.vector_store %arg18[%swap3A, %swap3A_1433], %broadcast_in_dim3A_0 {strides = array<i32>} : memref<64x128xf32, #tpu.memory_space<vmem>>, vector<16xf32>,
    }
    %scan3A_59 = arith.constant 512 : i32
    %scan3A_60 = arith.constant 0 : i32
    %scan3A_61 = arith.constant 0 : i32
    %scan3A_62 = arith.constant 256 : i32
    %scan3A_63 = arith.addi %scan3A_61, %scan3A_62 : i32
    %scan3A_64 = arith.constant 1 : i32
    scf.for %scan3A_1400 = %scan3A_61 to %scan3A_63 step %scan3A_64  : i32 {
      %mul3A_1401 = arith.constant 16 : i32
      %mul3A_1402 = arith.muli %scan3A_1400, %mul3A_1401 : i32
      %add3A_1403 = vector.broadcast %mul3A_1402 : i32 to vector<16xi32>
      %add3A_1404 = arith.addi %add3A_1403, %iota3A : vector<16xi32>
      %mul3A_1405 = arith.constant 16 : i32
      %mul3A_1406 = arith.muli %scan3A_1400, %mul3A_1405 : i32
      %get3A = arith.index_cast %mul3A_1406 : i32 to index
      %get3A_1407 = tpu.vector_load %arg10[%get3A] {strides = array<i32>} : memref<4096xi32, #tpu.memory_space<vmem>>, vector<16xi32>,
      %mul3A_1408 = arith.constant 16 : i32
      %mul3A_1409 = arith.muli %scan3A_1400, %mul3A_1408 : i32
      %get3A_1410 = arith.index_cast %mul3A_1409 : i32 to index
      %get3A_1411 = tpu.vector_load %arg12[%get3A_1410] {strides = array<i32>} : memref<4096xi32, #tpu.memory_space<vmem>>, vector<16xi32>,
      %mul3A_1412 = arith.constant 16 : i32
      %mul3A_1413 = arith.muli %scan3A_1400, %mul3A_1412 : i32
      %get3A_1414 = arith.index_cast %mul3A_1413 : i32 to index
      %get3A_1415 = tpu.vector_load %arg13[%get3A_1414] {strides = array<i32>} : memref<4096xi32, #tpu.memory_space<vmem>>, vector<16xi32>,
      %mul3A_1416 = arith.constant 16 : i32
      %mul3A_1417 = arith.muli %scan3A_1400, %mul3A_1416 : i32
      %get3A_1418 = arith.index_cast %mul3A_1417 : i32 to index
      %get3A_1419 = tpu.vector_load %arg11[%get3A_1418] {strides = array<i32>} : memref<4096xi32, #tpu.memory_space<vmem>>, vector<16xi32>,
      %gather3A = tpu.vector_load_idx %arg11[%get3A_1415] : memref<4096xi32, #tpu.memory_space<vmem>>[vector<16xi32>], vector<16xi32>,
      %gt3A = arith.constant 0 : i32
      %gt3A_1420 = vector.broadcast %gt3A : i32 to vector<16xi32>
      %gt3A_1421 = arith.cmpi sgt, %get3A_1407, %gt3A_1420 : vector<16xi32>
      %select_n3A = arith.select %gt3A_1421, %gather3A, %get3A_1411 : vector<16xi1>, vector<16xi32>
      %mul3A_1422 = arith.constant 2 : i32
      %mul3A_1423 = vector.broadcast %mul3A_1422 : i32 to vector<16xi32>
      %mul3A_1424 = arith.muli %add3A_1404, %mul3A_1423 : vector<16xi32>
      %add3A_1425 = arith.constant 1 : i32
      %add3A_1426 = vector.broadcast %add3A_1425 : i32 to vector<16xi32>
      %add3A_1427 = arith.addi %mul3A_1424, %add3A_1426 : vector<16xi32>
      %shift_right_arithmetic3A = arith.constant 7 : i32
      %shift_right_arithmetic3A_1428 = vector.broadcast %shift_right_arithmetic3A : i32 to vector<16xi32>
      %shift_right_arithmetic3A_1429 = arith.shrsi %mul3A_1424, %shift_right_arithmetic3A_1428 : vector<16xi32>
      %and3A = arith.constant 127 : i32
      %and3A_1430 = vector.broadcast %and3A : i32 to vector<16xi32>
      %and3A_1431 = arith.andi %mul3A_1424, %and3A_1430 : vector<16xi32>
      tpu.vector_store_idx %arg14[%shift_right_arithmetic3A_1429, %and3A_1431], %get3A_1419 : memref<64x128xi32, #tpu.memory_space<vmem>>[vector<16xi32>, vector<16xi32>], vector<16xi32>,
      %shift_right_arithmetic3A_1432 = arith.constant 7 : i32
      %shift_right_arithmetic3A_1433 = vector.broadcast %shift_right_arithmetic3A_1432 : i32 to vector<16xi32>
      %shift_right_arithmetic3A_1434 = arith.shrsi %add3A_1427, %shift_right_arithmetic3A_1433 : vector<16xi32>
      %and3A_1435 = arith.constant 127 : i32
      %and3A_1436 = vector.broadcast %and3A_1435 : i32 to vector<16xi32>
      %and3A_1437 = arith.andi %add3A_1427, %and3A_1436 : vector<16xi32>
      tpu.vector_store_idx %arg14[%shift_right_arithmetic3A_1434, %and3A_1437], %select_n3A : memref<64x128xi32, #tpu.memory_space<vmem>>[vector<16xi32>, vector<16xi32>], vector<16xi32>,
      tpu.vector_store_idx %arg15[%get3A_1419], %broadcast_in_dim3A_2 {add = true} : memref<6144xf32, #tpu.memory_space<vmem>>[vector<16xi32>], vector<16xf32>,
      tpu.vector_store_idx %arg15[%select_n3A], %broadcast_in_dim3A_2 {add = true} : memref<6144xf32, #tpu.memory_space<vmem>>[vector<16xi32>], vector<16xf32>,
    }
    %scan3A_65 = arith.constant 256 : i32
    %mul3A = arith.constant 4 : i32
    %mul3A_66 = arith.muli %arg1, %mul3A : i32
    %mul3A_67 = arith.constant 4 : i32
    %mul3A_68 = arith.muli %arg1, %mul3A_67 : i32
    %dma_start3A_69 = arith.constant 0 : i32
    %dma_start3A_70 = tpu.memref_slice %arg14[%mul3A_66, %dma_start3A_69] : memref<64x128xi32, #tpu.memory_space<vmem>> -> memref<4x128xi32, #tpu.memory_space<vmem>>
    %dma_start3A_71 = arith.constant 0 : i32
    %dma_start3A_72 = tpu.memref_slice %arg8[%arg0, %mul3A_68, %dma_start3A_71] : memref<2x64x128xi32, #tpu.memory_space<hbm>> -> memref<1x4x128xi32, #tpu.memory_space<hbm>>
    %dma_start3A_73 = tpu.memref_squeeze %dma_start3A_72 : memref<1x4x128xi32, #tpu.memory_space<hbm>> -> memref<4x128xi32, #tpu.memory_space<hbm>>
    %dma_start3A_74 = arith.constant 0 : i32
    %dma_start3A_75 = tpu.memref_slice %arg8[%arg0, %mul3A_68, %dma_start3A_74] : memref<2x64x128xi32, #tpu.memory_space<hbm>> -> memref<1x4x128xi32, #tpu.memory_space<hbm>>
    %dma_start3A_76 = tpu.memref_squeeze %dma_start3A_75 : memref<1x4x128xi32, #tpu.memory_space<hbm>> -> memref<4x128xi32, #tpu.memory_space<hbm>>
    %dma_start3A_77 = arith.constant 0 : i32
    %dma_start3A_78 = tpu.memref_slice %arg14[%mul3A_66, %dma_start3A_77] : memref<64x128xi32, #tpu.memory_space<vmem>> -> memref<4x128xi32, #tpu.memory_space<vmem>>
    tpu.enqueue_dma source(%dma_start3A_78 : memref<4x128xi32, #tpu.memory_space<vmem>>) target(%dma_start3A_76 : memref<4x128xi32, #tpu.memory_space<hbm>>) target_semaphore(%arg21 : memref<!tpu.dma_semaphore, #tpu.memory_space<semaphore_mem>>)
    %mul3A_79 = arith.constant 384 : i32
    %mul3A_80 = arith.muli %arg1, %mul3A_79 : i32
    %mul3A_81 = arith.constant 384 : i32
    %mul3A_82 = arith.muli %arg1, %mul3A_81 : i32
    %dma_start3A_83 = tpu.memref_slice %arg15[%mul3A_80] : memref<6144xf32, #tpu.memory_space<vmem>> -> memref<384xf32, #tpu.memory_space<vmem>>
    %dma_start3A_84 = tpu.memref_slice %arg9[%arg0, %mul3A_82] : memref<2x6144xf32, #tpu.memory_space<hbm>> -> memref<1x384xf32, #tpu.memory_space<hbm>>
    %dma_start3A_85 = tpu.memref_squeeze %dma_start3A_84 : memref<1x384xf32, #tpu.memory_space<hbm>> -> memref<384xf32, #tpu.memory_space<hbm>>
    %dma_start3A_86 = tpu.memref_slice %arg9[%arg0, %mul3A_82] : memref<2x6144xf32, #tpu.memory_space<hbm>> -> memref<1x384xf32, #tpu.memory_space<hbm>>
    %dma_start3A_87 = tpu.memref_squeeze %dma_start3A_86 : memref<1x384xf32, #tpu.memory_space<hbm>> -> memref<384xf32, #tpu.memory_space<hbm>>
    %dma_start3A_88 = tpu.memref_slice %arg15[%mul3A_80] : memref<6144xf32, #tpu.memory_space<vmem>> -> memref<384xf32, #tpu.memory_space<vmem>>
    tpu.enqueue_dma source(%dma_start3A_88 : memref<384xf32, #tpu.memory_space<vmem>>) target(%dma_start3A_87 : memref<384xf32, #tpu.memory_space<hbm>>) target_semaphore(%arg21 : memref<!tpu.dma_semaphore, #tpu.memory_space<semaphore_mem>>)
    %mul3A_89 = arith.constant 384 : i32
    %mul3A_90 = arith.muli %arg1, %mul3A_89 : i32
    %add3A = arith.constant 0 : i32
    %add3A_91 = arith.addi %mul3A_90, %add3A : i32
    %dma_start3A_92 = arith.constant 0 : i32
    %dma_start3A_93 = tpu.memref_slice %arg22[%add3A_91, %dma_start3A_92] : memref<6144x128xf32, #tpu.memory_space<vmem_shared>> -> memref<64x128xf32, #tpu.memory_space<vmem_shared>>
    %dma_start3A_94 = arith.constant 0 : i32
    %dma_start3A_95 = tpu.memref_slice %arg22[%add3A_91, %dma_start3A_94] : memref<6144x128xf32, #tpu.memory_space<vmem_shared>> -> memref<64x128xf32, #tpu.memory_space<vmem_shared>>
    tpu.enqueue_dma source(%arg18 : memref<64x128xf32, #tpu.memory_space<vmem>>) target(%dma_start3A_95 : memref<64x128xf32, #tpu.memory_space<vmem_shared>>) target_semaphore(%arg20 : memref<!tpu.dma_semaphore, #tpu.memory_space<semaphore_mem>>)
    %mul3A_96 = arith.constant 384 : i32
    %mul3A_97 = arith.muli %arg1, %mul3A_96 : i32
    %add3A_98 = arith.constant 64 : i32
    %add3A_99 = arith.addi %mul3A_97, %add3A_98 : i32
    %dma_start3A_100 = arith.constant 0 : i32
    %dma_start3A_101 = tpu.memref_slice %arg22[%add3A_99, %dma_start3A_100] : memref<6144x128xf32, #tpu.memory_space<vmem_shared>> -> memref<64x128xf32, #tpu.memory_space<vmem_shared>>
    %dma_start3A_102 = arith.constant 0 : i32
    %dma_start3A_103 = tpu.memref_slice %arg22[%add3A_99, %dma_start3A_102] : memref<6144x128xf32, #tpu.memory_space<vmem_shared>> -> memref<64x128xf32, #tpu.memory_space<vmem_shared>>
    tpu.enqueue_dma source(%arg18 : memref<64x128xf32, #tpu.memory_space<vmem>>) target(%dma_start3A_103 : memref<64x128xf32, #tpu.memory_space<vmem_shared>>) target_semaphore(%arg20 : memref<!tpu.dma_semaphore, #tpu.memory_space<semaphore_mem>>)
    %mul3A_104 = arith.constant 384 : i32
    %mul3A_105 = arith.muli %arg1, %mul3A_104 : i32
    %add3A_106 = arith.constant 128 : i32
    %add3A_107 = arith.addi %mul3A_105, %add3A_106 : i32
    %dma_start3A_108 = arith.constant 0 : i32
    %dma_start3A_109 = tpu.memref_slice %arg22[%add3A_107, %dma_start3A_108] : memref<6144x128xf32, #tpu.memory_space<vmem_shared>> -> memref<64x128xf32, #tpu.memory_space<vmem_shared>>
    %dma_start3A_110 = arith.constant 0 : i32
    %dma_start3A_111 = tpu.memref_slice %arg22[%add3A_107, %dma_start3A_110] : memref<6144x128xf32, #tpu.memory_space<vmem_shared>> -> memref<64x128xf32, #tpu.memory_space<vmem_shared>>
    tpu.enqueue_dma source(%arg18 : memref<64x128xf32, #tpu.memory_space<vmem>>) target(%dma_start3A_111 : memref<64x128xf32, #tpu.memory_space<vmem_shared>>) target_semaphore(%arg20 : memref<!tpu.dma_semaphore, #tpu.memory_space<semaphore_mem>>)
    %mul3A_112 = arith.constant 384 : i32
    %mul3A_113 = arith.muli %arg1, %mul3A_112 : i32
    %add3A_114 = arith.constant 192 : i32
    %add3A_115 = arith.addi %mul3A_113, %add3A_114 : i32
    %dma_start3A_116 = arith.constant 0 : i32
    %dma_start3A_117 = tpu.memref_slice %arg22[%add3A_115, %dma_start3A_116] : memref<6144x128xf32, #tpu.memory_space<vmem_shared>> -> memref<64x128xf32, #tpu.memory_space<vmem_shared>>
    %dma_start3A_118 = arith.constant 0 : i32
    %dma_start3A_119 = tpu.memref_slice %arg22[%add3A_115, %dma_start3A_118] : memref<6144x128xf32, #tpu.memory_space<vmem_shared>> -> memref<64x128xf32, #tpu.memory_space<vmem_shared>>
    tpu.enqueue_dma source(%arg18 : memref<64x128xf32, #tpu.memory_space<vmem>>) target(%dma_start3A_119 : memref<64x128xf32, #tpu.memory_space<vmem_shared>>) target_semaphore(%arg20 : memref<!tpu.dma_semaphore, #tpu.memory_space<semaphore_mem>>)
    %mul3A_120 = arith.constant 384 : i32
    %mul3A_121 = arith.muli %arg1, %mul3A_120 : i32
    %add3A_122 = arith.constant 256 : i32
    %add3A_123 = arith.addi %mul3A_121, %add3A_122 : i32
    %dma_start3A_124 = arith.constant 0 : i32
    %dma_start3A_125 = tpu.memref_slice %arg22[%add3A_123, %dma_start3A_124] : memref<6144x128xf32, #tpu.memory_space<vmem_shared>> -> memref<64x128xf32, #tpu.memory_space<vmem_shared>>
    %dma_start3A_126 = arith.constant 0 : i32
    %dma_start3A_127 = tpu.memref_slice %arg22[%add3A_123, %dma_start3A_126] : memref<6144x128xf32, #tpu.memory_space<vmem_shared>> -> memref<64x128xf32, #tpu.memory_space<vmem_shared>>
    tpu.enqueue_dma source(%arg18 : memref<64x128xf32, #tpu.memory_space<vmem>>) target(%dma_start3A_127 : memref<64x128xf32, #tpu.memory_space<vmem_shared>>) target_semaphore(%arg20 : memref<!tpu.dma_semaphore, #tpu.memory_space<semaphore_mem>>)
    %mul3A_128 = arith.constant 384 : i32
    %mul3A_129 = arith.muli %arg1, %mul3A_128 : i32
    %add3A_130 = arith.constant 320 : i32
    %add3A_131 = arith.addi %mul3A_129, %add3A_130 : i32
    %dma_start3A_132 = arith.constant 0 : i32
    %dma_start3A_133 = tpu.memref_slice %arg22[%add3A_131, %dma_start3A_132] : memref<6144x128xf32, #tpu.memory_space<vmem_shared>> -> memref<64x128xf32, #tpu.memory_space<vmem_shared>>
    %dma_start3A_134 = arith.constant 0 : i32
    %dma_start3A_135 = tpu.memref_slice %arg22[%add3A_131, %dma_start3A_134] : memref<6144x128xf32, #tpu.memory_space<vmem_shared>> -> memref<64x128xf32, #tpu.memory_space<vmem_shared>>
    tpu.enqueue_dma source(%arg18 : memref<64x128xf32, #tpu.memory_space<vmem>>) target(%dma_start3A_135 : memref<64x128xf32, #tpu.memory_space<vmem_shared>>) target_semaphore(%arg20 : memref<!tpu.dma_semaphore, #tpu.memory_space<semaphore_mem>>)
    %mul3A_136 = arith.constant 512 : i32
    %mul3A_137 = arith.muli %arg1, %mul3A_136 : i32
    %add3A_138 = arith.constant 0 : i32
    %add3A_139 = arith.addi %mul3A_137, %add3A_138 : i32
    %dma_start3A_140 = arith.constant 0 : i32
    %dma_start3A_141 = tpu.memref_slice %arg2[%arg0, %add3A_139, %dma_start3A_140] : memref<2x8192x768xf32, #tpu.memory_space<hbm>> -> memref<1x128x128xf32, #tpu.memory_space<hbm>>
    %dma_start3A_142 = tpu.memref_squeeze %dma_start3A_141 : memref<1x128x128xf32, #tpu.memory_space<hbm>> -> memref<128x128xf32, #tpu.memory_space<hbm>>
    %dma_start3A_143 = arith.constant 0 : i32
    %dma_start3A_144 = tpu.memref_slice %arg2[%arg0, %add3A_139, %dma_start3A_143] : memref<2x8192x768xf32, #tpu.memory_space<hbm>> -> memref<1x128x128xf32, #tpu.memory_space<hbm>>
    %dma_start3A_145 = tpu.memref_squeeze %dma_start3A_144 : memref<1x128x128xf32, #tpu.memory_space<hbm>> -> memref<128x128xf32, #tpu.memory_space<hbm>>
    tpu.enqueue_dma source(%dma_start3A_145 : memref<128x128xf32, #tpu.memory_space<hbm>>) target(%arg16 : memref<128x128xf32, #tpu.memory_space<vmem>>) target_semaphore(%arg19 : memref<!tpu.dma_semaphore, #tpu.memory_space<semaphore_mem>>)
    %mul3A_146 = arith.constant 512 : i32
    %mul3A_147 = arith.muli %arg1, %mul3A_146 : i32
    %add3A_148 = arith.constant 128 : i32
    %add3A_149 = arith.addi %mul3A_147, %add3A_148 : i32
    %dma_start3A_150 = arith.constant 0 : i32
    %dma_start3A_151 = tpu.memref_slice %arg2[%arg0, %add3A_149, %dma_start3A_150] : memref<2x8192x768xf32, #tpu.memory_space<hbm>> -> memref<1x128x128xf32, #tpu.memory_space<hbm>>
    %dma_start3A_152 = tpu.memref_squeeze %dma_start3A_151 : memref<1x128x128xf32, #tpu.memory_space<hbm>> -> memref<128x128xf32, #tpu.memory_space<hbm>>
    %dma_start3A_153 = arith.constant 0 : i32
    %dma_start3A_154 = tpu.memref_slice %arg2[%arg0, %add3A_149, %dma_start3A_153] : memref<2x8192x768xf32, #tpu.memory_space<hbm>> -> memref<1x128x128xf32, #tpu.memory_space<hbm>>
    %dma_start3A_155 = tpu.memref_squeeze %dma_start3A_154 : memref<1x128x128xf32, #tpu.memory_space<hbm>> -> memref<128x128xf32, #tpu.memory_space<hbm>>
    tpu.enqueue_dma source(%dma_start3A_155 : memref<128x128xf32, #tpu.memory_space<hbm>>) target(%arg17 : memref<128x128xf32, #tpu.memory_space<vmem>>) target_semaphore(%arg19 : memref<!tpu.dma_semaphore, #tpu.memory_space<semaphore_mem>>)
    %dma_wait3A_156 = arith.constant 0 : i32
    %dma_wait3A_157 = tpu.memref_slice %arg14[%mul3A_66, %dma_wait3A_156] : memref<64x128xi32, #tpu.memory_space<vmem>> -> memref<4x128xi32, #tpu.memory_space<vmem>>
    %dma_wait3A_158 = arith.constant 0 : i32
    %dma_wait3A_159 = tpu.memref_slice %arg8[%arg0, %mul3A_68, %dma_wait3A_158] : memref<2x64x128xi32, #tpu.memory_space<hbm>> -> memref<1x4x128xi32, #tpu.memory_space<hbm>>
    %dma_wait3A_160 = tpu.memref_squeeze %dma_wait3A_159 : memref<1x4x128xi32, #tpu.memory_space<hbm>> -> memref<4x128xi32, #tpu.memory_space<hbm>>
    %dma_wait3A_161 = arith.constant 0 : i32
    %dma_wait3A_162 = tpu.memref_slice %arg8[%arg0, %mul3A_68, %dma_wait3A_161] : memref<2x64x128xi32, #tpu.memory_space<hbm>> -> memref<1x4x128xi32, #tpu.memory_space<hbm>>
    %dma_wait3A_163 = tpu.memref_squeeze %dma_wait3A_162 : memref<1x4x128xi32, #tpu.memory_space<hbm>> -> memref<4x128xi32, #tpu.memory_space<hbm>>
    %dma_wait3A_164 = arith.constant 0 : i32
    %dma_wait3A_165 = tpu.memref_slice %arg14[%mul3A_66, %dma_wait3A_164] : memref<64x128xi32, #tpu.memory_space<vmem>> -> memref<4x128xi32, #tpu.memory_space<vmem>>
    tpu.wait_dma2 semaphore(%arg21 : memref<!tpu.dma_semaphore, #tpu.memory_space<semaphore_mem>>) src(%dma_wait3A_165 : memref<4x128xi32, #tpu.memory_space<vmem>>) dst(%dma_wait3A_163 : memref<4x128xi32, #tpu.memory_space<hbm>>)
    %dma_wait3A_166 = tpu.memref_slice %arg15[%mul3A_80] : memref<6144xf32, #tpu.memory_space<vmem>> -> memref<384xf32, #tpu.memory_space<vmem>>
    %dma_wait3A_167 = tpu.memref_slice %arg9[%arg0, %mul3A_82] : memref<2x6144xf32, #tpu.memory_space<hbm>> -> memref<1x384xf32, #tpu.memory_space<hbm>>
    %dma_wait3A_168 = tpu.memref_squeeze %dma_wait3A_167 : memref<1x384xf32, #tpu.memory_space<hbm>> -> memref<384xf32, #tpu.memory_space<hbm>>
    %dma_wait3A_169 = tpu.memref_slice %arg9[%arg0, %mul3A_82] : memref<2x6144xf32, #tpu.memory_space<hbm>> -> memref<1x384xf32, #tpu.memory_space<hbm>>
    %dma_wait3A_170 = tpu.memref_squeeze %dma_wait3A_169 : memref<1x384xf32, #tpu.memory_space<hbm>> -> memref<384xf32, #tpu.memory_space<hbm>>
    %dma_wait3A_171 = tpu.memref_slice %arg15[%mul3A_80] : memref<6144xf32, #tpu.memory_space<vmem>> -> memref<384xf32, #tpu.memory_space<vmem>>
    tpu.wait_dma2 semaphore(%arg21 : memref<!tpu.dma_semaphore, #tpu.memory_space<semaphore_mem>>) src(%dma_wait3A_171 : memref<384xf32, #tpu.memory_space<vmem>>) dst(%dma_wait3A_170 : memref<384xf32, #tpu.memory_space<hbm>>)
    %dma_wait3A_172 = arith.constant 0 : i32
    %dma_wait3A_173 = tpu.memref_slice %arg22[%add3A_91, %dma_wait3A_172] : memref<6144x128xf32, #tpu.memory_space<vmem_shared>> -> memref<64x128xf32, #tpu.memory_space<vmem_shared>>
    %dma_wait3A_174 = arith.constant 0 : i32
    %dma_wait3A_175 = tpu.memref_slice %arg22[%add3A_91, %dma_wait3A_174] : memref<6144x128xf32, #tpu.memory_space<vmem_shared>> -> memref<64x128xf32, #tpu.memory_space<vmem_shared>>
    tpu.wait_dma2 semaphore(%arg20 : memref<!tpu.dma_semaphore, #tpu.memory_space<semaphore_mem>>) src(%arg18 : memref<64x128xf32, #tpu.memory_space<vmem>>) dst(%dma_wait3A_175 : memref<64x128xf32, #tpu.memory_space<vmem_shared>>)
    %dma_wait3A_176 = arith.constant 0 : i32
    %dma_wait3A_177 = tpu.memref_slice %arg22[%add3A_99, %dma_wait3A_176] : memref<6144x128xf32, #tpu.memory_space<vmem_shared>> -> memref<64x128xf32, #tpu.memory_space<vmem_shared>>
    %dma_wait3A_178 = arith.constant 0 : i32
    %dma_wait3A_179 = tpu.memref_slice %arg22[%add3A_99, %dma_wait3A_178] : memref<6144x128xf32, #tpu.memory_space<vmem_shared>> -> memref<64x128xf32, #tpu.memory_space<vmem_shared>>
    tpu.wait_dma2 semaphore(%arg20 : memref<!tpu.dma_semaphore, #tpu.memory_space<semaphore_mem>>) src(%arg18 : memref<64x128xf32, #tpu.memory_space<vmem>>) dst(%dma_wait3A_179 : memref<64x128xf32, #tpu.memory_space<vmem_shared>>)
    %dma_wait3A_180 = arith.constant 0 : i32
    %dma_wait3A_181 = tpu.memref_slice %arg22[%add3A_107, %dma_wait3A_180] : memref<6144x128xf32, #tpu.memory_space<vmem_shared>> -> memref<64x128xf32, #tpu.memory_space<vmem_shared>>
    %dma_wait3A_182 = arith.constant 0 : i32
    %dma_wait3A_183 = tpu.memref_slice %arg22[%add3A_107, %dma_wait3A_182] : memref<6144x128xf32, #tpu.memory_space<vmem_shared>> -> memref<64x128xf32, #tpu.memory_space<vmem_shared>>
    tpu.wait_dma2 semaphore(%arg20 : memref<!tpu.dma_semaphore, #tpu.memory_space<semaphore_mem>>) src(%arg18 : memref<64x128xf32, #tpu.memory_space<vmem>>) dst(%dma_wait3A_183 : memref<64x128xf32, #tpu.memory_space<vmem_shared>>)
    %dma_wait3A_184 = arith.constant 0 : i32
    %dma_wait3A_185 = tpu.memref_slice %arg22[%add3A_115, %dma_wait3A_184] : memref<6144x128xf32, #tpu.memory_space<vmem_shared>> -> memref<64x128xf32, #tpu.memory_space<vmem_shared>>
    %dma_wait3A_186 = arith.constant 0 : i32
    %dma_wait3A_187 = tpu.memref_slice %arg22[%add3A_115, %dma_wait3A_186] : memref<6144x128xf32, #tpu.memory_space<vmem_shared>> -> memref<64x128xf32, #tpu.memory_space<vmem_shared>>
    tpu.wait_dma2 semaphore(%arg20 : memref<!tpu.dma_semaphore, #tpu.memory_space<semaphore_mem>>) src(%arg18 : memref<64x128xf32, #tpu.memory_space<vmem>>) dst(%dma_wait3A_187 : memref<64x128xf32, #tpu.memory_space<vmem_shared>>)
    %dma_wait3A_188 = arith.constant 0 : i32
    %dma_wait3A_189 = tpu.memref_slice %arg22[%add3A_123, %dma_wait3A_188] : memref<6144x128xf32, #tpu.memory_space<vmem_shared>> -> memref<64x128xf32, #tpu.memory_space<vmem_shared>>
    %dma_wait3A_190 = arith.constant 0 : i32
    %dma_wait3A_191 = tpu.memref_slice %arg22[%add3A_123, %dma_wait3A_190] : memref<6144x128xf32, #tpu.memory_space<vmem_shared>> -> memref<64x128xf32, #tpu.memory_space<vmem_shared>>
    tpu.wait_dma2 semaphore(%arg20 : memref<!tpu.dma_semaphore, #tpu.memory_space<semaphore_mem>>) src(%arg18 : memref<64x128xf32, #tpu.memory_space<vmem>>) dst(%dma_wait3A_191 : memref<64x128xf32, #tpu.memory_space<vmem_shared>>)
    %dma_wait3A_192 = arith.constant 0 : i32
    %dma_wait3A_193 = tpu.memref_slice %arg22[%add3A_131, %dma_wait3A_192] : memref<6144x128xf32, #tpu.memory_space<vmem_shared>> -> memref<64x128xf32, #tpu.memory_space<vmem_shared>>
    %dma_wait3A_194 = arith.constant 0 : i32
    %dma_wait3A_195 = tpu.memref_slice %arg22[%add3A_131, %dma_wait3A_194] : memref<6144x128xf32, #tpu.memory_space<vmem_shared>> -> memref<64x128xf32, #tpu.memory_space<vmem_shared>>
    tpu.wait_dma2 semaphore(%arg20 : memref<!tpu.dma_semaphore, #tpu.memory_space<semaphore_mem>>) src(%arg18 : memref<64x128xf32, #tpu.memory_space<vmem>>) dst(%dma_wait3A_195 : memref<64x128xf32, #tpu.memory_space<vmem_shared>>)
    %barrier3A = arith.constant 0 : index
    tpu.barrier barrier_id(%barrier3A)
    %dma_wait3A_196 = arith.constant 0 : i32
    %dma_wait3A_197 = tpu.memref_slice %arg2[%arg0, %add3A_139, %dma_wait3A_196] : memref<2x8192x768xf32, #tpu.memory_space<hbm>> -> memref<1x128x128xf32, #tpu.memory_space<hbm>>
    %dma_wait3A_198 = tpu.memref_squeeze %dma_wait3A_197 : memref<1x128x128xf32, #tpu.memory_space<hbm>> -> memref<128x128xf32, #tpu.memory_space<hbm>>
    %dma_wait3A_199 = arith.constant 0 : i32
    %dma_wait3A_200 = tpu.memref_slice %arg2[%arg0, %add3A_139, %dma_wait3A_199] : memref<2x8192x768xf32, #tpu.memory_space<hbm>> -> memref<1x128x128xf32, #tpu.memory_space<hbm>>
    %dma_wait3A_201 = tpu.memref_squeeze %dma_wait3A_200 : memref<1x128x128xf32, #tpu.memory_space<hbm>> -> memref<128x128xf32, #tpu.memory_space<hbm>>
    tpu.wait_dma2 semaphore(%arg19 : memref<!tpu.dma_semaphore, #tpu.memory_space<semaphore_mem>>) src(%dma_wait3A_201 : memref<128x128xf32, #tpu.memory_space<hbm>>) dst(%arg16 : memref<128x128xf32, #tpu.memory_space<vmem>>)
    %mul3A_202 = arith.constant 4 : i32
    %mul3A_203 = arith.muli %arg1, %mul3A_202 : i32
    %add3A_204 = arith.constant 0 : i32
    %add3A_205 = arith.addi %mul3A_203, %add3A_204 : i32
    %dma_start3A_206 = arith.constant 0 : i32
    %dma_start3A_207 = tpu.memref_slice %arg14[%add3A_205, %dma_start3A_206] : memref<64x128xi32, #tpu.memory_space<vmem>> -> memref<1x128xi32, #tpu.memory_space<vmem>>
    %dma_start3A_208 = tpu.memref_squeeze %dma_start3A_207 : memref<1x128xi32, #tpu.memory_space<vmem>> -> memref<128xi32, #tpu.memory_space<vmem>>
    %dma_start3A_209 = arith.constant 0 : i32
    %dma_start3A_210 = arith.constant 0 : i32
    %dma_start3A_211 = tpu.memref_slice %arg22[%dma_start3A_209, %dma_start3A_210] : memref<6144x128xf32, #tpu.memory_space<vmem_shared>> -> memref<6144x128xf32, #tpu.memory_space<vmem_shared>>
    tpu.enqueue_indirect_dma source(%arg16 : memref<128x128xf32, #tpu.memory_space<vmem>>) target(%dma_start3A_211 : memref<6144x128xf32, #tpu.memory_space<vmem_shared>>) offsets(%dma_start3A_208 : memref<128xi32, #tpu.memory_space<vmem>>) semaphore(%arg20 : memref<!tpu.dma_semaphore, #tpu.memory_space<semaphore_mem>>) {add = true}
    %dma_wait3A_212 = arith.constant 0 : i32
    %dma_wait3A_213 = tpu.memref_slice %arg14[%add3A_205, %dma_wait3A_212] : memref<64x128xi32, #tpu.memory_space<vmem>> -> memref<1x128xi32, #tpu.memory_space<vmem>>
    %dma_wait3A_214 = tpu.memref_squeeze %dma_wait3A_213 : memref<1x128xi32, #tpu.memory_space<vmem>> -> memref<128xi32, #tpu.memory_space<vmem>>
    %dma_wait3A_215 = arith.constant 0 : i32
    %dma_wait3A_216 = arith.constant 0 : i32
    %dma_wait3A_217 = tpu.memref_slice %arg22[%dma_wait3A_215, %dma_wait3A_216] : memref<6144x128xf32, #tpu.memory_space<vmem_shared>> -> memref<6144x128xf32, #tpu.memory_space<vmem_shared>>
    tpu.wait_indirect_dma semaphore(%arg20 : memref<!tpu.dma_semaphore, #tpu.memory_space<semaphore_mem>>) src(%arg16 : memref<128x128xf32, #tpu.memory_space<vmem>>) dst(%dma_wait3A_217 : memref<6144x128xf32, #tpu.memory_space<vmem_shared>>)
    %mul3A_218 = arith.constant 512 : i32
    %mul3A_219 = arith.muli %arg1, %mul3A_218 : i32
    %add3A_220 = arith.constant 256 : i32
    %add3A_221 = arith.addi %mul3A_219, %add3A_220 : i32
    %dma_start3A_222 = arith.constant 0 : i32
    %dma_start3A_223 = tpu.memref_slice %arg2[%arg0, %add3A_221, %dma_start3A_222] : memref<2x8192x768xf32, #tpu.memory_space<hbm>> -> memref<1x128x128xf32, #tpu.memory_space<hbm>>
    %dma_start3A_224 = tpu.memref_squeeze %dma_start3A_223 : memref<1x128x128xf32, #tpu.memory_space<hbm>> -> memref<128x128xf32, #tpu.memory_space<hbm>>
    %dma_start3A_225 = arith.constant 0 : i32
    %dma_start3A_226 = tpu.memref_slice %arg2[%arg0, %add3A_221, %dma_start3A_225] : memref<2x8192x768xf32, #tpu.memory_space<hbm>> -> memref<1x128x128xf32, #tpu.memory_space<hbm>>
    %dma_start3A_227 = tpu.memref_squeeze %dma_start3A_226 : memref<1x128x128xf32, #tpu.memory_space<hbm>> -> memref<128x128xf32, #tpu.memory_space<hbm>>
    tpu.enqueue_dma source(%dma_start3A_227 : memref<128x128xf32, #tpu.memory_space<hbm>>) target(%arg16 : memref<128x128xf32, #tpu.memory_space<vmem>>) target_semaphore(%arg19 : memref<!tpu.dma_semaphore, #tpu.memory_space<semaphore_mem>>)
    %dma_wait3A_228 = arith.constant 0 : i32
    %dma_wait3A_229 = tpu.memref_slice %arg2[%arg0, %add3A_149, %dma_wait3A_228] : memref<2x8192x768xf32, #tpu.memory_space<hbm>> -> memref<1x128x128xf32, #tpu.memory_space<hbm>>
    %dma_wait3A_230 = tpu.memref_squeeze %dma_wait3A_229 : memref<1x128x128xf32, #tpu.memory_space<hbm>> -> memref<128x128xf32, #tpu.memory_space<hbm>>
    %dma_wait3A_231 = arith.constant 0 : i32
    %dma_wait3A_232 = tpu.memref_slice %arg2[%arg0, %add3A_149, %dma_wait3A_231] : memref<2x8192x768xf32, #tpu.memory_space<hbm>> -> memref<1x128x128xf32, #tpu.memory_space<hbm>>
    %dma_wait3A_233 = tpu.memref_squeeze %dma_wait3A_232 : memref<1x128x128xf32, #tpu.memory_space<hbm>> -> memref<128x128xf32, #tpu.memory_space<hbm>>
    tpu.wait_dma2 semaphore(%arg19 : memref<!tpu.dma_semaphore, #tpu.memory_space<semaphore_mem>>) src(%dma_wait3A_233 : memref<128x128xf32, #tpu.memory_space<hbm>>) dst(%arg17 : memref<128x128xf32, #tpu.memory_space<vmem>>)
    %mul3A_234 = arith.constant 4 : i32
    %mul3A_235 = arith.muli %arg1, %mul3A_234 : i32
    %add3A_236 = arith.constant 1 : i32
    %add3A_237 = arith.addi %mul3A_235, %add3A_236 : i32
    %dma_start3A_238 = arith.constant 0 : i32
    %dma_start3A_239 = tpu.memref_slice %arg14[%add3A_237, %dma_start3A_238] : memref<64x128xi32, #tpu.memory_space<vmem>> -> memref<1x128xi32, #tpu.memory_space<vmem>>
    %dma_start3A_240 = tpu.memref_squeeze %dma_start3A_239 : memref<1x128xi32, #tpu.memory_space<vmem>> -> memref<128xi32, #tpu.memory_space<vmem>>
    %dma_start3A_241 = arith.constant 0 : i32
    %dma_start3A_242 = arith.constant 0 : i32
    %dma_start3A_243 = tpu.memref_slice %arg22[%dma_start3A_241, %dma_start3A_242] : memref<6144x128xf32, #tpu.memory_space<vmem_shared>> -> memref<6144x128xf32, #tpu.memory_space<vmem_shared>>
    tpu.enqueue_indirect_dma source(%arg17 : memref<128x128xf32, #tpu.memory_space<vmem>>) target(%dma_start3A_243 : memref<6144x128xf32, #tpu.memory_space<vmem_shared>>) offsets(%dma_start3A_240 : memref<128xi32, #tpu.memory_space<vmem>>) semaphore(%arg20 : memref<!tpu.dma_semaphore, #tpu.memory_space<semaphore_mem>>) {add = true}
    %dma_wait3A_244 = arith.constant 0 : i32
    %dma_wait3A_245 = tpu.memref_slice %arg14[%add3A_237, %dma_wait3A_244] : memref<64x128xi32, #tpu.memory_space<vmem>> -> memref<1x128xi32, #tpu.memory_space<vmem>>
    %dma_wait3A_246 = tpu.memref_squeeze %dma_wait3A_245 : memref<1x128xi32, #tpu.memory_space<vmem>> -> memref<128xi32, #tpu.memory_space<vmem>>
    %dma_wait3A_247 = arith.constant 0 : i32
    %dma_wait3A_248 = arith.constant 0 : i32
    %dma_wait3A_249 = tpu.memref_slice %arg22[%dma_wait3A_247, %dma_wait3A_248] : memref<6144x128xf32, #tpu.memory_space<vmem_shared>> -> memref<6144x128xf32, #tpu.memory_space<vmem_shared>>
    tpu.wait_indirect_dma semaphore(%arg20 : memref<!tpu.dma_semaphore, #tpu.memory_space<semaphore_mem>>) src(%arg17 : memref<128x128xf32, #tpu.memory_space<vmem>>) dst(%dma_wait3A_249 : memref<6144x128xf32, #tpu.memory_space<vmem_shared>>)
    %mul3A_250 = arith.constant 512 : i32
    %mul3A_251 = arith.muli %arg1, %mul3A_250 : i32
    %add3A_252 = arith.constant 384 : i32
    %add3A_253 = arith.addi %mul3A_251, %add3A_252 : i32
    %dma_start3A_254 = arith.constant 0 : i32
    %dma_start3A_255 = tpu.memref_slice %arg2[%arg0, %add3A_253, %dma_start3A_254] : memref<2x8192x768xf32, #tpu.memory_space<hbm>> -> memref<1x128x128xf32, #tpu.memory_space<hbm>>
    %dma_start3A_256 = tpu.memref_squeeze %dma_start3A_255 : memref<1x128x128xf32, #tpu.memory_space<hbm>> -> memref<128x128xf32, #tpu.memory_space<hbm>>
    %dma_start3A_257 = arith.constant 0 : i32
    %dma_start3A_258 = tpu.memref_slice %arg2[%arg0, %add3A_253, %dma_start3A_257] : memref<2x8192x768xf32, #tpu.memory_space<hbm>> -> memref<1x128x128xf32, #tpu.memory_space<hbm>>
    %dma_start3A_259 = tpu.memref_squeeze %dma_start3A_258 : memref<1x128x128xf32, #tpu.memory_space<hbm>> -> memref<128x128xf32, #tpu.memory_space<hbm>>
    tpu.enqueue_dma source(%dma_start3A_259 : memref<128x128xf32, #tpu.memory_space<hbm>>) target(%arg17 : memref<128x128xf32, #tpu.memory_space<vmem>>) target_semaphore(%arg19 : memref<!tpu.dma_semaphore, #tpu.memory_space<semaphore_mem>>)
    %dma_wait3A_260 = arith.constant 0 : i32
    %dma_wait3A_261 = tpu.memref_slice %arg2[%arg0, %add3A_221, %dma_wait3A_260] : memref<2x8192x768xf32, #tpu.memory_space<hbm>> -> memref<1x128x128xf32, #tpu.memory_space<hbm>>
    %dma_wait3A_262 = tpu.memref_squeeze %dma_wait3A_261 : memref<1x128x128xf32, #tpu.memory_space<hbm>> -> memref<128x128xf32, #tpu.memory_space<hbm>>
    %dma_wait3A_263 = arith.constant 0 : i32
    %dma_wait3A_264 = tpu.memref_slice %arg2[%arg0, %add3A_221, %dma_wait3A_263] : memref<2x8192x768xf32, #tpu.memory_space<hbm>> -> memref<1x128x128xf32, #tpu.memory_space<hbm>>
    %dma_wait3A_265 = tpu.memref_squeeze %dma_wait3A_264 : memref<1x128x128xf32, #tpu.memory_space<hbm>> -> memref<128x128xf32, #tpu.memory_space<hbm>>
    tpu.wait_dma2 semaphore(%arg19 : memref<!tpu.dma_semaphore, #tpu.memory_space<semaphore_mem>>) src(%dma_wait3A_265 : memref<128x128xf32, #tpu.memory_space<hbm>>) dst(%arg16 : memref<128x128xf32, #tpu.memory_space<vmem>>)
    %mul3A_266 = arith.constant 4 : i32
    %mul3A_267 = arith.muli %arg1, %mul3A_266 : i32
    %add3A_268 = arith.constant 2 : i32
    %add3A_269 = arith.addi %mul3A_267, %add3A_268 : i32
    %dma_start3A_270 = arith.constant 0 : i32
    %dma_start3A_271 = tpu.memref_slice %arg14[%add3A_269, %dma_start3A_270] : memref<64x128xi32, #tpu.memory_space<vmem>> -> memref<1x128xi32, #tpu.memory_space<vmem>>
    %dma_start3A_272 = tpu.memref_squeeze %dma_start3A_271 : memref<1x128xi32, #tpu.memory_space<vmem>> -> memref<128xi32, #tpu.memory_space<vmem>>
    %dma_start3A_273 = arith.constant 0 : i32
    %dma_start3A_274 = arith.constant 0 : i32
    %dma_start3A_275 = tpu.memref_slice %arg22[%dma_start3A_273, %dma_start3A_274] : memref<6144x128xf32, #tpu.memory_space<vmem_shared>> -> memref<6144x128xf32, #tpu.memory_space<vmem_shared>>
    tpu.enqueue_indirect_dma source(%arg16 : memref<128x128xf32, #tpu.memory_space<vmem>>) target(%dma_start3A_275 : memref<6144x128xf32, #tpu.memory_space<vmem_shared>>) offsets(%dma_start3A_272 : memref<128xi32, #tpu.memory_space<vmem>>) semaphore(%arg20 : memref<!tpu.dma_semaphore, #tpu.memory_space<semaphore_mem>>) {add = true}
    %dma_wait3A_276 = arith.constant 0 : i32
    %dma_wait3A_277 = tpu.memref_slice %arg14[%add3A_269, %dma_wait3A_276] : memref<64x128xi32, #tpu.memory_space<vmem>> -> memref<1x128xi32, #tpu.memory_space<vmem>>
    %dma_wait3A_278 = tpu.memref_squeeze %dma_wait3A_277 : memref<1x128xi32, #tpu.memory_space<vmem>> -> memref<128xi32, #tpu.memory_space<vmem>>
    %dma_wait3A_279 = arith.constant 0 : i32
    %dma_wait3A_280 = arith.constant 0 : i32
    %dma_wait3A_281 = tpu.memref_slice %arg22[%dma_wait3A_279, %dma_wait3A_280] : memref<6144x128xf32, #tpu.memory_space<vmem_shared>> -> memref<6144x128xf32, #tpu.memory_space<vmem_shared>>
    tpu.wait_indirect_dma semaphore(%arg20 : memref<!tpu.dma_semaphore, #tpu.memory_space<semaphore_mem>>) src(%arg16 : memref<128x128xf32, #tpu.memory_space<vmem>>) dst(%dma_wait3A_281 : memref<6144x128xf32, #tpu.memory_space<vmem_shared>>)
    %mul3A_282 = arith.constant 512 : i32
    %mul3A_283 = arith.muli %arg1, %mul3A_282 : i32
    %add3A_284 = arith.constant 0 : i32
    %add3A_285 = arith.addi %mul3A_283, %add3A_284 : i32
    %dma_start3A_286 = arith.constant 128 : i32
    %dma_start3A_287 = tpu.memref_slice %arg2[%arg0, %add3A_285, %dma_start3A_286] : memref<2x8192x768xf32, #tpu.memory_space<hbm>> -> memref<1x128x128xf32, #tpu.memory_space<hbm>>
    %dma_start3A_288 = tpu.memref_squeeze %dma_start3A_287 : memref<1x128x128xf32, #tpu.memory_space<hbm>> -> memref<128x128xf32, #tpu.memory_space<hbm>>
    %dma_start3A_289 = arith.constant 128 : i32
    %dma_start3A_290 = tpu.memref_slice %arg2[%arg0, %add3A_285, %dma_start3A_289] : memref<2x8192x768xf32, #tpu.memory_space<hbm>> -> memref<1x128x128xf32, #tpu.memory_space<hbm>>
    %dma_start3A_291 = tpu.memref_squeeze %dma_start3A_290 : memref<1x128x128xf32, #tpu.memory_space<hbm>> -> memref<128x128xf32, #tpu.memory_space<hbm>>
    tpu.enqueue_dma source(%dma_start3A_291 : memref<128x128xf32, #tpu.memory_space<hbm>>) target(%arg16 : memref<128x128xf32, #tpu.memory_space<vmem>>) target_semaphore(%arg19 : memref<!tpu.dma_semaphore, #tpu.memory_space<semaphore_mem>>)
    %dma_wait3A_292 = arith.constant 0 : i32
    %dma_wait3A_293 = tpu.memref_slice %arg2[%arg0, %add3A_253, %dma_wait3A_292] : memref<2x8192x768xf32, #tpu.memory_space<hbm>> -> memref<1x128x128xf32, #tpu.memory_space<hbm>>
    %dma_wait3A_294 = tpu.memref_squeeze %dma_wait3A_293 : memref<1x128x128xf32, #tpu.memory_space<hbm>> -> memref<128x128xf32, #tpu.memory_space<hbm>>
    %dma_wait3A_295 = arith.constant 0 : i32
    %dma_wait3A_296 = tpu.memref_slice %arg2[%arg0, %add3A_253, %dma_wait3A_295] : memref<2x8192x768xf32, #tpu.memory_space<hbm>> -> memref<1x128x128xf32, #tpu.memory_space<hbm>>
    %dma_wait3A_297 = tpu.memref_squeeze %dma_wait3A_296 : memref<1x128x128xf32, #tpu.memory_space<hbm>> -> memref<128x128xf32, #tpu.memory_space<hbm>>
    tpu.wait_dma2 semaphore(%arg19 : memref<!tpu.dma_semaphore, #tpu.memory_space<semaphore_mem>>) src(%dma_wait3A_297 : memref<128x128xf32, #tpu.memory_space<hbm>>) dst(%arg17 : memref<128x128xf32, #tpu.memory_space<vmem>>)
    %mul3A_298 = arith.constant 4 : i32
    %mul3A_299 = arith.muli %arg1, %mul3A_298 : i32
    %add3A_300 = arith.constant 3 : i32
    %add3A_301 = arith.addi %mul3A_299, %add3A_300 : i32
    %dma_start3A_302 = arith.constant 0 : i32
    %dma_start3A_303 = tpu.memref_slice %arg14[%add3A_301, %dma_start3A_302] : memref<64x128xi32, #tpu.memory_space<vmem>> -> memref<1x128xi32, #tpu.memory_space<vmem>>
    %dma_start3A_304 = tpu.memref_squeeze %dma_start3A_303 : memref<1x128xi32, #tpu.memory_space<vmem>> -> memref<128xi32, #tpu.memory_space<vmem>>
    %dma_start3A_305 = arith.constant 0 : i32
    %dma_start3A_306 = arith.constant 0 : i32
    %dma_start3A_307 = tpu.memref_slice %arg22[%dma_start3A_305, %dma_start3A_306] : memref<6144x128xf32, #tpu.memory_space<vmem_shared>> -> memref<6144x128xf32, #tpu.memory_space<vmem_shared>>
    tpu.enqueue_indirect_dma source(%arg17 : memref<128x128xf32, #tpu.memory_space<vmem>>) target(%dma_start3A_307 : memref<6144x128xf32, #tpu.memory_space<vmem_shared>>) offsets(%dma_start3A_304 : memref<128xi32, #tpu.memory_space<vmem>>) semaphore(%arg20 : memref<!tpu.dma_semaphore, #tpu.memory_space<semaphore_mem>>) {add = true}
    %dma_wait3A_308 = arith.constant 0 : i32
    %dma_wait3A_309 = tpu.memref_slice %arg14[%add3A_301, %dma_wait3A_308] : memref<64x128xi32, #tpu.memory_space<vmem>> -> memref<1x128xi32, #tpu.memory_space<vmem>>
    %dma_wait3A_310 = tpu.memref_squeeze %dma_wait3A_309 : memref<1x128xi32, #tpu.memory_space<vmem>> -> memref<128xi32, #tpu.memory_space<vmem>>
    %dma_wait3A_311 = arith.constant 0 : i32
    %dma_wait3A_312 = arith.constant 0 : i32
    %dma_wait3A_313 = tpu.memref_slice %arg22[%dma_wait3A_311, %dma_wait3A_312] : memref<6144x128xf32, #tpu.memory_space<vmem_shared>> -> memref<6144x128xf32, #tpu.memory_space<vmem_shared>>
    tpu.wait_indirect_dma semaphore(%arg20 : memref<!tpu.dma_semaphore, #tpu.memory_space<semaphore_mem>>) src(%arg17 : memref<128x128xf32, #tpu.memory_space<vmem>>) dst(%dma_wait3A_313 : memref<6144x128xf32, #tpu.memory_space<vmem_shared>>)
    %mul3A_314 = arith.constant 512 : i32
    %mul3A_315 = arith.muli %arg1, %mul3A_314 : i32
    %add3A_316 = arith.constant 128 : i32
    %add3A_317 = arith.addi %mul3A_315, %add3A_316 : i32
    %dma_start3A_318 = arith.constant 128 : i32
    %dma_start3A_319 = tpu.memref_slice %arg2[%arg0, %add3A_317, %dma_start3A_318] : memref<2x8192x768xf32, #tpu.memory_space<hbm>> -> memref<1x128x128xf32, #tpu.memory_space<hbm>>
    %dma_start3A_320 = tpu.memref_squeeze %dma_start3A_319 : memref<1x128x128xf32, #tpu.memory_space<hbm>> -> memref<128x128xf32, #tpu.memory_space<hbm>>
    %dma_start3A_321 = arith.constant 128 : i32
    %dma_start3A_322 = tpu.memref_slice %arg2[%arg0, %add3A_317, %dma_start3A_321] : memref<2x8192x768xf32, #tpu.memory_space<hbm>> -> memref<1x128x128xf32, #tpu.memory_space<hbm>>
    %dma_start3A_323 = tpu.memref_squeeze %dma_start3A_322 : memref<1x128x128xf32, #tpu.memory_space<hbm>> -> memref<128x128xf32, #tpu.memory_space<hbm>>
    tpu.enqueue_dma source(%dma_start3A_323 : memref<128x128xf32, #tpu.memory_space<hbm>>) target(%arg17 : memref<128x128xf32, #tpu.memory_space<vmem>>) target_semaphore(%arg19 : memref<!tpu.dma_semaphore, #tpu.memory_space<semaphore_mem>>)
    %barrier3A_324 = arith.constant 0 : index
    tpu.barrier barrier_id(%barrier3A_324)
    %mul3A_325 = arith.constant 384 : i32
    %mul3A_326 = arith.muli %arg1, %mul3A_325 : i32
    %mul3A_327 = arith.constant 384 : i32
    %mul3A_328 = arith.muli %arg1, %mul3A_327 : i32
    %dma_start3A_329 = arith.constant 0 : i32
    %dma_start3A_330 = tpu.memref_slice %arg7[%arg0, %mul3A_328, %dma_start3A_329] : memref<2x6144x768xf32, #tpu.memory_space<hbm>> -> memref<1x384x128xf32, #tpu.memory_space<hbm>>
    %dma_start3A_331 = tpu.memref_squeeze %dma_start3A_330 : memref<1x384x128xf32, #tpu.memory_space<hbm>> -> memref<384x128xf32, #tpu.memory_space<hbm>>
    %dma_start3A_332 = arith.constant 0 : i32
    %dma_start3A_333 = tpu.memref_slice %arg22[%mul3A_326, %dma_start3A_332] : memref<6144x128xf32, #tpu.memory_space<vmem_shared>> -> memref<384x128xf32, #tpu.memory_space<vmem_shared>>
    tpu.enqueue_dma source(%dma_start3A_333 : memref<384x128xf32, #tpu.memory_space<vmem_shared>>) target(%dma_start3A_331 : memref<384x128xf32, #tpu.memory_space<hbm>>) target_semaphore(%arg21 : memref<!tpu.dma_semaphore, #tpu.memory_space<semaphore_mem>>)
    %dma_wait3A_334 = arith.constant 0 : i32
    %dma_wait3A_335 = tpu.memref_slice %arg7[%arg0, %mul3A_328, %dma_wait3A_334] : memref<2x6144x768xf32, #tpu.memory_space<hbm>> -> memref<1x384x128xf32, #tpu.memory_space<hbm>>
    %dma_wait3A_336 = tpu.memref_squeeze %dma_wait3A_335 : memref<1x384x128xf32, #tpu.memory_space<hbm>> -> memref<384x128xf32, #tpu.memory_space<hbm>>
    %dma_wait3A_337 = arith.constant 0 : i32
    %dma_wait3A_338 = tpu.memref_slice %arg22[%mul3A_326, %dma_wait3A_337] : memref<6144x128xf32, #tpu.memory_space<vmem_shared>> -> memref<384x128xf32, #tpu.memory_space<vmem_shared>>
    tpu.wait_dma2 semaphore(%arg21 : memref<!tpu.dma_semaphore, #tpu.memory_space<semaphore_mem>>) src(%dma_wait3A_338 : memref<384x128xf32, #tpu.memory_space<vmem_shared>>) dst(%dma_wait3A_336 : memref<384x128xf32, #tpu.memory_space<hbm>>)
    %mul3A_339 = arith.constant 384 : i32
    %mul3A_340 = arith.muli %arg1, %mul3A_339 : i32
    %add3A_341 = arith.constant 0 : i32
    %add3A_342 = arith.addi %mul3A_340, %add3A_341 : i32
    %dma_start3A_343 = arith.constant 0 : i32
    %dma_start3A_344 = tpu.memref_slice %arg22[%add3A_342, %dma_start3A_343] : memref<6144x128xf32, #tpu.memory_space<vmem_shared>> -> memref<64x128xf32, #tpu.memory_space<vmem_shared>>
    %dma_start3A_345 = arith.constant 0 : i32
    %dma_start3A_346 = tpu.memref_slice %arg22[%add3A_342, %dma_start3A_345] : memref<6144x128xf32, #tpu.memory_space<vmem_shared>> -> memref<64x128xf32, #tpu.memory_space<vmem_shared>>
    tpu.enqueue_dma source(%arg18 : memref<64x128xf32, #tpu.memory_space<vmem>>) target(%dma_start3A_346 : memref<64x128xf32, #tpu.memory_space<vmem_shared>>) target_semaphore(%arg21 : memref<!tpu.dma_semaphore, #tpu.memory_space<semaphore_mem>>)
    %mul3A_347 = arith.constant 384 : i32
    %mul3A_348 = arith.muli %arg1, %mul3A_347 : i32
    %add3A_349 = arith.constant 64 : i32
    %add3A_350 = arith.addi %mul3A_348, %add3A_349 : i32
    %dma_start3A_351 = arith.constant 0 : i32
    %dma_start3A_352 = tpu.memref_slice %arg22[%add3A_350, %dma_start3A_351] : memref<6144x128xf32, #tpu.memory_space<vmem_shared>> -> memref<64x128xf32, #tpu.memory_space<vmem_shared>>
    %dma_start3A_353 = arith.constant 0 : i32
    %dma_start3A_354 = tpu.memref_slice %arg22[%add3A_350, %dma_start3A_353] : memref<6144x128xf32, #tpu.memory_space<vmem_shared>> -> memref<64x128xf32, #tpu.memory_space<vmem_shared>>
    tpu.enqueue_dma source(%arg18 : memref<64x128xf32, #tpu.memory_space<vmem>>) target(%dma_start3A_354 : memref<64x128xf32, #tpu.memory_space<vmem_shared>>) target_semaphore(%arg21 : memref<!tpu.dma_semaphore, #tpu.memory_space<semaphore_mem>>)
    %mul3A_355 = arith.constant 384 : i32
    %mul3A_356 = arith.muli %arg1, %mul3A_355 : i32
    %add3A_357 = arith.constant 128 : i32
    %add3A_358 = arith.addi %mul3A_356, %add3A_357 : i32
    %dma_start3A_359 = arith.constant 0 : i32
    %dma_start3A_360 = tpu.memref_slice %arg22[%add3A_358, %dma_start3A_359] : memref<6144x128xf32, #tpu.memory_space<vmem_shared>> -> memref<64x128xf32, #tpu.memory_space<vmem_shared>>
    %dma_start3A_361 = arith.constant 0 : i32
    %dma_start3A_362 = tpu.memref_slice %arg22[%add3A_358, %dma_start3A_361] : memref<6144x128xf32, #tpu.memory_space<vmem_shared>> -> memref<64x128xf32, #tpu.memory_space<vmem_shared>>
    tpu.enqueue_dma source(%arg18 : memref<64x128xf32, #tpu.memory_space<vmem>>) target(%dma_start3A_362 : memref<64x128xf32, #tpu.memory_space<vmem_shared>>) target_semaphore(%arg21 : memref<!tpu.dma_semaphore, #tpu.memory_space<semaphore_mem>>)
    %mul3A_363 = arith.constant 384 : i32
    %mul3A_364 = arith.muli %arg1, %mul3A_363 : i32
    %add3A_365 = arith.constant 192 : i32
    %add3A_366 = arith.addi %mul3A_364, %add3A_365 : i32
    %dma_start3A_367 = arith.constant 0 : i32
    %dma_start3A_368 = tpu.memref_slice %arg22[%add3A_366, %dma_start3A_367] : memref<6144x128xf32, #tpu.memory_space<vmem_shared>> -> memref<64x128xf32, #tpu.memory_space<vmem_shared>>
    %dma_start3A_369 = arith.constant 0 : i32
    %dma_start3A_370 = tpu.memref_slice %arg22[%add3A_366, %dma_start3A_369] : memref<6144x128xf32, #tpu.memory_space<vmem_shared>> -> memref<64x128xf32, #tpu.memory_space<vmem_shared>>
    tpu.enqueue_dma source(%arg18 : memref<64x128xf32, #tpu.memory_space<vmem>>) target(%dma_start3A_370 : memref<64x128xf32, #tpu.memory_space<vmem_shared>>) target_semaphore(%arg21 : memref<!tpu.dma_semaphore, #tpu.memory_space<semaphore_mem>>)
    %mul3A_371 = arith.constant 384 : i32
    %mul3A_372 = arith.muli %arg1, %mul3A_371 : i32
    %add3A_373 = arith.constant 256 : i32
    %add3A_374 = arith.addi %mul3A_372, %add3A_373 : i32
    %dma_start3A_375 = arith.constant 0 : i32
    %dma_start3A_376 = tpu.memref_slice %arg22[%add3A_374, %dma_start3A_375] : memref<6144x128xf32, #tpu.memory_space<vmem_shared>> -> memref<64x128xf32, #tpu.memory_space<vmem_shared>>
    %dma_start3A_377 = arith.constant 0 : i32
    %dma_start3A_378 = tpu.memref_slice %arg22[%add3A_374, %dma_start3A_377] : memref<6144x128xf32, #tpu.memory_space<vmem_shared>> -> memref<64x128xf32, #tpu.memory_space<vmem_shared>>
    tpu.enqueue_dma source(%arg18 : memref<64x128xf32, #tpu.memory_space<vmem>>) target(%dma_start3A_378 : memref<64x128xf32, #tpu.memory_space<vmem_shared>>) target_semaphore(%arg21 : memref<!tpu.dma_semaphore, #tpu.memory_space<semaphore_mem>>)
    %mul3A_379 = arith.constant 384 : i32
    %mul3A_380 = arith.muli %arg1, %mul3A_379 : i32
    %add3A_381 = arith.constant 320 : i32
    %add3A_382 = arith.addi %mul3A_380, %add3A_381 : i32
    %dma_start3A_383 = arith.constant 0 : i32
    %dma_start3A_384 = tpu.memref_slice %arg22[%add3A_382, %dma_start3A_383] : memref<6144x128xf32, #tpu.memory_space<vmem_shared>> -> memref<64x128xf32, #tpu.memory_space<vmem_shared>>
    %dma_start3A_385 = arith.constant 0 : i32
    %dma_start3A_386 = tpu.memref_slice %arg22[%add3A_382, %dma_start3A_385] : memref<6144x128xf32, #tpu.memory_space<vmem_shared>> -> memref<64x128xf32, #tpu.memory_space<vmem_shared>>
    tpu.enqueue_dma source(%arg18 : memref<64x128xf32, #tpu.memory_space<vmem>>) target(%dma_start3A_386 : memref<64x128xf32, #tpu.memory_space<vmem_shared>>) target_semaphore(%arg21 : memref<!tpu.dma_semaphore, #tpu.memory_space<semaphore_mem>>)
    %dma_wait3A_387 = arith.constant 0 : i32
    %dma_wait3A_388 = tpu.memref_slice %arg22[%add3A_342, %dma_wait3A_387] : memref<6144x128xf32, #tpu.memory_space<vmem_shared>> -> memref<64x128xf32, #tpu.memory_space<vmem_shared>>
    %dma_wait3A_389 = arith.constant 0 : i32
    %dma_wait3A_390 = tpu.memref_slice %arg22[%add3A_342, %dma_wait3A_389] : memref<6144x128xf32, #tpu.memory_space<vmem_shared>> -> memref<64x128xf32, #tpu.memory_space<vmem_shared>>
    tpu.wait_dma2 semaphore(%arg21 : memref<!tpu.dma_semaphore, #tpu.memory_space<semaphore_mem>>) src(%arg18 : memref<64x128xf32, #tpu.memory_space<vmem>>) dst(%dma_wait3A_390 : memref<64x128xf32, #tpu.memory_space<vmem_shared>>)
    %dma_wait3A_391 = arith.constant 0 : i32
    %dma_wait3A_392 = tpu.memref_slice %arg22[%add3A_350, %dma_wait3A_391] : memref<6144x128xf32, #tpu.memory_space<vmem_shared>> -> memref<64x128xf32, #tpu.memory_space<vmem_shared>>
    %dma_wait3A_393 = arith.constant 0 : i32
    %dma_wait3A_394 = tpu.memref_slice %arg22[%add3A_350, %dma_wait3A_393] : memref<6144x128xf32, #tpu.memory_space<vmem_shared>> -> memref<64x128xf32, #tpu.memory_space<vmem_shared>>
    tpu.wait_dma2 semaphore(%arg21 : memref<!tpu.dma_semaphore, #tpu.memory_space<semaphore_mem>>) src(%arg18 : memref<64x128xf32, #tpu.memory_space<vmem>>) dst(%dma_wait3A_394 : memref<64x128xf32, #tpu.memory_space<vmem_shared>>)
    %dma_wait3A_395 = arith.constant 0 : i32
    %dma_wait3A_396 = tpu.memref_slice %arg22[%add3A_358, %dma_wait3A_395] : memref<6144x128xf32, #tpu.memory_space<vmem_shared>> -> memref<64x128xf32, #tpu.memory_space<vmem_shared>>
    %dma_wait3A_397 = arith.constant 0 : i32
    %dma_wait3A_398 = tpu.memref_slice %arg22[%add3A_358, %dma_wait3A_397] : memref<6144x128xf32, #tpu.memory_space<vmem_shared>> -> memref<64x128xf32, #tpu.memory_space<vmem_shared>>
    tpu.wait_dma2 semaphore(%arg21 : memref<!tpu.dma_semaphore, #tpu.memory_space<semaphore_mem>>) src(%arg18 : memref<64x128xf32, #tpu.memory_space<vmem>>) dst(%dma_wait3A_398 : memref<64x128xf32, #tpu.memory_space<vmem_shared>>)
    %dma_wait3A_399 = arith.constant 0 : i32
    %dma_wait3A_400 = tpu.memref_slice %arg22[%add3A_366, %dma_wait3A_399] : memref<6144x128xf32, #tpu.memory_space<vmem_shared>> -> memref<64x128xf32, #tpu.memory_space<vmem_shared>>
    %dma_wait3A_401 = arith.constant 0 : i32
    %dma_wait3A_402 = tpu.memref_slice %arg22[%add3A_366, %dma_wait3A_401] : memref<6144x128xf32, #tpu.memory_space<vmem_shared>> -> memref<64x128xf32, #tpu.memory_space<vmem_shared>>
    tpu.wait_dma2 semaphore(%arg21 : memref<!tpu.dma_semaphore, #tpu.memory_space<semaphore_mem>>) src(%arg18 : memref<64x128xf32, #tpu.memory_space<vmem>>) dst(%dma_wait3A_402 : memref<64x128xf32, #tpu.memory_space<vmem_shared>>)
    %dma_wait3A_403 = arith.constant 0 : i32
    %dma_wait3A_404 = tpu.memref_slice %arg22[%add3A_374, %dma_wait3A_403] : memref<6144x128xf32, #tpu.memory_space<vmem_shared>> -> memref<64x128xf32, #tpu.memory_space<vmem_shared>>
    %dma_wait3A_405 = arith.constant 0 : i32
    %dma_wait3A_406 = tpu.memref_slice %arg22[%add3A_374, %dma_wait3A_405] : memref<6144x128xf32, #tpu.memory_space<vmem_shared>> -> memref<64x128xf32, #tpu.memory_space<vmem_shared>>
    tpu.wait_dma2 semaphore(%arg21 : memref<!tpu.dma_semaphore, #tpu.memory_space<semaphore_mem>>) src(%arg18 : memref<64x128xf32, #tpu.memory_space<vmem>>) dst(%dma_wait3A_406 : memref<64x128xf32, #tpu.memory_space<vmem_shared>>)
    %dma_wait3A_407 = arith.constant 0 : i32
    %dma_wait3A_408 = tpu.memref_slice %arg22[%add3A_382, %dma_wait3A_407] : memref<6144x128xf32, #tpu.memory_space<vmem_shared>> -> memref<64x128xf32, #tpu.memory_space<vmem_shared>>
    %dma_wait3A_409 = arith.constant 0 : i32
    %dma_wait3A_410 = tpu.memref_slice %arg22[%add3A_382, %dma_wait3A_409] : memref<6144x128xf32, #tpu.memory_space<vmem_shared>> -> memref<64x128xf32, #tpu.memory_space<vmem_shared>>
    tpu.wait_dma2 semaphore(%arg21 : memref<!tpu.dma_semaphore, #tpu.memory_space<semaphore_mem>>) src(%arg18 : memref<64x128xf32, #tpu.memory_space<vmem>>) dst(%dma_wait3A_410 : memref<64x128xf32, #tpu.memory_space<vmem_shared>>)
    %barrier3A_411 = arith.constant 0 : index
    tpu.barrier barrier_id(%barrier3A_411)
    %dma_wait3A_412 = arith.constant 128 : i32
    %dma_wait3A_413 = tpu.memref_slice %arg2[%arg0, %add3A_285, %dma_wait3A_412] : memref<2x8192x768xf32, #tpu.memory_space<hbm>> -> memref<1x128x128xf32, #tpu.memory_space<hbm>>
    %dma_wait3A_414 = tpu.memref_squeeze %dma_wait3A_413 : memref<1x128x128xf32, #tpu.memory_space<hbm>> -> memref<128x128xf32, #tpu.memory_space<hbm>>
    %dma_wait3A_415 = arith.constant 128 : i32
    %dma_wait3A_416 = tpu.memref_slice %arg2[%arg0, %add3A_285, %dma_wait3A_415] : memref<2x8192x768xf32, #tpu.memory_space<hbm>> -> memref<1x128x128xf32, #tpu.memory_space<hbm>>
    %dma_wait3A_417 = tpu.memref_squeeze %dma_wait3A_416 : memref<1x128x128xf32, #tpu.memory_space<hbm>> -> memref<128x128xf32, #tpu.memory_space<hbm>>
    tpu.wait_dma2 semaphore(%arg19 : memref<!tpu.dma_semaphore, #tpu.memory_space<semaphore_mem>>) src(%dma_wait3A_417 : memref<128x128xf32, #tpu.memory_space<hbm>>) dst(%arg16 : memref<128x128xf32, #tpu.memory_space<vmem>>)
    %mul3A_418 = arith.constant 4 : i32
    %mul3A_419 = arith.muli %arg1, %mul3A_418 : i32
    %add3A_420 = arith.constant 0 : i32
    %add3A_421 = arith.addi %mul3A_419, %add3A_420 : i32
    %dma_start3A_422 = arith.constant 0 : i32
    %dma_start3A_423 = tpu.memref_slice %arg14[%add3A_421, %dma_start3A_422] : memref<64x128xi32, #tpu.memory_space<vmem>> -> memref<1x128xi32, #tpu.memory_space<vmem>>
    %dma_start3A_424 = tpu.memref_squeeze %dma_start3A_423 : memref<1x128xi32, #tpu.memory_space<vmem>> -> memref<128xi32, #tpu.memory_space<vmem>>
    %dma_start3A_425 = arith.constant 0 : i32
    %dma_start3A_426 = arith.constant 0 : i32
    %dma_start3A_427 = tpu.memref_slice %arg22[%dma_start3A_425, %dma_start3A_426] : memref<6144x128xf32, #tpu.memory_space<vmem_shared>> -> memref<6144x128xf32, #tpu.memory_space<vmem_shared>>
    tpu.enqueue_indirect_dma source(%arg16 : memref<128x128xf32, #tpu.memory_space<vmem>>) target(%dma_start3A_427 : memref<6144x128xf32, #tpu.memory_space<vmem_shared>>) offsets(%dma_start3A_424 : memref<128xi32, #tpu.memory_space<vmem>>) semaphore(%arg20 : memref<!tpu.dma_semaphore, #tpu.memory_space<semaphore_mem>>) {add = true}
    %dma_wait3A_428 = arith.constant 0 : i32
    %dma_wait3A_429 = tpu.memref_slice %arg14[%add3A_421, %dma_wait3A_428] : memref<64x128xi32, #tpu.memory_space<vmem>> -> memref<1x128xi32, #tpu.memory_space<vmem>>
    %dma_wait3A_430 = tpu.memref_squeeze %dma_wait3A_429 : memref<1x128xi32, #tpu.memory_space<vmem>> -> memref<128xi32, #tpu.memory_space<vmem>>
    %dma_wait3A_431 = arith.constant 0 : i32
    %dma_wait3A_432 = arith.constant 0 : i32
    %dma_wait3A_433 = tpu.memref_slice %arg22[%dma_wait3A_431, %dma_wait3A_432] : memref<6144x128xf32, #tpu.memory_space<vmem_shared>> -> memref<6144x128xf32, #tpu.memory_space<vmem_shared>>
    tpu.wait_indirect_dma semaphore(%arg20 : memref<!tpu.dma_semaphore, #tpu.memory_space<semaphore_mem>>) src(%arg16 : memref<128x128xf32, #tpu.memory_space<vmem>>) dst(%dma_wait3A_433 : memref<6144x128xf32, #tpu.memory_space<vmem_shared>>)
    %mul3A_434 = arith.constant 512 : i32
    %mul3A_435 = arith.muli %arg1, %mul3A_434 : i32
    %add3A_436 = arith.constant 256 : i32
    %add3A_437 = arith.addi %mul3A_435, %add3A_436 : i32
    %dma_start3A_438 = arith.constant 128 : i32
    %dma_start3A_439 = tpu.memref_slice %arg2[%arg0, %add3A_437, %dma_start3A_438] : memref<2x8192x768xf32, #tpu.memory_space<hbm>> -> memref<1x128x128xf32, #tpu.memory_space<hbm>>
    %dma_start3A_440 = tpu.memref_squeeze %dma_start3A_439 : memref<1x128x128xf32, #tpu.memory_space<hbm>> -> memref<128x128xf32, #tpu.memory_space<hbm>>
    %dma_start3A_441 = arith.constant 128 : i32
    %dma_start3A_442 = tpu.memref_slice %arg2[%arg0, %add3A_437, %dma_start3A_441] : memref<2x8192x768xf32, #tpu.memory_space<hbm>> -> memref<1x128x128xf32, #tpu.memory_space<hbm>>
    %dma_start3A_443 = tpu.memref_squeeze %dma_start3A_442 : memref<1x128x128xf32, #tpu.memory_space<hbm>> -> memref<128x128xf32, #tpu.memory_space<hbm>>
    tpu.enqueue_dma source(%dma_start3A_443 : memref<128x128xf32, #tpu.memory_space<hbm>>) target(%arg16 : memref<128x128xf32, #tpu.memory_space<vmem>>) target_semaphore(%arg19 : memref<!tpu.dma_semaphore, #tpu.memory_space<semaphore_mem>>)
    %dma_wait3A_444 = arith.constant 128 : i32
    %dma_wait3A_445 = tpu.memref_slice %arg2[%arg0, %add3A_317, %dma_wait3A_444] : memref<2x8192x768xf32, #tpu.memory_space<hbm>> -> memref<1x128x128xf32, #tpu.memory_space<hbm>>
    %dma_wait3A_446 = tpu.memref_squeeze %dma_wait3A_445 : memref<1x128x128xf32, #tpu.memory_space<hbm>> -> memref<128x128xf32, #tpu.memory_space<hbm>>
    %dma_wait3A_447 = arith.constant 128 : i32
    %dma_wait3A_448 = tpu.memref_slice %arg2[%arg0, %add3A_317, %dma_wait3A_447] : memref<2x8192x768xf32, #tpu.memory_space<hbm>> -> memref<1x128x128xf32, #tpu.memory_space<hbm>>
    %dma_wait3A_449 = tpu.memref_squeeze %dma_wait3A_448 : memref<1x128x128xf32, #tpu.memory_space<hbm>> -> memref<128x128xf32, #tpu.memory_space<hbm>>
    tpu.wait_dma2 semaphore(%arg19 : memref<!tpu.dma_semaphore, #tpu.memory_space<semaphore_mem>>) src(%dma_wait3A_449 : memref<128x128xf32, #tpu.memory_space<hbm>>) dst(%arg17 : memref<128x128xf32, #tpu.memory_space<vmem>>)
    %mul3A_450 = arith.constant 4 : i32
    %mul3A_451 = arith.muli %arg1, %mul3A_450 : i32
    %add3A_452 = arith.constant 1 : i32
    %add3A_453 = arith.addi %mul3A_451, %add3A_452 : i32
    %dma_start3A_454 = arith.constant 0 : i32
    %dma_start3A_455 = tpu.memref_slice %arg14[%add3A_453, %dma_start3A_454] : memref<64x128xi32, #tpu.memory_space<vmem>> -> memref<1x128xi32, #tpu.memory_space<vmem>>
    %dma_start3A_456 = tpu.memref_squeeze %dma_start3A_455 : memref<1x128xi32, #tpu.memory_space<vmem>> -> memref<128xi32, #tpu.memory_space<vmem>>
    %dma_start3A_457 = arith.constant 0 : i32
    %dma_start3A_458 = arith.constant 0 : i32
    %dma_start3A_459 = tpu.memref_slice %arg22[%dma_start3A_457, %dma_start3A_458] : memref<6144x128xf32, #tpu.memory_space<vmem_shared>> -> memref<6144x128xf32, #tpu.memory_space<vmem_shared>>
    tpu.enqueue_indirect_dma source(%arg17 : memref<128x128xf32, #tpu.memory_space<vmem>>) target(%dma_start3A_459 : memref<6144x128xf32, #tpu.memory_space<vmem_shared>>) offsets(%dma_start3A_456 : memref<128xi32, #tpu.memory_space<vmem>>) semaphore(%arg20 : memref<!tpu.dma_semaphore, #tpu.memory_space<semaphore_mem>>) {add = true}
    %dma_wait3A_460 = arith.constant 0 : i32
    %dma_wait3A_461 = tpu.memref_slice %arg14[%add3A_453, %dma_wait3A_460] : memref<64x128xi32, #tpu.memory_space<vmem>> -> memref<1x128xi32, #tpu.memory_space<vmem>>
    %dma_wait3A_462 = tpu.memref_squeeze %dma_wait3A_461 : memref<1x128xi32, #tpu.memory_space<vmem>> -> memref<128xi32, #tpu.memory_space<vmem>>
    %dma_wait3A_463 = arith.constant 0 : i32
    %dma_wait3A_464 = arith.constant 0 : i32
    %dma_wait3A_465 = tpu.memref_slice %arg22[%dma_wait3A_463, %dma_wait3A_464] : memref<6144x128xf32, #tpu.memory_space<vmem_shared>> -> memref<6144x128xf32, #tpu.memory_space<vmem_shared>>
    tpu.wait_indirect_dma semaphore(%arg20 : memref<!tpu.dma_semaphore, #tpu.memory_space<semaphore_mem>>) src(%arg17 : memref<128x128xf32, #tpu.memory_space<vmem>>) dst(%dma_wait3A_465 : memref<6144x128xf32, #tpu.memory_space<vmem_shared>>)
    %mul3A_466 = arith.constant 512 : i32
    %mul3A_467 = arith.muli %arg1, %mul3A_466 : i32
    %add3A_468 = arith.constant 384 : i32
    %add3A_469 = arith.addi %mul3A_467, %add3A_468 : i32
    %dma_start3A_470 = arith.constant 128 : i32
    %dma_start3A_471 = tpu.memref_slice %arg2[%arg0, %add3A_469, %dma_start3A_470] : memref<2x8192x768xf32, #tpu.memory_space<hbm>> -> memref<1x128x128xf32, #tpu.memory_space<hbm>>
    %dma_start3A_472 = tpu.memref_squeeze %dma_start3A_471 : memref<1x128x128xf32, #tpu.memory_space<hbm>> -> memref<128x128xf32, #tpu.memory_space<hbm>>
    %dma_start3A_473 = arith.constant 128 : i32
    %dma_start3A_474 = tpu.memref_slice %arg2[%arg0, %add3A_469, %dma_start3A_473] : memref<2x8192x768xf32, #tpu.memory_space<hbm>> -> memref<1x128x128xf32, #tpu.memory_space<hbm>>
    %dma_start3A_475 = tpu.memref_squeeze %dma_start3A_474 : memref<1x128x128xf32, #tpu.memory_space<hbm>> -> memref<128x128xf32, #tpu.memory_space<hbm>>
    tpu.enqueue_dma source(%dma_start3A_475 : memref<128x128xf32, #tpu.memory_space<hbm>>) target(%arg17 : memref<128x128xf32, #tpu.memory_space<vmem>>) target_semaphore(%arg19 : memref<!tpu.dma_semaphore, #tpu.memory_space<semaphore_mem>>)
    %dma_wait3A_476 = arith.constant 128 : i32
    %dma_wait3A_477 = tpu.memref_slice %arg2[%arg0, %add3A_437, %dma_wait3A_476] : memref<2x8192x768xf32, #tpu.memory_space<hbm>> -> memref<1x128x128xf32, #tpu.memory_space<hbm>>
    %dma_wait3A_478 = tpu.memref_squeeze %dma_wait3A_477 : memref<1x128x128xf32, #tpu.memory_space<hbm>> -> memref<128x128xf32, #tpu.memory_space<hbm>>
    %dma_wait3A_479 = arith.constant 128 : i32
    %dma_wait3A_480 = tpu.memref_slice %arg2[%arg0, %add3A_437, %dma_wait3A_479] : memref<2x8192x768xf32, #tpu.memory_space<hbm>> -> memref<1x128x128xf32, #tpu.memory_space<hbm>>
    %dma_wait3A_481 = tpu.memref_squeeze %dma_wait3A_480 : memref<1x128x128xf32, #tpu.memory_space<hbm>> -> memref<128x128xf32, #tpu.memory_space<hbm>>
    tpu.wait_dma2 semaphore(%arg19 : memref<!tpu.dma_semaphore, #tpu.memory_space<semaphore_mem>>) src(%dma_wait3A_481 : memref<128x128xf32, #tpu.memory_space<hbm>>) dst(%arg16 : memref<128x128xf32, #tpu.memory_space<vmem>>)
    %mul3A_482 = arith.constant 4 : i32
    %mul3A_483 = arith.muli %arg1, %mul3A_482 : i32
    %add3A_484 = arith.constant 2 : i32
    %add3A_485 = arith.addi %mul3A_483, %add3A_484 : i32
    %dma_start3A_486 = arith.constant 0 : i32
    %dma_start3A_487 = tpu.memref_slice %arg14[%add3A_485, %dma_start3A_486] : memref<64x128xi32, #tpu.memory_space<vmem>> -> memref<1x128xi32, #tpu.memory_space<vmem>>
    %dma_start3A_488 = tpu.memref_squeeze %dma_start3A_487 : memref<1x128xi32, #tpu.memory_space<vmem>> -> memref<128xi32, #tpu.memory_space<vmem>>
    %dma_start3A_489 = arith.constant 0 : i32
    %dma_start3A_490 = arith.constant 0 : i32
    %dma_start3A_491 = tpu.memref_slice %arg22[%dma_start3A_489, %dma_start3A_490] : memref<6144x128xf32, #tpu.memory_space<vmem_shared>> -> memref<6144x128xf32, #tpu.memory_space<vmem_shared>>
    tpu.enqueue_indirect_dma source(%arg16 : memref<128x128xf32, #tpu.memory_space<vmem>>) target(%dma_start3A_491 : memref<6144x128xf32, #tpu.memory_space<vmem_shared>>) offsets(%dma_start3A_488 : memref<128xi32, #tpu.memory_space<vmem>>) semaphore(%arg20 : memref<!tpu.dma_semaphore, #tpu.memory_space<semaphore_mem>>) {add = true}
    %dma_wait3A_492 = arith.constant 0 : i32
    %dma_wait3A_493 = tpu.memref_slice %arg14[%add3A_485, %dma_wait3A_492] : memref<64x128xi32, #tpu.memory_space<vmem>> -> memref<1x128xi32, #tpu.memory_space<vmem>>
    %dma_wait3A_494 = tpu.memref_squeeze %dma_wait3A_493 : memref<1x128xi32, #tpu.memory_space<vmem>> -> memref<128xi32, #tpu.memory_space<vmem>>
    %dma_wait3A_495 = arith.constant 0 : i32
    %dma_wait3A_496 = arith.constant 0 : i32
    %dma_wait3A_497 = tpu.memref_slice %arg22[%dma_wait3A_495, %dma_wait3A_496] : memref<6144x128xf32, #tpu.memory_space<vmem_shared>> -> memref<6144x128xf32, #tpu.memory_space<vmem_shared>>
    tpu.wait_indirect_dma semaphore(%arg20 : memref<!tpu.dma_semaphore, #tpu.memory_space<semaphore_mem>>) src(%arg16 : memref<128x128xf32, #tpu.memory_space<vmem>>) dst(%dma_wait3A_497 : memref<6144x128xf32, #tpu.memory_space<vmem_shared>>)
    %mul3A_498 = arith.constant 512 : i32
    %mul3A_499 = arith.muli %arg1, %mul3A_498 : i32
    %add3A_500 = arith.constant 0 : i32
    %add3A_501 = arith.addi %mul3A_499, %add3A_500 : i32
    %dma_start3A_502 = arith.constant 256 : i32
    %dma_start3A_503 = tpu.memref_slice %arg2[%arg0, %add3A_501, %dma_start3A_502] : memref<2x8192x768xf32, #tpu.memory_space<hbm>> -> memref<1x128x128xf32, #tpu.memory_space<hbm>>
    %dma_start3A_504 = tpu.memref_squeeze %dma_start3A_503 : memref<1x128x128xf32, #tpu.memory_space<hbm>> -> memref<128x128xf32, #tpu.memory_space<hbm>>
    %dma_start3A_505 = arith.constant 256 : i32
    %dma_start3A_506 = tpu.memref_slice %arg2[%arg0, %add3A_501, %dma_start3A_505] : memref<2x8192x768xf32, #tpu.memory_space<hbm>> -> memref<1x128x128xf32, #tpu.memory_space<hbm>>
    %dma_start3A_507 = tpu.memref_squeeze %dma_start3A_506 : memref<1x128x128xf32, #tpu.memory_space<hbm>> -> memref<128x128xf32, #tpu.memory_space<hbm>>
    tpu.enqueue_dma source(%dma_start3A_507 : memref<128x128xf32, #tpu.memory_space<hbm>>) target(%arg16 : memref<128x128xf32, #tpu.memory_space<vmem>>) target_semaphore(%arg19 : memref<!tpu.dma_semaphore, #tpu.memory_space<semaphore_mem>>)
    %dma_wait3A_508 = arith.constant 128 : i32
    %dma_wait3A_509 = tpu.memref_slice %arg2[%arg0, %add3A_469, %dma_wait3A_508] : memref<2x8192x768xf32, #tpu.memory_space<hbm>> -> memref<1x128x128xf32, #tpu.memory_space<hbm>>
    %dma_wait3A_510 = tpu.memref_squeeze %dma_wait3A_509 : memref<1x128x128xf32, #tpu.memory_space<hbm>> -> memref<128x128xf32, #tpu.memory_space<hbm>>
    %dma_wait3A_511 = arith.constant 128 : i32
    %dma_wait3A_512 = tpu.memref_slice %arg2[%arg0, %add3A_469, %dma_wait3A_511] : memref<2x8192x768xf32, #tpu.memory_space<hbm>> -> memref<1x128x128xf32, #tpu.memory_space<hbm>>
    %dma_wait3A_513 = tpu.memref_squeeze %dma_wait3A_512 : memref<1x128x128xf32, #tpu.memory_space<hbm>> -> memref<128x128xf32, #tpu.memory_space<hbm>>
    tpu.wait_dma2 semaphore(%arg19 : memref<!tpu.dma_semaphore, #tpu.memory_space<semaphore_mem>>) src(%dma_wait3A_513 : memref<128x128xf32, #tpu.memory_space<hbm>>) dst(%arg17 : memref<128x128xf32, #tpu.memory_space<vmem>>)
    %mul3A_514 = arith.constant 4 : i32
    %mul3A_515 = arith.muli %arg1, %mul3A_514 : i32
    %add3A_516 = arith.constant 3 : i32
    %add3A_517 = arith.addi %mul3A_515, %add3A_516 : i32
    %dma_start3A_518 = arith.constant 0 : i32
    %dma_start3A_519 = tpu.memref_slice %arg14[%add3A_517, %dma_start3A_518] : memref<64x128xi32, #tpu.memory_space<vmem>> -> memref<1x128xi32, #tpu.memory_space<vmem>>
    %dma_start3A_520 = tpu.memref_squeeze %dma_start3A_519 : memref<1x128xi32, #tpu.memory_space<vmem>> -> memref<128xi32, #tpu.memory_space<vmem>>
    %dma_start3A_521 = arith.constant 0 : i32
    %dma_start3A_522 = arith.constant 0 : i32
    %dma_start3A_523 = tpu.memref_slice %arg22[%dma_start3A_521, %dma_start3A_522] : memref<6144x128xf32, #tpu.memory_space<vmem_shared>> -> memref<6144x128xf32, #tpu.memory_space<vmem_shared>>
    tpu.enqueue_indirect_dma source(%arg17 : memref<128x128xf32, #tpu.memory_space<vmem>>) target(%dma_start3A_523 : memref<6144x128xf32, #tpu.memory_space<vmem_shared>>) offsets(%dma_start3A_520 : memref<128xi32, #tpu.memory_space<vmem>>) semaphore(%arg20 : memref<!tpu.dma_semaphore, #tpu.memory_space<semaphore_mem>>) {add = true}
    %dma_wait3A_524 = arith.constant 0 : i32
    %dma_wait3A_525 = tpu.memref_slice %arg14[%add3A_517, %dma_wait3A_524] : memref<64x128xi32, #tpu.memory_space<vmem>> -> memref<1x128xi32, #tpu.memory_space<vmem>>
    %dma_wait3A_526 = tpu.memref_squeeze %dma_wait3A_525 : memref<1x128xi32, #tpu.memory_space<vmem>> -> memref<128xi32, #tpu.memory_space<vmem>>
    %dma_wait3A_527 = arith.constant 0 : i32
    %dma_wait3A_528 = arith.constant 0 : i32
    %dma_wait3A_529 = tpu.memref_slice %arg22[%dma_wait3A_527, %dma_wait3A_528] : memref<6144x128xf32, #tpu.memory_space<vmem_shared>> -> memref<6144x128xf32, #tpu.memory_space<vmem_shared>>
    tpu.wait_indirect_dma semaphore(%arg20 : memref<!tpu.dma_semaphore, #tpu.memory_space<semaphore_mem>>) src(%arg17 : memref<128x128xf32, #tpu.memory_space<vmem>>) dst(%dma_wait3A_529 : memref<6144x128xf32, #tpu.memory_space<vmem_shared>>)
    %mul3A_530 = arith.constant 512 : i32
    %mul3A_531 = arith.muli %arg1, %mul3A_530 : i32
    %add3A_532 = arith.constant 128 : i32
    %add3A_533 = arith.addi %mul3A_531, %add3A_532 : i32
    %dma_start3A_534 = arith.constant 256 : i32
    %dma_start3A_535 = tpu.memref_slice %arg2[%arg0, %add3A_533, %dma_start3A_534] : memref<2x8192x768xf32, #tpu.memory_space<hbm>> -> memref<1x128x128xf32, #tpu.memory_space<hbm>>
    %dma_start3A_536 = tpu.memref_squeeze %dma_start3A_535 : memref<1x128x128xf32, #tpu.memory_space<hbm>> -> memref<128x128xf32, #tpu.memory_space<hbm>>
    %dma_start3A_537 = arith.constant 256 : i32
    %dma_start3A_538 = tpu.memref_slice %arg2[%arg0, %add3A_533, %dma_start3A_537] : memref<2x8192x768xf32, #tpu.memory_space<hbm>> -> memref<1x128x128xf32, #tpu.memory_space<hbm>>
    %dma_start3A_539 = tpu.memref_squeeze %dma_start3A_538 : memref<1x128x128xf32, #tpu.memory_space<hbm>> -> memref<128x128xf32, #tpu.memory_space<hbm>>
    tpu.enqueue_dma source(%dma_start3A_539 : memref<128x128xf32, #tpu.memory_space<hbm>>) target(%arg17 : memref<128x128xf32, #tpu.memory_space<vmem>>) target_semaphore(%arg19 : memref<!tpu.dma_semaphore, #tpu.memory_space<semaphore_mem>>)
    %barrier3A_540 = arith.constant 0 : index
    tpu.barrier barrier_id(%barrier3A_540)
    %mul3A_541 = arith.constant 384 : i32
    %mul3A_542 = arith.muli %arg1, %mul3A_541 : i32
    %mul3A_543 = arith.constant 384 : i32
    %mul3A_544 = arith.muli %arg1, %mul3A_543 : i32
    %dma_start3A_545 = arith.constant 128 : i32
    %dma_start3A_546 = tpu.memref_slice %arg7[%arg0, %mul3A_544, %dma_start3A_545] : memref<2x6144x768xf32, #tpu.memory_space<hbm>> -> memref<1x384x128xf32, #tpu.memory_space<hbm>>
    %dma_start3A_547 = tpu.memref_squeeze %dma_start3A_546 : memref<1x384x128xf32, #tpu.memory_space<hbm>> -> memref<384x128xf32, #tpu.memory_space<hbm>>
    %dma_start3A_548 = arith.constant 0 : i32
    %dma_start3A_549 = tpu.memref_slice %arg22[%mul3A_542, %dma_start3A_548] : memref<6144x128xf32, #tpu.memory_space<vmem_shared>> -> memref<384x128xf32, #tpu.memory_space<vmem_shared>>
    tpu.enqueue_dma source(%dma_start3A_549 : memref<384x128xf32, #tpu.memory_space<vmem_shared>>) target(%dma_start3A_547 : memref<384x128xf32, #tpu.memory_space<hbm>>) target_semaphore(%arg21 : memref<!tpu.dma_semaphore, #tpu.memory_space<semaphore_mem>>)
    %dma_wait3A_550 = arith.constant 128 : i32
    %dma_wait3A_551 = tpu.memref_slice %arg7[%arg0, %mul3A_544, %dma_wait3A_550] : memref<2x6144x768xf32, #tpu.memory_space<hbm>> -> memref<1x384x128xf32, #tpu.memory_space<hbm>>
    %dma_wait3A_552 = tpu.memref_squeeze %dma_wait3A_551 : memref<1x384x128xf32, #tpu.memory_space<hbm>> -> memref<384x128xf32, #tpu.memory_space<hbm>>
    %dma_wait3A_553 = arith.constant 0 : i32
    %dma_wait3A_554 = tpu.memref_slice %arg22[%mul3A_542, %dma_wait3A_553] : memref<6144x128xf32, #tpu.memory_space<vmem_shared>> -> memref<384x128xf32, #tpu.memory_space<vmem_shared>>
    tpu.wait_dma2 semaphore(%arg21 : memref<!tpu.dma_semaphore, #tpu.memory_space<semaphore_mem>>) src(%dma_wait3A_554 : memref<384x128xf32, #tpu.memory_space<vmem_shared>>) dst(%dma_wait3A_552 : memref<384x128xf32, #tpu.memory_space<hbm>>)
    %mul3A_555 = arith.constant 384 : i32
    %mul3A_556 = arith.muli %arg1, %mul3A_555 : i32
    %add3A_557 = arith.constant 0 : i32
    %add3A_558 = arith.addi %mul3A_556, %add3A_557 : i32
    %dma_start3A_559 = arith.constant 0 : i32
    %dma_start3A_560 = tpu.memref_slice %arg22[%add3A_558, %dma_start3A_559] : memref<6144x128xf32, #tpu.memory_space<vmem_shared>> -> memref<64x128xf32, #tpu.memory_space<vmem_shared>>
    %dma_start3A_561 = arith.constant 0 : i32
    %dma_start3A_562 = tpu.memref_slice %arg22[%add3A_558, %dma_start3A_561] : memref<6144x128xf32, #tpu.memory_space<vmem_shared>> -> memref<64x128xf32, #tpu.memory_space<vmem_shared>>
    tpu.enqueue_dma source(%arg18 : memref<64x128xf32, #tpu.memory_space<vmem>>) target(%dma_start3A_562 : memref<64x128xf32, #tpu.memory_space<vmem_shared>>) target_semaphore(%arg21 : memref<!tpu.dma_semaphore, #tpu.memory_space<semaphore_mem>>)
    %mul3A_563 = arith.constant 384 : i32
    %mul3A_564 = arith.muli %arg1, %mul3A_563 : i32
    %add3A_565 = arith.constant 64 : i32
    %add3A_566 = arith.addi %mul3A_564, %add3A_565 : i32
    %dma_start3A_567 = arith.constant 0 : i32
    %dma_start3A_568 = tpu.memref_slice %arg22[%add3A_566, %dma_start3A_567] : memref<6144x128xf32, #tpu.memory_space<vmem_shared>> -> memref<64x128xf32, #tpu.memory_space<vmem_shared>>
    %dma_start3A_569 = arith.constant 0 : i32
    %dma_start3A_570 = tpu.memref_slice %arg22[%add3A_566, %dma_start3A_569] : memref<6144x128xf32, #tpu.memory_space<vmem_shared>> -> memref<64x128xf32, #tpu.memory_space<vmem_shared>>
    tpu.enqueue_dma source(%arg18 : memref<64x128xf32, #tpu.memory_space<vmem>>) target(%dma_start3A_570 : memref<64x128xf32, #tpu.memory_space<vmem_shared>>) target_semaphore(%arg21 : memref<!tpu.dma_semaphore, #tpu.memory_space<semaphore_mem>>)
    %mul3A_571 = arith.constant 384 : i32
    %mul3A_572 = arith.muli %arg1, %mul3A_571 : i32
    %add3A_573 = arith.constant 128 : i32
    %add3A_574 = arith.addi %mul3A_572, %add3A_573 : i32
    %dma_start3A_575 = arith.constant 0 : i32
    %dma_start3A_576 = tpu.memref_slice %arg22[%add3A_574, %dma_start3A_575] : memref<6144x128xf32, #tpu.memory_space<vmem_shared>> -> memref<64x128xf32, #tpu.memory_space<vmem_shared>>
    %dma_start3A_577 = arith.constant 0 : i32
    %dma_start3A_578 = tpu.memref_slice %arg22[%add3A_574, %dma_start3A_577] : memref<6144x128xf32, #tpu.memory_space<vmem_shared>> -> memref<64x128xf32, #tpu.memory_space<vmem_shared>>
    tpu.enqueue_dma source(%arg18 : memref<64x128xf32, #tpu.memory_space<vmem>>) target(%dma_start3A_578 : memref<64x128xf32, #tpu.memory_space<vmem_shared>>) target_semaphore(%arg21 : memref<!tpu.dma_semaphore, #tpu.memory_space<semaphore_mem>>)
    %mul3A_579 = arith.constant 384 : i32
    %mul3A_580 = arith.muli %arg1, %mul3A_579 : i32
    %add3A_581 = arith.constant 192 : i32
    %add3A_582 = arith.addi %mul3A_580, %add3A_581 : i32
    %dma_start3A_583 = arith.constant 0 : i32
    %dma_start3A_584 = tpu.memref_slice %arg22[%add3A_582, %dma_start3A_583] : memref<6144x128xf32, #tpu.memory_space<vmem_shared>> -> memref<64x128xf32, #tpu.memory_space<vmem_shared>>
    %dma_start3A_585 = arith.constant 0 : i32
    %dma_start3A_586 = tpu.memref_slice %arg22[%add3A_582, %dma_start3A_585] : memref<6144x128xf32, #tpu.memory_space<vmem_shared>> -> memref<64x128xf32, #tpu.memory_space<vmem_shared>>
    tpu.enqueue_dma source(%arg18 : memref<64x128xf32, #tpu.memory_space<vmem>>) target(%dma_start3A_586 : memref<64x128xf32, #tpu.memory_space<vmem_shared>>) target_semaphore(%arg21 : memref<!tpu.dma_semaphore, #tpu.memory_space<semaphore_mem>>)
    %mul3A_587 = arith.constant 384 : i32
    %mul3A_588 = arith.muli %arg1, %mul3A_587 : i32
    %add3A_589 = arith.constant 256 : i32
    %add3A_590 = arith.addi %mul3A_588, %add3A_589 : i32
    %dma_start3A_591 = arith.constant 0 : i32
    %dma_start3A_592 = tpu.memref_slice %arg22[%add3A_590, %dma_start3A_591] : memref<6144x128xf32, #tpu.memory_space<vmem_shared>> -> memref<64x128xf32, #tpu.memory_space<vmem_shared>>
    %dma_start3A_593 = arith.constant 0 : i32
    %dma_start3A_594 = tpu.memref_slice %arg22[%add3A_590, %dma_start3A_593] : memref<6144x128xf32, #tpu.memory_space<vmem_shared>> -> memref<64x128xf32, #tpu.memory_space<vmem_shared>>
    tpu.enqueue_dma source(%arg18 : memref<64x128xf32, #tpu.memory_space<vmem>>) target(%dma_start3A_594 : memref<64x128xf32, #tpu.memory_space<vmem_shared>>) target_semaphore(%arg21 : memref<!tpu.dma_semaphore, #tpu.memory_space<semaphore_mem>>)
    %mul3A_595 = arith.constant 384 : i32
    %mul3A_596 = arith.muli %arg1, %mul3A_595 : i32
    %add3A_597 = arith.constant 320 : i32
    %add3A_598 = arith.addi %mul3A_596, %add3A_597 : i32
    %dma_start3A_599 = arith.constant 0 : i32
    %dma_start3A_600 = tpu.memref_slice %arg22[%add3A_598, %dma_start3A_599] : memref<6144x128xf32, #tpu.memory_space<vmem_shared>> -> memref<64x128xf32, #tpu.memory_space<vmem_shared>>
    %dma_start3A_601 = arith.constant 0 : i32
    %dma_start3A_602 = tpu.memref_slice %arg22[%add3A_598, %dma_start3A_601] : memref<6144x128xf32, #tpu.memory_space<vmem_shared>> -> memref<64x128xf32, #tpu.memory_space<vmem_shared>>
    tpu.enqueue_dma source(%arg18 : memref<64x128xf32, #tpu.memory_space<vmem>>) target(%dma_start3A_602 : memref<64x128xf32, #tpu.memory_space<vmem_shared>>) target_semaphore(%arg21 : memref<!tpu.dma_semaphore, #tpu.memory_space<semaphore_mem>>)
    %dma_wait3A_603 = arith.constant 0 : i32
    %dma_wait3A_604 = tpu.memref_slice %arg22[%add3A_558, %dma_wait3A_603] : memref<6144x128xf32, #tpu.memory_space<vmem_shared>> -> memref<64x128xf32, #tpu.memory_space<vmem_shared>>
    %dma_wait3A_605 = arith.constant 0 : i32
    %dma_wait3A_606 = tpu.memref_slice %arg22[%add3A_558, %dma_wait3A_605] : memref<6144x128xf32, #tpu.memory_space<vmem_shared>> -> memref<64x128xf32, #tpu.memory_space<vmem_shared>>
    tpu.wait_dma2 semaphore(%arg21 : memref<!tpu.dma_semaphore, #tpu.memory_space<semaphore_mem>>) src(%arg18 : memref<64x128xf32, #tpu.memory_space<vmem>>) dst(%dma_wait3A_606 : memref<64x128xf32, #tpu.memory_space<vmem_shared>>)
    %dma_wait3A_607 = arith.constant 0 : i32
    %dma_wait3A_608 = tpu.memref_slice %arg22[%add3A_566, %dma_wait3A_607] : memref<6144x128xf32, #tpu.memory_space<vmem_shared>> -> memref<64x128xf32, #tpu.memory_space<vmem_shared>>
    %dma_wait3A_609 = arith.constant 0 : i32
    %dma_wait3A_610 = tpu.memref_slice %arg22[%add3A_566, %dma_wait3A_609] : memref<6144x128xf32, #tpu.memory_space<vmem_shared>> -> memref<64x128xf32, #tpu.memory_space<vmem_shared>>
    tpu.wait_dma2 semaphore(%arg21 : memref<!tpu.dma_semaphore, #tpu.memory_space<semaphore_mem>>) src(%arg18 : memref<64x128xf32, #tpu.memory_space<vmem>>) dst(%dma_wait3A_610 : memref<64x128xf32, #tpu.memory_space<vmem_shared>>)
    %dma_wait3A_611 = arith.constant 0 : i32
    %dma_wait3A_612 = tpu.memref_slice %arg22[%add3A_574, %dma_wait3A_611] : memref<6144x128xf32, #tpu.memory_space<vmem_shared>> -> memref<64x128xf32, #tpu.memory_space<vmem_shared>>
    %dma_wait3A_613 = arith.constant 0 : i32
    %dma_wait3A_614 = tpu.memref_slice %arg22[%add3A_574, %dma_wait3A_613] : memref<6144x128xf32, #tpu.memory_space<vmem_shared>> -> memref<64x128xf32, #tpu.memory_space<vmem_shared>>
    tpu.wait_dma2 semaphore(%arg21 : memref<!tpu.dma_semaphore, #tpu.memory_space<semaphore_mem>>) src(%arg18 : memref<64x128xf32, #tpu.memory_space<vmem>>) dst(%dma_wait3A_614 : memref<64x128xf32, #tpu.memory_space<vmem_shared>>)
    %dma_wait3A_615 = arith.constant 0 : i32
    %dma_wait3A_616 = tpu.memref_slice %arg22[%add3A_582, %dma_wait3A_615] : memref<6144x128xf32, #tpu.memory_space<vmem_shared>> -> memref<64x128xf32, #tpu.memory_space<vmem_shared>>
    %dma_wait3A_617 = arith.constant 0 : i32
    %dma_wait3A_618 = tpu.memref_slice %arg22[%add3A_582, %dma_wait3A_617] : memref<6144x128xf32, #tpu.memory_space<vmem_shared>> -> memref<64x128xf32, #tpu.memory_space<vmem_shared>>
    tpu.wait_dma2 semaphore(%arg21 : memref<!tpu.dma_semaphore, #tpu.memory_space<semaphore_mem>>) src(%arg18 : memref<64x128xf32, #tpu.memory_space<vmem>>) dst(%dma_wait3A_618 : memref<64x128xf32, #tpu.memory_space<vmem_shared>>)
    %dma_wait3A_619 = arith.constant 0 : i32
    %dma_wait3A_620 = tpu.memref_slice %arg22[%add3A_590, %dma_wait3A_619] : memref<6144x128xf32, #tpu.memory_space<vmem_shared>> -> memref<64x128xf32, #tpu.memory_space<vmem_shared>>
    %dma_wait3A_621 = arith.constant 0 : i32
    %dma_wait3A_622 = tpu.memref_slice %arg22[%add3A_590, %dma_wait3A_621] : memref<6144x128xf32, #tpu.memory_space<vmem_shared>> -> memref<64x128xf32, #tpu.memory_space<vmem_shared>>
    tpu.wait_dma2 semaphore(%arg21 : memref<!tpu.dma_semaphore, #tpu.memory_space<semaphore_mem>>) src(%arg18 : memref<64x128xf32, #tpu.memory_space<vmem>>) dst(%dma_wait3A_622 : memref<64x128xf32, #tpu.memory_space<vmem_shared>>)
    %dma_wait3A_623 = arith.constant 0 : i32
    %dma_wait3A_624 = tpu.memref_slice %arg22[%add3A_598, %dma_wait3A_623] : memref<6144x128xf32, #tpu.memory_space<vmem_shared>> -> memref<64x128xf32, #tpu.memory_space<vmem_shared>>
    %dma_wait3A_625 = arith.constant 0 : i32
    %dma_wait3A_626 = tpu.memref_slice %arg22[%add3A_598, %dma_wait3A_625] : memref<6144x128xf32, #tpu.memory_space<vmem_shared>> -> memref<64x128xf32, #tpu.memory_space<vmem_shared>>
    tpu.wait_dma2 semaphore(%arg21 : memref<!tpu.dma_semaphore, #tpu.memory_space<semaphore_mem>>) src(%arg18 : memref<64x128xf32, #tpu.memory_space<vmem>>) dst(%dma_wait3A_626 : memref<64x128xf32, #tpu.memory_space<vmem_shared>>)
    %barrier3A_627 = arith.constant 0 : index
    tpu.barrier barrier_id(%barrier3A_627)
    %dma_wait3A_628 = arith.constant 256 : i32
    %dma_wait3A_629 = tpu.memref_slice %arg2[%arg0, %add3A_501, %dma_wait3A_628] : memref<2x8192x768xf32, #tpu.memory_space<hbm>> -> memref<1x128x128xf32, #tpu.memory_space<hbm>>
    %dma_wait3A_630 = tpu.memref_squeeze %dma_wait3A_629 : memref<1x128x128xf32, #tpu.memory_space<hbm>> -> memref<128x128xf32, #tpu.memory_space<hbm>>
    %dma_wait3A_631 = arith.constant 256 : i32
    %dma_wait3A_632 = tpu.memref_slice %arg2[%arg0, %add3A_501, %dma_wait3A_631] : memref<2x8192x768xf32, #tpu.memory_space<hbm>> -> memref<1x128x128xf32, #tpu.memory_space<hbm>>
    %dma_wait3A_633 = tpu.memref_squeeze %dma_wait3A_632 : memref<1x128x128xf32, #tpu.memory_space<hbm>> -> memref<128x128xf32, #tpu.memory_space<hbm>>
    tpu.wait_dma2 semaphore(%arg19 : memref<!tpu.dma_semaphore, #tpu.memory_space<semaphore_mem>>) src(%dma_wait3A_633 : memref<128x128xf32, #tpu.memory_space<hbm>>) dst(%arg16 : memref<128x128xf32, #tpu.memory_space<vmem>>)
    %mul3A_634 = arith.constant 4 : i32
    %mul3A_635 = arith.muli %arg1, %mul3A_634 : i32
    %add3A_636 = arith.constant 0 : i32
    %add3A_637 = arith.addi %mul3A_635, %add3A_636 : i32
    %dma_start3A_638 = arith.constant 0 : i32
    %dma_start3A_639 = tpu.memref_slice %arg14[%add3A_637, %dma_start3A_638] : memref<64x128xi32, #tpu.memory_space<vmem>> -> memref<1x128xi32, #tpu.memory_space<vmem>>
    %dma_start3A_640 = tpu.memref_squeeze %dma_start3A_639 : memref<1x128xi32, #tpu.memory_space<vmem>> -> memref<128xi32, #tpu.memory_space<vmem>>
    %dma_start3A_641 = arith.constant 0 : i32
    %dma_start3A_642 = arith.constant 0 : i32
    %dma_start3A_643 = tpu.memref_slice %arg22[%dma_start3A_641, %dma_start3A_642] : memref<6144x128xf32, #tpu.memory_space<vmem_shared>> -> memref<6144x128xf32, #tpu.memory_space<vmem_shared>>
    tpu.enqueue_indirect_dma source(%arg16 : memref<128x128xf32, #tpu.memory_space<vmem>>) target(%dma_start3A_643 : memref<6144x128xf32, #tpu.memory_space<vmem_shared>>) offsets(%dma_start3A_640 : memref<128xi32, #tpu.memory_space<vmem>>) semaphore(%arg20 : memref<!tpu.dma_semaphore, #tpu.memory_space<semaphore_mem>>) {add = true}
    %dma_wait3A_644 = arith.constant 0 : i32
    %dma_wait3A_645 = tpu.memref_slice %arg14[%add3A_637, %dma_wait3A_644] : memref<64x128xi32, #tpu.memory_space<vmem>> -> memref<1x128xi32, #tpu.memory_space<vmem>>
    %dma_wait3A_646 = tpu.memref_squeeze %dma_wait3A_645 : memref<1x128xi32, #tpu.memory_space<vmem>> -> memref<128xi32, #tpu.memory_space<vmem>>
    %dma_wait3A_647 = arith.constant 0 : i32
    %dma_wait3A_648 = arith.constant 0 : i32
    %dma_wait3A_649 = tpu.memref_slice %arg22[%dma_wait3A_647, %dma_wait3A_648] : memref<6144x128xf32, #tpu.memory_space<vmem_shared>> -> memref<6144x128xf32, #tpu.memory_space<vmem_shared>>
    tpu.wait_indirect_dma semaphore(%arg20 : memref<!tpu.dma_semaphore, #tpu.memory_space<semaphore_mem>>) src(%arg16 : memref<128x128xf32, #tpu.memory_space<vmem>>) dst(%dma_wait3A_649 : memref<6144x128xf32, #tpu.memory_space<vmem_shared>>)
    %mul3A_650 = arith.constant 512 : i32
    %mul3A_651 = arith.muli %arg1, %mul3A_650 : i32
    %add3A_652 = arith.constant 256 : i32
    %add3A_653 = arith.addi %mul3A_651, %add3A_652 : i32
    %dma_start3A_654 = arith.constant 256 : i32
    %dma_start3A_655 = tpu.memref_slice %arg2[%arg0, %add3A_653, %dma_start3A_654] : memref<2x8192x768xf32, #tpu.memory_space<hbm>> -> memref<1x128x128xf32, #tpu.memory_space<hbm>>
    %dma_start3A_656 = tpu.memref_squeeze %dma_start3A_655 : memref<1x128x128xf32, #tpu.memory_space<hbm>> -> memref<128x128xf32, #tpu.memory_space<hbm>>
    %dma_start3A_657 = arith.constant 256 : i32
    %dma_start3A_658 = tpu.memref_slice %arg2[%arg0, %add3A_653, %dma_start3A_657] : memref<2x8192x768xf32, #tpu.memory_space<hbm>> -> memref<1x128x128xf32, #tpu.memory_space<hbm>>
    %dma_start3A_659 = tpu.memref_squeeze %dma_start3A_658 : memref<1x128x128xf32, #tpu.memory_space<hbm>> -> memref<128x128xf32, #tpu.memory_space<hbm>>
    tpu.enqueue_dma source(%dma_start3A_659 : memref<128x128xf32, #tpu.memory_space<hbm>>) target(%arg16 : memref<128x128xf32, #tpu.memory_space<vmem>>) target_semaphore(%arg19 : memref<!tpu.dma_semaphore, #tpu.memory_space<semaphore_mem>>)
    %dma_wait3A_660 = arith.constant 256 : i32
    %dma_wait3A_661 = tpu.memref_slice %arg2[%arg0, %add3A_533, %dma_wait3A_660] : memref<2x8192x768xf32, #tpu.memory_space<hbm>> -> memref<1x128x128xf32, #tpu.memory_space<hbm>>
    %dma_wait3A_662 = tpu.memref_squeeze %dma_wait3A_661 : memref<1x128x128xf32, #tpu.memory_space<hbm>> -> memref<128x128xf32, #tpu.memory_space<hbm>>
    %dma_wait3A_663 = arith.constant 256 : i32
    %dma_wait3A_664 = tpu.memref_slice %arg2[%arg0, %add3A_533, %dma_wait3A_663] : memref<2x8192x768xf32, #tpu.memory_space<hbm>> -> memref<1x128x128xf32, #tpu.memory_space<hbm>>
    %dma_wait3A_665 = tpu.memref_squeeze %dma_wait3A_664 : memref<1x128x128xf32, #tpu.memory_space<hbm>> -> memref<128x128xf32, #tpu.memory_space<hbm>>
    tpu.wait_dma2 semaphore(%arg19 : memref<!tpu.dma_semaphore, #tpu.memory_space<semaphore_mem>>) src(%dma_wait3A_665 : memref<128x128xf32, #tpu.memory_space<hbm>>) dst(%arg17 : memref<128x128xf32, #tpu.memory_space<vmem>>)
    %mul3A_666 = arith.constant 4 : i32
    %mul3A_667 = arith.muli %arg1, %mul3A_666 : i32
    %add3A_668 = arith.constant 1 : i32
    %add3A_669 = arith.addi %mul3A_667, %add3A_668 : i32
    %dma_start3A_670 = arith.constant 0 : i32
    %dma_start3A_671 = tpu.memref_slice %arg14[%add3A_669, %dma_start3A_670] : memref<64x128xi32, #tpu.memory_space<vmem>> -> memref<1x128xi32, #tpu.memory_space<vmem>>
    %dma_start3A_672 = tpu.memref_squeeze %dma_start3A_671 : memref<1x128xi32, #tpu.memory_space<vmem>> -> memref<128xi32, #tpu.memory_space<vmem>>
    %dma_start3A_673 = arith.constant 0 : i32
    %dma_start3A_674 = arith.constant 0 : i32
    %dma_start3A_675 = tpu.memref_slice %arg22[%dma_start3A_673, %dma_start3A_674] : memref<6144x128xf32, #tpu.memory_space<vmem_shared>> -> memref<6144x128xf32, #tpu.memory_space<vmem_shared>>
    tpu.enqueue_indirect_dma source(%arg17 : memref<128x128xf32, #tpu.memory_space<vmem>>) target(%dma_start3A_675 : memref<6144x128xf32, #tpu.memory_space<vmem_shared>>) offsets(%dma_start3A_672 : memref<128xi32, #tpu.memory_space<vmem>>) semaphore(%arg20 : memref<!tpu.dma_semaphore, #tpu.memory_space<semaphore_mem>>) {add = true}
    %dma_wait3A_676 = arith.constant 0 : i32
    %dma_wait3A_677 = tpu.memref_slice %arg14[%add3A_669, %dma_wait3A_676] : memref<64x128xi32, #tpu.memory_space<vmem>> -> memref<1x128xi32, #tpu.memory_space<vmem>>
    %dma_wait3A_678 = tpu.memref_squeeze %dma_wait3A_677 : memref<1x128xi32, #tpu.memory_space<vmem>> -> memref<128xi32, #tpu.memory_space<vmem>>
    %dma_wait3A_679 = arith.constant 0 : i32
    %dma_wait3A_680 = arith.constant 0 : i32
    %dma_wait3A_681 = tpu.memref_slice %arg22[%dma_wait3A_679, %dma_wait3A_680] : memref<6144x128xf32, #tpu.memory_space<vmem_shared>> -> memref<6144x128xf32, #tpu.memory_space<vmem_shared>>
    tpu.wait_indirect_dma semaphore(%arg20 : memref<!tpu.dma_semaphore, #tpu.memory_space<semaphore_mem>>) src(%arg17 : memref<128x128xf32, #tpu.memory_space<vmem>>) dst(%dma_wait3A_681 : memref<6144x128xf32, #tpu.memory_space<vmem_shared>>)
    %mul3A_682 = arith.constant 512 : i32
    %mul3A_683 = arith.muli %arg1, %mul3A_682 : i32
    %add3A_684 = arith.constant 384 : i32
    %add3A_685 = arith.addi %mul3A_683, %add3A_684 : i32
    %dma_start3A_686 = arith.constant 256 : i32
    %dma_start3A_687 = tpu.memref_slice %arg2[%arg0, %add3A_685, %dma_start3A_686] : memref<2x8192x768xf32, #tpu.memory_space<hbm>> -> memref<1x128x128xf32, #tpu.memory_space<hbm>>
    %dma_start3A_688 = tpu.memref_squeeze %dma_start3A_687 : memref<1x128x128xf32, #tpu.memory_space<hbm>> -> memref<128x128xf32, #tpu.memory_space<hbm>>
    %dma_start3A_689 = arith.constant 256 : i32
    %dma_start3A_690 = tpu.memref_slice %arg2[%arg0, %add3A_685, %dma_start3A_689] : memref<2x8192x768xf32, #tpu.memory_space<hbm>> -> memref<1x128x128xf32, #tpu.memory_space<hbm>>
    %dma_start3A_691 = tpu.memref_squeeze %dma_start3A_690 : memref<1x128x128xf32, #tpu.memory_space<hbm>> -> memref<128x128xf32, #tpu.memory_space<hbm>>
    tpu.enqueue_dma source(%dma_start3A_691 : memref<128x128xf32, #tpu.memory_space<hbm>>) target(%arg17 : memref<128x128xf32, #tpu.memory_space<vmem>>) target_semaphore(%arg19 : memref<!tpu.dma_semaphore, #tpu.memory_space<semaphore_mem>>)
    %dma_wait3A_692 = arith.constant 256 : i32
    %dma_wait3A_693 = tpu.memref_slice %arg2[%arg0, %add3A_653, %dma_wait3A_692] : memref<2x8192x768xf32, #tpu.memory_space<hbm>> -> memref<1x128x128xf32, #tpu.memory_space<hbm>>
    %dma_wait3A_694 = tpu.memref_squeeze %dma_wait3A_693 : memref<1x128x128xf32, #tpu.memory_space<hbm>> -> memref<128x128xf32, #tpu.memory_space<hbm>>
    %dma_wait3A_695 = arith.constant 256 : i32
    %dma_wait3A_696 = tpu.memref_slice %arg2[%arg0, %add3A_653, %dma_wait3A_695] : memref<2x8192x768xf32, #tpu.memory_space<hbm>> -> memref<1x128x128xf32, #tpu.memory_space<hbm>>
    %dma_wait3A_697 = tpu.memref_squeeze %dma_wait3A_696 : memref<1x128x128xf32, #tpu.memory_space<hbm>> -> memref<128x128xf32, #tpu.memory_space<hbm>>
    tpu.wait_dma2 semaphore(%arg19 : memref<!tpu.dma_semaphore, #tpu.memory_space<semaphore_mem>>) src(%dma_wait3A_697 : memref<128x128xf32, #tpu.memory_space<hbm>>) dst(%arg16 : memref<128x128xf32, #tpu.memory_space<vmem>>)
    %mul3A_698 = arith.constant 4 : i32
    %mul3A_699 = arith.muli %arg1, %mul3A_698 : i32
    %add3A_700 = arith.constant 2 : i32
    %add3A_701 = arith.addi %mul3A_699, %add3A_700 : i32
    %dma_start3A_702 = arith.constant 0 : i32
    %dma_start3A_703 = tpu.memref_slice %arg14[%add3A_701, %dma_start3A_702] : memref<64x128xi32, #tpu.memory_space<vmem>> -> memref<1x128xi32, #tpu.memory_space<vmem>>
    %dma_start3A_704 = tpu.memref_squeeze %dma_start3A_703 : memref<1x128xi32, #tpu.memory_space<vmem>> -> memref<128xi32, #tpu.memory_space<vmem>>
    %dma_start3A_705 = arith.constant 0 : i32
    %dma_start3A_706 = arith.constant 0 : i32
    %dma_start3A_707 = tpu.memref_slice %arg22[%dma_start3A_705, %dma_start3A_706] : memref<6144x128xf32, #tpu.memory_space<vmem_shared>> -> memref<6144x128xf32, #tpu.memory_space<vmem_shared>>
    tpu.enqueue_indirect_dma source(%arg16 : memref<128x128xf32, #tpu.memory_space<vmem>>) target(%dma_start3A_707 : memref<6144x128xf32, #tpu.memory_space<vmem_shared>>) offsets(%dma_start3A_704 : memref<128xi32, #tpu.memory_space<vmem>>) semaphore(%arg20 : memref<!tpu.dma_semaphore, #tpu.memory_space<semaphore_mem>>) {add = true}
    %dma_wait3A_708 = arith.constant 0 : i32
    %dma_wait3A_709 = tpu.memref_slice %arg14[%add3A_701, %dma_wait3A_708] : memref<64x128xi32, #tpu.memory_space<vmem>> -> memref<1x128xi32, #tpu.memory_space<vmem>>
    %dma_wait3A_710 = tpu.memref_squeeze %dma_wait3A_709 : memref<1x128xi32, #tpu.memory_space<vmem>> -> memref<128xi32, #tpu.memory_space<vmem>>
    %dma_wait3A_711 = arith.constant 0 : i32
    %dma_wait3A_712 = arith.constant 0 : i32
    %dma_wait3A_713 = tpu.memref_slice %arg22[%dma_wait3A_711, %dma_wait3A_712] : memref<6144x128xf32, #tpu.memory_space<vmem_shared>> -> memref<6144x128xf32, #tpu.memory_space<vmem_shared>>
    tpu.wait_indirect_dma semaphore(%arg20 : memref<!tpu.dma_semaphore, #tpu.memory_space<semaphore_mem>>) src(%arg16 : memref<128x128xf32, #tpu.memory_space<vmem>>) dst(%dma_wait3A_713 : memref<6144x128xf32, #tpu.memory_space<vmem_shared>>)
    %mul3A_714 = arith.constant 512 : i32
    %mul3A_715 = arith.muli %arg1, %mul3A_714 : i32
    %add3A_716 = arith.constant 0 : i32
    %add3A_717 = arith.addi %mul3A_715, %add3A_716 : i32
    %dma_start3A_718 = arith.constant 384 : i32
    %dma_start3A_719 = tpu.memref_slice %arg2[%arg0, %add3A_717, %dma_start3A_718] : memref<2x8192x768xf32, #tpu.memory_space<hbm>> -> memref<1x128x128xf32, #tpu.memory_space<hbm>>
    %dma_start3A_720 = tpu.memref_squeeze %dma_start3A_719 : memref<1x128x128xf32, #tpu.memory_space<hbm>> -> memref<128x128xf32, #tpu.memory_space<hbm>>
    %dma_start3A_721 = arith.constant 384 : i32
    %dma_start3A_722 = tpu.memref_slice %arg2[%arg0, %add3A_717, %dma_start3A_721] : memref<2x8192x768xf32, #tpu.memory_space<hbm>> -> memref<1x128x128xf32, #tpu.memory_space<hbm>>
    %dma_start3A_723 = tpu.memref_squeeze %dma_start3A_722 : memref<1x128x128xf32, #tpu.memory_space<hbm>> -> memref<128x128xf32, #tpu.memory_space<hbm>>
    tpu.enqueue_dma source(%dma_start3A_723 : memref<128x128xf32, #tpu.memory_space<hbm>>) target(%arg16 : memref<128x128xf32, #tpu.memory_space<vmem>>) target_semaphore(%arg19 : memref<!tpu.dma_semaphore, #tpu.memory_space<semaphore_mem>>)
    %dma_wait3A_724 = arith.constant 256 : i32
    %dma_wait3A_725 = tpu.memref_slice %arg2[%arg0, %add3A_685, %dma_wait3A_724] : memref<2x8192x768xf32, #tpu.memory_space<hbm>> -> memref<1x128x128xf32, #tpu.memory_space<hbm>>
    %dma_wait3A_726 = tpu.memref_squeeze %dma_wait3A_725 : memref<1x128x128xf32, #tpu.memory_space<hbm>> -> memref<128x128xf32, #tpu.memory_space<hbm>>
    %dma_wait3A_727 = arith.constant 256 : i32
    %dma_wait3A_728 = tpu.memref_slice %arg2[%arg0, %add3A_685, %dma_wait3A_727] : memref<2x8192x768xf32, #tpu.memory_space<hbm>> -> memref<1x128x128xf32, #tpu.memory_space<hbm>>
    %dma_wait3A_729 = tpu.memref_squeeze %dma_wait3A_728 : memref<1x128x128xf32, #tpu.memory_space<hbm>> -> memref<128x128xf32, #tpu.memory_space<hbm>>
    tpu.wait_dma2 semaphore(%arg19 : memref<!tpu.dma_semaphore, #tpu.memory_space<semaphore_mem>>) src(%dma_wait3A_729 : memref<128x128xf32, #tpu.memory_space<hbm>>) dst(%arg17 : memref<128x128xf32, #tpu.memory_space<vmem>>)
    %mul3A_730 = arith.constant 4 : i32
    %mul3A_731 = arith.muli %arg1, %mul3A_730 : i32
    %add3A_732 = arith.constant 3 : i32
    %add3A_733 = arith.addi %mul3A_731, %add3A_732 : i32
    %dma_start3A_734 = arith.constant 0 : i32
    %dma_start3A_735 = tpu.memref_slice %arg14[%add3A_733, %dma_start3A_734] : memref<64x128xi32, #tpu.memory_space<vmem>> -> memref<1x128xi32, #tpu.memory_space<vmem>>
    %dma_start3A_736 = tpu.memref_squeeze %dma_start3A_735 : memref<1x128xi32, #tpu.memory_space<vmem>> -> memref<128xi32, #tpu.memory_space<vmem>>
    %dma_start3A_737 = arith.constant 0 : i32
    %dma_start3A_738 = arith.constant 0 : i32
    %dma_start3A_739 = tpu.memref_slice %arg22[%dma_start3A_737, %dma_start3A_738] : memref<6144x128xf32, #tpu.memory_space<vmem_shared>> -> memref<6144x128xf32, #tpu.memory_space<vmem_shared>>
    tpu.enqueue_indirect_dma source(%arg17 : memref<128x128xf32, #tpu.memory_space<vmem>>) target(%dma_start3A_739 : memref<6144x128xf32, #tpu.memory_space<vmem_shared>>) offsets(%dma_start3A_736 : memref<128xi32, #tpu.memory_space<vmem>>) semaphore(%arg20 : memref<!tpu.dma_semaphore, #tpu.memory_space<semaphore_mem>>) {add = true}
    %dma_wait3A_740 = arith.constant 0 : i32
    %dma_wait3A_741 = tpu.memref_slice %arg14[%add3A_733, %dma_wait3A_740] : memref<64x128xi32, #tpu.memory_space<vmem>> -> memref<1x128xi32, #tpu.memory_space<vmem>>
    %dma_wait3A_742 = tpu.memref_squeeze %dma_wait3A_741 : memref<1x128xi32, #tpu.memory_space<vmem>> -> memref<128xi32, #tpu.memory_space<vmem>>
    %dma_wait3A_743 = arith.constant 0 : i32
    %dma_wait3A_744 = arith.constant 0 : i32
    %dma_wait3A_745 = tpu.memref_slice %arg22[%dma_wait3A_743, %dma_wait3A_744] : memref<6144x128xf32, #tpu.memory_space<vmem_shared>> -> memref<6144x128xf32, #tpu.memory_space<vmem_shared>>
    tpu.wait_indirect_dma semaphore(%arg20 : memref<!tpu.dma_semaphore, #tpu.memory_space<semaphore_mem>>) src(%arg17 : memref<128x128xf32, #tpu.memory_space<vmem>>) dst(%dma_wait3A_745 : memref<6144x128xf32, #tpu.memory_space<vmem_shared>>)
    %mul3A_746 = arith.constant 512 : i32
    %mul3A_747 = arith.muli %arg1, %mul3A_746 : i32
    %add3A_748 = arith.constant 128 : i32
    %add3A_749 = arith.addi %mul3A_747, %add3A_748 : i32
    %dma_start3A_750 = arith.constant 384 : i32
    %dma_start3A_751 = tpu.memref_slice %arg2[%arg0, %add3A_749, %dma_start3A_750] : memref<2x8192x768xf32, #tpu.memory_space<hbm>> -> memref<1x128x128xf32, #tpu.memory_space<hbm>>
    %dma_start3A_752 = tpu.memref_squeeze %dma_start3A_751 : memref<1x128x128xf32, #tpu.memory_space<hbm>> -> memref<128x128xf32, #tpu.memory_space<hbm>>
    %dma_start3A_753 = arith.constant 384 : i32
    %dma_start3A_754 = tpu.memref_slice %arg2[%arg0, %add3A_749, %dma_start3A_753] : memref<2x8192x768xf32, #tpu.memory_space<hbm>> -> memref<1x128x128xf32, #tpu.memory_space<hbm>>
    %dma_start3A_755 = tpu.memref_squeeze %dma_start3A_754 : memref<1x128x128xf32, #tpu.memory_space<hbm>> -> memref<128x128xf32, #tpu.memory_space<hbm>>
    tpu.enqueue_dma source(%dma_start3A_755 : memref<128x128xf32, #tpu.memory_space<hbm>>) target(%arg17 : memref<128x128xf32, #tpu.memory_space<vmem>>) target_semaphore(%arg19 : memref<!tpu.dma_semaphore, #tpu.memory_space<semaphore_mem>>)
    %barrier3A_756 = arith.constant 0 : index
    tpu.barrier barrier_id(%barrier3A_756)
    %mul3A_757 = arith.constant 384 : i32
    %mul3A_758 = arith.muli %arg1, %mul3A_757 : i32
    %mul3A_759 = arith.constant 384 : i32
    %mul3A_760 = arith.muli %arg1, %mul3A_759 : i32
    %dma_start3A_761 = arith.constant 256 : i32
    %dma_start3A_762 = tpu.memref_slice %arg7[%arg0, %mul3A_760, %dma_start3A_761] : memref<2x6144x768xf32, #tpu.memory_space<hbm>> -> memref<1x384x128xf32, #tpu.memory_space<hbm>>
    %dma_start3A_763 = tpu.memref_squeeze %dma_start3A_762 : memref<1x384x128xf32, #tpu.memory_space<hbm>> -> memref<384x128xf32, #tpu.memory_space<hbm>>
    %dma_start3A_764 = arith.constant 0 : i32
    %dma_start3A_765 = tpu.memref_slice %arg22[%mul3A_758, %dma_start3A_764] : memref<6144x128xf32, #tpu.memory_space<vmem_shared>> -> memref<384x128xf32, #tpu.memory_space<vmem_shared>>
    tpu.enqueue_dma source(%dma_start3A_765 : memref<384x128xf32, #tpu.memory_space<vmem_shared>>) target(%dma_start3A_763 : memref<384x128xf32, #tpu.memory_space<hbm>>) target_semaphore(%arg21 : memref<!tpu.dma_semaphore, #tpu.memory_space<semaphore_mem>>)
    %dma_wait3A_766 = arith.constant 256 : i32
    %dma_wait3A_767 = tpu.memref_slice %arg7[%arg0, %mul3A_760, %dma_wait3A_766] : memref<2x6144x768xf32, #tpu.memory_space<hbm>> -> memref<1x384x128xf32, #tpu.memory_space<hbm>>
    %dma_wait3A_768 = tpu.memref_squeeze %dma_wait3A_767 : memref<1x384x128xf32, #tpu.memory_space<hbm>> -> memref<384x128xf32, #tpu.memory_space<hbm>>
    %dma_wait3A_769 = arith.constant 0 : i32
    %dma_wait3A_770 = tpu.memref_slice %arg22[%mul3A_758, %dma_wait3A_769] : memref<6144x128xf32, #tpu.memory_space<vmem_shared>> -> memref<384x128xf32, #tpu.memory_space<vmem_shared>>
    tpu.wait_dma2 semaphore(%arg21 : memref<!tpu.dma_semaphore, #tpu.memory_space<semaphore_mem>>) src(%dma_wait3A_770 : memref<384x128xf32, #tpu.memory_space<vmem_shared>>) dst(%dma_wait3A_768 : memref<384x128xf32, #tpu.memory_space<hbm>>)
    %mul3A_771 = arith.constant 384 : i32
    %mul3A_772 = arith.muli %arg1, %mul3A_771 : i32
    %add3A_773 = arith.constant 0 : i32
    %add3A_774 = arith.addi %mul3A_772, %add3A_773 : i32
    %dma_start3A_775 = arith.constant 0 : i32
    %dma_start3A_776 = tpu.memref_slice %arg22[%add3A_774, %dma_start3A_775] : memref<6144x128xf32, #tpu.memory_space<vmem_shared>> -> memref<64x128xf32, #tpu.memory_space<vmem_shared>>
    %dma_start3A_777 = arith.constant 0 : i32
    %dma_start3A_778 = tpu.memref_slice %arg22[%add3A_774, %dma_start3A_777] : memref<6144x128xf32, #tpu.memory_space<vmem_shared>> -> memref<64x128xf32, #tpu.memory_space<vmem_shared>>
    tpu.enqueue_dma source(%arg18 : memref<64x128xf32, #tpu.memory_space<vmem>>) target(%dma_start3A_778 : memref<64x128xf32, #tpu.memory_space<vmem_shared>>) target_semaphore(%arg21 : memref<!tpu.dma_semaphore, #tpu.memory_space<semaphore_mem>>)
    %mul3A_779 = arith.constant 384 : i32
    %mul3A_780 = arith.muli %arg1, %mul3A_779 : i32
    %add3A_781 = arith.constant 64 : i32
    %add3A_782 = arith.addi %mul3A_780, %add3A_781 : i32
    %dma_start3A_783 = arith.constant 0 : i32
    %dma_start3A_784 = tpu.memref_slice %arg22[%add3A_782, %dma_start3A_783] : memref<6144x128xf32, #tpu.memory_space<vmem_shared>> -> memref<64x128xf32, #tpu.memory_space<vmem_shared>>
    %dma_start3A_785 = arith.constant 0 : i32
    %dma_start3A_786 = tpu.memref_slice %arg22[%add3A_782, %dma_start3A_785] : memref<6144x128xf32, #tpu.memory_space<vmem_shared>> -> memref<64x128xf32, #tpu.memory_space<vmem_shared>>
    tpu.enqueue_dma source(%arg18 : memref<64x128xf32, #tpu.memory_space<vmem>>) target(%dma_start3A_786 : memref<64x128xf32, #tpu.memory_space<vmem_shared>>) target_semaphore(%arg21 : memref<!tpu.dma_semaphore, #tpu.memory_space<semaphore_mem>>)
    %mul3A_787 = arith.constant 384 : i32
    %mul3A_788 = arith.muli %arg1, %mul3A_787 : i32
    %add3A_789 = arith.constant 128 : i32
    %add3A_790 = arith.addi %mul3A_788, %add3A_789 : i32
    %dma_start3A_791 = arith.constant 0 : i32
    %dma_start3A_792 = tpu.memref_slice %arg22[%add3A_790, %dma_start3A_791] : memref<6144x128xf32, #tpu.memory_space<vmem_shared>> -> memref<64x128xf32, #tpu.memory_space<vmem_shared>>
    %dma_start3A_793 = arith.constant 0 : i32
    %dma_start3A_794 = tpu.memref_slice %arg22[%add3A_790, %dma_start3A_793] : memref<6144x128xf32, #tpu.memory_space<vmem_shared>> -> memref<64x128xf32, #tpu.memory_space<vmem_shared>>
    tpu.enqueue_dma source(%arg18 : memref<64x128xf32, #tpu.memory_space<vmem>>) target(%dma_start3A_794 : memref<64x128xf32, #tpu.memory_space<vmem_shared>>) target_semaphore(%arg21 : memref<!tpu.dma_semaphore, #tpu.memory_space<semaphore_mem>>)
    %mul3A_795 = arith.constant 384 : i32
    %mul3A_796 = arith.muli %arg1, %mul3A_795 : i32
    %add3A_797 = arith.constant 192 : i32
    %add3A_798 = arith.addi %mul3A_796, %add3A_797 : i32
    %dma_start3A_799 = arith.constant 0 : i32
    %dma_start3A_800 = tpu.memref_slice %arg22[%add3A_798, %dma_start3A_799] : memref<6144x128xf32, #tpu.memory_space<vmem_shared>> -> memref<64x128xf32, #tpu.memory_space<vmem_shared>>
    %dma_start3A_801 = arith.constant 0 : i32
    %dma_start3A_802 = tpu.memref_slice %arg22[%add3A_798, %dma_start3A_801] : memref<6144x128xf32, #tpu.memory_space<vmem_shared>> -> memref<64x128xf32, #tpu.memory_space<vmem_shared>>
    tpu.enqueue_dma source(%arg18 : memref<64x128xf32, #tpu.memory_space<vmem>>) target(%dma_start3A_802 : memref<64x128xf32, #tpu.memory_space<vmem_shared>>) target_semaphore(%arg21 : memref<!tpu.dma_semaphore, #tpu.memory_space<semaphore_mem>>)
    %mul3A_803 = arith.constant 384 : i32
    %mul3A_804 = arith.muli %arg1, %mul3A_803 : i32
    %add3A_805 = arith.constant 256 : i32
    %add3A_806 = arith.addi %mul3A_804, %add3A_805 : i32
    %dma_start3A_807 = arith.constant 0 : i32
    %dma_start3A_808 = tpu.memref_slice %arg22[%add3A_806, %dma_start3A_807] : memref<6144x128xf32, #tpu.memory_space<vmem_shared>> -> memref<64x128xf32, #tpu.memory_space<vmem_shared>>
    %dma_start3A_809 = arith.constant 0 : i32
    %dma_start3A_810 = tpu.memref_slice %arg22[%add3A_806, %dma_start3A_809] : memref<6144x128xf32, #tpu.memory_space<vmem_shared>> -> memref<64x128xf32, #tpu.memory_space<vmem_shared>>
    tpu.enqueue_dma source(%arg18 : memref<64x128xf32, #tpu.memory_space<vmem>>) target(%dma_start3A_810 : memref<64x128xf32, #tpu.memory_space<vmem_shared>>) target_semaphore(%arg21 : memref<!tpu.dma_semaphore, #tpu.memory_space<semaphore_mem>>)
    %mul3A_811 = arith.constant 384 : i32
    %mul3A_812 = arith.muli %arg1, %mul3A_811 : i32
    %add3A_813 = arith.constant 320 : i32
    %add3A_814 = arith.addi %mul3A_812, %add3A_813 : i32
    %dma_start3A_815 = arith.constant 0 : i32
    %dma_start3A_816 = tpu.memref_slice %arg22[%add3A_814, %dma_start3A_815] : memref<6144x128xf32, #tpu.memory_space<vmem_shared>> -> memref<64x128xf32, #tpu.memory_space<vmem_shared>>
    %dma_start3A_817 = arith.constant 0 : i32
    %dma_start3A_818 = tpu.memref_slice %arg22[%add3A_814, %dma_start3A_817] : memref<6144x128xf32, #tpu.memory_space<vmem_shared>> -> memref<64x128xf32, #tpu.memory_space<vmem_shared>>
    tpu.enqueue_dma source(%arg18 : memref<64x128xf32, #tpu.memory_space<vmem>>) target(%dma_start3A_818 : memref<64x128xf32, #tpu.memory_space<vmem_shared>>) target_semaphore(%arg21 : memref<!tpu.dma_semaphore, #tpu.memory_space<semaphore_mem>>)
    %dma_wait3A_819 = arith.constant 0 : i32
    %dma_wait3A_820 = tpu.memref_slice %arg22[%add3A_774, %dma_wait3A_819] : memref<6144x128xf32, #tpu.memory_space<vmem_shared>> -> memref<64x128xf32, #tpu.memory_space<vmem_shared>>
    %dma_wait3A_821 = arith.constant 0 : i32
    %dma_wait3A_822 = tpu.memref_slice %arg22[%add3A_774, %dma_wait3A_821] : memref<6144x128xf32, #tpu.memory_space<vmem_shared>> -> memref<64x128xf32, #tpu.memory_space<vmem_shared>>
    tpu.wait_dma2 semaphore(%arg21 : memref<!tpu.dma_semaphore, #tpu.memory_space<semaphore_mem>>) src(%arg18 : memref<64x128xf32, #tpu.memory_space<vmem>>) dst(%dma_wait3A_822 : memref<64x128xf32, #tpu.memory_space<vmem_shared>>)
    %dma_wait3A_823 = arith.constant 0 : i32
    %dma_wait3A_824 = tpu.memref_slice %arg22[%add3A_782, %dma_wait3A_823] : memref<6144x128xf32, #tpu.memory_space<vmem_shared>> -> memref<64x128xf32, #tpu.memory_space<vmem_shared>>
    %dma_wait3A_825 = arith.constant 0 : i32
    %dma_wait3A_826 = tpu.memref_slice %arg22[%add3A_782, %dma_wait3A_825] : memref<6144x128xf32, #tpu.memory_space<vmem_shared>> -> memref<64x128xf32, #tpu.memory_space<vmem_shared>>
    tpu.wait_dma2 semaphore(%arg21 : memref<!tpu.dma_semaphore, #tpu.memory_space<semaphore_mem>>) src(%arg18 : memref<64x128xf32, #tpu.memory_space<vmem>>) dst(%dma_wait3A_826 : memref<64x128xf32, #tpu.memory_space<vmem_shared>>)
    %dma_wait3A_827 = arith.constant 0 : i32
    %dma_wait3A_828 = tpu.memref_slice %arg22[%add3A_790, %dma_wait3A_827] : memref<6144x128xf32, #tpu.memory_space<vmem_shared>> -> memref<64x128xf32, #tpu.memory_space<vmem_shared>>
    %dma_wait3A_829 = arith.constant 0 : i32
    %dma_wait3A_830 = tpu.memref_slice %arg22[%add3A_790, %dma_wait3A_829] : memref<6144x128xf32, #tpu.memory_space<vmem_shared>> -> memref<64x128xf32, #tpu.memory_space<vmem_shared>>
    tpu.wait_dma2 semaphore(%arg21 : memref<!tpu.dma_semaphore, #tpu.memory_space<semaphore_mem>>) src(%arg18 : memref<64x128xf32, #tpu.memory_space<vmem>>) dst(%dma_wait3A_830 : memref<64x128xf32, #tpu.memory_space<vmem_shared>>)
    %dma_wait3A_831 = arith.constant 0 : i32
    %dma_wait3A_832 = tpu.memref_slice %arg22[%add3A_798, %dma_wait3A_831] : memref<6144x128xf32, #tpu.memory_space<vmem_shared>> -> memref<64x128xf32, #tpu.memory_space<vmem_shared>>
    %dma_wait3A_833 = arith.constant 0 : i32
    %dma_wait3A_834 = tpu.memref_slice %arg22[%add3A_798, %dma_wait3A_833] : memref<6144x128xf32, #tpu.memory_space<vmem_shared>> -> memref<64x128xf32, #tpu.memory_space<vmem_shared>>
    tpu.wait_dma2 semaphore(%arg21 : memref<!tpu.dma_semaphore, #tpu.memory_space<semaphore_mem>>) src(%arg18 : memref<64x128xf32, #tpu.memory_space<vmem>>) dst(%dma_wait3A_834 : memref<64x128xf32, #tpu.memory_space<vmem_shared>>)
    %dma_wait3A_835 = arith.constant 0 : i32
    %dma_wait3A_836 = tpu.memref_slice %arg22[%add3A_806, %dma_wait3A_835] : memref<6144x128xf32, #tpu.memory_space<vmem_shared>> -> memref<64x128xf32, #tpu.memory_space<vmem_shared>>
    %dma_wait3A_837 = arith.constant 0 : i32
    %dma_wait3A_838 = tpu.memref_slice %arg22[%add3A_806, %dma_wait3A_837] : memref<6144x128xf32, #tpu.memory_space<vmem_shared>> -> memref<64x128xf32, #tpu.memory_space<vmem_shared>>
    tpu.wait_dma2 semaphore(%arg21 : memref<!tpu.dma_semaphore, #tpu.memory_space<semaphore_mem>>) src(%arg18 : memref<64x128xf32, #tpu.memory_space<vmem>>) dst(%dma_wait3A_838 : memref<64x128xf32, #tpu.memory_space<vmem_shared>>)
    %dma_wait3A_839 = arith.constant 0 : i32
    %dma_wait3A_840 = tpu.memref_slice %arg22[%add3A_814, %dma_wait3A_839] : memref<6144x128xf32, #tpu.memory_space<vmem_shared>> -> memref<64x128xf32, #tpu.memory_space<vmem_shared>>
    %dma_wait3A_841 = arith.constant 0 : i32
    %dma_wait3A_842 = tpu.memref_slice %arg22[%add3A_814, %dma_wait3A_841] : memref<6144x128xf32, #tpu.memory_space<vmem_shared>> -> memref<64x128xf32, #tpu.memory_space<vmem_shared>>
    tpu.wait_dma2 semaphore(%arg21 : memref<!tpu.dma_semaphore, #tpu.memory_space<semaphore_mem>>) src(%arg18 : memref<64x128xf32, #tpu.memory_space<vmem>>) dst(%dma_wait3A_842 : memref<64x128xf32, #tpu.memory_space<vmem_shared>>)
    %barrier3A_843 = arith.constant 0 : index
    tpu.barrier barrier_id(%barrier3A_843)
    %dma_wait3A_844 = arith.constant 384 : i32
    %dma_wait3A_845 = tpu.memref_slice %arg2[%arg0, %add3A_717, %dma_wait3A_844] : memref<2x8192x768xf32, #tpu.memory_space<hbm>> -> memref<1x128x128xf32, #tpu.memory_space<hbm>>
    %dma_wait3A_846 = tpu.memref_squeeze %dma_wait3A_845 : memref<1x128x128xf32, #tpu.memory_space<hbm>> -> memref<128x128xf32, #tpu.memory_space<hbm>>
    %dma_wait3A_847 = arith.constant 384 : i32
    %dma_wait3A_848 = tpu.memref_slice %arg2[%arg0, %add3A_717, %dma_wait3A_847] : memref<2x8192x768xf32, #tpu.memory_space<hbm>> -> memref<1x128x128xf32, #tpu.memory_space<hbm>>
    %dma_wait3A_849 = tpu.memref_squeeze %dma_wait3A_848 : memref<1x128x128xf32, #tpu.memory_space<hbm>> -> memref<128x128xf32, #tpu.memory_space<hbm>>
    tpu.wait_dma2 semaphore(%arg19 : memref<!tpu.dma_semaphore, #tpu.memory_space<semaphore_mem>>) src(%dma_wait3A_849 : memref<128x128xf32, #tpu.memory_space<hbm>>) dst(%arg16 : memref<128x128xf32, #tpu.memory_space<vmem>>)
    %mul3A_850 = arith.constant 4 : i32
    %mul3A_851 = arith.muli %arg1, %mul3A_850 : i32
    %add3A_852 = arith.constant 0 : i32
    %add3A_853 = arith.addi %mul3A_851, %add3A_852 : i32
    %dma_start3A_854 = arith.constant 0 : i32
    %dma_start3A_855 = tpu.memref_slice %arg14[%add3A_853, %dma_start3A_854] : memref<64x128xi32, #tpu.memory_space<vmem>> -> memref<1x128xi32, #tpu.memory_space<vmem>>
    %dma_start3A_856 = tpu.memref_squeeze %dma_start3A_855 : memref<1x128xi32, #tpu.memory_space<vmem>> -> memref<128xi32, #tpu.memory_space<vmem>>
    %dma_start3A_857 = arith.constant 0 : i32
    %dma_start3A_858 = arith.constant 0 : i32
    %dma_start3A_859 = tpu.memref_slice %arg22[%dma_start3A_857, %dma_start3A_858] : memref<6144x128xf32, #tpu.memory_space<vmem_shared>> -> memref<6144x128xf32, #tpu.memory_space<vmem_shared>>
    tpu.enqueue_indirect_dma source(%arg16 : memref<128x128xf32, #tpu.memory_space<vmem>>) target(%dma_start3A_859 : memref<6144x128xf32, #tpu.memory_space<vmem_shared>>) offsets(%dma_start3A_856 : memref<128xi32, #tpu.memory_space<vmem>>) semaphore(%arg20 : memref<!tpu.dma_semaphore, #tpu.memory_space<semaphore_mem>>) {add = true}
    %dma_wait3A_860 = arith.constant 0 : i32
    %dma_wait3A_861 = tpu.memref_slice %arg14[%add3A_853, %dma_wait3A_860] : memref<64x128xi32, #tpu.memory_space<vmem>> -> memref<1x128xi32, #tpu.memory_space<vmem>>
    %dma_wait3A_862 = tpu.memref_squeeze %dma_wait3A_861 : memref<1x128xi32, #tpu.memory_space<vmem>> -> memref<128xi32, #tpu.memory_space<vmem>>
    %dma_wait3A_863 = arith.constant 0 : i32
    %dma_wait3A_864 = arith.constant 0 : i32
    %dma_wait3A_865 = tpu.memref_slice %arg22[%dma_wait3A_863, %dma_wait3A_864] : memref<6144x128xf32, #tpu.memory_space<vmem_shared>> -> memref<6144x128xf32, #tpu.memory_space<vmem_shared>>
    tpu.wait_indirect_dma semaphore(%arg20 : memref<!tpu.dma_semaphore, #tpu.memory_space<semaphore_mem>>) src(%arg16 : memref<128x128xf32, #tpu.memory_space<vmem>>) dst(%dma_wait3A_865 : memref<6144x128xf32, #tpu.memory_space<vmem_shared>>)
    %mul3A_866 = arith.constant 512 : i32
    %mul3A_867 = arith.muli %arg1, %mul3A_866 : i32
    %add3A_868 = arith.constant 256 : i32
    %add3A_869 = arith.addi %mul3A_867, %add3A_868 : i32
    %dma_start3A_870 = arith.constant 384 : i32
    %dma_start3A_871 = tpu.memref_slice %arg2[%arg0, %add3A_869, %dma_start3A_870] : memref<2x8192x768xf32, #tpu.memory_space<hbm>> -> memref<1x128x128xf32, #tpu.memory_space<hbm>>
    %dma_start3A_872 = tpu.memref_squeeze %dma_start3A_871 : memref<1x128x128xf32, #tpu.memory_space<hbm>> -> memref<128x128xf32, #tpu.memory_space<hbm>>
    %dma_start3A_873 = arith.constant 384 : i32
    %dma_start3A_874 = tpu.memref_slice %arg2[%arg0, %add3A_869, %dma_start3A_873] : memref<2x8192x768xf32, #tpu.memory_space<hbm>> -> memref<1x128x128xf32, #tpu.memory_space<hbm>>
    %dma_start3A_875 = tpu.memref_squeeze %dma_start3A_874 : memref<1x128x128xf32, #tpu.memory_space<hbm>> -> memref<128x128xf32, #tpu.memory_space<hbm>>
    tpu.enqueue_dma source(%dma_start3A_875 : memref<128x128xf32, #tpu.memory_space<hbm>>) target(%arg16 : memref<128x128xf32, #tpu.memory_space<vmem>>) target_semaphore(%arg19 : memref<!tpu.dma_semaphore, #tpu.memory_space<semaphore_mem>>)
    %dma_wait3A_876 = arith.constant 384 : i32
    %dma_wait3A_877 = tpu.memref_slice %arg2[%arg0, %add3A_749, %dma_wait3A_876] : memref<2x8192x768xf32, #tpu.memory_space<hbm>> -> memref<1x128x128xf32, #tpu.memory_space<hbm>>
    %dma_wait3A_878 = tpu.memref_squeeze %dma_wait3A_877 : memref<1x128x128xf32, #tpu.memory_space<hbm>> -> memref<128x128xf32, #tpu.memory_space<hbm>>
    %dma_wait3A_879 = arith.constant 384 : i32
    %dma_wait3A_880 = tpu.memref_slice %arg2[%arg0, %add3A_749, %dma_wait3A_879] : memref<2x8192x768xf32, #tpu.memory_space<hbm>> -> memref<1x128x128xf32, #tpu.memory_space<hbm>>
    %dma_wait3A_881 = tpu.memref_squeeze %dma_wait3A_880 : memref<1x128x128xf32, #tpu.memory_space<hbm>> -> memref<128x128xf32, #tpu.memory_space<hbm>>
    tpu.wait_dma2 semaphore(%arg19 : memref<!tpu.dma_semaphore, #tpu.memory_space<semaphore_mem>>) src(%dma_wait3A_881 : memref<128x128xf32, #tpu.memory_space<hbm>>) dst(%arg17 : memref<128x128xf32, #tpu.memory_space<vmem>>)
    %mul3A_882 = arith.constant 4 : i32
    %mul3A_883 = arith.muli %arg1, %mul3A_882 : i32
    %add3A_884 = arith.constant 1 : i32
    %add3A_885 = arith.addi %mul3A_883, %add3A_884 : i32
    %dma_start3A_886 = arith.constant 0 : i32
    %dma_start3A_887 = tpu.memref_slice %arg14[%add3A_885, %dma_start3A_886] : memref<64x128xi32, #tpu.memory_space<vmem>> -> memref<1x128xi32, #tpu.memory_space<vmem>>
    %dma_start3A_888 = tpu.memref_squeeze %dma_start3A_887 : memref<1x128xi32, #tpu.memory_space<vmem>> -> memref<128xi32, #tpu.memory_space<vmem>>
    %dma_start3A_889 = arith.constant 0 : i32
    %dma_start3A_890 = arith.constant 0 : i32
    %dma_start3A_891 = tpu.memref_slice %arg22[%dma_start3A_889, %dma_start3A_890] : memref<6144x128xf32, #tpu.memory_space<vmem_shared>> -> memref<6144x128xf32, #tpu.memory_space<vmem_shared>>
    tpu.enqueue_indirect_dma source(%arg17 : memref<128x128xf32, #tpu.memory_space<vmem>>) target(%dma_start3A_891 : memref<6144x128xf32, #tpu.memory_space<vmem_shared>>) offsets(%dma_start3A_888 : memref<128xi32, #tpu.memory_space<vmem>>) semaphore(%arg20 : memref<!tpu.dma_semaphore, #tpu.memory_space<semaphore_mem>>) {add = true}
    %dma_wait3A_892 = arith.constant 0 : i32
    %dma_wait3A_893 = tpu.memref_slice %arg14[%add3A_885, %dma_wait3A_892] : memref<64x128xi32, #tpu.memory_space<vmem>> -> memref<1x128xi32, #tpu.memory_space<vmem>>
    %dma_wait3A_894 = tpu.memref_squeeze %dma_wait3A_893 : memref<1x128xi32, #tpu.memory_space<vmem>> -> memref<128xi32, #tpu.memory_space<vmem>>
    %dma_wait3A_895 = arith.constant 0 : i32
    %dma_wait3A_896 = arith.constant 0 : i32
    %dma_wait3A_897 = tpu.memref_slice %arg22[%dma_wait3A_895, %dma_wait3A_896] : memref<6144x128xf32, #tpu.memory_space<vmem_shared>> -> memref<6144x128xf32, #tpu.memory_space<vmem_shared>>
    tpu.wait_indirect_dma semaphore(%arg20 : memref<!tpu.dma_semaphore, #tpu.memory_space<semaphore_mem>>) src(%arg17 : memref<128x128xf32, #tpu.memory_space<vmem>>) dst(%dma_wait3A_897 : memref<6144x128xf32, #tpu.memory_space<vmem_shared>>)
    %mul3A_898 = arith.constant 512 : i32
    %mul3A_899 = arith.muli %arg1, %mul3A_898 : i32
    %add3A_900 = arith.constant 384 : i32
    %add3A_901 = arith.addi %mul3A_899, %add3A_900 : i32
    %dma_start3A_902 = arith.constant 384 : i32
    %dma_start3A_903 = tpu.memref_slice %arg2[%arg0, %add3A_901, %dma_start3A_902] : memref<2x8192x768xf32, #tpu.memory_space<hbm>> -> memref<1x128x128xf32, #tpu.memory_space<hbm>>
    %dma_start3A_904 = tpu.memref_squeeze %dma_start3A_903 : memref<1x128x128xf32, #tpu.memory_space<hbm>> -> memref<128x128xf32, #tpu.memory_space<hbm>>
    %dma_start3A_905 = arith.constant 384 : i32
    %dma_start3A_906 = tpu.memref_slice %arg2[%arg0, %add3A_901, %dma_start3A_905] : memref<2x8192x768xf32, #tpu.memory_space<hbm>> -> memref<1x128x128xf32, #tpu.memory_space<hbm>>
    %dma_start3A_907 = tpu.memref_squeeze %dma_start3A_906 : memref<1x128x128xf32, #tpu.memory_space<hbm>> -> memref<128x128xf32, #tpu.memory_space<hbm>>
    tpu.enqueue_dma source(%dma_start3A_907 : memref<128x128xf32, #tpu.memory_space<hbm>>) target(%arg17 : memref<128x128xf32, #tpu.memory_space<vmem>>) target_semaphore(%arg19 : memref<!tpu.dma_semaphore, #tpu.memory_space<semaphore_mem>>)
    %dma_wait3A_908 = arith.constant 384 : i32
    %dma_wait3A_909 = tpu.memref_slice %arg2[%arg0, %add3A_869, %dma_wait3A_908] : memref<2x8192x768xf32, #tpu.memory_space<hbm>> -> memref<1x128x128xf32, #tpu.memory_space<hbm>>
    %dma_wait3A_910 = tpu.memref_squeeze %dma_wait3A_909 : memref<1x128x128xf32, #tpu.memory_space<hbm>> -> memref<128x128xf32, #tpu.memory_space<hbm>>
    %dma_wait3A_911 = arith.constant 384 : i32
    %dma_wait3A_912 = tpu.memref_slice %arg2[%arg0, %add3A_869, %dma_wait3A_911] : memref<2x8192x768xf32, #tpu.memory_space<hbm>> -> memref<1x128x128xf32, #tpu.memory_space<hbm>>
    %dma_wait3A_913 = tpu.memref_squeeze %dma_wait3A_912 : memref<1x128x128xf32, #tpu.memory_space<hbm>> -> memref<128x128xf32, #tpu.memory_space<hbm>>
    tpu.wait_dma2 semaphore(%arg19 : memref<!tpu.dma_semaphore, #tpu.memory_space<semaphore_mem>>) src(%dma_wait3A_913 : memref<128x128xf32, #tpu.memory_space<hbm>>) dst(%arg16 : memref<128x128xf32, #tpu.memory_space<vmem>>)
    %mul3A_914 = arith.constant 4 : i32
    %mul3A_915 = arith.muli %arg1, %mul3A_914 : i32
    %add3A_916 = arith.constant 2 : i32
    %add3A_917 = arith.addi %mul3A_915, %add3A_916 : i32
    %dma_start3A_918 = arith.constant 0 : i32
    %dma_start3A_919 = tpu.memref_slice %arg14[%add3A_917, %dma_start3A_918] : memref<64x128xi32, #tpu.memory_space<vmem>> -> memref<1x128xi32, #tpu.memory_space<vmem>>
    %dma_start3A_920 = tpu.memref_squeeze %dma_start3A_919 : memref<1x128xi32, #tpu.memory_space<vmem>> -> memref<128xi32, #tpu.memory_space<vmem>>
    %dma_start3A_921 = arith.constant 0 : i32
    %dma_start3A_922 = arith.constant 0 : i32
    %dma_start3A_923 = tpu.memref_slice %arg22[%dma_start3A_921, %dma_start3A_922] : memref<6144x128xf32, #tpu.memory_space<vmem_shared>> -> memref<6144x128xf32, #tpu.memory_space<vmem_shared>>
    tpu.enqueue_indirect_dma source(%arg16 : memref<128x128xf32, #tpu.memory_space<vmem>>) target(%dma_start3A_923 : memref<6144x128xf32, #tpu.memory_space<vmem_shared>>) offsets(%dma_start3A_920 : memref<128xi32, #tpu.memory_space<vmem>>) semaphore(%arg20 : memref<!tpu.dma_semaphore, #tpu.memory_space<semaphore_mem>>) {add = true}
    %dma_wait3A_924 = arith.constant 0 : i32
    %dma_wait3A_925 = tpu.memref_slice %arg14[%add3A_917, %dma_wait3A_924] : memref<64x128xi32, #tpu.memory_space<vmem>> -> memref<1x128xi32, #tpu.memory_space<vmem>>
    %dma_wait3A_926 = tpu.memref_squeeze %dma_wait3A_925 : memref<1x128xi32, #tpu.memory_space<vmem>> -> memref<128xi32, #tpu.memory_space<vmem>>
    %dma_wait3A_927 = arith.constant 0 : i32
    %dma_wait3A_928 = arith.constant 0 : i32
    %dma_wait3A_929 = tpu.memref_slice %arg22[%dma_wait3A_927, %dma_wait3A_928] : memref<6144x128xf32, #tpu.memory_space<vmem_shared>> -> memref<6144x128xf32, #tpu.memory_space<vmem_shared>>
    tpu.wait_indirect_dma semaphore(%arg20 : memref<!tpu.dma_semaphore, #tpu.memory_space<semaphore_mem>>) src(%arg16 : memref<128x128xf32, #tpu.memory_space<vmem>>) dst(%dma_wait3A_929 : memref<6144x128xf32, #tpu.memory_space<vmem_shared>>)
    %mul3A_930 = arith.constant 512 : i32
    %mul3A_931 = arith.muli %arg1, %mul3A_930 : i32
    %add3A_932 = arith.constant 0 : i32
    %add3A_933 = arith.addi %mul3A_931, %add3A_932 : i32
    %dma_start3A_934 = arith.constant 512 : i32
    %dma_start3A_935 = tpu.memref_slice %arg2[%arg0, %add3A_933, %dma_start3A_934] : memref<2x8192x768xf32, #tpu.memory_space<hbm>> -> memref<1x128x128xf32, #tpu.memory_space<hbm>>
    %dma_start3A_936 = tpu.memref_squeeze %dma_start3A_935 : memref<1x128x128xf32, #tpu.memory_space<hbm>> -> memref<128x128xf32, #tpu.memory_space<hbm>>
    %dma_start3A_937 = arith.constant 512 : i32
    %dma_start3A_938 = tpu.memref_slice %arg2[%arg0, %add3A_933, %dma_start3A_937] : memref<2x8192x768xf32, #tpu.memory_space<hbm>> -> memref<1x128x128xf32, #tpu.memory_space<hbm>>
    %dma_start3A_939 = tpu.memref_squeeze %dma_start3A_938 : memref<1x128x128xf32, #tpu.memory_space<hbm>> -> memref<128x128xf32, #tpu.memory_space<hbm>>
    tpu.enqueue_dma source(%dma_start3A_939 : memref<128x128xf32, #tpu.memory_space<hbm>>) target(%arg16 : memref<128x128xf32, #tpu.memory_space<vmem>>) target_semaphore(%arg19 : memref<!tpu.dma_semaphore, #tpu.memory_space<semaphore_mem>>)
    %dma_wait3A_940 = arith.constant 384 : i32
    %dma_wait3A_941 = tpu.memref_slice %arg2[%arg0, %add3A_901, %dma_wait3A_940] : memref<2x8192x768xf32, #tpu.memory_space<hbm>> -> memref<1x128x128xf32, #tpu.memory_space<hbm>>
    %dma_wait3A_942 = tpu.memref_squeeze %dma_wait3A_941 : memref<1x128x128xf32, #tpu.memory_space<hbm>> -> memref<128x128xf32, #tpu.memory_space<hbm>>
    %dma_wait3A_943 = arith.constant 384 : i32
    %dma_wait3A_944 = tpu.memref_slice %arg2[%arg0, %add3A_901, %dma_wait3A_943] : memref<2x8192x768xf32, #tpu.memory_space<hbm>> -> memref<1x128x128xf32, #tpu.memory_space<hbm>>
    %dma_wait3A_945 = tpu.memref_squeeze %dma_wait3A_944 : memref<1x128x128xf32, #tpu.memory_space<hbm>> -> memref<128x128xf32, #tpu.memory_space<hbm>>
    tpu.wait_dma2 semaphore(%arg19 : memref<!tpu.dma_semaphore, #tpu.memory_space<semaphore_mem>>) src(%dma_wait3A_945 : memref<128x128xf32, #tpu.memory_space<hbm>>) dst(%arg17 : memref<128x128xf32, #tpu.memory_space<vmem>>)
    %mul3A_946 = arith.constant 4 : i32
    %mul3A_947 = arith.muli %arg1, %mul3A_946 : i32
    %add3A_948 = arith.constant 3 : i32
    %add3A_949 = arith.addi %mul3A_947, %add3A_948 : i32
    %dma_start3A_950 = arith.constant 0 : i32
    %dma_start3A_951 = tpu.memref_slice %arg14[%add3A_949, %dma_start3A_950] : memref<64x128xi32, #tpu.memory_space<vmem>> -> memref<1x128xi32, #tpu.memory_space<vmem>>
    %dma_start3A_952 = tpu.memref_squeeze %dma_start3A_951 : memref<1x128xi32, #tpu.memory_space<vmem>> -> memref<128xi32, #tpu.memory_space<vmem>>
    %dma_start3A_953 = arith.constant 0 : i32
    %dma_start3A_954 = arith.constant 0 : i32
    %dma_start3A_955 = tpu.memref_slice %arg22[%dma_start3A_953, %dma_start3A_954] : memref<6144x128xf32, #tpu.memory_space<vmem_shared>> -> memref<6144x128xf32, #tpu.memory_space<vmem_shared>>
    tpu.enqueue_indirect_dma source(%arg17 : memref<128x128xf32, #tpu.memory_space<vmem>>) target(%dma_start3A_955 : memref<6144x128xf32, #tpu.memory_space<vmem_shared>>) offsets(%dma_start3A_952 : memref<128xi32, #tpu.memory_space<vmem>>) semaphore(%arg20 : memref<!tpu.dma_semaphore, #tpu.memory_space<semaphore_mem>>) {add = true}
    %dma_wait3A_956 = arith.constant 0 : i32
    %dma_wait3A_957 = tpu.memref_slice %arg14[%add3A_949, %dma_wait3A_956] : memref<64x128xi32, #tpu.memory_space<vmem>> -> memref<1x128xi32, #tpu.memory_space<vmem>>
    %dma_wait3A_958 = tpu.memref_squeeze %dma_wait3A_957 : memref<1x128xi32, #tpu.memory_space<vmem>> -> memref<128xi32, #tpu.memory_space<vmem>>
    %dma_wait3A_959 = arith.constant 0 : i32
    %dma_wait3A_960 = arith.constant 0 : i32
    %dma_wait3A_961 = tpu.memref_slice %arg22[%dma_wait3A_959, %dma_wait3A_960] : memref<6144x128xf32, #tpu.memory_space<vmem_shared>> -> memref<6144x128xf32, #tpu.memory_space<vmem_shared>>
    tpu.wait_indirect_dma semaphore(%arg20 : memref<!tpu.dma_semaphore, #tpu.memory_space<semaphore_mem>>) src(%arg17 : memref<128x128xf32, #tpu.memory_space<vmem>>) dst(%dma_wait3A_961 : memref<6144x128xf32, #tpu.memory_space<vmem_shared>>)
    %mul3A_962 = arith.constant 512 : i32
    %mul3A_963 = arith.muli %arg1, %mul3A_962 : i32
    %add3A_964 = arith.constant 128 : i32
    %add3A_965 = arith.addi %mul3A_963, %add3A_964 : i32
    %dma_start3A_966 = arith.constant 512 : i32
    %dma_start3A_967 = tpu.memref_slice %arg2[%arg0, %add3A_965, %dma_start3A_966] : memref<2x8192x768xf32, #tpu.memory_space<hbm>> -> memref<1x128x128xf32, #tpu.memory_space<hbm>>
    %dma_start3A_968 = tpu.memref_squeeze %dma_start3A_967 : memref<1x128x128xf32, #tpu.memory_space<hbm>> -> memref<128x128xf32, #tpu.memory_space<hbm>>
    %dma_start3A_969 = arith.constant 512 : i32
    %dma_start3A_970 = tpu.memref_slice %arg2[%arg0, %add3A_965, %dma_start3A_969] : memref<2x8192x768xf32, #tpu.memory_space<hbm>> -> memref<1x128x128xf32, #tpu.memory_space<hbm>>
    %dma_start3A_971 = tpu.memref_squeeze %dma_start3A_970 : memref<1x128x128xf32, #tpu.memory_space<hbm>> -> memref<128x128xf32, #tpu.memory_space<hbm>>
    tpu.enqueue_dma source(%dma_start3A_971 : memref<128x128xf32, #tpu.memory_space<hbm>>) target(%arg17 : memref<128x128xf32, #tpu.memory_space<vmem>>) target_semaphore(%arg19 : memref<!tpu.dma_semaphore, #tpu.memory_space<semaphore_mem>>)
    %barrier3A_972 = arith.constant 0 : index
    tpu.barrier barrier_id(%barrier3A_972)
    %mul3A_973 = arith.constant 384 : i32
    %mul3A_974 = arith.muli %arg1, %mul3A_973 : i32
    %mul3A_975 = arith.constant 384 : i32
    %mul3A_976 = arith.muli %arg1, %mul3A_975 : i32
    %dma_start3A_977 = arith.constant 384 : i32
    %dma_start3A_978 = tpu.memref_slice %arg7[%arg0, %mul3A_976, %dma_start3A_977] : memref<2x6144x768xf32, #tpu.memory_space<hbm>> -> memref<1x384x128xf32, #tpu.memory_space<hbm>>
    %dma_start3A_979 = tpu.memref_squeeze %dma_start3A_978 : memref<1x384x128xf32, #tpu.memory_space<hbm>> -> memref<384x128xf32, #tpu.memory_space<hbm>>
    %dma_start3A_980 = arith.constant 0 : i32
    %dma_start3A_981 = tpu.memref_slice %arg22[%mul3A_974, %dma_start3A_980] : memref<6144x128xf32, #tpu.memory_space<vmem_shared>> -> memref<384x128xf32, #tpu.memory_space<vmem_shared>>
    tpu.enqueue_dma source(%dma_start3A_981 : memref<384x128xf32, #tpu.memory_space<vmem_shared>>) target(%dma_start3A_979 : memref<384x128xf32, #tpu.memory_space<hbm>>) target_semaphore(%arg21 : memref<!tpu.dma_semaphore, #tpu.memory_space<semaphore_mem>>)
    %dma_wait3A_982 = arith.constant 384 : i32
    %dma_wait3A_983 = tpu.memref_slice %arg7[%arg0, %mul3A_976, %dma_wait3A_982] : memref<2x6144x768xf32, #tpu.memory_space<hbm>> -> memref<1x384x128xf32, #tpu.memory_space<hbm>>
    %dma_wait3A_984 = tpu.memref_squeeze %dma_wait3A_983 : memref<1x384x128xf32, #tpu.memory_space<hbm>> -> memref<384x128xf32, #tpu.memory_space<hbm>>
    %dma_wait3A_985 = arith.constant 0 : i32
    %dma_wait3A_986 = tpu.memref_slice %arg22[%mul3A_974, %dma_wait3A_985] : memref<6144x128xf32, #tpu.memory_space<vmem_shared>> -> memref<384x128xf32, #tpu.memory_space<vmem_shared>>
    tpu.wait_dma2 semaphore(%arg21 : memref<!tpu.dma_semaphore, #tpu.memory_space<semaphore_mem>>) src(%dma_wait3A_986 : memref<384x128xf32, #tpu.memory_space<vmem_shared>>) dst(%dma_wait3A_984 : memref<384x128xf32, #tpu.memory_space<hbm>>)
    %mul3A_987 = arith.constant 384 : i32
    %mul3A_988 = arith.muli %arg1, %mul3A_987 : i32
    %add3A_989 = arith.constant 0 : i32
    %add3A_990 = arith.addi %mul3A_988, %add3A_989 : i32
    %dma_start3A_991 = arith.constant 0 : i32
    %dma_start3A_992 = tpu.memref_slice %arg22[%add3A_990, %dma_start3A_991] : memref<6144x128xf32, #tpu.memory_space<vmem_shared>> -> memref<64x128xf32, #tpu.memory_space<vmem_shared>>
    %dma_start3A_993 = arith.constant 0 : i32
    %dma_start3A_994 = tpu.memref_slice %arg22[%add3A_990, %dma_start3A_993] : memref<6144x128xf32, #tpu.memory_space<vmem_shared>> -> memref<64x128xf32, #tpu.memory_space<vmem_shared>>
    tpu.enqueue_dma source(%arg18 : memref<64x128xf32, #tpu.memory_space<vmem>>) target(%dma_start3A_994 : memref<64x128xf32, #tpu.memory_space<vmem_shared>>) target_semaphore(%arg21 : memref<!tpu.dma_semaphore, #tpu.memory_space<semaphore_mem>>)
    %mul3A_995 = arith.constant 384 : i32
    %mul3A_996 = arith.muli %arg1, %mul3A_995 : i32
    %add3A_997 = arith.constant 64 : i32
    %add3A_998 = arith.addi %mul3A_996, %add3A_997 : i32
    %dma_start3A_999 = arith.constant 0 : i32
    %dma_start3A_1000 = tpu.memref_slice %arg22[%add3A_998, %dma_start3A_999] : memref<6144x128xf32, #tpu.memory_space<vmem_shared>> -> memref<64x128xf32, #tpu.memory_space<vmem_shared>>
    %dma_start3A_1001 = arith.constant 0 : i32
    %dma_start3A_1002 = tpu.memref_slice %arg22[%add3A_998, %dma_start3A_1001] : memref<6144x128xf32, #tpu.memory_space<vmem_shared>> -> memref<64x128xf32, #tpu.memory_space<vmem_shared>>
    tpu.enqueue_dma source(%arg18 : memref<64x128xf32, #tpu.memory_space<vmem>>) target(%dma_start3A_1002 : memref<64x128xf32, #tpu.memory_space<vmem_shared>>) target_semaphore(%arg21 : memref<!tpu.dma_semaphore, #tpu.memory_space<semaphore_mem>>)
    %mul3A_1003 = arith.constant 384 : i32
    %mul3A_1004 = arith.muli %arg1, %mul3A_1003 : i32
    %add3A_1005 = arith.constant 128 : i32
    %add3A_1006 = arith.addi %mul3A_1004, %add3A_1005 : i32
    %dma_start3A_1007 = arith.constant 0 : i32
    %dma_start3A_1008 = tpu.memref_slice %arg22[%add3A_1006, %dma_start3A_1007] : memref<6144x128xf32, #tpu.memory_space<vmem_shared>> -> memref<64x128xf32, #tpu.memory_space<vmem_shared>>
    %dma_start3A_1009 = arith.constant 0 : i32
    %dma_start3A_1010 = tpu.memref_slice %arg22[%add3A_1006, %dma_start3A_1009] : memref<6144x128xf32, #tpu.memory_space<vmem_shared>> -> memref<64x128xf32, #tpu.memory_space<vmem_shared>>
    tpu.enqueue_dma source(%arg18 : memref<64x128xf32, #tpu.memory_space<vmem>>) target(%dma_start3A_1010 : memref<64x128xf32, #tpu.memory_space<vmem_shared>>) target_semaphore(%arg21 : memref<!tpu.dma_semaphore, #tpu.memory_space<semaphore_mem>>)
    %mul3A_1011 = arith.constant 384 : i32
    %mul3A_1012 = arith.muli %arg1, %mul3A_1011 : i32
    %add3A_1013 = arith.constant 192 : i32
    %add3A_1014 = arith.addi %mul3A_1012, %add3A_1013 : i32
    %dma_start3A_1015 = arith.constant 0 : i32
    %dma_start3A_1016 = tpu.memref_slice %arg22[%add3A_1014, %dma_start3A_1015] : memref<6144x128xf32, #tpu.memory_space<vmem_shared>> -> memref<64x128xf32, #tpu.memory_space<vmem_shared>>
    %dma_start3A_1017 = arith.constant 0 : i32
    %dma_start3A_1018 = tpu.memref_slice %arg22[%add3A_1014, %dma_start3A_1017] : memref<6144x128xf32, #tpu.memory_space<vmem_shared>> -> memref<64x128xf32, #tpu.memory_space<vmem_shared>>
    tpu.enqueue_dma source(%arg18 : memref<64x128xf32, #tpu.memory_space<vmem>>) target(%dma_start3A_1018 : memref<64x128xf32, #tpu.memory_space<vmem_shared>>) target_semaphore(%arg21 : memref<!tpu.dma_semaphore, #tpu.memory_space<semaphore_mem>>)
    %mul3A_1019 = arith.constant 384 : i32
    %mul3A_1020 = arith.muli %arg1, %mul3A_1019 : i32
    %add3A_1021 = arith.constant 256 : i32
    %add3A_1022 = arith.addi %mul3A_1020, %add3A_1021 : i32
    %dma_start3A_1023 = arith.constant 0 : i32
    %dma_start3A_1024 = tpu.memref_slice %arg22[%add3A_1022, %dma_start3A_1023] : memref<6144x128xf32, #tpu.memory_space<vmem_shared>> -> memref<64x128xf32, #tpu.memory_space<vmem_shared>>
    %dma_start3A_1025 = arith.constant 0 : i32
    %dma_start3A_1026 = tpu.memref_slice %arg22[%add3A_1022, %dma_start3A_1025] : memref<6144x128xf32, #tpu.memory_space<vmem_shared>> -> memref<64x128xf32, #tpu.memory_space<vmem_shared>>
    tpu.enqueue_dma source(%arg18 : memref<64x128xf32, #tpu.memory_space<vmem>>) target(%dma_start3A_1026 : memref<64x128xf32, #tpu.memory_space<vmem_shared>>) target_semaphore(%arg21 : memref<!tpu.dma_semaphore, #tpu.memory_space<semaphore_mem>>)
    %mul3A_1027 = arith.constant 384 : i32
    %mul3A_1028 = arith.muli %arg1, %mul3A_1027 : i32
    %add3A_1029 = arith.constant 320 : i32
    %add3A_1030 = arith.addi %mul3A_1028, %add3A_1029 : i32
    %dma_start3A_1031 = arith.constant 0 : i32
    %dma_start3A_1032 = tpu.memref_slice %arg22[%add3A_1030, %dma_start3A_1031] : memref<6144x128xf32, #tpu.memory_space<vmem_shared>> -> memref<64x128xf32, #tpu.memory_space<vmem_shared>>
    %dma_start3A_1033 = arith.constant 0 : i32
    %dma_start3A_1034 = tpu.memref_slice %arg22[%add3A_1030, %dma_start3A_1033] : memref<6144x128xf32, #tpu.memory_space<vmem_shared>> -> memref<64x128xf32, #tpu.memory_space<vmem_shared>>
    tpu.enqueue_dma source(%arg18 : memref<64x128xf32, #tpu.memory_space<vmem>>) target(%dma_start3A_1034 : memref<64x128xf32, #tpu.memory_space<vmem_shared>>) target_semaphore(%arg21 : memref<!tpu.dma_semaphore, #tpu.memory_space<semaphore_mem>>)
    %dma_wait3A_1035 = arith.constant 0 : i32
    %dma_wait3A_1036 = tpu.memref_slice %arg22[%add3A_990, %dma_wait3A_1035] : memref<6144x128xf32, #tpu.memory_space<vmem_shared>> -> memref<64x128xf32, #tpu.memory_space<vmem_shared>>
    %dma_wait3A_1037 = arith.constant 0 : i32
    %dma_wait3A_1038 = tpu.memref_slice %arg22[%add3A_990, %dma_wait3A_1037] : memref<6144x128xf32, #tpu.memory_space<vmem_shared>> -> memref<64x128xf32, #tpu.memory_space<vmem_shared>>
    tpu.wait_dma2 semaphore(%arg21 : memref<!tpu.dma_semaphore, #tpu.memory_space<semaphore_mem>>) src(%arg18 : memref<64x128xf32, #tpu.memory_space<vmem>>) dst(%dma_wait3A_1038 : memref<64x128xf32, #tpu.memory_space<vmem_shared>>)
    %dma_wait3A_1039 = arith.constant 0 : i32
    %dma_wait3A_1040 = tpu.memref_slice %arg22[%add3A_998, %dma_wait3A_1039] : memref<6144x128xf32, #tpu.memory_space<vmem_shared>> -> memref<64x128xf32, #tpu.memory_space<vmem_shared>>
    %dma_wait3A_1041 = arith.constant 0 : i32
    %dma_wait3A_1042 = tpu.memref_slice %arg22[%add3A_998, %dma_wait3A_1041] : memref<6144x128xf32, #tpu.memory_space<vmem_shared>> -> memref<64x128xf32, #tpu.memory_space<vmem_shared>>
    tpu.wait_dma2 semaphore(%arg21 : memref<!tpu.dma_semaphore, #tpu.memory_space<semaphore_mem>>) src(%arg18 : memref<64x128xf32, #tpu.memory_space<vmem>>) dst(%dma_wait3A_1042 : memref<64x128xf32, #tpu.memory_space<vmem_shared>>)
    %dma_wait3A_1043 = arith.constant 0 : i32
    %dma_wait3A_1044 = tpu.memref_slice %arg22[%add3A_1006, %dma_wait3A_1043] : memref<6144x128xf32, #tpu.memory_space<vmem_shared>> -> memref<64x128xf32, #tpu.memory_space<vmem_shared>>
    %dma_wait3A_1045 = arith.constant 0 : i32
    %dma_wait3A_1046 = tpu.memref_slice %arg22[%add3A_1006, %dma_wait3A_1045] : memref<6144x128xf32, #tpu.memory_space<vmem_shared>> -> memref<64x128xf32, #tpu.memory_space<vmem_shared>>
    tpu.wait_dma2 semaphore(%arg21 : memref<!tpu.dma_semaphore, #tpu.memory_space<semaphore_mem>>) src(%arg18 : memref<64x128xf32, #tpu.memory_space<vmem>>) dst(%dma_wait3A_1046 : memref<64x128xf32, #tpu.memory_space<vmem_shared>>)
    %dma_wait3A_1047 = arith.constant 0 : i32
    %dma_wait3A_1048 = tpu.memref_slice %arg22[%add3A_1014, %dma_wait3A_1047] : memref<6144x128xf32, #tpu.memory_space<vmem_shared>> -> memref<64x128xf32, #tpu.memory_space<vmem_shared>>
    %dma_wait3A_1049 = arith.constant 0 : i32
    %dma_wait3A_1050 = tpu.memref_slice %arg22[%add3A_1014, %dma_wait3A_1049] : memref<6144x128xf32, #tpu.memory_space<vmem_shared>> -> memref<64x128xf32, #tpu.memory_space<vmem_shared>>
    tpu.wait_dma2 semaphore(%arg21 : memref<!tpu.dma_semaphore, #tpu.memory_space<semaphore_mem>>) src(%arg18 : memref<64x128xf32, #tpu.memory_space<vmem>>) dst(%dma_wait3A_1050 : memref<64x128xf32, #tpu.memory_space<vmem_shared>>)
    %dma_wait3A_1051 = arith.constant 0 : i32
    %dma_wait3A_1052 = tpu.memref_slice %arg22[%add3A_1022, %dma_wait3A_1051] : memref<6144x128xf32, #tpu.memory_space<vmem_shared>> -> memref<64x128xf32, #tpu.memory_space<vmem_shared>>
    %dma_wait3A_1053 = arith.constant 0 : i32
    %dma_wait3A_1054 = tpu.memref_slice %arg22[%add3A_1022, %dma_wait3A_1053] : memref<6144x128xf32, #tpu.memory_space<vmem_shared>> -> memref<64x128xf32, #tpu.memory_space<vmem_shared>>
    tpu.wait_dma2 semaphore(%arg21 : memref<!tpu.dma_semaphore, #tpu.memory_space<semaphore_mem>>) src(%arg18 : memref<64x128xf32, #tpu.memory_space<vmem>>) dst(%dma_wait3A_1054 : memref<64x128xf32, #tpu.memory_space<vmem_shared>>)
    %dma_wait3A_1055 = arith.constant 0 : i32
    %dma_wait3A_1056 = tpu.memref_slice %arg22[%add3A_1030, %dma_wait3A_1055] : memref<6144x128xf32, #tpu.memory_space<vmem_shared>> -> memref<64x128xf32, #tpu.memory_space<vmem_shared>>
    %dma_wait3A_1057 = arith.constant 0 : i32
    %dma_wait3A_1058 = tpu.memref_slice %arg22[%add3A_1030, %dma_wait3A_1057] : memref<6144x128xf32, #tpu.memory_space<vmem_shared>> -> memref<64x128xf32, #tpu.memory_space<vmem_shared>>
    tpu.wait_dma2 semaphore(%arg21 : memref<!tpu.dma_semaphore, #tpu.memory_space<semaphore_mem>>) src(%arg18 : memref<64x128xf32, #tpu.memory_space<vmem>>) dst(%dma_wait3A_1058 : memref<64x128xf32, #tpu.memory_space<vmem_shared>>)
    %barrier3A_1059 = arith.constant 0 : index
    tpu.barrier barrier_id(%barrier3A_1059)
    %dma_wait3A_1060 = arith.constant 512 : i32
    %dma_wait3A_1061 = tpu.memref_slice %arg2[%arg0, %add3A_933, %dma_wait3A_1060] : memref<2x8192x768xf32, #tpu.memory_space<hbm>> -> memref<1x128x128xf32, #tpu.memory_space<hbm>>
    %dma_wait3A_1062 = tpu.memref_squeeze %dma_wait3A_1061 : memref<1x128x128xf32, #tpu.memory_space<hbm>> -> memref<128x128xf32, #tpu.memory_space<hbm>>
    %dma_wait3A_1063 = arith.constant 512 : i32
    %dma_wait3A_1064 = tpu.memref_slice %arg2[%arg0, %add3A_933, %dma_wait3A_1063] : memref<2x8192x768xf32, #tpu.memory_space<hbm>> -> memref<1x128x128xf32, #tpu.memory_space<hbm>>
    %dma_wait3A_1065 = tpu.memref_squeeze %dma_wait3A_1064 : memref<1x128x128xf32, #tpu.memory_space<hbm>> -> memref<128x128xf32, #tpu.memory_space<hbm>>
    tpu.wait_dma2 semaphore(%arg19 : memref<!tpu.dma_semaphore, #tpu.memory_space<semaphore_mem>>) src(%dma_wait3A_1065 : memref<128x128xf32, #tpu.memory_space<hbm>>) dst(%arg16 : memref<128x128xf32, #tpu.memory_space<vmem>>)
    %mul3A_1066 = arith.constant 4 : i32
    %mul3A_1067 = arith.muli %arg1, %mul3A_1066 : i32
    %add3A_1068 = arith.constant 0 : i32
    %add3A_1069 = arith.addi %mul3A_1067, %add3A_1068 : i32
    %dma_start3A_1070 = arith.constant 0 : i32
    %dma_start3A_1071 = tpu.memref_slice %arg14[%add3A_1069, %dma_start3A_1070] : memref<64x128xi32, #tpu.memory_space<vmem>> -> memref<1x128xi32, #tpu.memory_space<vmem>>
    %dma_start3A_1072 = tpu.memref_squeeze %dma_start3A_1071 : memref<1x128xi32, #tpu.memory_space<vmem>> -> memref<128xi32, #tpu.memory_space<vmem>>
    %dma_start3A_1073 = arith.constant 0 : i32
    %dma_start3A_1074 = arith.constant 0 : i32
    %dma_start3A_1075 = tpu.memref_slice %arg22[%dma_start3A_1073, %dma_start3A_1074] : memref<6144x128xf32, #tpu.memory_space<vmem_shared>> -> memref<6144x128xf32, #tpu.memory_space<vmem_shared>>
    tpu.enqueue_indirect_dma source(%arg16 : memref<128x128xf32, #tpu.memory_space<vmem>>) target(%dma_start3A_1075 : memref<6144x128xf32, #tpu.memory_space<vmem_shared>>) offsets(%dma_start3A_1072 : memref<128xi32, #tpu.memory_space<vmem>>) semaphore(%arg20 : memref<!tpu.dma_semaphore, #tpu.memory_space<semaphore_mem>>) {add = true}
    %dma_wait3A_1076 = arith.constant 0 : i32
    %dma_wait3A_1077 = tpu.memref_slice %arg14[%add3A_1069, %dma_wait3A_1076] : memref<64x128xi32, #tpu.memory_space<vmem>> -> memref<1x128xi32, #tpu.memory_space<vmem>>
    %dma_wait3A_1078 = tpu.memref_squeeze %dma_wait3A_1077 : memref<1x128xi32, #tpu.memory_space<vmem>> -> memref<128xi32, #tpu.memory_space<vmem>>
    %dma_wait3A_1079 = arith.constant 0 : i32
    %dma_wait3A_1080 = arith.constant 0 : i32
    %dma_wait3A_1081 = tpu.memref_slice %arg22[%dma_wait3A_1079, %dma_wait3A_1080] : memref<6144x128xf32, #tpu.memory_space<vmem_shared>> -> memref<6144x128xf32, #tpu.memory_space<vmem_shared>>
    tpu.wait_indirect_dma semaphore(%arg20 : memref<!tpu.dma_semaphore, #tpu.memory_space<semaphore_mem>>) src(%arg16 : memref<128x128xf32, #tpu.memory_space<vmem>>) dst(%dma_wait3A_1081 : memref<6144x128xf32, #tpu.memory_space<vmem_shared>>)
    %mul3A_1082 = arith.constant 512 : i32
    %mul3A_1083 = arith.muli %arg1, %mul3A_1082 : i32
    %add3A_1084 = arith.constant 256 : i32
    %add3A_1085 = arith.addi %mul3A_1083, %add3A_1084 : i32
    %dma_start3A_1086 = arith.constant 512 : i32
    %dma_start3A_1087 = tpu.memref_slice %arg2[%arg0, %add3A_1085, %dma_start3A_1086] : memref<2x8192x768xf32, #tpu.memory_space<hbm>> -> memref<1x128x128xf32, #tpu.memory_space<hbm>>
    %dma_start3A_1088 = tpu.memref_squeeze %dma_start3A_1087 : memref<1x128x128xf32, #tpu.memory_space<hbm>> -> memref<128x128xf32, #tpu.memory_space<hbm>>
    %dma_start3A_1089 = arith.constant 512 : i32
    %dma_start3A_1090 = tpu.memref_slice %arg2[%arg0, %add3A_1085, %dma_start3A_1089] : memref<2x8192x768xf32, #tpu.memory_space<hbm>> -> memref<1x128x128xf32, #tpu.memory_space<hbm>>
    %dma_start3A_1091 = tpu.memref_squeeze %dma_start3A_1090 : memref<1x128x128xf32, #tpu.memory_space<hbm>> -> memref<128x128xf32, #tpu.memory_space<hbm>>
    tpu.enqueue_dma source(%dma_start3A_1091 : memref<128x128xf32, #tpu.memory_space<hbm>>) target(%arg16 : memref<128x128xf32, #tpu.memory_space<vmem>>) target_semaphore(%arg19 : memref<!tpu.dma_semaphore, #tpu.memory_space<semaphore_mem>>)
    %dma_wait3A_1092 = arith.constant 512 : i32
    %dma_wait3A_1093 = tpu.memref_slice %arg2[%arg0, %add3A_965, %dma_wait3A_1092] : memref<2x8192x768xf32, #tpu.memory_space<hbm>> -> memref<1x128x128xf32, #tpu.memory_space<hbm>>
    %dma_wait3A_1094 = tpu.memref_squeeze %dma_wait3A_1093 : memref<1x128x128xf32, #tpu.memory_space<hbm>> -> memref<128x128xf32, #tpu.memory_space<hbm>>
    %dma_wait3A_1095 = arith.constant 512 : i32
    %dma_wait3A_1096 = tpu.memref_slice %arg2[%arg0, %add3A_965, %dma_wait3A_1095] : memref<2x8192x768xf32, #tpu.memory_space<hbm>> -> memref<1x128x128xf32, #tpu.memory_space<hbm>>
    %dma_wait3A_1097 = tpu.memref_squeeze %dma_wait3A_1096 : memref<1x128x128xf32, #tpu.memory_space<hbm>> -> memref<128x128xf32, #tpu.memory_space<hbm>>
    tpu.wait_dma2 semaphore(%arg19 : memref<!tpu.dma_semaphore, #tpu.memory_space<semaphore_mem>>) src(%dma_wait3A_1097 : memref<128x128xf32, #tpu.memory_space<hbm>>) dst(%arg17 : memref<128x128xf32, #tpu.memory_space<vmem>>)
    %mul3A_1098 = arith.constant 4 : i32
    %mul3A_1099 = arith.muli %arg1, %mul3A_1098 : i32
    %add3A_1100 = arith.constant 1 : i32
    %add3A_1101 = arith.addi %mul3A_1099, %add3A_1100 : i32
    %dma_start3A_1102 = arith.constant 0 : i32
    %dma_start3A_1103 = tpu.memref_slice %arg14[%add3A_1101, %dma_start3A_1102] : memref<64x128xi32, #tpu.memory_space<vmem>> -> memref<1x128xi32, #tpu.memory_space<vmem>>
    %dma_start3A_1104 = tpu.memref_squeeze %dma_start3A_1103 : memref<1x128xi32, #tpu.memory_space<vmem>> -> memref<128xi32, #tpu.memory_space<vmem>>
    %dma_start3A_1105 = arith.constant 0 : i32
    %dma_start3A_1106 = arith.constant 0 : i32
    %dma_start3A_1107 = tpu.memref_slice %arg22[%dma_start3A_1105, %dma_start3A_1106] : memref<6144x128xf32, #tpu.memory_space<vmem_shared>> -> memref<6144x128xf32, #tpu.memory_space<vmem_shared>>
    tpu.enqueue_indirect_dma source(%arg17 : memref<128x128xf32, #tpu.memory_space<vmem>>) target(%dma_start3A_1107 : memref<6144x128xf32, #tpu.memory_space<vmem_shared>>) offsets(%dma_start3A_1104 : memref<128xi32, #tpu.memory_space<vmem>>) semaphore(%arg20 : memref<!tpu.dma_semaphore, #tpu.memory_space<semaphore_mem>>) {add = true}
    %dma_wait3A_1108 = arith.constant 0 : i32
    %dma_wait3A_1109 = tpu.memref_slice %arg14[%add3A_1101, %dma_wait3A_1108] : memref<64x128xi32, #tpu.memory_space<vmem>> -> memref<1x128xi32, #tpu.memory_space<vmem>>
    %dma_wait3A_1110 = tpu.memref_squeeze %dma_wait3A_1109 : memref<1x128xi32, #tpu.memory_space<vmem>> -> memref<128xi32, #tpu.memory_space<vmem>>
    %dma_wait3A_1111 = arith.constant 0 : i32
    %dma_wait3A_1112 = arith.constant 0 : i32
    %dma_wait3A_1113 = tpu.memref_slice %arg22[%dma_wait3A_1111, %dma_wait3A_1112] : memref<6144x128xf32, #tpu.memory_space<vmem_shared>> -> memref<6144x128xf32, #tpu.memory_space<vmem_shared>>
    tpu.wait_indirect_dma semaphore(%arg20 : memref<!tpu.dma_semaphore, #tpu.memory_space<semaphore_mem>>) src(%arg17 : memref<128x128xf32, #tpu.memory_space<vmem>>) dst(%dma_wait3A_1113 : memref<6144x128xf32, #tpu.memory_space<vmem_shared>>)
    %mul3A_1114 = arith.constant 512 : i32
    %mul3A_1115 = arith.muli %arg1, %mul3A_1114 : i32
    %add3A_1116 = arith.constant 384 : i32
    %add3A_1117 = arith.addi %mul3A_1115, %add3A_1116 : i32
    %dma_start3A_1118 = arith.constant 512 : i32
    %dma_start3A_1119 = tpu.memref_slice %arg2[%arg0, %add3A_1117, %dma_start3A_1118] : memref<2x8192x768xf32, #tpu.memory_space<hbm>> -> memref<1x128x128xf32, #tpu.memory_space<hbm>>
    %dma_start3A_1120 = tpu.memref_squeeze %dma_start3A_1119 : memref<1x128x128xf32, #tpu.memory_space<hbm>> -> memref<128x128xf32, #tpu.memory_space<hbm>>
    %dma_start3A_1121 = arith.constant 512 : i32
    %dma_start3A_1122 = tpu.memref_slice %arg2[%arg0, %add3A_1117, %dma_start3A_1121] : memref<2x8192x768xf32, #tpu.memory_space<hbm>> -> memref<1x128x128xf32, #tpu.memory_space<hbm>>
    %dma_start3A_1123 = tpu.memref_squeeze %dma_start3A_1122 : memref<1x128x128xf32, #tpu.memory_space<hbm>> -> memref<128x128xf32, #tpu.memory_space<hbm>>
    tpu.enqueue_dma source(%dma_start3A_1123 : memref<128x128xf32, #tpu.memory_space<hbm>>) target(%arg17 : memref<128x128xf32, #tpu.memory_space<vmem>>) target_semaphore(%arg19 : memref<!tpu.dma_semaphore, #tpu.memory_space<semaphore_mem>>)
    %dma_wait3A_1124 = arith.constant 512 : i32
    %dma_wait3A_1125 = tpu.memref_slice %arg2[%arg0, %add3A_1085, %dma_wait3A_1124] : memref<2x8192x768xf32, #tpu.memory_space<hbm>> -> memref<1x128x128xf32, #tpu.memory_space<hbm>>
    %dma_wait3A_1126 = tpu.memref_squeeze %dma_wait3A_1125 : memref<1x128x128xf32, #tpu.memory_space<hbm>> -> memref<128x128xf32, #tpu.memory_space<hbm>>
    %dma_wait3A_1127 = arith.constant 512 : i32
    %dma_wait3A_1128 = tpu.memref_slice %arg2[%arg0, %add3A_1085, %dma_wait3A_1127] : memref<2x8192x768xf32, #tpu.memory_space<hbm>> -> memref<1x128x128xf32, #tpu.memory_space<hbm>>
    %dma_wait3A_1129 = tpu.memref_squeeze %dma_wait3A_1128 : memref<1x128x128xf32, #tpu.memory_space<hbm>> -> memref<128x128xf32, #tpu.memory_space<hbm>>
    tpu.wait_dma2 semaphore(%arg19 : memref<!tpu.dma_semaphore, #tpu.memory_space<semaphore_mem>>) src(%dma_wait3A_1129 : memref<128x128xf32, #tpu.memory_space<hbm>>) dst(%arg16 : memref<128x128xf32, #tpu.memory_space<vmem>>)
    %mul3A_1130 = arith.constant 4 : i32
    %mul3A_1131 = arith.muli %arg1, %mul3A_1130 : i32
    %add3A_1132 = arith.constant 2 : i32
    %add3A_1133 = arith.addi %mul3A_1131, %add3A_1132 : i32
    %dma_start3A_1134 = arith.constant 0 : i32
    %dma_start3A_1135 = tpu.memref_slice %arg14[%add3A_1133, %dma_start3A_1134] : memref<64x128xi32, #tpu.memory_space<vmem>> -> memref<1x128xi32, #tpu.memory_space<vmem>>
    %dma_start3A_1136 = tpu.memref_squeeze %dma_start3A_1135 : memref<1x128xi32, #tpu.memory_space<vmem>> -> memref<128xi32, #tpu.memory_space<vmem>>
    %dma_start3A_1137 = arith.constant 0 : i32
    %dma_start3A_1138 = arith.constant 0 : i32
    %dma_start3A_1139 = tpu.memref_slice %arg22[%dma_start3A_1137, %dma_start3A_1138] : memref<6144x128xf32, #tpu.memory_space<vmem_shared>> -> memref<6144x128xf32, #tpu.memory_space<vmem_shared>>
    tpu.enqueue_indirect_dma source(%arg16 : memref<128x128xf32, #tpu.memory_space<vmem>>) target(%dma_start3A_1139 : memref<6144x128xf32, #tpu.memory_space<vmem_shared>>) offsets(%dma_start3A_1136 : memref<128xi32, #tpu.memory_space<vmem>>) semaphore(%arg20 : memref<!tpu.dma_semaphore, #tpu.memory_space<semaphore_mem>>) {add = true}
    %dma_wait3A_1140 = arith.constant 0 : i32
    %dma_wait3A_1141 = tpu.memref_slice %arg14[%add3A_1133, %dma_wait3A_1140] : memref<64x128xi32, #tpu.memory_space<vmem>> -> memref<1x128xi32, #tpu.memory_space<vmem>>
    %dma_wait3A_1142 = tpu.memref_squeeze %dma_wait3A_1141 : memref<1x128xi32, #tpu.memory_space<vmem>> -> memref<128xi32, #tpu.memory_space<vmem>>
    %dma_wait3A_1143 = arith.constant 0 : i32
    %dma_wait3A_1144 = arith.constant 0 : i32
    %dma_wait3A_1145 = tpu.memref_slice %arg22[%dma_wait3A_1143, %dma_wait3A_1144] : memref<6144x128xf32, #tpu.memory_space<vmem_shared>> -> memref<6144x128xf32, #tpu.memory_space<vmem_shared>>
    tpu.wait_indirect_dma semaphore(%arg20 : memref<!tpu.dma_semaphore, #tpu.memory_space<semaphore_mem>>) src(%arg16 : memref<128x128xf32, #tpu.memory_space<vmem>>) dst(%dma_wait3A_1145 : memref<6144x128xf32, #tpu.memory_space<vmem_shared>>)
    %mul3A_1146 = arith.constant 512 : i32
    %mul3A_1147 = arith.muli %arg1, %mul3A_1146 : i32
    %add3A_1148 = arith.constant 0 : i32
    %add3A_1149 = arith.addi %mul3A_1147, %add3A_1148 : i32
    %dma_start3A_1150 = arith.constant 640 : i32
    %dma_start3A_1151 = tpu.memref_slice %arg2[%arg0, %add3A_1149, %dma_start3A_1150] : memref<2x8192x768xf32, #tpu.memory_space<hbm>> -> memref<1x128x128xf32, #tpu.memory_space<hbm>>
    %dma_start3A_1152 = tpu.memref_squeeze %dma_start3A_1151 : memref<1x128x128xf32, #tpu.memory_space<hbm>> -> memref<128x128xf32, #tpu.memory_space<hbm>>
    %dma_start3A_1153 = arith.constant 640 : i32
    %dma_start3A_1154 = tpu.memref_slice %arg2[%arg0, %add3A_1149, %dma_start3A_1153] : memref<2x8192x768xf32, #tpu.memory_space<hbm>> -> memref<1x128x128xf32, #tpu.memory_space<hbm>>
    %dma_start3A_1155 = tpu.memref_squeeze %dma_start3A_1154 : memref<1x128x128xf32, #tpu.memory_space<hbm>> -> memref<128x128xf32, #tpu.memory_space<hbm>>
    tpu.enqueue_dma source(%dma_start3A_1155 : memref<128x128xf32, #tpu.memory_space<hbm>>) target(%arg16 : memref<128x128xf32, #tpu.memory_space<vmem>>) target_semaphore(%arg19 : memref<!tpu.dma_semaphore, #tpu.memory_space<semaphore_mem>>)
    %dma_wait3A_1156 = arith.constant 512 : i32
    %dma_wait3A_1157 = tpu.memref_slice %arg2[%arg0, %add3A_1117, %dma_wait3A_1156] : memref<2x8192x768xf32, #tpu.memory_space<hbm>> -> memref<1x128x128xf32, #tpu.memory_space<hbm>>
    %dma_wait3A_1158 = tpu.memref_squeeze %dma_wait3A_1157 : memref<1x128x128xf32, #tpu.memory_space<hbm>> -> memref<128x128xf32, #tpu.memory_space<hbm>>
    %dma_wait3A_1159 = arith.constant 512 : i32
    %dma_wait3A_1160 = tpu.memref_slice %arg2[%arg0, %add3A_1117, %dma_wait3A_1159] : memref<2x8192x768xf32, #tpu.memory_space<hbm>> -> memref<1x128x128xf32, #tpu.memory_space<hbm>>
    %dma_wait3A_1161 = tpu.memref_squeeze %dma_wait3A_1160 : memref<1x128x128xf32, #tpu.memory_space<hbm>> -> memref<128x128xf32, #tpu.memory_space<hbm>>
    tpu.wait_dma2 semaphore(%arg19 : memref<!tpu.dma_semaphore, #tpu.memory_space<semaphore_mem>>) src(%dma_wait3A_1161 : memref<128x128xf32, #tpu.memory_space<hbm>>) dst(%arg17 : memref<128x128xf32, #tpu.memory_space<vmem>>)
    %mul3A_1162 = arith.constant 4 : i32
    %mul3A_1163 = arith.muli %arg1, %mul3A_1162 : i32
    %add3A_1164 = arith.constant 3 : i32
    %add3A_1165 = arith.addi %mul3A_1163, %add3A_1164 : i32
    %dma_start3A_1166 = arith.constant 0 : i32
    %dma_start3A_1167 = tpu.memref_slice %arg14[%add3A_1165, %dma_start3A_1166] : memref<64x128xi32, #tpu.memory_space<vmem>> -> memref<1x128xi32, #tpu.memory_space<vmem>>
    %dma_start3A_1168 = tpu.memref_squeeze %dma_start3A_1167 : memref<1x128xi32, #tpu.memory_space<vmem>> -> memref<128xi32, #tpu.memory_space<vmem>>
    %dma_start3A_1169 = arith.constant 0 : i32
    %dma_start3A_1170 = arith.constant 0 : i32
    %dma_start3A_1171 = tpu.memref_slice %arg22[%dma_start3A_1169, %dma_start3A_1170] : memref<6144x128xf32, #tpu.memory_space<vmem_shared>> -> memref<6144x128xf32, #tpu.memory_space<vmem_shared>>
    tpu.enqueue_indirect_dma source(%arg17 : memref<128x128xf32, #tpu.memory_space<vmem>>) target(%dma_start3A_1171 : memref<6144x128xf32, #tpu.memory_space<vmem_shared>>) offsets(%dma_start3A_1168 : memref<128xi32, #tpu.memory_space<vmem>>) semaphore(%arg20 : memref<!tpu.dma_semaphore, #tpu.memory_space<semaphore_mem>>) {add = true}
    %dma_wait3A_1172 = arith.constant 0 : i32
    %dma_wait3A_1173 = tpu.memref_slice %arg14[%add3A_1165, %dma_wait3A_1172] : memref<64x128xi32, #tpu.memory_space<vmem>> -> memref<1x128xi32, #tpu.memory_space<vmem>>
    %dma_wait3A_1174 = tpu.memref_squeeze %dma_wait3A_1173 : memref<1x128xi32, #tpu.memory_space<vmem>> -> memref<128xi32, #tpu.memory_space<vmem>>
    %dma_wait3A_1175 = arith.constant 0 : i32
    %dma_wait3A_1176 = arith.constant 0 : i32
    %dma_wait3A_1177 = tpu.memref_slice %arg22[%dma_wait3A_1175, %dma_wait3A_1176] : memref<6144x128xf32, #tpu.memory_space<vmem_shared>> -> memref<6144x128xf32, #tpu.memory_space<vmem_shared>>
    tpu.wait_indirect_dma semaphore(%arg20 : memref<!tpu.dma_semaphore, #tpu.memory_space<semaphore_mem>>) src(%arg17 : memref<128x128xf32, #tpu.memory_space<vmem>>) dst(%dma_wait3A_1177 : memref<6144x128xf32, #tpu.memory_space<vmem_shared>>)
    %mul3A_1178 = arith.constant 512 : i32
    %mul3A_1179 = arith.muli %arg1, %mul3A_1178 : i32
    %add3A_1180 = arith.constant 128 : i32
    %add3A_1181 = arith.addi %mul3A_1179, %add3A_1180 : i32
    %dma_start3A_1182 = arith.constant 640 : i32
    %dma_start3A_1183 = tpu.memref_slice %arg2[%arg0, %add3A_1181, %dma_start3A_1182] : memref<2x8192x768xf32, #tpu.memory_space<hbm>> -> memref<1x128x128xf32, #tpu.memory_space<hbm>>
    %dma_start3A_1184 = tpu.memref_squeeze %dma_start3A_1183 : memref<1x128x128xf32, #tpu.memory_space<hbm>> -> memref<128x128xf32, #tpu.memory_space<hbm>>
    %dma_start3A_1185 = arith.constant 640 : i32
    %dma_start3A_1186 = tpu.memref_slice %arg2[%arg0, %add3A_1181, %dma_start3A_1185] : memref<2x8192x768xf32, #tpu.memory_space<hbm>> -> memref<1x128x128xf32, #tpu.memory_space<hbm>>
    %dma_start3A_1187 = tpu.memref_squeeze %dma_start3A_1186 : memref<1x128x128xf32, #tpu.memory_space<hbm>> -> memref<128x128xf32, #tpu.memory_space<hbm>>
    tpu.enqueue_dma source(%dma_start3A_1187 : memref<128x128xf32, #tpu.memory_space<hbm>>) target(%arg17 : memref<128x128xf32, #tpu.memory_space<vmem>>) target_semaphore(%arg19 : memref<!tpu.dma_semaphore, #tpu.memory_space<semaphore_mem>>)
    %barrier3A_1188 = arith.constant 0 : index
    tpu.barrier barrier_id(%barrier3A_1188)
    %mul3A_1189 = arith.constant 384 : i32
    %mul3A_1190 = arith.muli %arg1, %mul3A_1189 : i32
    %mul3A_1191 = arith.constant 384 : i32
    %mul3A_1192 = arith.muli %arg1, %mul3A_1191 : i32
    %dma_start3A_1193 = arith.constant 512 : i32
    %dma_start3A_1194 = tpu.memref_slice %arg7[%arg0, %mul3A_1192, %dma_start3A_1193] : memref<2x6144x768xf32, #tpu.memory_space<hbm>> -> memref<1x384x128xf32, #tpu.memory_space<hbm>>
    %dma_start3A_1195 = tpu.memref_squeeze %dma_start3A_1194 : memref<1x384x128xf32, #tpu.memory_space<hbm>> -> memref<384x128xf32, #tpu.memory_space<hbm>>
    %dma_start3A_1196 = arith.constant 0 : i32
    %dma_start3A_1197 = tpu.memref_slice %arg22[%mul3A_1190, %dma_start3A_1196] : memref<6144x128xf32, #tpu.memory_space<vmem_shared>> -> memref<384x128xf32, #tpu.memory_space<vmem_shared>>
    tpu.enqueue_dma source(%dma_start3A_1197 : memref<384x128xf32, #tpu.memory_space<vmem_shared>>) target(%dma_start3A_1195 : memref<384x128xf32, #tpu.memory_space<hbm>>) target_semaphore(%arg21 : memref<!tpu.dma_semaphore, #tpu.memory_space<semaphore_mem>>)
    %dma_wait3A_1198 = arith.constant 512 : i32
    %dma_wait3A_1199 = tpu.memref_slice %arg7[%arg0, %mul3A_1192, %dma_wait3A_1198] : memref<2x6144x768xf32, #tpu.memory_space<hbm>> -> memref<1x384x128xf32, #tpu.memory_space<hbm>>
    %dma_wait3A_1200 = tpu.memref_squeeze %dma_wait3A_1199 : memref<1x384x128xf32, #tpu.memory_space<hbm>> -> memref<384x128xf32, #tpu.memory_space<hbm>>
    %dma_wait3A_1201 = arith.constant 0 : i32
    %dma_wait3A_1202 = tpu.memref_slice %arg22[%mul3A_1190, %dma_wait3A_1201] : memref<6144x128xf32, #tpu.memory_space<vmem_shared>> -> memref<384x128xf32, #tpu.memory_space<vmem_shared>>
    tpu.wait_dma2 semaphore(%arg21 : memref<!tpu.dma_semaphore, #tpu.memory_space<semaphore_mem>>) src(%dma_wait3A_1202 : memref<384x128xf32, #tpu.memory_space<vmem_shared>>) dst(%dma_wait3A_1200 : memref<384x128xf32, #tpu.memory_space<hbm>>)
    %mul3A_1203 = arith.constant 384 : i32
    %mul3A_1204 = arith.muli %arg1, %mul3A_1203 : i32
    %add3A_1205 = arith.constant 0 : i32
    %add3A_1206 = arith.addi %mul3A_1204, %add3A_1205 : i32
    %dma_start3A_1207 = arith.constant 0 : i32
    %dma_start3A_1208 = tpu.memref_slice %arg22[%add3A_1206, %dma_start3A_1207] : memref<6144x128xf32, #tpu.memory_space<vmem_shared>> -> memref<64x128xf32, #tpu.memory_space<vmem_shared>>
    %dma_start3A_1209 = arith.constant 0 : i32
    %dma_start3A_1210 = tpu.memref_slice %arg22[%add3A_1206, %dma_start3A_1209] : memref<6144x128xf32, #tpu.memory_space<vmem_shared>> -> memref<64x128xf32, #tpu.memory_space<vmem_shared>>
    tpu.enqueue_dma source(%arg18 : memref<64x128xf32, #tpu.memory_space<vmem>>) target(%dma_start3A_1210 : memref<64x128xf32, #tpu.memory_space<vmem_shared>>) target_semaphore(%arg21 : memref<!tpu.dma_semaphore, #tpu.memory_space<semaphore_mem>>)
    %mul3A_1211 = arith.constant 384 : i32
    %mul3A_1212 = arith.muli %arg1, %mul3A_1211 : i32
    %add3A_1213 = arith.constant 64 : i32
    %add3A_1214 = arith.addi %mul3A_1212, %add3A_1213 : i32
    %dma_start3A_1215 = arith.constant 0 : i32
    %dma_start3A_1216 = tpu.memref_slice %arg22[%add3A_1214, %dma_start3A_1215] : memref<6144x128xf32, #tpu.memory_space<vmem_shared>> -> memref<64x128xf32, #tpu.memory_space<vmem_shared>>
    %dma_start3A_1217 = arith.constant 0 : i32
    %dma_start3A_1218 = tpu.memref_slice %arg22[%add3A_1214, %dma_start3A_1217] : memref<6144x128xf32, #tpu.memory_space<vmem_shared>> -> memref<64x128xf32, #tpu.memory_space<vmem_shared>>
    tpu.enqueue_dma source(%arg18 : memref<64x128xf32, #tpu.memory_space<vmem>>) target(%dma_start3A_1218 : memref<64x128xf32, #tpu.memory_space<vmem_shared>>) target_semaphore(%arg21 : memref<!tpu.dma_semaphore, #tpu.memory_space<semaphore_mem>>)
    %mul3A_1219 = arith.constant 384 : i32
    %mul3A_1220 = arith.muli %arg1, %mul3A_1219 : i32
    %add3A_1221 = arith.constant 128 : i32
    %add3A_1222 = arith.addi %mul3A_1220, %add3A_1221 : i32
    %dma_start3A_1223 = arith.constant 0 : i32
    %dma_start3A_1224 = tpu.memref_slice %arg22[%add3A_1222, %dma_start3A_1223] : memref<6144x128xf32, #tpu.memory_space<vmem_shared>> -> memref<64x128xf32, #tpu.memory_space<vmem_shared>>
    %dma_start3A_1225 = arith.constant 0 : i32
    %dma_start3A_1226 = tpu.memref_slice %arg22[%add3A_1222, %dma_start3A_1225] : memref<6144x128xf32, #tpu.memory_space<vmem_shared>> -> memref<64x128xf32, #tpu.memory_space<vmem_shared>>
    tpu.enqueue_dma source(%arg18 : memref<64x128xf32, #tpu.memory_space<vmem>>) target(%dma_start3A_1226 : memref<64x128xf32, #tpu.memory_space<vmem_shared>>) target_semaphore(%arg21 : memref<!tpu.dma_semaphore, #tpu.memory_space<semaphore_mem>>)
    %mul3A_1227 = arith.constant 384 : i32
    %mul3A_1228 = arith.muli %arg1, %mul3A_1227 : i32
    %add3A_1229 = arith.constant 192 : i32
    %add3A_1230 = arith.addi %mul3A_1228, %add3A_1229 : i32
    %dma_start3A_1231 = arith.constant 0 : i32
    %dma_start3A_1232 = tpu.memref_slice %arg22[%add3A_1230, %dma_start3A_1231] : memref<6144x128xf32, #tpu.memory_space<vmem_shared>> -> memref<64x128xf32, #tpu.memory_space<vmem_shared>>
    %dma_start3A_1233 = arith.constant 0 : i32
    %dma_start3A_1234 = tpu.memref_slice %arg22[%add3A_1230, %dma_start3A_1233] : memref<6144x128xf32, #tpu.memory_space<vmem_shared>> -> memref<64x128xf32, #tpu.memory_space<vmem_shared>>
    tpu.enqueue_dma source(%arg18 : memref<64x128xf32, #tpu.memory_space<vmem>>) target(%dma_start3A_1234 : memref<64x128xf32, #tpu.memory_space<vmem_shared>>) target_semaphore(%arg21 : memref<!tpu.dma_semaphore, #tpu.memory_space<semaphore_mem>>)
    %mul3A_1235 = arith.constant 384 : i32
    %mul3A_1236 = arith.muli %arg1, %mul3A_1235 : i32
    %add3A_1237 = arith.constant 256 : i32
    %add3A_1238 = arith.addi %mul3A_1236, %add3A_1237 : i32
    %dma_start3A_1239 = arith.constant 0 : i32
    %dma_start3A_1240 = tpu.memref_slice %arg22[%add3A_1238, %dma_start3A_1239] : memref<6144x128xf32, #tpu.memory_space<vmem_shared>> -> memref<64x128xf32, #tpu.memory_space<vmem_shared>>
    %dma_start3A_1241 = arith.constant 0 : i32
    %dma_start3A_1242 = tpu.memref_slice %arg22[%add3A_1238, %dma_start3A_1241] : memref<6144x128xf32, #tpu.memory_space<vmem_shared>> -> memref<64x128xf32, #tpu.memory_space<vmem_shared>>
    tpu.enqueue_dma source(%arg18 : memref<64x128xf32, #tpu.memory_space<vmem>>) target(%dma_start3A_1242 : memref<64x128xf32, #tpu.memory_space<vmem_shared>>) target_semaphore(%arg21 : memref<!tpu.dma_semaphore, #tpu.memory_space<semaphore_mem>>)
    %mul3A_1243 = arith.constant 384 : i32
    %mul3A_1244 = arith.muli %arg1, %mul3A_1243 : i32
    %add3A_1245 = arith.constant 320 : i32
    %add3A_1246 = arith.addi %mul3A_1244, %add3A_1245 : i32
    %dma_start3A_1247 = arith.constant 0 : i32
    %dma_start3A_1248 = tpu.memref_slice %arg22[%add3A_1246, %dma_start3A_1247] : memref<6144x128xf32, #tpu.memory_space<vmem_shared>> -> memref<64x128xf32, #tpu.memory_space<vmem_shared>>
    %dma_start3A_1249 = arith.constant 0 : i32
    %dma_start3A_1250 = tpu.memref_slice %arg22[%add3A_1246, %dma_start3A_1249] : memref<6144x128xf32, #tpu.memory_space<vmem_shared>> -> memref<64x128xf32, #tpu.memory_space<vmem_shared>>
    tpu.enqueue_dma source(%arg18 : memref<64x128xf32, #tpu.memory_space<vmem>>) target(%dma_start3A_1250 : memref<64x128xf32, #tpu.memory_space<vmem_shared>>) target_semaphore(%arg21 : memref<!tpu.dma_semaphore, #tpu.memory_space<semaphore_mem>>)
    %dma_wait3A_1251 = arith.constant 0 : i32
    %dma_wait3A_1252 = tpu.memref_slice %arg22[%add3A_1206, %dma_wait3A_1251] : memref<6144x128xf32, #tpu.memory_space<vmem_shared>> -> memref<64x128xf32, #tpu.memory_space<vmem_shared>>
    %dma_wait3A_1253 = arith.constant 0 : i32
    %dma_wait3A_1254 = tpu.memref_slice %arg22[%add3A_1206, %dma_wait3A_1253] : memref<6144x128xf32, #tpu.memory_space<vmem_shared>> -> memref<64x128xf32, #tpu.memory_space<vmem_shared>>
    tpu.wait_dma2 semaphore(%arg21 : memref<!tpu.dma_semaphore, #tpu.memory_space<semaphore_mem>>) src(%arg18 : memref<64x128xf32, #tpu.memory_space<vmem>>) dst(%dma_wait3A_1254 : memref<64x128xf32, #tpu.memory_space<vmem_shared>>)
    %dma_wait3A_1255 = arith.constant 0 : i32
    %dma_wait3A_1256 = tpu.memref_slice %arg22[%add3A_1214, %dma_wait3A_1255] : memref<6144x128xf32, #tpu.memory_space<vmem_shared>> -> memref<64x128xf32, #tpu.memory_space<vmem_shared>>
    %dma_wait3A_1257 = arith.constant 0 : i32
    %dma_wait3A_1258 = tpu.memref_slice %arg22[%add3A_1214, %dma_wait3A_1257] : memref<6144x128xf32, #tpu.memory_space<vmem_shared>> -> memref<64x128xf32, #tpu.memory_space<vmem_shared>>
    tpu.wait_dma2 semaphore(%arg21 : memref<!tpu.dma_semaphore, #tpu.memory_space<semaphore_mem>>) src(%arg18 : memref<64x128xf32, #tpu.memory_space<vmem>>) dst(%dma_wait3A_1258 : memref<64x128xf32, #tpu.memory_space<vmem_shared>>)
    %dma_wait3A_1259 = arith.constant 0 : i32
    %dma_wait3A_1260 = tpu.memref_slice %arg22[%add3A_1222, %dma_wait3A_1259] : memref<6144x128xf32, #tpu.memory_space<vmem_shared>> -> memref<64x128xf32, #tpu.memory_space<vmem_shared>>
    %dma_wait3A_1261 = arith.constant 0 : i32
    %dma_wait3A_1262 = tpu.memref_slice %arg22[%add3A_1222, %dma_wait3A_1261] : memref<6144x128xf32, #tpu.memory_space<vmem_shared>> -> memref<64x128xf32, #tpu.memory_space<vmem_shared>>
    tpu.wait_dma2 semaphore(%arg21 : memref<!tpu.dma_semaphore, #tpu.memory_space<semaphore_mem>>) src(%arg18 : memref<64x128xf32, #tpu.memory_space<vmem>>) dst(%dma_wait3A_1262 : memref<64x128xf32, #tpu.memory_space<vmem_shared>>)
    %dma_wait3A_1263 = arith.constant 0 : i32
    %dma_wait3A_1264 = tpu.memref_slice %arg22[%add3A_1230, %dma_wait3A_1263] : memref<6144x128xf32, #tpu.memory_space<vmem_shared>> -> memref<64x128xf32, #tpu.memory_space<vmem_shared>>
    %dma_wait3A_1265 = arith.constant 0 : i32
    %dma_wait3A_1266 = tpu.memref_slice %arg22[%add3A_1230, %dma_wait3A_1265] : memref<6144x128xf32, #tpu.memory_space<vmem_shared>> -> memref<64x128xf32, #tpu.memory_space<vmem_shared>>
    tpu.wait_dma2 semaphore(%arg21 : memref<!tpu.dma_semaphore, #tpu.memory_space<semaphore_mem>>) src(%arg18 : memref<64x128xf32, #tpu.memory_space<vmem>>) dst(%dma_wait3A_1266 : memref<64x128xf32, #tpu.memory_space<vmem_shared>>)
    %dma_wait3A_1267 = arith.constant 0 : i32
    %dma_wait3A_1268 = tpu.memref_slice %arg22[%add3A_1238, %dma_wait3A_1267] : memref<6144x128xf32, #tpu.memory_space<vmem_shared>> -> memref<64x128xf32, #tpu.memory_space<vmem_shared>>
    %dma_wait3A_1269 = arith.constant 0 : i32
    %dma_wait3A_1270 = tpu.memref_slice %arg22[%add3A_1238, %dma_wait3A_1269] : memref<6144x128xf32, #tpu.memory_space<vmem_shared>> -> memref<64x128xf32, #tpu.memory_space<vmem_shared>>
    tpu.wait_dma2 semaphore(%arg21 : memref<!tpu.dma_semaphore, #tpu.memory_space<semaphore_mem>>) src(%arg18 : memref<64x128xf32, #tpu.memory_space<vmem>>) dst(%dma_wait3A_1270 : memref<64x128xf32, #tpu.memory_space<vmem_shared>>)
    %dma_wait3A_1271 = arith.constant 0 : i32
    %dma_wait3A_1272 = tpu.memref_slice %arg22[%add3A_1246, %dma_wait3A_1271] : memref<6144x128xf32, #tpu.memory_space<vmem_shared>> -> memref<64x128xf32, #tpu.memory_space<vmem_shared>>
    %dma_wait3A_1273 = arith.constant 0 : i32
    %dma_wait3A_1274 = tpu.memref_slice %arg22[%add3A_1246, %dma_wait3A_1273] : memref<6144x128xf32, #tpu.memory_space<vmem_shared>> -> memref<64x128xf32, #tpu.memory_space<vmem_shared>>
    tpu.wait_dma2 semaphore(%arg21 : memref<!tpu.dma_semaphore, #tpu.memory_space<semaphore_mem>>) src(%arg18 : memref<64x128xf32, #tpu.memory_space<vmem>>) dst(%dma_wait3A_1274 : memref<64x128xf32, #tpu.memory_space<vmem_shared>>)
    %barrier3A_1275 = arith.constant 0 : index
    tpu.barrier barrier_id(%barrier3A_1275)
    %dma_wait3A_1276 = arith.constant 640 : i32
    %dma_wait3A_1277 = tpu.memref_slice %arg2[%arg0, %add3A_1149, %dma_wait3A_1276] : memref<2x8192x768xf32, #tpu.memory_space<hbm>> -> memref<1x128x128xf32, #tpu.memory_space<hbm>>
    %dma_wait3A_1278 = tpu.memref_squeeze %dma_wait3A_1277 : memref<1x128x128xf32, #tpu.memory_space<hbm>> -> memref<128x128xf32, #tpu.memory_space<hbm>>
    %dma_wait3A_1279 = arith.constant 640 : i32
    %dma_wait3A_1280 = tpu.memref_slice %arg2[%arg0, %add3A_1149, %dma_wait3A_1279] : memref<2x8192x768xf32, #tpu.memory_space<hbm>> -> memref<1x128x128xf32, #tpu.memory_space<hbm>>
    %dma_wait3A_1281 = tpu.memref_squeeze %dma_wait3A_1280 : memref<1x128x128xf32, #tpu.memory_space<hbm>> -> memref<128x128xf32, #tpu.memory_space<hbm>>
    tpu.wait_dma2 semaphore(%arg19 : memref<!tpu.dma_semaphore, #tpu.memory_space<semaphore_mem>>) src(%dma_wait3A_1281 : memref<128x128xf32, #tpu.memory_space<hbm>>) dst(%arg16 : memref<128x128xf32, #tpu.memory_space<vmem>>)
    %mul3A_1282 = arith.constant 4 : i32
    %mul3A_1283 = arith.muli %arg1, %mul3A_1282 : i32
    %add3A_1284 = arith.constant 0 : i32
    %add3A_1285 = arith.addi %mul3A_1283, %add3A_1284 : i32
    %dma_start3A_1286 = arith.constant 0 : i32
    %dma_start3A_1287 = tpu.memref_slice %arg14[%add3A_1285, %dma_start3A_1286] : memref<64x128xi32, #tpu.memory_space<vmem>> -> memref<1x128xi32, #tpu.memory_space<vmem>>
    %dma_start3A_1288 = tpu.memref_squeeze %dma_start3A_1287 : memref<1x128xi32, #tpu.memory_space<vmem>> -> memref<128xi32, #tpu.memory_space<vmem>>
    %dma_start3A_1289 = arith.constant 0 : i32
    %dma_start3A_1290 = arith.constant 0 : i32
    %dma_start3A_1291 = tpu.memref_slice %arg22[%dma_start3A_1289, %dma_start3A_1290] : memref<6144x128xf32, #tpu.memory_space<vmem_shared>> -> memref<6144x128xf32, #tpu.memory_space<vmem_shared>>
    tpu.enqueue_indirect_dma source(%arg16 : memref<128x128xf32, #tpu.memory_space<vmem>>) target(%dma_start3A_1291 : memref<6144x128xf32, #tpu.memory_space<vmem_shared>>) offsets(%dma_start3A_1288 : memref<128xi32, #tpu.memory_space<vmem>>) semaphore(%arg20 : memref<!tpu.dma_semaphore, #tpu.memory_space<semaphore_mem>>) {add = true}
    %dma_wait3A_1292 = arith.constant 0 : i32
    %dma_wait3A_1293 = tpu.memref_slice %arg14[%add3A_1285, %dma_wait3A_1292] : memref<64x128xi32, #tpu.memory_space<vmem>> -> memref<1x128xi32, #tpu.memory_space<vmem>>
    %dma_wait3A_1294 = tpu.memref_squeeze %dma_wait3A_1293 : memref<1x128xi32, #tpu.memory_space<vmem>> -> memref<128xi32, #tpu.memory_space<vmem>>
    %dma_wait3A_1295 = arith.constant 0 : i32
    %dma_wait3A_1296 = arith.constant 0 : i32
    %dma_wait3A_1297 = tpu.memref_slice %arg22[%dma_wait3A_1295, %dma_wait3A_1296] : memref<6144x128xf32, #tpu.memory_space<vmem_shared>> -> memref<6144x128xf32, #tpu.memory_space<vmem_shared>>
    tpu.wait_indirect_dma semaphore(%arg20 : memref<!tpu.dma_semaphore, #tpu.memory_space<semaphore_mem>>) src(%arg16 : memref<128x128xf32, #tpu.memory_space<vmem>>) dst(%dma_wait3A_1297 : memref<6144x128xf32, #tpu.memory_space<vmem_shared>>)
    %mul3A_1298 = arith.constant 512 : i32
    %mul3A_1299 = arith.muli %arg1, %mul3A_1298 : i32
    %add3A_1300 = arith.constant 256 : i32
    %add3A_1301 = arith.addi %mul3A_1299, %add3A_1300 : i32
    %dma_start3A_1302 = arith.constant 640 : i32
    %dma_start3A_1303 = tpu.memref_slice %arg2[%arg0, %add3A_1301, %dma_start3A_1302] : memref<2x8192x768xf32, #tpu.memory_space<hbm>> -> memref<1x128x128xf32, #tpu.memory_space<hbm>>
    %dma_start3A_1304 = tpu.memref_squeeze %dma_start3A_1303 : memref<1x128x128xf32, #tpu.memory_space<hbm>> -> memref<128x128xf32, #tpu.memory_space<hbm>>
    %dma_start3A_1305 = arith.constant 640 : i32
    %dma_start3A_1306 = tpu.memref_slice %arg2[%arg0, %add3A_1301, %dma_start3A_1305] : memref<2x8192x768xf32, #tpu.memory_space<hbm>> -> memref<1x128x128xf32, #tpu.memory_space<hbm>>
    %dma_start3A_1307 = tpu.memref_squeeze %dma_start3A_1306 : memref<1x128x128xf32, #tpu.memory_space<hbm>> -> memref<128x128xf32, #tpu.memory_space<hbm>>
    tpu.enqueue_dma source(%dma_start3A_1307 : memref<128x128xf32, #tpu.memory_space<hbm>>) target(%arg16 : memref<128x128xf32, #tpu.memory_space<vmem>>) target_semaphore(%arg19 : memref<!tpu.dma_semaphore, #tpu.memory_space<semaphore_mem>>)
    %dma_wait3A_1308 = arith.constant 640 : i32
    %dma_wait3A_1309 = tpu.memref_slice %arg2[%arg0, %add3A_1181, %dma_wait3A_1308] : memref<2x8192x768xf32, #tpu.memory_space<hbm>> -> memref<1x128x128xf32, #tpu.memory_space<hbm>>
    %dma_wait3A_1310 = tpu.memref_squeeze %dma_wait3A_1309 : memref<1x128x128xf32, #tpu.memory_space<hbm>> -> memref<128x128xf32, #tpu.memory_space<hbm>>
    %dma_wait3A_1311 = arith.constant 640 : i32
    %dma_wait3A_1312 = tpu.memref_slice %arg2[%arg0, %add3A_1181, %dma_wait3A_1311] : memref<2x8192x768xf32, #tpu.memory_space<hbm>> -> memref<1x128x128xf32, #tpu.memory_space<hbm>>
    %dma_wait3A_1313 = tpu.memref_squeeze %dma_wait3A_1312 : memref<1x128x128xf32, #tpu.memory_space<hbm>> -> memref<128x128xf32, #tpu.memory_space<hbm>>
    tpu.wait_dma2 semaphore(%arg19 : memref<!tpu.dma_semaphore, #tpu.memory_space<semaphore_mem>>) src(%dma_wait3A_1313 : memref<128x128xf32, #tpu.memory_space<hbm>>) dst(%arg17 : memref<128x128xf32, #tpu.memory_space<vmem>>)
    %mul3A_1314 = arith.constant 4 : i32
    %mul3A_1315 = arith.muli %arg1, %mul3A_1314 : i32
    %add3A_1316 = arith.constant 1 : i32
    %add3A_1317 = arith.addi %mul3A_1315, %add3A_1316 : i32
    %dma_start3A_1318 = arith.constant 0 : i32
    %dma_start3A_1319 = tpu.memref_slice %arg14[%add3A_1317, %dma_start3A_1318] : memref<64x128xi32, #tpu.memory_space<vmem>> -> memref<1x128xi32, #tpu.memory_space<vmem>>
    %dma_start3A_1320 = tpu.memref_squeeze %dma_start3A_1319 : memref<1x128xi32, #tpu.memory_space<vmem>> -> memref<128xi32, #tpu.memory_space<vmem>>
    %dma_start3A_1321 = arith.constant 0 : i32
    %dma_start3A_1322 = arith.constant 0 : i32
    %dma_start3A_1323 = tpu.memref_slice %arg22[%dma_start3A_1321, %dma_start3A_1322] : memref<6144x128xf32, #tpu.memory_space<vmem_shared>> -> memref<6144x128xf32, #tpu.memory_space<vmem_shared>>
    tpu.enqueue_indirect_dma source(%arg17 : memref<128x128xf32, #tpu.memory_space<vmem>>) target(%dma_start3A_1323 : memref<6144x128xf32, #tpu.memory_space<vmem_shared>>) offsets(%dma_start3A_1320 : memref<128xi32, #tpu.memory_space<vmem>>) semaphore(%arg20 : memref<!tpu.dma_semaphore, #tpu.memory_space<semaphore_mem>>) {add = true}
    %dma_wait3A_1324 = arith.constant 0 : i32
    %dma_wait3A_1325 = tpu.memref_slice %arg14[%add3A_1317, %dma_wait3A_1324] : memref<64x128xi32, #tpu.memory_space<vmem>> -> memref<1x128xi32, #tpu.memory_space<vmem>>
    %dma_wait3A_1326 = tpu.memref_squeeze %dma_wait3A_1325 : memref<1x128xi32, #tpu.memory_space<vmem>> -> memref<128xi32, #tpu.memory_space<vmem>>
    %dma_wait3A_1327 = arith.constant 0 : i32
    %dma_wait3A_1328 = arith.constant 0 : i32
    %dma_wait3A_1329 = tpu.memref_slice %arg22[%dma_wait3A_1327, %dma_wait3A_1328] : memref<6144x128xf32, #tpu.memory_space<vmem_shared>> -> memref<6144x128xf32, #tpu.memory_space<vmem_shared>>
    tpu.wait_indirect_dma semaphore(%arg20 : memref<!tpu.dma_semaphore, #tpu.memory_space<semaphore_mem>>) src(%arg17 : memref<128x128xf32, #tpu.memory_space<vmem>>) dst(%dma_wait3A_1329 : memref<6144x128xf32, #tpu.memory_space<vmem_shared>>)
    %mul3A_1330 = arith.constant 512 : i32
    %mul3A_1331 = arith.muli %arg1, %mul3A_1330 : i32
    %add3A_1332 = arith.constant 384 : i32
    %add3A_1333 = arith.addi %mul3A_1331, %add3A_1332 : i32
    %dma_start3A_1334 = arith.constant 640 : i32
    %dma_start3A_1335 = tpu.memref_slice %arg2[%arg0, %add3A_1333, %dma_start3A_1334] : memref<2x8192x768xf32, #tpu.memory_space<hbm>> -> memref<1x128x128xf32, #tpu.memory_space<hbm>>
    %dma_start3A_1336 = tpu.memref_squeeze %dma_start3A_1335 : memref<1x128x128xf32, #tpu.memory_space<hbm>> -> memref<128x128xf32, #tpu.memory_space<hbm>>
    %dma_start3A_1337 = arith.constant 640 : i32
    %dma_start3A_1338 = tpu.memref_slice %arg2[%arg0, %add3A_1333, %dma_start3A_1337] : memref<2x8192x768xf32, #tpu.memory_space<hbm>> -> memref<1x128x128xf32, #tpu.memory_space<hbm>>
    %dma_start3A_1339 = tpu.memref_squeeze %dma_start3A_1338 : memref<1x128x128xf32, #tpu.memory_space<hbm>> -> memref<128x128xf32, #tpu.memory_space<hbm>>
    tpu.enqueue_dma source(%dma_start3A_1339 : memref<128x128xf32, #tpu.memory_space<hbm>>) target(%arg17 : memref<128x128xf32, #tpu.memory_space<vmem>>) target_semaphore(%arg19 : memref<!tpu.dma_semaphore, #tpu.memory_space<semaphore_mem>>)
    %dma_wait3A_1340 = arith.constant 640 : i32
    %dma_wait3A_1341 = tpu.memref_slice %arg2[%arg0, %add3A_1301, %dma_wait3A_1340] : memref<2x8192x768xf32, #tpu.memory_space<hbm>> -> memref<1x128x128xf32, #tpu.memory_space<hbm>>
    %dma_wait3A_1342 = tpu.memref_squeeze %dma_wait3A_1341 : memref<1x128x128xf32, #tpu.memory_space<hbm>> -> memref<128x128xf32, #tpu.memory_space<hbm>>
    %dma_wait3A_1343 = arith.constant 640 : i32
    %dma_wait3A_1344 = tpu.memref_slice %arg2[%arg0, %add3A_1301, %dma_wait3A_1343] : memref<2x8192x768xf32, #tpu.memory_space<hbm>> -> memref<1x128x128xf32, #tpu.memory_space<hbm>>
    %dma_wait3A_1345 = tpu.memref_squeeze %dma_wait3A_1344 : memref<1x128x128xf32, #tpu.memory_space<hbm>> -> memref<128x128xf32, #tpu.memory_space<hbm>>
    tpu.wait_dma2 semaphore(%arg19 : memref<!tpu.dma_semaphore, #tpu.memory_space<semaphore_mem>>) src(%dma_wait3A_1345 : memref<128x128xf32, #tpu.memory_space<hbm>>) dst(%arg16 : memref<128x128xf32, #tpu.memory_space<vmem>>)
    %mul3A_1346 = arith.constant 4 : i32
    %mul3A_1347 = arith.muli %arg1, %mul3A_1346 : i32
    %add3A_1348 = arith.constant 2 : i32
    %add3A_1349 = arith.addi %mul3A_1347, %add3A_1348 : i32
    %dma_start3A_1350 = arith.constant 0 : i32
    %dma_start3A_1351 = tpu.memref_slice %arg14[%add3A_1349, %dma_start3A_1350] : memref<64x128xi32, #tpu.memory_space<vmem>> -> memref<1x128xi32, #tpu.memory_space<vmem>>
    %dma_start3A_1352 = tpu.memref_squeeze %dma_start3A_1351 : memref<1x128xi32, #tpu.memory_space<vmem>> -> memref<128xi32, #tpu.memory_space<vmem>>
    %dma_start3A_1353 = arith.constant 0 : i32
    %dma_start3A_1354 = arith.constant 0 : i32
    %dma_start3A_1355 = tpu.memref_slice %arg22[%dma_start3A_1353, %dma_start3A_1354] : memref<6144x128xf32, #tpu.memory_space<vmem_shared>> -> memref<6144x128xf32, #tpu.memory_space<vmem_shared>>
    tpu.enqueue_indirect_dma source(%arg16 : memref<128x128xf32, #tpu.memory_space<vmem>>) target(%dma_start3A_1355 : memref<6144x128xf32, #tpu.memory_space<vmem_shared>>) offsets(%dma_start3A_1352 : memref<128xi32, #tpu.memory_space<vmem>>) semaphore(%arg20 : memref<!tpu.dma_semaphore, #tpu.memory_space<semaphore_mem>>) {add = true}
    %dma_wait3A_1356 = arith.constant 0 : i32
    %dma_wait3A_1357 = tpu.memref_slice %arg14[%add3A_1349, %dma_wait3A_1356] : memref<64x128xi32, #tpu.memory_space<vmem>> -> memref<1x128xi32, #tpu.memory_space<vmem>>
    %dma_wait3A_1358 = tpu.memref_squeeze %dma_wait3A_1357 : memref<1x128xi32, #tpu.memory_space<vmem>> -> memref<128xi32, #tpu.memory_space<vmem>>
    %dma_wait3A_1359 = arith.constant 0 : i32
    %dma_wait3A_1360 = arith.constant 0 : i32
    %dma_wait3A_1361 = tpu.memref_slice %arg22[%dma_wait3A_1359, %dma_wait3A_1360] : memref<6144x128xf32, #tpu.memory_space<vmem_shared>> -> memref<6144x128xf32, #tpu.memory_space<vmem_shared>>
    tpu.wait_indirect_dma semaphore(%arg20 : memref<!tpu.dma_semaphore, #tpu.memory_space<semaphore_mem>>) src(%arg16 : memref<128x128xf32, #tpu.memory_space<vmem>>) dst(%dma_wait3A_1361 : memref<6144x128xf32, #tpu.memory_space<vmem_shared>>)
    %dma_wait3A_1362 = arith.constant 640 : i32
    %dma_wait3A_1363 = tpu.memref_slice %arg2[%arg0, %add3A_1333, %dma_wait3A_1362] : memref<2x8192x768xf32, #tpu.memory_space<hbm>> -> memref<1x128x128xf32, #tpu.memory_space<hbm>>
    %dma_wait3A_1364 = tpu.memref_squeeze %dma_wait3A_1363 : memref<1x128x128xf32, #tpu.memory_space<hbm>> -> memref<128x128xf32, #tpu.memory_space<hbm>>
    %dma_wait3A_1365 = arith.constant 640 : i32
    %dma_wait3A_1366 = tpu.memref_slice %arg2[%arg0, %add3A_1333, %dma_wait3A_1365] : memref<2x8192x768xf32, #tpu.memory_space<hbm>> -> memref<1x128x128xf32, #tpu.memory_space<hbm>>
    %dma_wait3A_1367 = tpu.memref_squeeze %dma_wait3A_1366 : memref<1x128x128xf32, #tpu.memory_space<hbm>> -> memref<128x128xf32, #tpu.memory_space<hbm>>
    tpu.wait_dma2 semaphore(%arg19 : memref<!tpu.dma_semaphore, #tpu.memory_space<semaphore_mem>>) src(%dma_wait3A_1367 : memref<128x128xf32, #tpu.memory_space<hbm>>) dst(%arg17 : memref<128x128xf32, #tpu.memory_space<vmem>>)
    %mul3A_1368 = arith.constant 4 : i32
    %mul3A_1369 = arith.muli %arg1, %mul3A_1368 : i32
    %add3A_1370 = arith.constant 3 : i32
    %add3A_1371 = arith.addi %mul3A_1369, %add3A_1370 : i32
    %dma_start3A_1372 = arith.constant 0 : i32
    %dma_start3A_1373 = tpu.memref_slice %arg14[%add3A_1371, %dma_start3A_1372] : memref<64x128xi32, #tpu.memory_space<vmem>> -> memref<1x128xi32, #tpu.memory_space<vmem>>
    %dma_start3A_1374 = tpu.memref_squeeze %dma_start3A_1373 : memref<1x128xi32, #tpu.memory_space<vmem>> -> memref<128xi32, #tpu.memory_space<vmem>>
    %dma_start3A_1375 = arith.constant 0 : i32
    %dma_start3A_1376 = arith.constant 0 : i32
    %dma_start3A_1377 = tpu.memref_slice %arg22[%dma_start3A_1375, %dma_start3A_1376] : memref<6144x128xf32, #tpu.memory_space<vmem_shared>> -> memref<6144x128xf32, #tpu.memory_space<vmem_shared>>
    tpu.enqueue_indirect_dma source(%arg17 : memref<128x128xf32, #tpu.memory_space<vmem>>) target(%dma_start3A_1377 : memref<6144x128xf32, #tpu.memory_space<vmem_shared>>) offsets(%dma_start3A_1374 : memref<128xi32, #tpu.memory_space<vmem>>) semaphore(%arg20 : memref<!tpu.dma_semaphore, #tpu.memory_space<semaphore_mem>>) {add = true}
    %dma_wait3A_1378 = arith.constant 0 : i32
    %dma_wait3A_1379 = tpu.memref_slice %arg14[%add3A_1371, %dma_wait3A_1378] : memref<64x128xi32, #tpu.memory_space<vmem>> -> memref<1x128xi32, #tpu.memory_space<vmem>>
    %dma_wait3A_1380 = tpu.memref_squeeze %dma_wait3A_1379 : memref<1x128xi32, #tpu.memory_space<vmem>> -> memref<128xi32, #tpu.memory_space<vmem>>
    %dma_wait3A_1381 = arith.constant 0 : i32
    %dma_wait3A_1382 = arith.constant 0 : i32
    %dma_wait3A_1383 = tpu.memref_slice %arg22[%dma_wait3A_1381, %dma_wait3A_1382] : memref<6144x128xf32, #tpu.memory_space<vmem_shared>> -> memref<6144x128xf32, #tpu.memory_space<vmem_shared>>
    tpu.wait_indirect_dma semaphore(%arg20 : memref<!tpu.dma_semaphore, #tpu.memory_space<semaphore_mem>>) src(%arg17 : memref<128x128xf32, #tpu.memory_space<vmem>>) dst(%dma_wait3A_1383 : memref<6144x128xf32, #tpu.memory_space<vmem_shared>>)
    %barrier3A_1384 = arith.constant 0 : index
    tpu.barrier barrier_id(%barrier3A_1384)
    %mul3A_1385 = arith.constant 384 : i32
    %mul3A_1386 = arith.muli %arg1, %mul3A_1385 : i32
    %mul3A_1387 = arith.constant 384 : i32
    %mul3A_1388 = arith.muli %arg1, %mul3A_1387 : i32
    %dma_start3A_1389 = arith.constant 640 : i32
    %dma_start3A_1390 = tpu.memref_slice %arg7[%arg0, %mul3A_1388, %dma_start3A_1389] : memref<2x6144x768xf32, #tpu.memory_space<hbm>> -> memref<1x384x128xf32, #tpu.memory_space<hbm>>
    %dma_start3A_1391 = tpu.memref_squeeze %dma_start3A_1390 : memref<1x384x128xf32, #tpu.memory_space<hbm>> -> memref<384x128xf32, #tpu.memory_space<hbm>>
    %dma_start3A_1392 = arith.constant 0 : i32
    %dma_start3A_1393 = tpu.memref_slice %arg22[%mul3A_1386, %dma_start3A_1392] : memref<6144x128xf32, #tpu.memory_space<vmem_shared>> -> memref<384x128xf32, #tpu.memory_space<vmem_shared>>
    tpu.enqueue_dma source(%dma_start3A_1393 : memref<384x128xf32, #tpu.memory_space<vmem_shared>>) target(%dma_start3A_1391 : memref<384x128xf32, #tpu.memory_space<hbm>>) target_semaphore(%arg21 : memref<!tpu.dma_semaphore, #tpu.memory_space<semaphore_mem>>)
    %dma_wait3A_1394 = arith.constant 640 : i32
    %dma_wait3A_1395 = tpu.memref_slice %arg7[%arg0, %mul3A_1388, %dma_wait3A_1394] : memref<2x6144x768xf32, #tpu.memory_space<hbm>> -> memref<1x384x128xf32, #tpu.memory_space<hbm>>
    %dma_wait3A_1396 = tpu.memref_squeeze %dma_wait3A_1395 : memref<1x384x128xf32, #tpu.memory_space<hbm>> -> memref<384x128xf32, #tpu.memory_space<hbm>>
    %dma_wait3A_1397 = arith.constant 0 : i32
    %dma_wait3A_1398 = tpu.memref_slice %arg22[%mul3A_1386, %dma_wait3A_1397] : memref<6144x128xf32, #tpu.memory_space<vmem_shared>> -> memref<384x128xf32, #tpu.memory_space<vmem_shared>>
    tpu.wait_dma2 semaphore(%arg21 : memref<!tpu.dma_semaphore, #tpu.memory_space<semaphore_mem>>) src(%dma_wait3A_1398 : memref<384x128xf32, #tpu.memory_space<vmem_shared>>) dst(%dma_wait3A_1396 : memref<384x128xf32, #tpu.memory_space<hbm>>)
    %barrier3A_1399 = arith.constant 0 : index
    tpu.barrier barrier_id(%barrier3A_1399)
    return
  }
}

module attributes {stable_mosaic.version = 14 : i64} {
  func.func @_scores_body(%arg0: i32, %arg1: i32, %arg2: memref<1x512x1536xf32, #tpu.memory_space<vmem>>, %arg3: memref<192x768xf32, #tpu.memory_space<vmem>>, %arg4: memref<1x192xf32, #tpu.memory_space<vmem>>, %arg5: memref<1x1x1x512xi32, #tpu.memory_space<vmem>>, %arg6: memref<1x8x512xi32, #tpu.memory_space<vmem>>, %arg7: memref<1x8x512xi32, #tpu.memory_space<vmem>>, %arg8: memref<1x8x512xi32, #tpu.memory_space<vmem>>, %arg9: memref<4096x192xf32, #tpu.memory_space<vmem>>, %arg10: memref<4096x192xf32, #tpu.memory_space<vmem>>, %arg11: memref<8x512xf32, #tpu.memory_space<vmem>>) attributes {dimension_semantics = [#tpu.dimension_semantics<arbitrary>, #tpu.dimension_semantics<arbitrary>], iteration_bounds = array<i64: 2, 16>, scalar_prefetch = 0 : i64, scratch_operands = 3 : i64, tpu.core_type = #tpu.core_type<tc>, window_params = [{transform_indices = @transform_0, window_bounds = array<i64: 1, 512, 1536>}, {pipeline_mode = #tpu.pipeline_mode<synchronous>, transform_indices = @transform_1, window_bounds = array<i64: 192, 768>}, {pipeline_mode = #tpu.pipeline_mode<synchronous>, transform_indices = @transform_2, window_bounds = array<i64: 1, 192>}, {transform_indices = @transform_3, window_bounds = array<i64: 1, 1, 1, 512>}, {transform_indices = @transform_4, window_bounds = array<i64: 1, 8, 512>}, {transform_indices = @transform_5, window_bounds = array<i64: 1, 8, 512>}, {transform_indices = @transform_6, window_bounds = array<i64: 1, 8, 512>}]} {
    %lt3A = arith.constant 8 : i32
    %lt3A_0 = arith.cmpi slt, %arg1, %lt3A : i32
    %convert_element_type3A = arith.extui %lt3A_0 : i1 to i32
    %cond3A = arith.constant 0 : i32
    %cond3A_1 = arith.cmpi ne, %convert_element_type3A, %cond3A : i32
    scf.if %cond3A_1 {
      %get3A = arith.constant 0 : index
      %get3A_10 = arith.constant 0 : index
      %get3A_11 = arith.constant 0 : index
      %get3A_12 = vector.load %arg2[%get3A, %get3A_10, %get3A_11] : memref<1x512x1536xf32, #tpu.memory_space<vmem>>, vector<1x512x1536xf32>
      %get3A_13 = vector.shape_cast %get3A_12 : vector<1x512x1536xf32> to vector<512x1536xf32>
      %get3A_14 = arith.constant 0 : index
      %get3A_15 = arith.constant 0 : index
      %get3A_16 = vector.load %arg3[%get3A_14, %get3A_15] : memref<192x768xf32, #tpu.memory_space<vmem>>, vector<192x768xf32>
      %get3A_17 = arith.constant 0 : index
      %get3A_18 = arith.constant 0 : index
      %get3A_19 = vector.load %arg4[%get3A_17, %get3A_18] : memref<1x192xf32, #tpu.memory_space<vmem>>, vector<1x192xf32>
      %slice3A = vector.extract_strided_slice %get3A_13 {offsets = [0, 0], sizes = [512, 768], strides = [1, 1]} : vector<512x1536xf32> to vector<512x768xf32>
      %dot_general3A = arith.constant dense<0.000000e+00> : vector<512x192xf32>
      %dot_general3A_20 = tpu.matmul %slice3A, %get3A_16, %dot_general3A {dimension_numbers = #tpu.dot_dimension_numbers<[1], [1], [0], [0], [0, 0, 1, 0], [], []>, transpose_lhs_hint = false} : vector<512x768xf32>, vector<192x768xf32>, vector<512x192xf32> -> vector<512x192xf32>
      %add3A = vector.broadcast %get3A_19 : vector<1x192xf32> to vector<512x192xf32>
      %add3A_21 = arith.addf %dot_general3A_20, %add3A : vector<512x192xf32>
      %slice3A_22 = vector.extract_strided_slice %get3A_13 {offsets = [0, 768], sizes = [512, 768], strides = [1, 1]} : vector<512x1536xf32> to vector<512x768xf32>
      %dot_general3A_23 = arith.constant dense<0.000000e+00> : vector<512x192xf32>
      %dot_general3A_24 = tpu.matmul %slice3A_22, %get3A_16, %dot_general3A_23 {dimension_numbers = #tpu.dot_dimension_numbers<[1], [1], [0], [0], [0, 0, 1, 0], [], []>, transpose_lhs_hint = false} : vector<512x768xf32>, vector<192x768xf32>, vector<512x192xf32> -> vector<512x192xf32>
      %add3A_25 = vector.broadcast %get3A_19 : vector<1x192xf32> to vector<512x192xf32>
      %add3A_26 = arith.addf %dot_general3A_24, %add3A_25 : vector<512x192xf32>
      %mul3A = arith.constant 512 : i32
      %mul3A_27 = arith.muli %arg1, %mul3A : i32
      %mul3A_28 = arith.mulf %add3A_21, %add3A_21 : vector<512x192xf32>
      %reduce_sum3A = arith.constant dense<0.000000e+00> : vector<512xf32>
      %reduce_sum3A_29 = vector.multi_reduction <add>, %mul3A_28, %reduce_sum3A [1] : vector<512x192xf32> to vector<512xf32>
      %broadcast_in_dim3A = vector.shape_cast %reduce_sum3A_29 : vector<512xf32> to vector<512x1xf32>
      %sqrt3A = math.sqrt %broadcast_in_dim3A : vector<512x1xf32>
      %div3A = vector.broadcast %sqrt3A : vector<512x1xf32> to vector<512x192xf32>
      %div3A_30 = arith.divf %add3A_21, %div3A : vector<512x192xf32>
      %swap3A = arith.index_cast %mul3A_27 : i32 to index
      %swap3A_31 = arith.constant 0 : index
      %swap3A_32 = vector.load %arg9[%swap3A, %swap3A_31] : memref<4096x192xf32, #tpu.memory_space<vmem>>, vector<512x192xf32>
      tpu.vector_store %arg9[%swap3A, %swap3A_31], %div3A_30 {strides = array<i32>} : memref<4096x192xf32, #tpu.memory_space<vmem>>, vector<512x192xf32>,
      %mul3A_33 = arith.mulf %add3A_26, %add3A_26 : vector<512x192xf32>
      %reduce_sum3A_34 = arith.constant dense<0.000000e+00> : vector<512xf32>
      %reduce_sum3A_35 = vector.multi_reduction <add>, %mul3A_33, %reduce_sum3A_34 [1] : vector<512x192xf32> to vector<512xf32>
      %broadcast_in_dim3A_36 = vector.shape_cast %reduce_sum3A_35 : vector<512xf32> to vector<512x1xf32>
      %sqrt3A_37 = math.sqrt %broadcast_in_dim3A_36 : vector<512x1xf32>
      %div3A_38 = vector.broadcast %sqrt3A_37 : vector<512x1xf32> to vector<512x192xf32>
      %div3A_39 = arith.divf %add3A_26, %div3A_38 : vector<512x192xf32>
      %swap3A_40 = arith.index_cast %mul3A_27 : i32 to index
      %swap3A_41 = arith.constant 0 : index
      %swap3A_42 = vector.load %arg10[%swap3A_40, %swap3A_41] : memref<4096x192xf32, #tpu.memory_space<vmem>>, vector<512x192xf32>
      tpu.vector_store %arg10[%swap3A_40, %swap3A_41], %div3A_39 {strides = array<i32>} : memref<4096x192xf32, #tpu.memory_space<vmem>>, vector<512x192xf32>,
    } else {
    }
    %ge3A = arith.constant 8 : i32
    %ge3A_2 = arith.cmpi sge, %arg1, %ge3A : i32
    %convert_element_type3A_3 = arith.extui %ge3A_2 : i1 to i32
    %cond3A_4 = arith.constant 0 : i32
    %cond3A_5 = arith.cmpi ne, %convert_element_type3A_3, %cond3A_4 : i32
    scf.if %cond3A_5 {
      %sub3A = arith.constant 8 : i32
      %sub3A_10 = arith.subi %arg1, %sub3A : i32
      %mul3A = arith.constant 512 : i32
      %mul3A_11 = arith.muli %sub3A_10, %mul3A : i32
      %get3A = arith.index_cast %mul3A_11 : i32 to index
      %get3A_12 = arith.constant 0 : index
      %get3A_13 = vector.load %arg9[%get3A, %get3A_12] : memref<4096x192xf32, #tpu.memory_space<vmem>>, vector<512x192xf32>
      %get3A_14 = arith.constant 0 : index
      %get3A_15 = arith.constant 0 : index
      %get3A_16 = vector.load %arg10[%get3A_14, %get3A_15] : memref<4096x192xf32, #tpu.memory_space<vmem>>, vector<4096x192xf32>
      %dot_general3A = arith.constant dense<0.000000e+00> : vector<512x4096xf32>
      %dot_general3A_17 = tpu.matmul %get3A_13, %get3A_16, %dot_general3A {dimension_numbers = #tpu.dot_dimension_numbers<[1], [1], [0], [0], [0, 0, 1, 0], [], []>, transpose_lhs_hint = false} : vector<512x192xf32>, vector<4096x192xf32>, vector<512x4096xf32> -> vector<512x4096xf32>
      %reduce_max3A = arith.constant dense<0xFF800000> : vector<512xf32>
      %reduce_max3A_18 = vector.multi_reduction <maximumf>, %dot_general3A_17, %reduce_max3A [1] : vector<512x4096xf32> to vector<512xf32>
      %argmax3A = tpu.reduce_index %dot_general3A_17 {axis = 1 : i32, kind = #tpu.reduction_kind<arg_max>} : vector<512x4096xf32> -> vector<512xi32>
      %swap3A = arith.constant 0 : index
      %swap3A_19 = arith.constant 0 : index
      %swap3A_20 = arith.constant 0 : index
      %swap3A_21 = arith.constant 0 : index
      %swap3A_22 = vector.load %arg5[%swap3A, %swap3A_19, %swap3A_20, %swap3A_21] : memref<1x1x1x512xi32, #tpu.memory_space<vmem>>, vector<1x1x1x512xi32>
      %swap3A_23 = vector.shape_cast %swap3A_22 : vector<1x1x1x512xi32> to vector<512xi32>
      %swap3A_24 = vector.shape_cast %argmax3A : vector<512xi32> to vector<1x1x1x512xi32>
      tpu.vector_store %arg5[%swap3A, %swap3A_19, %swap3A_20, %swap3A_21], %swap3A_24 {strides = array<i32>} : memref<1x1x1x512xi32, #tpu.memory_space<vmem>>, vector<1x1x1x512xi32>,
      %broadcast_in_dim3A = vector.shape_cast %reduce_max3A_18 : vector<512xf32> to vector<1x512xf32>
      %swap3A_25 = arith.index_cast %sub3A_10 : i32 to index
      %swap3A_26 = arith.constant 0 : index
      %swap3A_27 = vector.load %arg11[%swap3A_25, %swap3A_26] : memref<8x512xf32, #tpu.memory_space<vmem>>, vector<1x512xf32>
      tpu.vector_store %arg11[%swap3A_25, %swap3A_26], %broadcast_in_dim3A {strides = array<i32>} : memref<8x512xf32, #tpu.memory_space<vmem>>, vector<1x512xf32>,
    } else {
    }
    %eq3A = arith.constant 15 : i32
    %eq3A_6 = arith.cmpi eq, %arg1, %eq3A : i32
    %convert_element_type3A_7 = arith.extui %eq3A_6 : i1 to i32
    %cond3A_8 = arith.constant 0 : i32
    %cond3A_9 = arith.cmpi ne, %convert_element_type3A_7, %cond3A_8 : i32
    scf.if %cond3A_9 {
      %get3A = arith.constant 0 : index
      %get3A_10 = arith.constant 0 : index
      %get3A_11 = vector.load %arg11[%get3A, %get3A_10] : memref<8x512xf32, #tpu.memory_space<vmem>>, vector<8x512xf32>
      %bitcast_convert_type3A = tpu.bitcast %get3A_11 : vector<8x512xf32> -> vector<8x512xi32>
      %ge3A_12 = arith.constant 0 : i32
      %ge3A_13 = vector.broadcast %ge3A_12 : i32 to vector<8x512xi32>
      %ge3A_14 = arith.cmpi sge, %bitcast_convert_type3A, %ge3A_13 : vector<8x512xi32>
      %xor3A = arith.constant 2147483647 : i32
      %xor3A_15 = vector.broadcast %xor3A : i32 to vector<8x512xi32>
      %xor3A_16 = arith.xori %bitcast_convert_type3A, %xor3A_15 : vector<8x512xi32>
      %select_n3A = arith.select %ge3A_14, %bitcast_convert_type3A, %xor3A_16 : vector<8x512xi1>, vector<8x512xi32>
      %broadcast_in_dim3A = arith.constant 0 : i32
      %broadcast_in_dim3A_17 = vector.broadcast %broadcast_in_dim3A : i32 to vector<1x1xi32>
      %or3A = arith.constant -2147483648 : i32
      %or3A_18 = vector.broadcast %or3A : i32 to vector<1x1xi32>
      %or3A_19 = arith.ori %broadcast_in_dim3A_17, %or3A_18 : vector<1x1xi32>
      %xor3A_20 = arith.constant -2147483648 : i32
      %xor3A_21 = vector.broadcast %xor3A_20 : i32 to vector<1x1xi32>
      %xor3A_22 = arith.xori %or3A_19, %xor3A_21 : vector<1x1xi32>
      %ge3A_23 = vector.broadcast %xor3A_22 : vector<1x1xi32> to vector<8x512xi32>
      %ge3A_24 = arith.cmpi sge, %select_n3A, %ge3A_23 : vector<8x512xi32>
      %convert_element_type3A_25 = arith.extui %ge3A_24 : vector<8x512xi1> to vector<8x512xi32>
      %reduce_sum3A = vector.shape_cast %convert_element_type3A_25 : vector<8x512xi32> to vector<1x8x512xi32>
      %reduce_sum3A_26 = arith.constant dense<0> : vector<1xi32>
      %reduce_sum3A_27 = vector.multi_reduction <add>, %reduce_sum3A, %reduce_sum3A_26 [1, 2] : vector<1x8x512xi32> to vector<1xi32>
      %reduce_sum3A_28 = vector.shape_cast %reduce_sum3A_27 : vector<1xi32> to vector<1x1x1xi32>
      %reduce_sum3A_29 = vector.extract %reduce_sum3A_28[0, 0, 0] : i32 from vector<1x1x1xi32>
      %broadcast_in_dim3A_30 = vector.broadcast %reduce_sum3A_29 : i32 to vector<1x1xi32>
      %ge3A_31 = arith.constant 2048 : i32
      %ge3A_32 = vector.broadcast %ge3A_31 : i32 to vector<1x1xi32>
      %ge3A_33 = arith.cmpi sge, %broadcast_in_dim3A_30, %ge3A_32 : vector<1x1xi32>
      %select_n3A_34 = arith.select %ge3A_33, %or3A_19, %broadcast_in_dim3A_17 : vector<1x1xi1>, vector<1x1xi32>
      %or3A_35 = arith.constant 1073741824 : i32
      %or3A_36 = vector.broadcast %or3A_35 : i32 to vector<1x1xi32>
      %or3A_37 = arith.ori %select_n3A_34, %or3A_36 : vector<1x1xi32>
      %xor3A_38 = arith.constant -2147483648 : i32
      %xor3A_39 = vector.broadcast %xor3A_38 : i32 to vector<1x1xi32>
      %xor3A_40 = arith.xori %or3A_37, %xor3A_39 : vector<1x1xi32>
      %ge3A_41 = vector.broadcast %xor3A_40 : vector<1x1xi32> to vector<8x512xi32>
      %ge3A_42 = arith.cmpi sge, %select_n3A, %ge3A_41 : vector<8x512xi32>
      %convert_element_type3A_43 = arith.extui %ge3A_42 : vector<8x512xi1> to vector<8x512xi32>
      %reduce_sum3A_44 = vector.shape_cast %convert_element_type3A_43 : vector<8x512xi32> to vector<1x8x512xi32>
      %reduce_sum3A_45 = arith.constant dense<0> : vector<1xi32>
      %reduce_sum3A_46 = vector.multi_reduction <add>, %reduce_sum3A_44, %reduce_sum3A_45 [1, 2] : vector<1x8x512xi32> to vector<1xi32>
      %reduce_sum3A_47 = vector.shape_cast %reduce_sum3A_46 : vector<1xi32> to vector<1x1x1xi32>
      %reduce_sum3A_48 = vector.extract %reduce_sum3A_47[0, 0, 0] : i32 from vector<1x1x1xi32>
      %broadcast_in_dim3A_49 = vector.broadcast %reduce_sum3A_48 : i32 to vector<1x1xi32>
      %ge3A_50 = arith.constant 2048 : i32
      %ge3A_51 = vector.broadcast %ge3A_50 : i32 to vector<1x1xi32>
      %ge3A_52 = arith.cmpi sge, %broadcast_in_dim3A_49, %ge3A_51 : vector<1x1xi32>
      %select_n3A_53 = arith.select %ge3A_52, %or3A_37, %select_n3A_34 : vector<1x1xi1>, vector<1x1xi32>
      %or3A_54 = arith.constant 536870912 : i32
      %or3A_55 = vector.broadcast %or3A_54 : i32 to vector<1x1xi32>
      %or3A_56 = arith.ori %select_n3A_53, %or3A_55 : vector<1x1xi32>
      %xor3A_57 = arith.constant -2147483648 : i32
      %xor3A_58 = vector.broadcast %xor3A_57 : i32 to vector<1x1xi32>
      %xor3A_59 = arith.xori %or3A_56, %xor3A_58 : vector<1x1xi32>
      %ge3A_60 = vector.broadcast %xor3A_59 : vector<1x1xi32> to vector<8x512xi32>
      %ge3A_61 = arith.cmpi sge, %select_n3A, %ge3A_60 : vector<8x512xi32>
      %convert_element_type3A_62 = arith.extui %ge3A_61 : vector<8x512xi1> to vector<8x512xi32>
      %reduce_sum3A_63 = vector.shape_cast %convert_element_type3A_62 : vector<8x512xi32> to vector<1x8x512xi32>
      %reduce_sum3A_64 = arith.constant dense<0> : vector<1xi32>
      %reduce_sum3A_65 = vector.multi_reduction <add>, %reduce_sum3A_63, %reduce_sum3A_64 [1, 2] : vector<1x8x512xi32> to vector<1xi32>
      %reduce_sum3A_66 = vector.shape_cast %reduce_sum3A_65 : vector<1xi32> to vector<1x1x1xi32>
      %reduce_sum3A_67 = vector.extract %reduce_sum3A_66[0, 0, 0] : i32 from vector<1x1x1xi32>
      %broadcast_in_dim3A_68 = vector.broadcast %reduce_sum3A_67 : i32 to vector<1x1xi32>
      %ge3A_69 = arith.constant 2048 : i32
      %ge3A_70 = vector.broadcast %ge3A_69 : i32 to vector<1x1xi32>
      %ge3A_71 = arith.cmpi sge, %broadcast_in_dim3A_68, %ge3A_70 : vector<1x1xi32>
      %select_n3A_72 = arith.select %ge3A_71, %or3A_56, %select_n3A_53 : vector<1x1xi1>, vector<1x1xi32>
      %or3A_73 = arith.constant 268435456 : i32
      %or3A_74 = vector.broadcast %or3A_73 : i32 to vector<1x1xi32>
      %or3A_75 = arith.ori %select_n3A_72, %or3A_74 : vector<1x1xi32>
      %xor3A_76 = arith.constant -2147483648 : i32
      %xor3A_77 = vector.broadcast %xor3A_76 : i32 to vector<1x1xi32>
      %xor3A_78 = arith.xori %or3A_75, %xor3A_77 : vector<1x1xi32>
      %ge3A_79 = vector.broadcast %xor3A_78 : vector<1x1xi32> to vector<8x512xi32>
      %ge3A_80 = arith.cmpi sge, %select_n3A, %ge3A_79 : vector<8x512xi32>
      %convert_element_type3A_81 = arith.extui %ge3A_80 : vector<8x512xi1> to vector<8x512xi32>
      %reduce_sum3A_82 = vector.shape_cast %convert_element_type3A_81 : vector<8x512xi32> to vector<1x8x512xi32>
      %reduce_sum3A_83 = arith.constant dense<0> : vector<1xi32>
      %reduce_sum3A_84 = vector.multi_reduction <add>, %reduce_sum3A_82, %reduce_sum3A_83 [1, 2] : vector<1x8x512xi32> to vector<1xi32>
      %reduce_sum3A_85 = vector.shape_cast %reduce_sum3A_84 : vector<1xi32> to vector<1x1x1xi32>
      %reduce_sum3A_86 = vector.extract %reduce_sum3A_85[0, 0, 0] : i32 from vector<1x1x1xi32>
      %broadcast_in_dim3A_87 = vector.broadcast %reduce_sum3A_86 : i32 to vector<1x1xi32>
      %ge3A_88 = arith.constant 2048 : i32
      %ge3A_89 = vector.broadcast %ge3A_88 : i32 to vector<1x1xi32>
      %ge3A_90 = arith.cmpi sge, %broadcast_in_dim3A_87, %ge3A_89 : vector<1x1xi32>
      %select_n3A_91 = arith.select %ge3A_90, %or3A_75, %select_n3A_72 : vector<1x1xi1>, vector<1x1xi32>
      %or3A_92 = arith.constant 134217728 : i32
      %or3A_93 = vector.broadcast %or3A_92 : i32 to vector<1x1xi32>
      %or3A_94 = arith.ori %select_n3A_91, %or3A_93 : vector<1x1xi32>
      %xor3A_95 = arith.constant -2147483648 : i32
      %xor3A_96 = vector.broadcast %xor3A_95 : i32 to vector<1x1xi32>
      %xor3A_97 = arith.xori %or3A_94, %xor3A_96 : vector<1x1xi32>
      %ge3A_98 = vector.broadcast %xor3A_97 : vector<1x1xi32> to vector<8x512xi32>
      %ge3A_99 = arith.cmpi sge, %select_n3A, %ge3A_98 : vector<8x512xi32>
      %convert_element_type3A_100 = arith.extui %ge3A_99 : vector<8x512xi1> to vector<8x512xi32>
      %reduce_sum3A_101 = vector.shape_cast %convert_element_type3A_100 : vector<8x512xi32> to vector<1x8x512xi32>
      %reduce_sum3A_102 = arith.constant dense<0> : vector<1xi32>
      %reduce_sum3A_103 = vector.multi_reduction <add>, %reduce_sum3A_101, %reduce_sum3A_102 [1, 2] : vector<1x8x512xi32> to vector<1xi32>
      %reduce_sum3A_104 = vector.shape_cast %reduce_sum3A_103 : vector<1xi32> to vector<1x1x1xi32>
      %reduce_sum3A_105 = vector.extract %reduce_sum3A_104[0, 0, 0] : i32 from vector<1x1x1xi32>
      %broadcast_in_dim3A_106 = vector.broadcast %reduce_sum3A_105 : i32 to vector<1x1xi32>
      %ge3A_107 = arith.constant 2048 : i32
      %ge3A_108 = vector.broadcast %ge3A_107 : i32 to vector<1x1xi32>
      %ge3A_109 = arith.cmpi sge, %broadcast_in_dim3A_106, %ge3A_108 : vector<1x1xi32>
      %select_n3A_110 = arith.select %ge3A_109, %or3A_94, %select_n3A_91 : vector<1x1xi1>, vector<1x1xi32>
      %or3A_111 = arith.constant 67108864 : i32
      %or3A_112 = vector.broadcast %or3A_111 : i32 to vector<1x1xi32>
      %or3A_113 = arith.ori %select_n3A_110, %or3A_112 : vector<1x1xi32>
      %xor3A_114 = arith.constant -2147483648 : i32
      %xor3A_115 = vector.broadcast %xor3A_114 : i32 to vector<1x1xi32>
      %xor3A_116 = arith.xori %or3A_113, %xor3A_115 : vector<1x1xi32>
      %ge3A_117 = vector.broadcast %xor3A_116 : vector<1x1xi32> to vector<8x512xi32>
      %ge3A_118 = arith.cmpi sge, %select_n3A, %ge3A_117 : vector<8x512xi32>
      %convert_element_type3A_119 = arith.extui %ge3A_118 : vector<8x512xi1> to vector<8x512xi32>
      %reduce_sum3A_120 = vector.shape_cast %convert_element_type3A_119 : vector<8x512xi32> to vector<1x8x512xi32>
      %reduce_sum3A_121 = arith.constant dense<0> : vector<1xi32>
      %reduce_sum3A_122 = vector.multi_reduction <add>, %reduce_sum3A_120, %reduce_sum3A_121 [1, 2] : vector<1x8x512xi32> to vector<1xi32>
      %reduce_sum3A_123 = vector.shape_cast %reduce_sum3A_122 : vector<1xi32> to vector<1x1x1xi32>
      %reduce_sum3A_124 = vector.extract %reduce_sum3A_123[0, 0, 0] : i32 from vector<1x1x1xi32>
      %broadcast_in_dim3A_125 = vector.broadcast %reduce_sum3A_124 : i32 to vector<1x1xi32>
      %ge3A_126 = arith.constant 2048 : i32
      %ge3A_127 = vector.broadcast %ge3A_126 : i32 to vector<1x1xi32>
      %ge3A_128 = arith.cmpi sge, %broadcast_in_dim3A_125, %ge3A_127 : vector<1x1xi32>
      %select_n3A_129 = arith.select %ge3A_128, %or3A_113, %select_n3A_110 : vector<1x1xi1>, vector<1x1xi32>
      %or3A_130 = arith.constant 33554432 : i32
      %or3A_131 = vector.broadcast %or3A_130 : i32 to vector<1x1xi32>
      %or3A_132 = arith.ori %select_n3A_129, %or3A_131 : vector<1x1xi32>
      %xor3A_133 = arith.constant -2147483648 : i32
      %xor3A_134 = vector.broadcast %xor3A_133 : i32 to vector<1x1xi32>
      %xor3A_135 = arith.xori %or3A_132, %xor3A_134 : vector<1x1xi32>
      %ge3A_136 = vector.broadcast %xor3A_135 : vector<1x1xi32> to vector<8x512xi32>
      %ge3A_137 = arith.cmpi sge, %select_n3A, %ge3A_136 : vector<8x512xi32>
      %convert_element_type3A_138 = arith.extui %ge3A_137 : vector<8x512xi1> to vector<8x512xi32>
      %reduce_sum3A_139 = vector.shape_cast %convert_element_type3A_138 : vector<8x512xi32> to vector<1x8x512xi32>
      %reduce_sum3A_140 = arith.constant dense<0> : vector<1xi32>
      %reduce_sum3A_141 = vector.multi_reduction <add>, %reduce_sum3A_139, %reduce_sum3A_140 [1, 2] : vector<1x8x512xi32> to vector<1xi32>
      %reduce_sum3A_142 = vector.shape_cast %reduce_sum3A_141 : vector<1xi32> to vector<1x1x1xi32>
      %reduce_sum3A_143 = vector.extract %reduce_sum3A_142[0, 0, 0] : i32 from vector<1x1x1xi32>
      %broadcast_in_dim3A_144 = vector.broadcast %reduce_sum3A_143 : i32 to vector<1x1xi32>
      %ge3A_145 = arith.constant 2048 : i32
      %ge3A_146 = vector.broadcast %ge3A_145 : i32 to vector<1x1xi32>
      %ge3A_147 = arith.cmpi sge, %broadcast_in_dim3A_144, %ge3A_146 : vector<1x1xi32>
      %select_n3A_148 = arith.select %ge3A_147, %or3A_132, %select_n3A_129 : vector<1x1xi1>, vector<1x1xi32>
      %or3A_149 = arith.constant 16777216 : i32
      %or3A_150 = vector.broadcast %or3A_149 : i32 to vector<1x1xi32>
      %or3A_151 = arith.ori %select_n3A_148, %or3A_150 : vector<1x1xi32>
      %xor3A_152 = arith.constant -2147483648 : i32
      %xor3A_153 = vector.broadcast %xor3A_152 : i32 to vector<1x1xi32>
      %xor3A_154 = arith.xori %or3A_151, %xor3A_153 : vector<1x1xi32>
      %ge3A_155 = vector.broadcast %xor3A_154 : vector<1x1xi32> to vector<8x512xi32>
      %ge3A_156 = arith.cmpi sge, %select_n3A, %ge3A_155 : vector<8x512xi32>
      %convert_element_type3A_157 = arith.extui %ge3A_156 : vector<8x512xi1> to vector<8x512xi32>
      %reduce_sum3A_158 = vector.shape_cast %convert_element_type3A_157 : vector<8x512xi32> to vector<1x8x512xi32>
      %reduce_sum3A_159 = arith.constant dense<0> : vector<1xi32>
      %reduce_sum3A_160 = vector.multi_reduction <add>, %reduce_sum3A_158, %reduce_sum3A_159 [1, 2] : vector<1x8x512xi32> to vector<1xi32>
      %reduce_sum3A_161 = vector.shape_cast %reduce_sum3A_160 : vector<1xi32> to vector<1x1x1xi32>
      %reduce_sum3A_162 = vector.extract %reduce_sum3A_161[0, 0, 0] : i32 from vector<1x1x1xi32>
      %broadcast_in_dim3A_163 = vector.broadcast %reduce_sum3A_162 : i32 to vector<1x1xi32>
      %ge3A_164 = arith.constant 2048 : i32
      %ge3A_165 = vector.broadcast %ge3A_164 : i32 to vector<1x1xi32>
      %ge3A_166 = arith.cmpi sge, %broadcast_in_dim3A_163, %ge3A_165 : vector<1x1xi32>
      %select_n3A_167 = arith.select %ge3A_166, %or3A_151, %select_n3A_148 : vector<1x1xi1>, vector<1x1xi32>
      %or3A_168 = arith.constant 8388608 : i32
      %or3A_169 = vector.broadcast %or3A_168 : i32 to vector<1x1xi32>
      %or3A_170 = arith.ori %select_n3A_167, %or3A_169 : vector<1x1xi32>
      %xor3A_171 = arith.constant -2147483648 : i32
      %xor3A_172 = vector.broadcast %xor3A_171 : i32 to vector<1x1xi32>
      %xor3A_173 = arith.xori %or3A_170, %xor3A_172 : vector<1x1xi32>
      %ge3A_174 = vector.broadcast %xor3A_173 : vector<1x1xi32> to vector<8x512xi32>
      %ge3A_175 = arith.cmpi sge, %select_n3A, %ge3A_174 : vector<8x512xi32>
      %convert_element_type3A_176 = arith.extui %ge3A_175 : vector<8x512xi1> to vector<8x512xi32>
      %reduce_sum3A_177 = vector.shape_cast %convert_element_type3A_176 : vector<8x512xi32> to vector<1x8x512xi32>
      %reduce_sum3A_178 = arith.constant dense<0> : vector<1xi32>
      %reduce_sum3A_179 = vector.multi_reduction <add>, %reduce_sum3A_177, %reduce_sum3A_178 [1, 2] : vector<1x8x512xi32> to vector<1xi32>
      %reduce_sum3A_180 = vector.shape_cast %reduce_sum3A_179 : vector<1xi32> to vector<1x1x1xi32>
      %reduce_sum3A_181 = vector.extract %reduce_sum3A_180[0, 0, 0] : i32 from vector<1x1x1xi32>
      %broadcast_in_dim3A_182 = vector.broadcast %reduce_sum3A_181 : i32 to vector<1x1xi32>
      %ge3A_183 = arith.constant 2048 : i32
      %ge3A_184 = vector.broadcast %ge3A_183 : i32 to vector<1x1xi32>
      %ge3A_185 = arith.cmpi sge, %broadcast_in_dim3A_182, %ge3A_184 : vector<1x1xi32>
      %select_n3A_186 = arith.select %ge3A_185, %or3A_170, %select_n3A_167 : vector<1x1xi1>, vector<1x1xi32>
      %or3A_187 = arith.constant 4194304 : i32
      %or3A_188 = vector.broadcast %or3A_187 : i32 to vector<1x1xi32>
      %or3A_189 = arith.ori %select_n3A_186, %or3A_188 : vector<1x1xi32>
      %xor3A_190 = arith.constant -2147483648 : i32
      %xor3A_191 = vector.broadcast %xor3A_190 : i32 to vector<1x1xi32>
      %xor3A_192 = arith.xori %or3A_189, %xor3A_191 : vector<1x1xi32>
      %ge3A_193 = vector.broadcast %xor3A_192 : vector<1x1xi32> to vector<8x512xi32>
      %ge3A_194 = arith.cmpi sge, %select_n3A, %ge3A_193 : vector<8x512xi32>
      %convert_element_type3A_195 = arith.extui %ge3A_194 : vector<8x512xi1> to vector<8x512xi32>
      %reduce_sum3A_196 = vector.shape_cast %convert_element_type3A_195 : vector<8x512xi32> to vector<1x8x512xi32>
      %reduce_sum3A_197 = arith.constant dense<0> : vector<1xi32>
      %reduce_sum3A_198 = vector.multi_reduction <add>, %reduce_sum3A_196, %reduce_sum3A_197 [1, 2] : vector<1x8x512xi32> to vector<1xi32>
      %reduce_sum3A_199 = vector.shape_cast %reduce_sum3A_198 : vector<1xi32> to vector<1x1x1xi32>
      %reduce_sum3A_200 = vector.extract %reduce_sum3A_199[0, 0, 0] : i32 from vector<1x1x1xi32>
      %broadcast_in_dim3A_201 = vector.broadcast %reduce_sum3A_200 : i32 to vector<1x1xi32>
      %ge3A_202 = arith.constant 2048 : i32
      %ge3A_203 = vector.broadcast %ge3A_202 : i32 to vector<1x1xi32>
      %ge3A_204 = arith.cmpi sge, %broadcast_in_dim3A_201, %ge3A_203 : vector<1x1xi32>
      %select_n3A_205 = arith.select %ge3A_204, %or3A_189, %select_n3A_186 : vector<1x1xi1>, vector<1x1xi32>
      %or3A_206 = arith.constant 2097152 : i32
      %or3A_207 = vector.broadcast %or3A_206 : i32 to vector<1x1xi32>
      %or3A_208 = arith.ori %select_n3A_205, %or3A_207 : vector<1x1xi32>
      %xor3A_209 = arith.constant -2147483648 : i32
      %xor3A_210 = vector.broadcast %xor3A_209 : i32 to vector<1x1xi32>
      %xor3A_211 = arith.xori %or3A_208, %xor3A_210 : vector<1x1xi32>
      %ge3A_212 = vector.broadcast %xor3A_211 : vector<1x1xi32> to vector<8x512xi32>
      %ge3A_213 = arith.cmpi sge, %select_n3A, %ge3A_212 : vector<8x512xi32>
      %convert_element_type3A_214 = arith.extui %ge3A_213 : vector<8x512xi1> to vector<8x512xi32>
      %reduce_sum3A_215 = vector.shape_cast %convert_element_type3A_214 : vector<8x512xi32> to vector<1x8x512xi32>
      %reduce_sum3A_216 = arith.constant dense<0> : vector<1xi32>
      %reduce_sum3A_217 = vector.multi_reduction <add>, %reduce_sum3A_215, %reduce_sum3A_216 [1, 2] : vector<1x8x512xi32> to vector<1xi32>
      %reduce_sum3A_218 = vector.shape_cast %reduce_sum3A_217 : vector<1xi32> to vector<1x1x1xi32>
      %reduce_sum3A_219 = vector.extract %reduce_sum3A_218[0, 0, 0] : i32 from vector<1x1x1xi32>
      %broadcast_in_dim3A_220 = vector.broadcast %reduce_sum3A_219 : i32 to vector<1x1xi32>
      %ge3A_221 = arith.constant 2048 : i32
      %ge3A_222 = vector.broadcast %ge3A_221 : i32 to vector<1x1xi32>
      %ge3A_223 = arith.cmpi sge, %broadcast_in_dim3A_220, %ge3A_222 : vector<1x1xi32>
      %select_n3A_224 = arith.select %ge3A_223, %or3A_208, %select_n3A_205 : vector<1x1xi1>, vector<1x1xi32>
      %or3A_225 = arith.constant 1048576 : i32
      %or3A_226 = vector.broadcast %or3A_225 : i32 to vector<1x1xi32>
      %or3A_227 = arith.ori %select_n3A_224, %or3A_226 : vector<1x1xi32>
      %xor3A_228 = arith.constant -2147483648 : i32
      %xor3A_229 = vector.broadcast %xor3A_228 : i32 to vector<1x1xi32>
      %xor3A_230 = arith.xori %or3A_227, %xor3A_229 : vector<1x1xi32>
      %ge3A_231 = vector.broadcast %xor3A_230 : vector<1x1xi32> to vector<8x512xi32>
      %ge3A_232 = arith.cmpi sge, %select_n3A, %ge3A_231 : vector<8x512xi32>
      %convert_element_type3A_233 = arith.extui %ge3A_232 : vector<8x512xi1> to vector<8x512xi32>
      %reduce_sum3A_234 = vector.shape_cast %convert_element_type3A_233 : vector<8x512xi32> to vector<1x8x512xi32>
      %reduce_sum3A_235 = arith.constant dense<0> : vector<1xi32>
      %reduce_sum3A_236 = vector.multi_reduction <add>, %reduce_sum3A_234, %reduce_sum3A_235 [1, 2] : vector<1x8x512xi32> to vector<1xi32>
      %reduce_sum3A_237 = vector.shape_cast %reduce_sum3A_236 : vector<1xi32> to vector<1x1x1xi32>
      %reduce_sum3A_238 = vector.extract %reduce_sum3A_237[0, 0, 0] : i32 from vector<1x1x1xi32>
      %broadcast_in_dim3A_239 = vector.broadcast %reduce_sum3A_238 : i32 to vector<1x1xi32>
      %ge3A_240 = arith.constant 2048 : i32
      %ge3A_241 = vector.broadcast %ge3A_240 : i32 to vector<1x1xi32>
      %ge3A_242 = arith.cmpi sge, %broadcast_in_dim3A_239, %ge3A_241 : vector<1x1xi32>
      %select_n3A_243 = arith.select %ge3A_242, %or3A_227, %select_n3A_224 : vector<1x1xi1>, vector<1x1xi32>
      %or3A_244 = arith.constant 524288 : i32
      %or3A_245 = vector.broadcast %or3A_244 : i32 to vector<1x1xi32>
      %or3A_246 = arith.ori %select_n3A_243, %or3A_245 : vector<1x1xi32>
      %xor3A_247 = arith.constant -2147483648 : i32
      %xor3A_248 = vector.broadcast %xor3A_247 : i32 to vector<1x1xi32>
      %xor3A_249 = arith.xori %or3A_246, %xor3A_248 : vector<1x1xi32>
      %ge3A_250 = vector.broadcast %xor3A_249 : vector<1x1xi32> to vector<8x512xi32>
      %ge3A_251 = arith.cmpi sge, %select_n3A, %ge3A_250 : vector<8x512xi32>
      %convert_element_type3A_252 = arith.extui %ge3A_251 : vector<8x512xi1> to vector<8x512xi32>
      %reduce_sum3A_253 = vector.shape_cast %convert_element_type3A_252 : vector<8x512xi32> to vector<1x8x512xi32>
      %reduce_sum3A_254 = arith.constant dense<0> : vector<1xi32>
      %reduce_sum3A_255 = vector.multi_reduction <add>, %reduce_sum3A_253, %reduce_sum3A_254 [1, 2] : vector<1x8x512xi32> to vector<1xi32>
      %reduce_sum3A_256 = vector.shape_cast %reduce_sum3A_255 : vector<1xi32> to vector<1x1x1xi32>
      %reduce_sum3A_257 = vector.extract %reduce_sum3A_256[0, 0, 0] : i32 from vector<1x1x1xi32>
      %broadcast_in_dim3A_258 = vector.broadcast %reduce_sum3A_257 : i32 to vector<1x1xi32>
      %ge3A_259 = arith.constant 2048 : i32
      %ge3A_260 = vector.broadcast %ge3A_259 : i32 to vector<1x1xi32>
      %ge3A_261 = arith.cmpi sge, %broadcast_in_dim3A_258, %ge3A_260 : vector<1x1xi32>
      %select_n3A_262 = arith.select %ge3A_261, %or3A_246, %select_n3A_243 : vector<1x1xi1>, vector<1x1xi32>
      %or3A_263 = arith.constant 262144 : i32
      %or3A_264 = vector.broadcast %or3A_263 : i32 to vector<1x1xi32>
      %or3A_265 = arith.ori %select_n3A_262, %or3A_264 : vector<1x1xi32>
      %xor3A_266 = arith.constant -2147483648 : i32
      %xor3A_267 = vector.broadcast %xor3A_266 : i32 to vector<1x1xi32>
      %xor3A_268 = arith.xori %or3A_265, %xor3A_267 : vector<1x1xi32>
      %ge3A_269 = vector.broadcast %xor3A_268 : vector<1x1xi32> to vector<8x512xi32>
      %ge3A_270 = arith.cmpi sge, %select_n3A, %ge3A_269 : vector<8x512xi32>
      %convert_element_type3A_271 = arith.extui %ge3A_270 : vector<8x512xi1> to vector<8x512xi32>
      %reduce_sum3A_272 = vector.shape_cast %convert_element_type3A_271 : vector<8x512xi32> to vector<1x8x512xi32>
      %reduce_sum3A_273 = arith.constant dense<0> : vector<1xi32>
      %reduce_sum3A_274 = vector.multi_reduction <add>, %reduce_sum3A_272, %reduce_sum3A_273 [1, 2] : vector<1x8x512xi32> to vector<1xi32>
      %reduce_sum3A_275 = vector.shape_cast %reduce_sum3A_274 : vector<1xi32> to vector<1x1x1xi32>
      %reduce_sum3A_276 = vector.extract %reduce_sum3A_275[0, 0, 0] : i32 from vector<1x1x1xi32>
      %broadcast_in_dim3A_277 = vector.broadcast %reduce_sum3A_276 : i32 to vector<1x1xi32>
      %ge3A_278 = arith.constant 2048 : i32
      %ge3A_279 = vector.broadcast %ge3A_278 : i32 to vector<1x1xi32>
      %ge3A_280 = arith.cmpi sge, %broadcast_in_dim3A_277, %ge3A_279 : vector<1x1xi32>
      %select_n3A_281 = arith.select %ge3A_280, %or3A_265, %select_n3A_262 : vector<1x1xi1>, vector<1x1xi32>
      %or3A_282 = arith.constant 131072 : i32
      %or3A_283 = vector.broadcast %or3A_282 : i32 to vector<1x1xi32>
      %or3A_284 = arith.ori %select_n3A_281, %or3A_283 : vector<1x1xi32>
      %xor3A_285 = arith.constant -2147483648 : i32
      %xor3A_286 = vector.broadcast %xor3A_285 : i32 to vector<1x1xi32>
      %xor3A_287 = arith.xori %or3A_284, %xor3A_286 : vector<1x1xi32>
      %ge3A_288 = vector.broadcast %xor3A_287 : vector<1x1xi32> to vector<8x512xi32>
      %ge3A_289 = arith.cmpi sge, %select_n3A, %ge3A_288 : vector<8x512xi32>
      %convert_element_type3A_290 = arith.extui %ge3A_289 : vector<8x512xi1> to vector<8x512xi32>
      %reduce_sum3A_291 = vector.shape_cast %convert_element_type3A_290 : vector<8x512xi32> to vector<1x8x512xi32>
      %reduce_sum3A_292 = arith.constant dense<0> : vector<1xi32>
      %reduce_sum3A_293 = vector.multi_reduction <add>, %reduce_sum3A_291, %reduce_sum3A_292 [1, 2] : vector<1x8x512xi32> to vector<1xi32>
      %reduce_sum3A_294 = vector.shape_cast %reduce_sum3A_293 : vector<1xi32> to vector<1x1x1xi32>
      %reduce_sum3A_295 = vector.extract %reduce_sum3A_294[0, 0, 0] : i32 from vector<1x1x1xi32>
      %broadcast_in_dim3A_296 = vector.broadcast %reduce_sum3A_295 : i32 to vector<1x1xi32>
      %ge3A_297 = arith.constant 2048 : i32
      %ge3A_298 = vector.broadcast %ge3A_297 : i32 to vector<1x1xi32>
      %ge3A_299 = arith.cmpi sge, %broadcast_in_dim3A_296, %ge3A_298 : vector<1x1xi32>
      %select_n3A_300 = arith.select %ge3A_299, %or3A_284, %select_n3A_281 : vector<1x1xi1>, vector<1x1xi32>
      %or3A_301 = arith.constant 65536 : i32
      %or3A_302 = vector.broadcast %or3A_301 : i32 to vector<1x1xi32>
      %or3A_303 = arith.ori %select_n3A_300, %or3A_302 : vector<1x1xi32>
      %xor3A_304 = arith.constant -2147483648 : i32
      %xor3A_305 = vector.broadcast %xor3A_304 : i32 to vector<1x1xi32>
      %xor3A_306 = arith.xori %or3A_303, %xor3A_305 : vector<1x1xi32>
      %ge3A_307 = vector.broadcast %xor3A_306 : vector<1x1xi32> to vector<8x512xi32>
      %ge3A_308 = arith.cmpi sge, %select_n3A, %ge3A_307 : vector<8x512xi32>
      %convert_element_type3A_309 = arith.extui %ge3A_308 : vector<8x512xi1> to vector<8x512xi32>
      %reduce_sum3A_310 = vector.shape_cast %convert_element_type3A_309 : vector<8x512xi32> to vector<1x8x512xi32>
      %reduce_sum3A_311 = arith.constant dense<0> : vector<1xi32>
      %reduce_sum3A_312 = vector.multi_reduction <add>, %reduce_sum3A_310, %reduce_sum3A_311 [1, 2] : vector<1x8x512xi32> to vector<1xi32>
      %reduce_sum3A_313 = vector.shape_cast %reduce_sum3A_312 : vector<1xi32> to vector<1x1x1xi32>
      %reduce_sum3A_314 = vector.extract %reduce_sum3A_313[0, 0, 0] : i32 from vector<1x1x1xi32>
      %broadcast_in_dim3A_315 = vector.broadcast %reduce_sum3A_314 : i32 to vector<1x1xi32>
      %ge3A_316 = arith.constant 2048 : i32
      %ge3A_317 = vector.broadcast %ge3A_316 : i32 to vector<1x1xi32>
      %ge3A_318 = arith.cmpi sge, %broadcast_in_dim3A_315, %ge3A_317 : vector<1x1xi32>
      %select_n3A_319 = arith.select %ge3A_318, %or3A_303, %select_n3A_300 : vector<1x1xi1>, vector<1x1xi32>
      %or3A_320 = arith.constant 32768 : i32
      %or3A_321 = vector.broadcast %or3A_320 : i32 to vector<1x1xi32>
      %or3A_322 = arith.ori %select_n3A_319, %or3A_321 : vector<1x1xi32>
      %xor3A_323 = arith.constant -2147483648 : i32
      %xor3A_324 = vector.broadcast %xor3A_323 : i32 to vector<1x1xi32>
      %xor3A_325 = arith.xori %or3A_322, %xor3A_324 : vector<1x1xi32>
      %ge3A_326 = vector.broadcast %xor3A_325 : vector<1x1xi32> to vector<8x512xi32>
      %ge3A_327 = arith.cmpi sge, %select_n3A, %ge3A_326 : vector<8x512xi32>
      %convert_element_type3A_328 = arith.extui %ge3A_327 : vector<8x512xi1> to vector<8x512xi32>
      %reduce_sum3A_329 = vector.shape_cast %convert_element_type3A_328 : vector<8x512xi32> to vector<1x8x512xi32>
      %reduce_sum3A_330 = arith.constant dense<0> : vector<1xi32>
      %reduce_sum3A_331 = vector.multi_reduction <add>, %reduce_sum3A_329, %reduce_sum3A_330 [1, 2] : vector<1x8x512xi32> to vector<1xi32>
      %reduce_sum3A_332 = vector.shape_cast %reduce_sum3A_331 : vector<1xi32> to vector<1x1x1xi32>
      %reduce_sum3A_333 = vector.extract %reduce_sum3A_332[0, 0, 0] : i32 from vector<1x1x1xi32>
      %broadcast_in_dim3A_334 = vector.broadcast %reduce_sum3A_333 : i32 to vector<1x1xi32>
      %ge3A_335 = arith.constant 2048 : i32
      %ge3A_336 = vector.broadcast %ge3A_335 : i32 to vector<1x1xi32>
      %ge3A_337 = arith.cmpi sge, %broadcast_in_dim3A_334, %ge3A_336 : vector<1x1xi32>
      %select_n3A_338 = arith.select %ge3A_337, %or3A_322, %select_n3A_319 : vector<1x1xi1>, vector<1x1xi32>
      %or3A_339 = arith.constant 16384 : i32
      %or3A_340 = vector.broadcast %or3A_339 : i32 to vector<1x1xi32>
      %or3A_341 = arith.ori %select_n3A_338, %or3A_340 : vector<1x1xi32>
      %xor3A_342 = arith.constant -2147483648 : i32
      %xor3A_343 = vector.broadcast %xor3A_342 : i32 to vector<1x1xi32>
      %xor3A_344 = arith.xori %or3A_341, %xor3A_343 : vector<1x1xi32>
      %ge3A_345 = vector.broadcast %xor3A_344 : vector<1x1xi32> to vector<8x512xi32>
      %ge3A_346 = arith.cmpi sge, %select_n3A, %ge3A_345 : vector<8x512xi32>
      %convert_element_type3A_347 = arith.extui %ge3A_346 : vector<8x512xi1> to vector<8x512xi32>
      %reduce_sum3A_348 = vector.shape_cast %convert_element_type3A_347 : vector<8x512xi32> to vector<1x8x512xi32>
      %reduce_sum3A_349 = arith.constant dense<0> : vector<1xi32>
      %reduce_sum3A_350 = vector.multi_reduction <add>, %reduce_sum3A_348, %reduce_sum3A_349 [1, 2] : vector<1x8x512xi32> to vector<1xi32>
      %reduce_sum3A_351 = vector.shape_cast %reduce_sum3A_350 : vector<1xi32> to vector<1x1x1xi32>
      %reduce_sum3A_352 = vector.extract %reduce_sum3A_351[0, 0, 0] : i32 from vector<1x1x1xi32>
      %broadcast_in_dim3A_353 = vector.broadcast %reduce_sum3A_352 : i32 to vector<1x1xi32>
      %ge3A_354 = arith.constant 2048 : i32
      %ge3A_355 = vector.broadcast %ge3A_354 : i32 to vector<1x1xi32>
      %ge3A_356 = arith.cmpi sge, %broadcast_in_dim3A_353, %ge3A_355 : vector<1x1xi32>
      %select_n3A_357 = arith.select %ge3A_356, %or3A_341, %select_n3A_338 : vector<1x1xi1>, vector<1x1xi32>
      %or3A_358 = arith.constant 8192 : i32
      %or3A_359 = vector.broadcast %or3A_358 : i32 to vector<1x1xi32>
      %or3A_360 = arith.ori %select_n3A_357, %or3A_359 : vector<1x1xi32>
      %xor3A_361 = arith.constant -2147483648 : i32
      %xor3A_362 = vector.broadcast %xor3A_361 : i32 to vector<1x1xi32>
      %xor3A_363 = arith.xori %or3A_360, %xor3A_362 : vector<1x1xi32>
      %ge3A_364 = vector.broadcast %xor3A_363 : vector<1x1xi32> to vector<8x512xi32>
      %ge3A_365 = arith.cmpi sge, %select_n3A, %ge3A_364 : vector<8x512xi32>
      %convert_element_type3A_366 = arith.extui %ge3A_365 : vector<8x512xi1> to vector<8x512xi32>
      %reduce_sum3A_367 = vector.shape_cast %convert_element_type3A_366 : vector<8x512xi32> to vector<1x8x512xi32>
      %reduce_sum3A_368 = arith.constant dense<0> : vector<1xi32>
      %reduce_sum3A_369 = vector.multi_reduction <add>, %reduce_sum3A_367, %reduce_sum3A_368 [1, 2] : vector<1x8x512xi32> to vector<1xi32>
      %reduce_sum3A_370 = vector.shape_cast %reduce_sum3A_369 : vector<1xi32> to vector<1x1x1xi32>
      %reduce_sum3A_371 = vector.extract %reduce_sum3A_370[0, 0, 0] : i32 from vector<1x1x1xi32>
      %broadcast_in_dim3A_372 = vector.broadcast %reduce_sum3A_371 : i32 to vector<1x1xi32>
      %ge3A_373 = arith.constant 2048 : i32
      %ge3A_374 = vector.broadcast %ge3A_373 : i32 to vector<1x1xi32>
      %ge3A_375 = arith.cmpi sge, %broadcast_in_dim3A_372, %ge3A_374 : vector<1x1xi32>
      %select_n3A_376 = arith.select %ge3A_375, %or3A_360, %select_n3A_357 : vector<1x1xi1>, vector<1x1xi32>
      %or3A_377 = arith.constant 4096 : i32
      %or3A_378 = vector.broadcast %or3A_377 : i32 to vector<1x1xi32>
      %or3A_379 = arith.ori %select_n3A_376, %or3A_378 : vector<1x1xi32>
      %xor3A_380 = arith.constant -2147483648 : i32
      %xor3A_381 = vector.broadcast %xor3A_380 : i32 to vector<1x1xi32>
      %xor3A_382 = arith.xori %or3A_379, %xor3A_381 : vector<1x1xi32>
      %ge3A_383 = vector.broadcast %xor3A_382 : vector<1x1xi32> to vector<8x512xi32>
      %ge3A_384 = arith.cmpi sge, %select_n3A, %ge3A_383 : vector<8x512xi32>
      %convert_element_type3A_385 = arith.extui %ge3A_384 : vector<8x512xi1> to vector<8x512xi32>
      %reduce_sum3A_386 = vector.shape_cast %convert_element_type3A_385 : vector<8x512xi32> to vector<1x8x512xi32>
      %reduce_sum3A_387 = arith.constant dense<0> : vector<1xi32>
      %reduce_sum3A_388 = vector.multi_reduction <add>, %reduce_sum3A_386, %reduce_sum3A_387 [1, 2] : vector<1x8x512xi32> to vector<1xi32>
      %reduce_sum3A_389 = vector.shape_cast %reduce_sum3A_388 : vector<1xi32> to vector<1x1x1xi32>
      %reduce_sum3A_390 = vector.extract %reduce_sum3A_389[0, 0, 0] : i32 from vector<1x1x1xi32>
      %broadcast_in_dim3A_391 = vector.broadcast %reduce_sum3A_390 : i32 to vector<1x1xi32>
      %ge3A_392 = arith.constant 2048 : i32
      %ge3A_393 = vector.broadcast %ge3A_392 : i32 to vector<1x1xi32>
      %ge3A_394 = arith.cmpi sge, %broadcast_in_dim3A_391, %ge3A_393 : vector<1x1xi32>
      %select_n3A_395 = arith.select %ge3A_394, %or3A_379, %select_n3A_376 : vector<1x1xi1>, vector<1x1xi32>
      %or3A_396 = arith.constant 2048 : i32
      %or3A_397 = vector.broadcast %or3A_396 : i32 to vector<1x1xi32>
      %or3A_398 = arith.ori %select_n3A_395, %or3A_397 : vector<1x1xi32>
      %xor3A_399 = arith.constant -2147483648 : i32
      %xor3A_400 = vector.broadcast %xor3A_399 : i32 to vector<1x1xi32>
      %xor3A_401 = arith.xori %or3A_398, %xor3A_400 : vector<1x1xi32>
      %ge3A_402 = vector.broadcast %xor3A_401 : vector<1x1xi32> to vector<8x512xi32>
      %ge3A_403 = arith.cmpi sge, %select_n3A, %ge3A_402 : vector<8x512xi32>
      %convert_element_type3A_404 = arith.extui %ge3A_403 : vector<8x512xi1> to vector<8x512xi32>
      %reduce_sum3A_405 = vector.shape_cast %convert_element_type3A_404 : vector<8x512xi32> to vector<1x8x512xi32>
      %reduce_sum3A_406 = arith.constant dense<0> : vector<1xi32>
      %reduce_sum3A_407 = vector.multi_reduction <add>, %reduce_sum3A_405, %reduce_sum3A_406 [1, 2] : vector<1x8x512xi32> to vector<1xi32>
      %reduce_sum3A_408 = vector.shape_cast %reduce_sum3A_407 : vector<1xi32> to vector<1x1x1xi32>
      %reduce_sum3A_409 = vector.extract %reduce_sum3A_408[0, 0, 0] : i32 from vector<1x1x1xi32>
      %broadcast_in_dim3A_410 = vector.broadcast %reduce_sum3A_409 : i32 to vector<1x1xi32>
      %ge3A_411 = arith.constant 2048 : i32
      %ge3A_412 = vector.broadcast %ge3A_411 : i32 to vector<1x1xi32>
      %ge3A_413 = arith.cmpi sge, %broadcast_in_dim3A_410, %ge3A_412 : vector<1x1xi32>
      %select_n3A_414 = arith.select %ge3A_413, %or3A_398, %select_n3A_395 : vector<1x1xi1>, vector<1x1xi32>
      %or3A_415 = arith.constant 1024 : i32
      %or3A_416 = vector.broadcast %or3A_415 : i32 to vector<1x1xi32>
      %or3A_417 = arith.ori %select_n3A_414, %or3A_416 : vector<1x1xi32>
      %xor3A_418 = arith.constant -2147483648 : i32
      %xor3A_419 = vector.broadcast %xor3A_418 : i32 to vector<1x1xi32>
      %xor3A_420 = arith.xori %or3A_417, %xor3A_419 : vector<1x1xi32>
      %ge3A_421 = vector.broadcast %xor3A_420 : vector<1x1xi32> to vector<8x512xi32>
      %ge3A_422 = arith.cmpi sge, %select_n3A, %ge3A_421 : vector<8x512xi32>
      %convert_element_type3A_423 = arith.extui %ge3A_422 : vector<8x512xi1> to vector<8x512xi32>
      %reduce_sum3A_424 = vector.shape_cast %convert_element_type3A_423 : vector<8x512xi32> to vector<1x8x512xi32>
      %reduce_sum3A_425 = arith.constant dense<0> : vector<1xi32>
      %reduce_sum3A_426 = vector.multi_reduction <add>, %reduce_sum3A_424, %reduce_sum3A_425 [1, 2] : vector<1x8x512xi32> to vector<1xi32>
      %reduce_sum3A_427 = vector.shape_cast %reduce_sum3A_426 : vector<1xi32> to vector<1x1x1xi32>
      %reduce_sum3A_428 = vector.extract %reduce_sum3A_427[0, 0, 0] : i32 from vector<1x1x1xi32>
      %broadcast_in_dim3A_429 = vector.broadcast %reduce_sum3A_428 : i32 to vector<1x1xi32>
      %ge3A_430 = arith.constant 2048 : i32
      %ge3A_431 = vector.broadcast %ge3A_430 : i32 to vector<1x1xi32>
      %ge3A_432 = arith.cmpi sge, %broadcast_in_dim3A_429, %ge3A_431 : vector<1x1xi32>
      %select_n3A_433 = arith.select %ge3A_432, %or3A_417, %select_n3A_414 : vector<1x1xi1>, vector<1x1xi32>
      %or3A_434 = arith.constant 512 : i32
      %or3A_435 = vector.broadcast %or3A_434 : i32 to vector<1x1xi32>
      %or3A_436 = arith.ori %select_n3A_433, %or3A_435 : vector<1x1xi32>
      %xor3A_437 = arith.constant -2147483648 : i32
      %xor3A_438 = vector.broadcast %xor3A_437 : i32 to vector<1x1xi32>
      %xor3A_439 = arith.xori %or3A_436, %xor3A_438 : vector<1x1xi32>
      %ge3A_440 = vector.broadcast %xor3A_439 : vector<1x1xi32> to vector<8x512xi32>
      %ge3A_441 = arith.cmpi sge, %select_n3A, %ge3A_440 : vector<8x512xi32>
      %convert_element_type3A_442 = arith.extui %ge3A_441 : vector<8x512xi1> to vector<8x512xi32>
      %reduce_sum3A_443 = vector.shape_cast %convert_element_type3A_442 : vector<8x512xi32> to vector<1x8x512xi32>
      %reduce_sum3A_444 = arith.constant dense<0> : vector<1xi32>
      %reduce_sum3A_445 = vector.multi_reduction <add>, %reduce_sum3A_443, %reduce_sum3A_444 [1, 2] : vector<1x8x512xi32> to vector<1xi32>
      %reduce_sum3A_446 = vector.shape_cast %reduce_sum3A_445 : vector<1xi32> to vector<1x1x1xi32>
      %reduce_sum3A_447 = vector.extract %reduce_sum3A_446[0, 0, 0] : i32 from vector<1x1x1xi32>
      %broadcast_in_dim3A_448 = vector.broadcast %reduce_sum3A_447 : i32 to vector<1x1xi32>
      %ge3A_449 = arith.constant 2048 : i32
      %ge3A_450 = vector.broadcast %ge3A_449 : i32 to vector<1x1xi32>
      %ge3A_451 = arith.cmpi sge, %broadcast_in_dim3A_448, %ge3A_450 : vector<1x1xi32>
      %select_n3A_452 = arith.select %ge3A_451, %or3A_436, %select_n3A_433 : vector<1x1xi1>, vector<1x1xi32>
      %or3A_453 = arith.constant 256 : i32
      %or3A_454 = vector.broadcast %or3A_453 : i32 to vector<1x1xi32>
      %or3A_455 = arith.ori %select_n3A_452, %or3A_454 : vector<1x1xi32>
      %xor3A_456 = arith.constant -2147483648 : i32
      %xor3A_457 = vector.broadcast %xor3A_456 : i32 to vector<1x1xi32>
      %xor3A_458 = arith.xori %or3A_455, %xor3A_457 : vector<1x1xi32>
      %ge3A_459 = vector.broadcast %xor3A_458 : vector<1x1xi32> to vector<8x512xi32>
      %ge3A_460 = arith.cmpi sge, %select_n3A, %ge3A_459 : vector<8x512xi32>
      %convert_element_type3A_461 = arith.extui %ge3A_460 : vector<8x512xi1> to vector<8x512xi32>
      %reduce_sum3A_462 = vector.shape_cast %convert_element_type3A_461 : vector<8x512xi32> to vector<1x8x512xi32>
      %reduce_sum3A_463 = arith.constant dense<0> : vector<1xi32>
      %reduce_sum3A_464 = vector.multi_reduction <add>, %reduce_sum3A_462, %reduce_sum3A_463 [1, 2] : vector<1x8x512xi32> to vector<1xi32>
      %reduce_sum3A_465 = vector.shape_cast %reduce_sum3A_464 : vector<1xi32> to vector<1x1x1xi32>
      %reduce_sum3A_466 = vector.extract %reduce_sum3A_465[0, 0, 0] : i32 from vector<1x1x1xi32>
      %broadcast_in_dim3A_467 = vector.broadcast %reduce_sum3A_466 : i32 to vector<1x1xi32>
      %ge3A_468 = arith.constant 2048 : i32
      %ge3A_469 = vector.broadcast %ge3A_468 : i32 to vector<1x1xi32>
      %ge3A_470 = arith.cmpi sge, %broadcast_in_dim3A_467, %ge3A_469 : vector<1x1xi32>
      %select_n3A_471 = arith.select %ge3A_470, %or3A_455, %select_n3A_452 : vector<1x1xi1>, vector<1x1xi32>
      %or3A_472 = arith.constant 128 : i32
      %or3A_473 = vector.broadcast %or3A_472 : i32 to vector<1x1xi32>
      %or3A_474 = arith.ori %select_n3A_471, %or3A_473 : vector<1x1xi32>
      %xor3A_475 = arith.constant -2147483648 : i32
      %xor3A_476 = vector.broadcast %xor3A_475 : i32 to vector<1x1xi32>
      %xor3A_477 = arith.xori %or3A_474, %xor3A_476 : vector<1x1xi32>
      %ge3A_478 = vector.broadcast %xor3A_477 : vector<1x1xi32> to vector<8x512xi32>
      %ge3A_479 = arith.cmpi sge, %select_n3A, %ge3A_478 : vector<8x512xi32>
      %convert_element_type3A_480 = arith.extui %ge3A_479 : vector<8x512xi1> to vector<8x512xi32>
      %reduce_sum3A_481 = vector.shape_cast %convert_element_type3A_480 : vector<8x512xi32> to vector<1x8x512xi32>
      %reduce_sum3A_482 = arith.constant dense<0> : vector<1xi32>
      %reduce_sum3A_483 = vector.multi_reduction <add>, %reduce_sum3A_481, %reduce_sum3A_482 [1, 2] : vector<1x8x512xi32> to vector<1xi32>
      %reduce_sum3A_484 = vector.shape_cast %reduce_sum3A_483 : vector<1xi32> to vector<1x1x1xi32>
      %reduce_sum3A_485 = vector.extract %reduce_sum3A_484[0, 0, 0] : i32 from vector<1x1x1xi32>
      %broadcast_in_dim3A_486 = vector.broadcast %reduce_sum3A_485 : i32 to vector<1x1xi32>
      %ge3A_487 = arith.constant 2048 : i32
      %ge3A_488 = vector.broadcast %ge3A_487 : i32 to vector<1x1xi32>
      %ge3A_489 = arith.cmpi sge, %broadcast_in_dim3A_486, %ge3A_488 : vector<1x1xi32>
      %select_n3A_490 = arith.select %ge3A_489, %or3A_474, %select_n3A_471 : vector<1x1xi1>, vector<1x1xi32>
      %or3A_491 = arith.constant 64 : i32
      %or3A_492 = vector.broadcast %or3A_491 : i32 to vector<1x1xi32>
      %or3A_493 = arith.ori %select_n3A_490, %or3A_492 : vector<1x1xi32>
      %xor3A_494 = arith.constant -2147483648 : i32
      %xor3A_495 = vector.broadcast %xor3A_494 : i32 to vector<1x1xi32>
      %xor3A_496 = arith.xori %or3A_493, %xor3A_495 : vector<1x1xi32>
      %ge3A_497 = vector.broadcast %xor3A_496 : vector<1x1xi32> to vector<8x512xi32>
      %ge3A_498 = arith.cmpi sge, %select_n3A, %ge3A_497 : vector<8x512xi32>
      %convert_element_type3A_499 = arith.extui %ge3A_498 : vector<8x512xi1> to vector<8x512xi32>
      %reduce_sum3A_500 = vector.shape_cast %convert_element_type3A_499 : vector<8x512xi32> to vector<1x8x512xi32>
      %reduce_sum3A_501 = arith.constant dense<0> : vector<1xi32>
      %reduce_sum3A_502 = vector.multi_reduction <add>, %reduce_sum3A_500, %reduce_sum3A_501 [1, 2] : vector<1x8x512xi32> to vector<1xi32>
      %reduce_sum3A_503 = vector.shape_cast %reduce_sum3A_502 : vector<1xi32> to vector<1x1x1xi32>
      %reduce_sum3A_504 = vector.extract %reduce_sum3A_503[0, 0, 0] : i32 from vector<1x1x1xi32>
      %broadcast_in_dim3A_505 = vector.broadcast %reduce_sum3A_504 : i32 to vector<1x1xi32>
      %ge3A_506 = arith.constant 2048 : i32
      %ge3A_507 = vector.broadcast %ge3A_506 : i32 to vector<1x1xi32>
      %ge3A_508 = arith.cmpi sge, %broadcast_in_dim3A_505, %ge3A_507 : vector<1x1xi32>
      %select_n3A_509 = arith.select %ge3A_508, %or3A_493, %select_n3A_490 : vector<1x1xi1>, vector<1x1xi32>
      %or3A_510 = arith.constant 32 : i32
      %or3A_511 = vector.broadcast %or3A_510 : i32 to vector<1x1xi32>
      %or3A_512 = arith.ori %select_n3A_509, %or3A_511 : vector<1x1xi32>
      %xor3A_513 = arith.constant -2147483648 : i32
      %xor3A_514 = vector.broadcast %xor3A_513 : i32 to vector<1x1xi32>
      %xor3A_515 = arith.xori %or3A_512, %xor3A_514 : vector<1x1xi32>
      %ge3A_516 = vector.broadcast %xor3A_515 : vector<1x1xi32> to vector<8x512xi32>
      %ge3A_517 = arith.cmpi sge, %select_n3A, %ge3A_516 : vector<8x512xi32>
      %convert_element_type3A_518 = arith.extui %ge3A_517 : vector<8x512xi1> to vector<8x512xi32>
      %reduce_sum3A_519 = vector.shape_cast %convert_element_type3A_518 : vector<8x512xi32> to vector<1x8x512xi32>
      %reduce_sum3A_520 = arith.constant dense<0> : vector<1xi32>
      %reduce_sum3A_521 = vector.multi_reduction <add>, %reduce_sum3A_519, %reduce_sum3A_520 [1, 2] : vector<1x8x512xi32> to vector<1xi32>
      %reduce_sum3A_522 = vector.shape_cast %reduce_sum3A_521 : vector<1xi32> to vector<1x1x1xi32>
      %reduce_sum3A_523 = vector.extract %reduce_sum3A_522[0, 0, 0] : i32 from vector<1x1x1xi32>
      %broadcast_in_dim3A_524 = vector.broadcast %reduce_sum3A_523 : i32 to vector<1x1xi32>
      %ge3A_525 = arith.constant 2048 : i32
      %ge3A_526 = vector.broadcast %ge3A_525 : i32 to vector<1x1xi32>
      %ge3A_527 = arith.cmpi sge, %broadcast_in_dim3A_524, %ge3A_526 : vector<1x1xi32>
      %select_n3A_528 = arith.select %ge3A_527, %or3A_512, %select_n3A_509 : vector<1x1xi1>, vector<1x1xi32>
      %or3A_529 = arith.constant 16 : i32
      %or3A_530 = vector.broadcast %or3A_529 : i32 to vector<1x1xi32>
      %or3A_531 = arith.ori %select_n3A_528, %or3A_530 : vector<1x1xi32>
      %xor3A_532 = arith.constant -2147483648 : i32
      %xor3A_533 = vector.broadcast %xor3A_532 : i32 to vector<1x1xi32>
      %xor3A_534 = arith.xori %or3A_531, %xor3A_533 : vector<1x1xi32>
      %ge3A_535 = vector.broadcast %xor3A_534 : vector<1x1xi32> to vector<8x512xi32>
      %ge3A_536 = arith.cmpi sge, %select_n3A, %ge3A_535 : vector<8x512xi32>
      %convert_element_type3A_537 = arith.extui %ge3A_536 : vector<8x512xi1> to vector<8x512xi32>
      %reduce_sum3A_538 = vector.shape_cast %convert_element_type3A_537 : vector<8x512xi32> to vector<1x8x512xi32>
      %reduce_sum3A_539 = arith.constant dense<0> : vector<1xi32>
      %reduce_sum3A_540 = vector.multi_reduction <add>, %reduce_sum3A_538, %reduce_sum3A_539 [1, 2] : vector<1x8x512xi32> to vector<1xi32>
      %reduce_sum3A_541 = vector.shape_cast %reduce_sum3A_540 : vector<1xi32> to vector<1x1x1xi32>
      %reduce_sum3A_542 = vector.extract %reduce_sum3A_541[0, 0, 0] : i32 from vector<1x1x1xi32>
      %broadcast_in_dim3A_543 = vector.broadcast %reduce_sum3A_542 : i32 to vector<1x1xi32>
      %ge3A_544 = arith.constant 2048 : i32
      %ge3A_545 = vector.broadcast %ge3A_544 : i32 to vector<1x1xi32>
      %ge3A_546 = arith.cmpi sge, %broadcast_in_dim3A_543, %ge3A_545 : vector<1x1xi32>
      %select_n3A_547 = arith.select %ge3A_546, %or3A_531, %select_n3A_528 : vector<1x1xi1>, vector<1x1xi32>
      %or3A_548 = arith.constant 8 : i32
      %or3A_549 = vector.broadcast %or3A_548 : i32 to vector<1x1xi32>
      %or3A_550 = arith.ori %select_n3A_547, %or3A_549 : vector<1x1xi32>
      %xor3A_551 = arith.constant -2147483648 : i32
      %xor3A_552 = vector.broadcast %xor3A_551 : i32 to vector<1x1xi32>
      %xor3A_553 = arith.xori %or3A_550, %xor3A_552 : vector<1x1xi32>
      %ge3A_554 = vector.broadcast %xor3A_553 : vector<1x1xi32> to vector<8x512xi32>
      %ge3A_555 = arith.cmpi sge, %select_n3A, %ge3A_554 : vector<8x512xi32>
      %convert_element_type3A_556 = arith.extui %ge3A_555 : vector<8x512xi1> to vector<8x512xi32>
      %reduce_sum3A_557 = vector.shape_cast %convert_element_type3A_556 : vector<8x512xi32> to vector<1x8x512xi32>
      %reduce_sum3A_558 = arith.constant dense<0> : vector<1xi32>
      %reduce_sum3A_559 = vector.multi_reduction <add>, %reduce_sum3A_557, %reduce_sum3A_558 [1, 2] : vector<1x8x512xi32> to vector<1xi32>
      %reduce_sum3A_560 = vector.shape_cast %reduce_sum3A_559 : vector<1xi32> to vector<1x1x1xi32>
      %reduce_sum3A_561 = vector.extract %reduce_sum3A_560[0, 0, 0] : i32 from vector<1x1x1xi32>
      %broadcast_in_dim3A_562 = vector.broadcast %reduce_sum3A_561 : i32 to vector<1x1xi32>
      %ge3A_563 = arith.constant 2048 : i32
      %ge3A_564 = vector.broadcast %ge3A_563 : i32 to vector<1x1xi32>
      %ge3A_565 = arith.cmpi sge, %broadcast_in_dim3A_562, %ge3A_564 : vector<1x1xi32>
      %select_n3A_566 = arith.select %ge3A_565, %or3A_550, %select_n3A_547 : vector<1x1xi1>, vector<1x1xi32>
      %or3A_567 = arith.constant 4 : i32
      %or3A_568 = vector.broadcast %or3A_567 : i32 to vector<1x1xi32>
      %or3A_569 = arith.ori %select_n3A_566, %or3A_568 : vector<1x1xi32>
      %xor3A_570 = arith.constant -2147483648 : i32
      %xor3A_571 = vector.broadcast %xor3A_570 : i32 to vector<1x1xi32>
      %xor3A_572 = arith.xori %or3A_569, %xor3A_571 : vector<1x1xi32>
      %ge3A_573 = vector.broadcast %xor3A_572 : vector<1x1xi32> to vector<8x512xi32>
      %ge3A_574 = arith.cmpi sge, %select_n3A, %ge3A_573 : vector<8x512xi32>
      %convert_element_type3A_575 = arith.extui %ge3A_574 : vector<8x512xi1> to vector<8x512xi32>
      %reduce_sum3A_576 = vector.shape_cast %convert_element_type3A_575 : vector<8x512xi32> to vector<1x8x512xi32>
      %reduce_sum3A_577 = arith.constant dense<0> : vector<1xi32>
      %reduce_sum3A_578 = vector.multi_reduction <add>, %reduce_sum3A_576, %reduce_sum3A_577 [1, 2] : vector<1x8x512xi32> to vector<1xi32>
      %reduce_sum3A_579 = vector.shape_cast %reduce_sum3A_578 : vector<1xi32> to vector<1x1x1xi32>
      %reduce_sum3A_580 = vector.extract %reduce_sum3A_579[0, 0, 0] : i32 from vector<1x1x1xi32>
      %broadcast_in_dim3A_581 = vector.broadcast %reduce_sum3A_580 : i32 to vector<1x1xi32>
      %ge3A_582 = arith.constant 2048 : i32
      %ge3A_583 = vector.broadcast %ge3A_582 : i32 to vector<1x1xi32>
      %ge3A_584 = arith.cmpi sge, %broadcast_in_dim3A_581, %ge3A_583 : vector<1x1xi32>
      %select_n3A_585 = arith.select %ge3A_584, %or3A_569, %select_n3A_566 : vector<1x1xi1>, vector<1x1xi32>
      %or3A_586 = arith.constant 2 : i32
      %or3A_587 = vector.broadcast %or3A_586 : i32 to vector<1x1xi32>
      %or3A_588 = arith.ori %select_n3A_585, %or3A_587 : vector<1x1xi32>
      %xor3A_589 = arith.constant -2147483648 : i32
      %xor3A_590 = vector.broadcast %xor3A_589 : i32 to vector<1x1xi32>
      %xor3A_591 = arith.xori %or3A_588, %xor3A_590 : vector<1x1xi32>
      %ge3A_592 = vector.broadcast %xor3A_591 : vector<1x1xi32> to vector<8x512xi32>
      %ge3A_593 = arith.cmpi sge, %select_n3A, %ge3A_592 : vector<8x512xi32>
      %convert_element_type3A_594 = arith.extui %ge3A_593 : vector<8x512xi1> to vector<8x512xi32>
      %reduce_sum3A_595 = vector.shape_cast %convert_element_type3A_594 : vector<8x512xi32> to vector<1x8x512xi32>
      %reduce_sum3A_596 = arith.constant dense<0> : vector<1xi32>
      %reduce_sum3A_597 = vector.multi_reduction <add>, %reduce_sum3A_595, %reduce_sum3A_596 [1, 2] : vector<1x8x512xi32> to vector<1xi32>
      %reduce_sum3A_598 = vector.shape_cast %reduce_sum3A_597 : vector<1xi32> to vector<1x1x1xi32>
      %reduce_sum3A_599 = vector.extract %reduce_sum3A_598[0, 0, 0] : i32 from vector<1x1x1xi32>
      %broadcast_in_dim3A_600 = vector.broadcast %reduce_sum3A_599 : i32 to vector<1x1xi32>
      %ge3A_601 = arith.constant 2048 : i32
      %ge3A_602 = vector.broadcast %ge3A_601 : i32 to vector<1x1xi32>
      %ge3A_603 = arith.cmpi sge, %broadcast_in_dim3A_600, %ge3A_602 : vector<1x1xi32>
      %select_n3A_604 = arith.select %ge3A_603, %or3A_588, %select_n3A_585 : vector<1x1xi1>, vector<1x1xi32>
      %or3A_605 = arith.constant 1 : i32
      %or3A_606 = vector.broadcast %or3A_605 : i32 to vector<1x1xi32>
      %or3A_607 = arith.ori %select_n3A_604, %or3A_606 : vector<1x1xi32>
      %xor3A_608 = arith.constant -2147483648 : i32
      %xor3A_609 = vector.broadcast %xor3A_608 : i32 to vector<1x1xi32>
      %xor3A_610 = arith.xori %or3A_607, %xor3A_609 : vector<1x1xi32>
      %ge3A_611 = vector.broadcast %xor3A_610 : vector<1x1xi32> to vector<8x512xi32>
      %ge3A_612 = arith.cmpi sge, %select_n3A, %ge3A_611 : vector<8x512xi32>
      %convert_element_type3A_613 = arith.extui %ge3A_612 : vector<8x512xi1> to vector<8x512xi32>
      %reduce_sum3A_614 = vector.shape_cast %convert_element_type3A_613 : vector<8x512xi32> to vector<1x8x512xi32>
      %reduce_sum3A_615 = arith.constant dense<0> : vector<1xi32>
      %reduce_sum3A_616 = vector.multi_reduction <add>, %reduce_sum3A_614, %reduce_sum3A_615 [1, 2] : vector<1x8x512xi32> to vector<1xi32>
      %reduce_sum3A_617 = vector.shape_cast %reduce_sum3A_616 : vector<1xi32> to vector<1x1x1xi32>
      %reduce_sum3A_618 = vector.extract %reduce_sum3A_617[0, 0, 0] : i32 from vector<1x1x1xi32>
      %broadcast_in_dim3A_619 = vector.broadcast %reduce_sum3A_618 : i32 to vector<1x1xi32>
      %ge3A_620 = arith.constant 2048 : i32
      %ge3A_621 = vector.broadcast %ge3A_620 : i32 to vector<1x1xi32>
      %ge3A_622 = arith.cmpi sge, %broadcast_in_dim3A_619, %ge3A_621 : vector<1x1xi32>
      %select_n3A_623 = arith.select %ge3A_622, %or3A_607, %select_n3A_604 : vector<1x1xi1>, vector<1x1xi32>
      %xor3A_624 = arith.constant -2147483648 : i32
      %xor3A_625 = vector.broadcast %xor3A_624 : i32 to vector<1x1xi32>
      %xor3A_626 = arith.xori %select_n3A_623, %xor3A_625 : vector<1x1xi32>
      %gt3A = vector.broadcast %xor3A_626 : vector<1x1xi32> to vector<8x512xi32>
      %gt3A_627 = arith.cmpi sgt, %select_n3A, %gt3A : vector<8x512xi32>
      %eq3A_628 = vector.broadcast %xor3A_626 : vector<1x1xi32> to vector<8x512xi32>
      %eq3A_629 = arith.cmpi eq, %select_n3A, %eq3A_628 : vector<8x512xi32>
      %convert_element_type3A_630 = arith.extui %gt3A_627 : vector<8x512xi1> to vector<8x512xi32>
      %reduce_sum3A_631 = vector.shape_cast %convert_element_type3A_630 : vector<8x512xi32> to vector<1x8x512xi32>
      %reduce_sum3A_632 = arith.constant dense<0> : vector<1xi32>
      %reduce_sum3A_633 = vector.multi_reduction <add>, %reduce_sum3A_631, %reduce_sum3A_632 [1, 2] : vector<1x8x512xi32> to vector<1xi32>
      %reduce_sum3A_634 = vector.shape_cast %reduce_sum3A_633 : vector<1xi32> to vector<1x1x1xi32>
      %reduce_sum3A_635 = vector.extract %reduce_sum3A_634[0, 0, 0] : i32 from vector<1x1x1xi32>
      %broadcast_in_dim3A_636 = vector.broadcast %reduce_sum3A_635 : i32 to vector<1x1xi32>
      %sub3A = arith.constant 2048 : i32
      %sub3A_637 = vector.broadcast %sub3A : i32 to vector<1x1xi32>
      %sub3A_638 = arith.subi %sub3A_637, %broadcast_in_dim3A_636 : vector<1x1xi32>
      %convert_element_type3A_639 = arith.extui %eq3A_629 : vector<8x512xi1> to vector<8x512xi32>
      %convert_element_type3A_640 = arith.sitofp %convert_element_type3A_639 : vector<8x512xi32> to vector<8x512xf32>
      %iota3A = tpu.iota {dimensions = array<i32: 0>} : vector<512x512xi32>
      %iota3A_641 = tpu.iota {dimensions = array<i32: 1>} : vector<512x512xi32>
      %le3A = arith.cmpi sle, %iota3A, %iota3A_641 : vector<512x512xi32>
      %convert_element_type3A_642 = arith.extui %le3A : vector<512x512xi1> to vector<512x512xi32>
      %convert_element_type3A_643 = arith.sitofp %convert_element_type3A_642 : vector<512x512xi32> to vector<512x512xf32>
      %dot_general3A = arith.constant dense<0.000000e+00> : vector<8x512xf32>
      %dot_general3A_644 = tpu.matmul %convert_element_type3A_640, %convert_element_type3A_643, %dot_general3A {dimension_numbers = #tpu.dot_dimension_numbers<[1], [0], [0], [1], [0, 0, 1, 1], [], []>, transpose_lhs_hint = false} : vector<8x512xf32>, vector<512x512xf32>, vector<8x512xf32> -> vector<8x512xf32>
      %reduce_sum3A_645 = arith.constant dense<0.000000e+00> : vector<8xf32>
      %reduce_sum3A_646 = vector.multi_reduction <add>, %convert_element_type3A_640, %reduce_sum3A_645 [1] : vector<8x512xf32> to vector<8xf32>
      %iota3A_647 = tpu.iota {dimensions = array<i32: 0>} : vector<8x8xi32>
      %iota3A_648 = tpu.iota {dimensions = array<i32: 1>} : vector<8x8xi32>
      %lt3A_649 = arith.cmpi slt, %iota3A_647, %iota3A_648 : vector<8x8xi32>
      %convert_element_type3A_650 = arith.extui %lt3A_649 : vector<8x8xi1> to vector<8x8xi32>
      %convert_element_type3A_651 = arith.sitofp %convert_element_type3A_650 : vector<8x8xi32> to vector<8x8xf32>
      %dot_general3A_652 = arith.constant dense<0.000000e+00> : vector<8xf32>
      %dot_general3A_653 = tpu.matmul %reduce_sum3A_646, %convert_element_type3A_651, %dot_general3A_652 {dimension_numbers = #tpu.dot_dimension_numbers<[0], [0], [], [1], [1, 1], [], []>, transpose_lhs_hint = false} : vector<8xf32>, vector<8x8xf32>, vector<8xf32> -> vector<8xf32>
      %broadcast_in_dim3A_654 = vector.shape_cast %dot_general3A_653 : vector<8xf32> to vector<8x1xf32>
      %add3A = vector.broadcast %broadcast_in_dim3A_654 : vector<8x1xf32> to vector<8x512xf32>
      %add3A_655 = arith.addf %dot_general3A_644, %add3A : vector<8x512xf32>
      %sub3A_656 = arith.subf %add3A_655, %convert_element_type3A_640 : vector<8x512xf32>
      %convert_element_type3A_657 = arith.sitofp %sub3A_638 : vector<1x1xi32> to vector<1x1xf32>
      %lt3A_658 = vector.broadcast %convert_element_type3A_657 : vector<1x1xf32> to vector<8x512xf32>
      %lt3A_659 = arith.cmpf olt, %sub3A_656, %lt3A_658 : vector<8x512xf32>
      %and3A = arith.andi %eq3A_629, %lt3A_659 : vector<8x512xi1>
      %or3A_660 = arith.ori %gt3A_627, %and3A : vector<8x512xi1>
      %convert_element_type3A_661 = arith.extui %or3A_660 : vector<8x512xi1> to vector<8x512xi32>
      %convert_element_type3A_662 = arith.extui %or3A_660 : vector<8x512xi1> to vector<8x512xi32>
      %convert_element_type3A_663 = arith.sitofp %convert_element_type3A_662 : vector<8x512xi32> to vector<8x512xf32>
      %iota3A_664 = tpu.iota {dimensions = array<i32: 0>} : vector<512x512xi32>
      %iota3A_665 = tpu.iota {dimensions = array<i32: 1>} : vector<512x512xi32>
      %le3A_666 = arith.cmpi sle, %iota3A_664, %iota3A_665 : vector<512x512xi32>
      %convert_element_type3A_667 = arith.extui %le3A_666 : vector<512x512xi1> to vector<512x512xi32>
      %convert_element_type3A_668 = arith.sitofp %convert_element_type3A_667 : vector<512x512xi32> to vector<512x512xf32>
      %dot_general3A_669 = arith.constant dense<0.000000e+00> : vector<8x512xf32>
      %dot_general3A_670 = tpu.matmul %convert_element_type3A_663, %convert_element_type3A_668, %dot_general3A_669 {dimension_numbers = #tpu.dot_dimension_numbers<[1], [0], [0], [1], [0, 0, 1, 1], [], []>, transpose_lhs_hint = false} : vector<8x512xf32>, vector<512x512xf32>, vector<8x512xf32> -> vector<8x512xf32>
      %reduce_sum3A_671 = arith.constant dense<0.000000e+00> : vector<8xf32>
      %reduce_sum3A_672 = vector.multi_reduction <add>, %convert_element_type3A_663, %reduce_sum3A_671 [1] : vector<8x512xf32> to vector<8xf32>
      %iota3A_673 = tpu.iota {dimensions = array<i32: 0>} : vector<8x8xi32>
      %iota3A_674 = tpu.iota {dimensions = array<i32: 1>} : vector<8x8xi32>
      %lt3A_675 = arith.cmpi slt, %iota3A_673, %iota3A_674 : vector<8x8xi32>
      %convert_element_type3A_676 = arith.extui %lt3A_675 : vector<8x8xi1> to vector<8x8xi32>
      %convert_element_type3A_677 = arith.sitofp %convert_element_type3A_676 : vector<8x8xi32> to vector<8x8xf32>
      %dot_general3A_678 = arith.constant dense<0.000000e+00> : vector<8xf32>
      %dot_general3A_679 = tpu.matmul %reduce_sum3A_672, %convert_element_type3A_677, %dot_general3A_678 {dimension_numbers = #tpu.dot_dimension_numbers<[0], [0], [], [1], [1, 1], [], []>, transpose_lhs_hint = false} : vector<8xf32>, vector<8x8xf32>, vector<8xf32> -> vector<8xf32>
      %broadcast_in_dim3A_680 = vector.shape_cast %dot_general3A_679 : vector<8xf32> to vector<8x1xf32>
      %add3A_681 = vector.broadcast %broadcast_in_dim3A_680 : vector<8x1xf32> to vector<8x512xf32>
      %add3A_682 = arith.addf %dot_general3A_670, %add3A_681 : vector<8x512xf32>
      %convert_element_type3A_683 = arith.fptosi %add3A_682 : vector<8x512xf32> to vector<8x512xi32>
      %iota3A_684 = tpu.iota {dimensions = array<i32: 0>} : vector<8x512xi32>
      %iota3A_685 = tpu.iota {dimensions = array<i32: 1>} : vector<8x512xi32>
      %mul3A = arith.constant 512 : i32
      %mul3A_686 = vector.broadcast %mul3A : i32 to vector<8x512xi32>
      %mul3A_687 = arith.muli %iota3A_684, %mul3A_686 : vector<8x512xi32>
      %add3A_688 = arith.addi %mul3A_687, %iota3A_685 : vector<8x512xi32>
      %swap3A = arith.constant 0 : index
      %swap3A_689 = arith.constant 0 : index
      %swap3A_690 = arith.constant 0 : index
      %swap3A_691 = vector.load %arg6[%swap3A, %swap3A_689, %swap3A_690] : memref<1x8x512xi32, #tpu.memory_space<vmem>>, vector<1x8x512xi32>
      %swap3A_692 = vector.shape_cast %swap3A_691 : vector<1x8x512xi32> to vector<8x512xi32>
      %swap3A_693 = vector.shape_cast %convert_element_type3A_661 : vector<8x512xi32> to vector<1x8x512xi32>
      tpu.vector_store %arg6[%swap3A, %swap3A_689, %swap3A_690], %swap3A_693 {strides = array<i32>} : memref<1x8x512xi32, #tpu.memory_space<vmem>>, vector<1x8x512xi32>,
      %mul3A_694 = arith.constant 2 : i32
      %mul3A_695 = vector.broadcast %mul3A_694 : i32 to vector<8x512xi32>
      %mul3A_696 = arith.muli %mul3A_695, %add3A_688 : vector<8x512xi32>
      %sub3A_697 = arith.subi %convert_element_type3A_683, %convert_element_type3A_661 : vector<8x512xi32>
      %sub3A_698 = arith.subi %mul3A_696, %sub3A_697 : vector<8x512xi32>
      %swap3A_699 = arith.constant 0 : index
      %swap3A_700 = arith.constant 0 : index
      %swap3A_701 = arith.constant 0 : index
      %swap3A_702 = vector.load %arg7[%swap3A_699, %swap3A_700, %swap3A_701] : memref<1x8x512xi32, #tpu.memory_space<vmem>>, vector<1x8x512xi32>
      %swap3A_703 = vector.shape_cast %swap3A_702 : vector<1x8x512xi32> to vector<8x512xi32>
      %swap3A_704 = vector.shape_cast %sub3A_698 : vector<8x512xi32> to vector<1x8x512xi32>
      tpu.vector_store %arg7[%swap3A_699, %swap3A_700, %swap3A_701], %swap3A_704 {strides = array<i32>} : memref<1x8x512xi32, #tpu.memory_space<vmem>>, vector<1x8x512xi32>,
      %mul3A_705 = arith.constant 2 : i32
      %mul3A_706 = vector.broadcast %mul3A_705 : i32 to vector<8x512xi32>
      %mul3A_707 = arith.muli %mul3A_706, %add3A_688 : vector<8x512xi32>
      %add3A_708 = arith.constant 1 : i32
      %add3A_709 = vector.broadcast %add3A_708 : i32 to vector<8x512xi32>
      %add3A_710 = arith.addi %mul3A_707, %add3A_709 : vector<8x512xi32>
      %sub3A_711 = arith.subi %add3A_710, %convert_element_type3A_683 : vector<8x512xi32>
      %swap3A_712 = arith.constant 0 : index
      %swap3A_713 = arith.constant 0 : index
      %swap3A_714 = arith.constant 0 : index
      %swap3A_715 = vector.load %arg8[%swap3A_712, %swap3A_713, %swap3A_714] : memref<1x8x512xi32, #tpu.memory_space<vmem>>, vector<1x8x512xi32>
      %swap3A_716 = vector.shape_cast %swap3A_715 : vector<1x8x512xi32> to vector<8x512xi32>
      %swap3A_717 = vector.shape_cast %sub3A_711 : vector<8x512xi32> to vector<1x8x512xi32>
      tpu.vector_store %arg8[%swap3A_712, %swap3A_713, %swap3A_714], %swap3A_717 {strides = array<i32>} : memref<1x8x512xi32, #tpu.memory_space<vmem>>, vector<1x8x512xi32>,
    } else {
    }
    return
  }
  func.func @transform_0(%arg0: i32, %arg1: i32) -> (i32, i32, i32) {
    %lt3A = arith.constant 8 : i32
    %lt3A_0 = arith.cmpi slt, %arg1, %lt3A : i32
    %jit3A = arith.constant 0 : i32
    %select_n3A = arith.select %lt3A_0, %arg1, %jit3A : i32
    %c0_i32 = arith.constant 0 : i32
    %c0_i32_1 = arith.constant 0 : i32
    return %arg0, %select_n3A, %c0_i32 : i32, i32, i32
  }
  func.func @transform_1(%arg0: i32, %arg1: i32) -> (i32, i32) {
    %c0_i32 = arith.constant 0 : i32
    %c0_i32_0 = arith.constant 0 : i32
    %c0_i32_1 = arith.constant 0 : i32
    return %c0_i32, %c0_i32_0 : i32, i32
  }
  func.func @transform_2(%arg0: i32, %arg1: i32) -> (i32, i32) {
    %c0_i32 = arith.constant 0 : i32
    %c0_i32_0 = arith.constant 0 : i32
    %c0_i32_1 = arith.constant 0 : i32
    return %c0_i32, %c0_i32_0 : i32, i32
  }
  func.func @transform_3(%arg0: i32, %arg1: i32) -> (i32, i32, i32, i32) {
    %ge3A = arith.constant 8 : i32
    %ge3A_0 = arith.cmpi sge, %arg1, %ge3A : i32
    %sub3A = arith.constant 8 : i32
    %sub3A_1 = arith.subi %arg1, %sub3A : i32
    %jit3A = arith.constant 0 : i32
    %select_n3A = arith.select %ge3A_0, %sub3A_1, %jit3A : i32
    %c0_i32 = arith.constant 0 : i32
    %c0_i32_2 = arith.constant 0 : i32
    %c0_i32_3 = arith.constant 0 : i32
    return %arg0, %select_n3A, %c0_i32, %c0_i32_2 : i32, i32, i32, i32
  }
  func.func @transform_4(%arg0: i32, %arg1: i32) -> (i32, i32, i32) {
    %c0_i32 = arith.constant 0 : i32
    %c0_i32_0 = arith.constant 0 : i32
    %c0_i32_1 = arith.constant 0 : i32
    return %arg0, %c0_i32, %c0_i32_0 : i32, i32, i32
  }
  func.func @transform_5(%arg0: i32, %arg1: i32) -> (i32, i32, i32) {
    %c0_i32 = arith.constant 0 : i32
    %c0_i32_0 = arith.constant 0 : i32
    %c0_i32_1 = arith.constant 0 : i32
    return %arg0, %c0_i32, %c0_i32_0 : i32, i32, i32
  }
  func.func @transform_6(%arg0: i32, %arg1: i32) -> (i32, i32, i32) {
    %c0_i32 = arith.constant 0 : i32
    %c0_i32_0 = arith.constant 0 : i32
    %c0_i32_1 = arith.constant 0 : i32
    return %arg0, %c0_i32, %c0_i32_0 : i32, i32, i32
  }
}

module attributes {stable_mosaic.version = 14 : i64} {
  func.func @_divide_body(%arg0: i32, %arg1: i32, %arg2: memref<1x512x768xf32, #tpu.memory_space<vmem>>, %arg3: memref<1x512x1xf32, #tpu.memory_space<vmem>>, %arg4: memref<1x512x768xf32, #tpu.memory_space<vmem>>) attributes {dimension_semantics = [#tpu.dimension_semantics<arbitrary>, #tpu.dimension_semantics<arbitrary>], iteration_bounds = array<i64: 2, 12>, scalar_prefetch = 0 : i64, scratch_operands = 0 : i64, tpu.core_type = #tpu.core_type<tc>, window_params = [{transform_indices = @transform_0, window_bounds = array<i64: 1, 512, 768>}, {transform_indices = @transform_1, window_bounds = array<i64: 1, 512, 1>}, {transform_indices = @transform_2, window_bounds = array<i64: 1, 512, 768>}]} {
    %get3A = arith.constant 0 : index
    %get3A_0 = arith.constant 0 : index
    %get3A_1 = arith.constant 0 : index
    %get3A_2 = vector.load %arg2[%get3A, %get3A_0, %get3A_1] : memref<1x512x768xf32, #tpu.memory_space<vmem>>, vector<1x512x768xf32>
    %get3A_3 = vector.shape_cast %get3A_2 : vector<1x512x768xf32> to vector<512x768xf32>
    %get3A_4 = arith.constant 0 : index
    %get3A_5 = arith.constant 0 : index
    %get3A_6 = arith.constant 0 : index
    %get3A_7 = vector.load %arg3[%get3A_4, %get3A_5, %get3A_6] : memref<1x512x1xf32, #tpu.memory_space<vmem>>, vector<1x512x1xf32>
    %get3A_8 = vector.shape_cast %get3A_7 : vector<1x512x1xf32> to vector<512x1xf32>
    %div3A = vector.broadcast %get3A_8 : vector<512x1xf32> to vector<512x768xf32>
    %div3A_9 = arith.divf %get3A_3, %div3A : vector<512x768xf32>
    %swap3A = arith.constant 0 : index
    %swap3A_10 = arith.constant 0 : index
    %swap3A_11 = arith.constant 0 : index
    %swap3A_12 = vector.load %arg4[%swap3A, %swap3A_10, %swap3A_11] : memref<1x512x768xf32, #tpu.memory_space<vmem>>, vector<1x512x768xf32>
    %swap3A_13 = vector.shape_cast %swap3A_12 : vector<1x512x768xf32> to vector<512x768xf32>
    %swap3A_14 = vector.shape_cast %div3A_9 : vector<512x768xf32> to vector<1x512x768xf32>
    tpu.vector_store %arg4[%swap3A, %swap3A_10, %swap3A_11], %swap3A_14 {strides = array<i32>} : memref<1x512x768xf32, #tpu.memory_space<vmem>>, vector<1x512x768xf32>,
    return
  }
  func.func @transform_0(%arg0: i32, %arg1: i32) -> (i32, i32, i32) {
    %c0_i32 = arith.constant 0 : i32
    %c0_i32_0 = arith.constant 0 : i32
    return %arg0, %arg1, %c0_i32 : i32, i32, i32
  }
  func.func @transform_1(%arg0: i32, %arg1: i32) -> (i32, i32, i32) {
    %c0_i32 = arith.constant 0 : i32
    %c0_i32_0 = arith.constant 0 : i32
    return %arg0, %arg1, %c0_i32 : i32, i32, i32
  }
  func.func @transform_2(%arg0: i32, %arg1: i32) -> (i32, i32, i32) {
    %c0_i32 = arith.constant 0 : i32
    %c0_i32_0 = arith.constant 0 : i32
    return %arg0, %arg1, %c0_i32 : i32, i32, i32
  }
}

</mosaic_0001>

<sc_bundles>
// kernel: kernel.5.cloned.1.call-start
scs
__scs_entry_jumppad:
0x0: {  	(pc) =	sbr.rel $0x88, $3  }
0x1: {  	(tag) =	ssettag $0x0;
	lr =	simm.s32 $0x1  }
0x2: {  	[smem:$0x3F9E] =	sst lr;
	_ =	strace $0xD0000000  }
0x3: {  	_ = 	snop  }
0x4: {  	_ = 	snop  }
0x5: {  	_ = 	snop  }
0x6: {  	_ = 	snop  }
0x7: {  	_ = 	snop  }
__scs_overlays_trampoline_lowered:
0x8: {  	[smem:$0x3FAD] =	sst s0  }
0x9: {  	[smem:$0x3FAE] =	sst s1  }
0xa: {  	[smem:$0x3FAF] =	sst s2  }
0xb: {  	[smem:$0x3FB0] =	sst s3  }
0xc: {  	[smem:$0x3FB1] =	sst s4  }
0xd: {  	[smem:$0x3FB2] =	sst s5  }
0xe: {  	[smem:$0x3FB3] =	sst s6  }
0xf: {  	[smem:$0x3FB4] =	sst s7  }
0x10: {  	[smem:$0x3FB5] =	sst s8  }
0x11: {  	[smem:$0x3FB6] =	sst s9;
	s0 =	simm.s32 @!p0 $0x0  }
0x12: {  	s1 =	sld [smem:$0x3F9C];
	s0 =	simm.s32 @p0 $0x1  }
0x13: {  	[smem:$0x3FB7] =	sst s0;
	s0 =	simm.s32 @!p1 $0x0  }
0x14: {  	s2 =	sld [smem:$0x3F9B];
	s0 =	simm.s32 @p1 $0x1  }
0x15: {  	[smem:$0x3FB8] =	sst s0;
	s0 =	simm.s32 @!p2 $0x0  }
0x16: {  	s3 =	sld [smem:$0x3FDB];
	s0 =	simm.s32 @p2 $0x1  }
0x17: {  	s4 =	simm.s32 $0x1BF5;
	[smem:$0x3FBA] =	sst s0  }
0x18: {  	s0 =	sld [smem:$0x3F9D];
	_ =	swait.ge [sflag:s4], $0x0  }
0x19: {  	s7 =	sld [smem:$0x3F9E]  }
0x1a: {  	s8 =	sadd.s32 $0xFFFFE003, lr  }
0x1b: {  	s9 =	sadd.s32 $0xFFFFFEF7, lr;
	s5 =	simm.s32 $0xFFFFFFFF;
	p2 =	slt.u32 s8, $0xFFFFF086  }
0x1c: {  	p1 =	slt.u32 s9, $0xF7A;
	s5 =	simm.s32 @!p2 $0x0  }
0x1d: {  	s5 =	simm.s32 @p1 $0x1;
	p0 =	seq.s32 s7, s2  }
0x1e: {  	s7 =	smul.u32 @!p0 $0xF7A, s2;
	p2 =	seq.s32 @!p0 s5, $0x0  }
0x1f: {  	s9 =	smul.u32 $0xF7A, s1;
	s8 =	simm.s32 @!p0 $0x1BF5;
	p2 =	por !p2, p0  }
0x20: {  	[sflag:s8] =	ssyncset.s32 @!p0 $0xFFFFF086;
	s6 =	sadd.s32 @!p0 s3, s7;
	s7 =	simm.s32 @!p0 $0x108  }
0x21: {  	s3 =	sadd.s32 s3, s9;
	s6 =	sadd.s32 @!p0 $0x88, s6;
	s7 =	simm.s32 @p2 $0x1082  }
0x22: {  	[simem:s7], [sflag:s8] =	dma.local @!p0 [hbm:s6], $0xF7A  }
0x23: {  	s9 =	sor.u32 $0xD0000000, s2;
	s6 =	simm.s32 $0x108;
	_ =	swait.ge @!p0 [sflag:s8], $0x0  }
0x24: {  	s3 =	sadd.s32 $0x88, s3;
	s6 =	simm.s32 @!p1 $0x1082;
	[sflag:s4] =	ssyncset.s32 $0xFFFFF086  }
0x25: {  	[simem:s6], [sflag:s4] =	dma.local [hbm:s3], $0xF7A  }
0x26: {  	[smem:$0x3F9E] =	sst s1;
	(tag) =	ssettag s2;
	_ =	strace s9  }
0x27: {  	s1 =	sld [smem:$0x3FAE]  }
0x28: {  	s2 =	sld [smem:$0x3FAF]  }
0x29: {  	s4 =	sld [smem:$0x3FB1]  }
0x2a: {  	p0 =	seq.s32 s5, $0x0;
	s5 =	sld [smem:$0x3FB2]  }
0x2b: {  	s6 =	sld [smem:$0x3FB3]  }
0x2c: {  	s7 =	sld [smem:$0x3FB4]  }
0x2d: {  	s3 =	simm.s32 $0x108;
	s8 =	sld [smem:$0x3FB5]  }
0x2e: {  	s3 =	simm.s32 @!p0 $0x1082;
	s9 =	sld [smem:$0x3FB6]  }
0x2f: {  	lr =	sadd.s32 s0, s3;
	s0 =	sld [smem:$0x3FAD]  }
0x30: {  	s3 =	sld [smem:$0x3FB0]  }
0x31: {  	[smem:$0x3FB9] =	sst s10  }
0x32: {  	s10 =	sld [smem:$0x3FB7];
	_ =	sdelay $0x3  }
0x33: {  	p0 =	seq.s32 s10, $0x1;
	s10 =	sld [smem:$0x3FB9];
	_ =	sdelay $0x3  }
0x34: {  	[smem:$0x3FB9] =	sst s10  }
0x35: {  	s10 =	sld [smem:$0x3FB8];
	_ =	sdelay $0x3  }
0x36: {  	p1 =	seq.s32 s10, $0x1;
	s10 =	sld [smem:$0x3FB9];
	_ =	sdelay $0x3  }
0x37: {  	[smem:$0x3FB9] =	sst s10  }
0x38: {  	s10 =	sld [smem:$0x3FBA]  }
0x39: {  	_ = 	snop;
	(pc) =	sbr.ind lr, $3  }
0x3a: {  	_ = 	snop  }
0x3b: {  	_ = 	snop  }
0x3c: {  	p2 =	seq.s32 s10, $0x1;
	s10 =	sld [smem:$0x3FB9]  }
0x3d: {  	_ =	shalt  }
0x3e: {  	_ =	shalt  }
0x3f: {  	_ =	shalt  }
0x40: {  	_ =	shalt  }
0x41: {  	_ =	shalt  }
0x42: {  	_ =	shalt  }
0x43: {  	_ =	shalt  }
0x44: {  	_ =	shalt  }
0x45: {  	_ =	shalt  }
0x46: {  	_ =	shalt  }
0x47: {  	_ =	shalt  }
0x48: {  	_ =	shalt  }
0x49: {  	_ =	shalt  }
0x4a: {  	_ =	shalt  }
0x4b: {  	_ =	shalt  }
0x4c: {  	_ =	shalt  }
0x4d: {  	_ =	shalt  }
0x4e: {  	_ =	shalt  }
0x4f: {  	_ =	shalt  }
0x50: {  	_ =	shalt  }
0x51: {  	_ =	shalt  }
0x52: {  	_ =	shalt  }
0x53: {  	_ =	shalt  }
0x54: {  	_ =	shalt  }
0x55: {  	_ =	shalt  }
0x56: {  	_ =	shalt  }
0x57: {  	_ =	shalt  }
0x58: {  	_ =	shalt  }
0x59: {  	_ =	shalt  }
0x5a: {  	_ =	shalt  }
0x5b: {  	_ =	shalt  }
0x5c: {  	_ =	shalt  }
0x5d: {  	_ =	shalt  }
0x5e: {  	_ =	shalt  }
0x5f: {  	_ =	shalt  }
0x60: {  	_ =	shalt  }
0x61: {  	_ =	shalt  }
0x62: {  	_ =	shalt  }
0x63: {  	_ =	shalt  }
0x64: {  	_ =	shalt  }
0x65: {  	_ =	shalt  }
0x66: {  	_ =	shalt  }
0x67: {  	_ =	shalt  }
0x68: {  	_ =	shalt  }
0x69: {  	_ =	shalt  }
0x6a: {  	_ =	shalt  }
0x6b: {  	_ =	shalt  }
0x6c: {  	_ =	shalt  }
0x6d: {  	_ =	shalt  }
0x6e: {  	_ =	shalt  }
0x6f: {  	_ =	shalt  }
0x70: {  	_ =	shalt  }
0x71: {  	_ =	shalt  }
0x72: {  	_ =	shalt  }
0x73: {  	_ =	shalt  }
0x74: {  	_ =	shalt  }
0x75: {  	_ =	shalt  }
0x76: {  	_ =	shalt  }
0x77: {  	_ =	shalt  }
0x78: {  	_ =	shalt  }
0x79: {  	_ =	shalt  }
0x7a: {  	_ =	shalt  }
0x7b: {  	_ =	shalt  }
0x7c: {  	_ =	shalt  }
0x7d: {  	_ =	shalt  }
0x7e: {  	_ =	shalt  }
0x7f: {  	_ =	shalt  }
0x80: {  	_ =	shalt  }
0x81: {  	_ =	shalt  }
0x82: {  	_ =	shalt  }
0x83: {  	_ =	shalt  }
0x84: {  	_ =	shalt  }
0x85: {  	_ =	shalt  }
0x86: {  	_ =	shalt  }
0x87: {  	_ =	shalt  }
.Lfunc_end0:
.L_simem_size_0:
called_computation_lowered:
.L_overlay_start_0:
0x88: {  	s2 =	sld [smem:$0x3FD9]  }
0x89: {  	s3 =	sld [smem:$0x3FFE];
	_ =	sdelay $0x1  }
0x8a: {  	s1 =	srdreg.scid  }
0x8b: {  	s0 =	sand.u32 $0x1, s1  }
0x8c: {  	s14 =	sshll.u32 s0, $0xA;
	s2 =	sadd.s32 s3, s2  }
0x8d: {  	s2 =	sadd.s32 s2, s14  }
0x8e: {  	[smem:$0x3FC5] =	sst s2  }
0x8f: {  	_ = 	snop  }
0x90: {  	s2 =	sld [smem:$0x3FD0];
	_ =	sdelay $0x2  }
0x91: {  	s4 =	simm.s32 $0xA;
	s5 =	simm.s32 $0x10;
	s15 =	sld [smem:$0x3FC9]  }
0x92: {  	[smem:s5], [sflag:s4] =	dma.local [hbm:s2], $0x1  }
0x93: {  	_ =	swait.eq [sflag:s4], $0x1  }
0x94: {  	[sflag:s4] =	ssyncset.done $0x0  }
0x95: {  	s16 =	sld [smem:$0x10];
	[sflag:s4] =	ssyncadd.s32 $0xFFFFFFFF  }
0x96: {  	s17 =	sld [smem:$0x11];
	(tm) =	ssettm $0x1  }
0x97: {  	s18 =	sld [smem:$0x3FFB];
	_ =	sdelay $0x3  }
0x98: {  	_ =	strace s18  }
0x99: {  	s5 =	sld [smem:$0x3FFC];
	_ =	sdelay $0x3  }
0x9a: {  	_ =	strace s5  }
0x9b: {  	s5 =	sld [smem:$0x3FFD];
	_ =	sdelay $0x3  }
0x9c: {  	_ =	strace s5  }
0x9d: {  	_ =	strace $0x8FFFFFFF  }
0x9e: {  	s19 =	sld [smem:$0x3FDB];
	_ =	sdelay $0x1  }
0x9f: {  	s6 =	simm.s32 $_scs_section_size  }
0xa0: {  	s7 =	simm.s32 $_size__tile_overlayer_lowered;
	s8 =	simm.s32 $_tile_overlayer_lowered  }
0xa1: {  	s22 =	simm.s32 $0x1BFF;
	s21 =	sshll.u32 s8, $0x1;
	s5 =	sadd.s32 s6, s19  }
0xa2: {  	s9 =	simm.s32 $0x0;
	s20 =	sshll.u32 s7, $0x1;
	s7 =	sadd.s32 s21, s5  }
0xa3: {  	[timem:s9], [sflag:s22] =	dma.local [hbm:s7], s20  }
0xa4: {  	_ =	swait.ge [sflag:s22], s20  }
0xa5: {  	s6 =	ssub.s32 $0x0, s20;
	[sflag:s22] =	ssyncset.done $0x0  }
0xa6: {  	[sflag:s22] =	ssyncadd.s32 s6;
	_ =	sdelay $0x1  }
0xa7: {  	s23 =	simm.s32 $0x1B8B  }
0xa8: {  	_ =	swait.ge [sflag:s23], $0x1  }
0xa9: {  	[sflag:s23] =	ssyncset.done $0x0  }
0xaa: {  	s25 =	simm.s32 $0x1B8E;
	s24 =	sld [smem:$0x3FFE];
	[sflag:s23] =	ssyncadd.s32 $0xFFFFFFFF  }
0xab: {  	s26 =	simm.s32 $execute0_lowered;
	[smem:$0x3FD2] =	sst s25  }
0xac: {  	s7 =	sshll.u32 s26, $0x1;
	_ =	strace $0x80000046;
	[dreg:$0x1] =	wrdreg $0xFFFFFFFF  }
0xad: {  	s28 =	simm.s32 $_size_execute0_lowered;
	s5 =	sadd.s32 s5, s7;
	[dreg:$0x0] =	wrdreg $0x0  }
0xae: {  	s7 =	sshll.u32 s28, $0x1;
	[dreg:$0x2] =	wrdreg s5  }
0xaf: {  	[dreg:$0x3] =	wrdreg s7  }
0xb0: {  	[dreg:$0x4] =	wrdreg $0xC0  }
0xb1: {  	_ =	task [dreg:s9], $0x5FFFF  }
0xb2: {  	[dreg:$0x1] =	wrdreg $0xFFFFFFFF  }
0xb3: {  	[dreg:$0x0] =	wrdreg $0x60  }
0xb4: {  	[dreg:$0x2] =	wrdreg s15  }
0xb5: {  	[dreg:$0x3] =	wrdreg s17  }
0xb6: {  	[dreg:$0x4] =	wrdreg s24  }
0xb7: {  	[dreg:$0x5] =	wrdreg s16  }
0xb8: {  	[dreg:$0x6] =	wrdreg $0x118000  }
0xb9: {  	[dreg:$0x7] =	wrdreg $0x9  }
0xba: {  	_ =	task.clear_ibuf [dreg:s9], $0x8FFFF;
	_ =	strace $0x90000046  }
0xbb: {  	s29 =	simm.s32 $0x9;
	_ =	strace $0x80000048  }
0xbc: {  	_ =	swait.ge [sflag:s29], $0x1  }
0xbd: {  	[sflag:s29] =	ssyncadd.s32 $0xFFFFFFFF  }
0xbe: {  	_ =	strace $0x90000048  }
0xbf: {  	_ =	sfence  }
0xc0: {  	s30 =	sld [smem:$0x0];
	_ =	sdelay $0x2  }
0xc1: {  	s31 =	sshll.u32 s1, $0xD;
	s1 =	sshrl.u32 s1, $0x2  }
0xc2: {  	s3 =	sand.u32 $0x4000, s31;
	s1 =	sadd.s32 s1, s30  }
0xc3: {  	s0 =	sor.u32 s3, s0;
	s1 =	sshll.u32 s1, $0x11  }
0xc4: {  	s0 =	sor.u32 s1, s0  }
0xc5: {  	s0 =	sadd.s32 $0x8F2B, s0  }
0xc6: {  	[sflag:s0] =	ssyncadd.remote.s32 $0x1  }
0xc7: {  	_ =	sfence.sel $0xFFFF  }
0xc8: {  	[dreg:$0x0] =	wrdreg $0xFFFFFFFF;
	(pc) =	sbr.abs _section_cstart, $3  }
0xc9: {  	[dreg:$0x1] =	wrdreg $0xFFFFFFFF  }
0xca: {  	_ =	task.clear_ibuf [dreg:s9], $0x2FFFF;
	_ =	strace $0x9FFFFFFF  }
0xcb: {  	(tm) =	ssettm $0x7FFFFFFF  }
tec
execute0_lowered:
.L_overlay_start_1:
0x0: {  	(tag) =	ssettag $0x1  }
0x1: {  	s2 =	rddreg [dreg:$0x0]  }
0x2: {  	s14 =	stileid.u32;
	s4 =	rddreg [dreg:$0x1]  }
0x3: {  	s1 =	srdreg.scid;
	s6 =	rddreg [dreg:$0x2]  }
0x4: {  	s7 =	rddreg [dreg:$0x3];
	s15 =	simm.s32 $0x0;
	s0 =	smul.u32 $0x180, s14  }
0x5: {  	s28 =	rddreg [dreg:$0x4];
	s3 =	sand.u32 $0x1, s1;
	s8 =	smul.u32 $0x300, s14  }
0x6: {  	[smem:$0x7FF] =	sst s15;
	s13 =	smul.u32 $0x60000, s14;
	s16 =	sshll.u32 s14, $0x6  }
0x7: {  	s18 =	sadd.s32 $0x80, s2;
	s22 =	sadd.s32 $0x100, s2;
	s5 =	smul.u32 $0x480000, s3  }
0x8: {  	s25 =	sshll.u32 s3, $0x4;
	s10 =	sshll.u32 s3, $0x7;
	s26 =	ssub.s32 $0x2, s3  }
0x9: {  	s11 =	smul.u32 $0x600000, s3;
	s3 =	sshll.u32 s3, $0xA;
	[dreg:$0x6] =	wrdreg s16  }
0xa: {  	s7 =	sadd.s32 s7, s16;
	s24 =	sshrl.u32 s0, $0x3;
	s9 =	sadd.s32 s25, s6  }
0xb: {  	s4 =	sadd.s32 s4, s25;
	s3 =	sadd.s32 s3, s7;
	s17 =	sadd.s32 s13, s11  }
0xc: {  	s1 =	smul.u32 $0x1800, s24;
	[dreg:$0x8] =	wrdreg s3;
	s3 =	sshrl.u32 s17, $0x3  }
0xd: {  	s25 =	sadd.s32 $0x180, s2;
	[dreg:$0x7] =	wrdreg s4;
	s19 =	sadd.s32 s3, s18  }
0xe: {  	s1 =	sadd.s32 s5, s1;
	s23 =	sadd.s32 s3, s22;
	[dreg:$0x9] =	wrdreg s19  }
0xf: {  	s4 =	sor.u32 $0x3000, s3;
	s13 =	sadd.s32 s3, s25;
	[dreg:$0xd] =	wrdreg s23  }
0x10: {  	s5 =	sadd.s32 $0x6000, s3;
	s20 =	sadd.s32 s4, s18;
	[dreg:$0x11] =	wrdreg s13  }
0x11: {  	s8 =	sor.u32 s10, s8;
	s21 =	sadd.s32 s5, s18;
	[dreg:$0xa] =	wrdreg s20  }
0x12: {  	s12 =	sshrl.u32 s26, $0x1;
	s24 =	sadd.s32 s4, s22;
	[dreg:$0xb] =	wrdreg s21  }
0x13: {  	s10 =	ssub.s32 s26, s12;
	s26 =	sadd.s32 s5, s22;
	[dreg:$0xe] =	wrdreg s24  }
0x14: {  	s16 =	sadd.s32 s4, s25;
	[dreg:$0xf] =	wrdreg s26  }
0x15: {  	s8 =	sshrl.u32 s8, $0x3;
	s17 =	sadd.s32 s5, s25;
	[dreg:$0x12] =	wrdreg s16  }
0x16: {  	s1 =	sshrl.u32 s1, $0x3;
	s19 =	sadd.s32 s2, s3;
	[dreg:$0x13] =	wrdreg s17  }
0x17: {  	s23 =	sadd.s32 $0x200, s2;
	[dreg:$0x15] =	wrdreg s19;
	s20 =	sadd.s32 s2, s4  }
0x18: {  	s1 =	sadd.s32 s1, s6;
	s21 =	sadd.s32 s2, s5;
	[dreg:$0x16] =	wrdreg s20  }
0x19: {  	s6 =	sadd.s32 s8, s6;
	s24 =	sadd.s32 s3, s23;
	[dreg:$0x17] =	wrdreg s21  }
0x1a: {  	s8 =	sadd.s32 $0x9000, s3;
	s26 =	sadd.s32 s5, s23;
	[dreg:$0x19] =	wrdreg s24  }
0x1b: {  	s7 =	sadd.s32 s8, s18;
	[dreg:$0x1b] =	wrdreg s26  }
0x1c: {  	s18 =	sadd.s32 s8, s25;
	[dreg:$0xc] =	wrdreg s7  }
0x1d: {  	s25 =	sadd.s32 s4, s23;
	[dreg:$0x14] =	wrdreg s18  }
0x1e: {  	s7 =	sadd.s32 s8, s22;
	[dreg:$0x1a] =	wrdreg s25  }
0x1f: {  	s22 =	sadd.s32 s2, s8;
	[dreg:$0x10] =	wrdreg s7  }
0x20: {  	s2 =	sadd.s32 $0x280, s2;
	[dreg:$0x18] =	wrdreg s22;
	s7 =	sadd.s32 s8, s23  }
0x21: {  	s3 =	sadd.s32 s3, s2;
	[dreg:$0x1c] =	wrdreg s7  }
0x22: {  	s29 =	simm.s32 $0x6000;
	s11 =	sadd.s32 s5, s2;
	[dreg:$0x1d] =	wrdreg s3  }
0x23: {  	s30 =	simm.s32 $0xF800;
	s7 =	sadd.s32 s4, s2;
	[dreg:$0x1f] =	wrdreg s11  }
0x24: {  	s31 =	simm.s32 $0x400;
	s2 =	sadd.s32 s8, s2;
	[dreg:$0x1e] =	wrdreg s7  }
0x25: {  	s0 =	sor.u32 $0x6000, s0;
	s13 =	sadd.s32 $0xA00, s9;
	[smem:$0x7F1] =	sst s2  }
0x26: {  	s16 =	sadd.s32 $0xE00, s9;
	_ =	strace $0x80000047;
	[smem:$0x7F2] =	sst s13  }
0x27: {  	s12 =	smul.u32 $0x30000, s14;
	s17 =	sadd.s32 $0x1200, s9;
	[smem:$0x7F3] =	sst s16  }
0x28: {  	s19 =	sshll.u32 s14, $0x9;
	s18 =	sadd.s32 $0x1600, s6;
	[smem:$0x7F4] =	sst s17  }
0x29: {  	s14 =	simm.s32 $0x100;
	s9 =	sor.u32 $0x4180, s19;
	[smem:$0x7F5] =	sst s18  }
0x2a: {  	s20 =	sadd.s32 $0x1C00, s1;
	s21 =	sadd.s32 $0x1C80, s1;
	[smem:$0x7F6] =	sst s0  }
0x2b: {  	s24 =	sadd.s32 $0x1E00, s1;
	s26 =	smax.u32 s10, $0x1;
	[smem:$0x7F7] =	sst s20  }
0x2c: {  	s6 =	sor.u32 $0x4000, s19;
	s22 =	sadd.s32 $0x1D00, s1;
	[smem:$0x7F8] =	sst s21  }
0x2d: {  	s25 =	sadd.s32 $0x1E80, s1;
	s23 =	sadd.s32 $0x1D80, s1;
	[smem:$0x7F9] =	sst s22  }
0x2e: {  	s1 =	simm.s32 $0xB800;
	s8 =	sor.u32 $0x4100, s19;
	[smem:$0x7FA] =	sst s23  }
0x2f: {  	s3 =	simm.s32 $0x3;
	s4 =	simm.s32 $0x2;
	[smem:$0x7FB] =	sst s24  }
0x30: {  	s11 =	simm.s32 $0x0;
	s2 =	sshrl.u32 s12, $0x2;
	[smem:$0x7FC] =	sst s25  }
0x31: {  	s7 =	sor.u32 $0x4080, s19;
	s5 =	sadd.s32 s2, s28;
	[smem:$0x7FD] =	sst s26  }
0x32: {  	s21 =	simm.s32 $0x80;
	s24 =	simm.s32 $0x1000;
	s25 =	simm.s32 $0x1  }
0x33: {  	s26 =	simm.s32 $0x4000;
	s23 =	simm.s32 $0x1800;
	s0 =	simm.s32 $0x7800  }
0x34: {  	v1 =	vlaneseq.u32;
	s2 =	simm.s32 $0x300;
	s16 =	sadd.s32 $0x2000, s5;
	s17 =	sadd.s32 $0x4000, s5  }
0x35: {  	v0 =	vimm.f32 $0.0e+00;
	v2 =	vimm.f32 $1.000000000e+00;
	v1 =	vmul.u32 $0x2, v1;
	s18 =	sadd.s32 $0x6000, s5;
	s19 =	sadd.s32 $0x8000, s5;
	s20 =	sadd.s32 $0xA000, s5  }
.LBB2_1:
0x36: {  	s10 =	rddreg [dreg:$0x7]  }
0x37: {  	s12 =	sld [smem:$0x7F2]  }
0x38: {  	[tilespmem:s15], [sflag:$0x1] =	stream.strided.gather [hbm4b:s10+s21], $0x1000, s14, s21, $0x38;
	[tilespmem:$0x1D800] =	vst v63  }
0x39: {  	s13 =	sld [smem:$0x7F3]  }
0x3a: {  	[tilespmem:s24], [sflag:$0x1] =	stream.strided.gather [hbm4b:s12+s21], $0x1000, s14, s21, $0x38;
	[tilespmem:$0x1D800] =	vst v63  }
0x3b: {  	s15 =	sld [smem:$0x7F4];
	s12 =	simm.s32 $0x2000  }
0x3c: {  	[tilespmem:s12], [sflag:$0x1] =	stream.strided.gather [hbm4b:s13+s21], $0x1000, s14, s21, $0x38;
	[tilespmem:$0x1D800] =	vst v63  }
0x3d: {  	s22 =	simm.s32 $0x3000  }
0x3e: {  	[tilespmem:s22], [sflag:$0x1] =	stream.strided.gather [hbm4b:s15+s21], $0x1000, s14, s21, $0x38;
	[tilespmem:$0x1D800] =	vst v63  }
0x3f: {  	_ =	swait.ge [sflag:s25], $0x1000  }
0x40: {  	[sflag:s25] =	ssyncset.done $0x0  }
0x41: {  	[sflag:s25] =	ssyncadd.s32 $0xFFFFF000  }
0x42: {  	_ =	swait.ge [sflag:s25], $0x1000  }
0x43: {  	[sflag:s25] =	ssyncset.done $0x0  }
0x44: {  	[sflag:s25] =	ssyncadd.s32 $0xFFFFF000  }
0x45: {  	_ =	swait.ge [sflag:s25], $0x1000  }
0x46: {  	[sflag:s25] =	ssyncset.done $0x0  }
0x47: {  	[sflag:s25] =	ssyncadd.s32 $0xFFFFF000  }
0x48: {  	_ =	swait.ge [sflag:s25], $0x1000  }
0x49: {  	[sflag:s25] =	ssyncset.done $0x0  }
0x4a: {  	s12 =	simm.s32 $0x40;
	s13 =	simm.s32 $0x0;
	[sflag:s25] =	ssyncadd.s32 $0xFFFFF000  }
.LBB2_2:
0x4b: {  	p0 =	sne.s32 s12, $0x5FC0;
	[tilespmem:s13+$0x6000] =	vst v0;
	s13 =	smov.u32 s12;
	s12 =	sadd.s32 $0x40, s12  }
.Ltmp0:
0x4c: {  	(pc) =	sbr.rel @p0 .LBB2_2-.Ltmp0, $2  }
0x4d: {  	_ =	sdelay $0x2  }
0x4e: {  	s13 =	sshra.s32 s13, $0x2  }
0x4f: {  	[tilespmem:s13+$0x6000] =	vst v0;
	s12 =	simm.s32 $0x0;
	s13 =	simm.s32 $0x0;
	s14 =	simm.s32 $0x0  }
.LBB2_4:
0x50: {  	p0 =	sne.s32 s14, $0x7FC0  }
.Ltmp1:
0x51: {  	_ = 	snop;
	(pc) =	sbr.rel @p0 .LBB2_4-.Ltmp1, $4  }
0x52: {  	s15 =	sand.u32 $0x7E00, s14  }
0x53: {  	s22 =	sand.u32 $0x70, s13;
	s15 =	sshrl.u32 s15, $0x2  }
0x54: {  	s15 =	sor.u32 s22, s15  }
0x55: {  	s13 =	sadd.s32 $0x10, s13;
	s14 =	sadd.s32 $0x40, s14;
	[tilespmem:s15+$0xF800] =	vst v0  }
0x56: {  	s13 =	simm.s32 $0x3000  }
0x57: {  	v3 =	vld [tilespmem:s13+$0x0];
	_ =	sdelay $0x4  }
0x58: {  	s14 =	simm.s32 $0x1000;
	v6 =	vld [tilespmem:s12+$0x0]  }
0x59: {  	v4 =	vld [tilespmem:s14+$0x0];
	s14 =	simm.s32 $0x2000  }
0x5a: {  	v7 =	vld [tilespmem:s14+$0x0]  }
0x5b: {  	v5 =	vmov s12;
	v3 =	vld.idx.msk [tilespmem:v3+s24+$0x0], $0xffff  }
0x5c: {  	v5 =	vshll.u32 v5, $0x1  }
0x5d: {  	v5 =	vor.u32 v1, v5  }
0x5e: {  	v8 =	vor.u32 $0x1, v5  }
0x5f: {  	vm0 =	vgt.s32 v6, $0x0  }
0x60: {  	v3 =	vsel vm0, v3, v7;
	_ =	sdelay $0x1  }
0x61: {  	[tilespmem:v5+s26+$0x0] =	vst.idx.msk $0xffff, v4  }
0x62: {  	[tilespmem:v8+s26+$0x0] =	vst.idx.msk $0xffff, v3  }
0x63: {  	s15 =	simm.s32 $0x10;
	s22 =	simm.s32 $0x1010;
	[tilespmem:v4+s29+$0x0] =	vst.idx.add.f32.msk $0xffff, v2  }
.LBB2_6:
0x64: {  	[tilespmem:v3+s29+$0x0] =	vst.idx.add.f32.msk $0xffff, v2;
	s12 =	sadd.s32 $0x10, s12;
	s14 =	sadd.s32 $0x10, s14;
	s13 =	sadd.s32 $0x10, s13  }
0x65: {  	p0 =	sne.s32 s15, $0xFF0;
	s10 =	smov.u32 s15;
	s15 =	sadd.s32 $0x10, s15;
	v3 =	vld [tilespmem:s13+$0x0]  }
0x66: {  	_ =	sdelay $0x4  }
0x67: {  	v4 =	vld [tilespmem:s22+$0x0]  }
0x68: {  	v5 =	vmov s10;
	v6 =	vld [tilespmem:s12+$0x0]  }
0x69: {  	v5 =	vshll.u32 v5, $0x1;
	v3 =	vld.idx.msk [tilespmem:v3+s24+$0x0], $0xffff  }
0x6a: {  	v5 =	vor.u32 v1, v5;
	v7 =	vld [tilespmem:s14+$0x0]  }
0x6b: {  	v8 =	vor.u32 $0x1, v5;
	_ =	sdelay $0x2  }
0x6c: {  	vm0 =	vgt.s32 v6, $0x0  }
.Ltmp2:
0x6d: {  	v3 =	vsel vm0, v3, v7;
	[tilespmem:v5+s26+$0x0] =	vst.idx.msk $0xffff, v4;
	(pc) =	sbr.rel @p0 .LBB2_6-.Ltmp2, $3  }
0x6e: {  	[tilespmem:v8+s26+$0x0] =	vst.idx.msk $0xffff, v3  }
0x6f: {  	[tilespmem:v4+s29+$0x0] =	vst.idx.add.f32.msk $0xffff, v2;
	_ =	sdelay $0x1  }
0x70: {  	s22 =	sadd.s32 $0x10, s22  }
0x71: {  	_ =	sdelay $0x1  }
0x72: {  	s10 =	rddreg [dreg:$0x8]  }
0x73: {  	s22 =	sld [smem:$0x7F5]  }
0x74: {  	[tilespmem:v3+s29+$0x0] =	vst.idx.add.f32.msk $0xffff, v2;
	s15 =	simm.s32 $0x0;
	s12 =	sld [smem:$0x7F6]  }
0x75: {  	[hbm4b:s10+s15] =	stream.linear.scatter [tilespmem:s6], [sflag:$0x3], $0x200, $0x38;
	[tilespmem:$0x1D800] =	vst v63  }
0x76: {  	s14 =	simm.s32 $0x100  }
0x77: {  	[hbm4b:s22+s21] =	stream.strided.scatter [tilespmem:s12], [sflag:$0x3], $0x180, s14, s21, $0x38;
	[tilespmem:$0x1D800] =	vst v63  }
0x78: {  	_ = 	snop  }
0x79: {  	[spmem:s5] =	stream.linear.scatter [tilespmem:s30], [sflag:$0x2], $0x2000, $0x38;
	[tilespmem:$0x1D800] =	vst v63  }
0x7a: {  	_ = 	snop  }
0x7b: {  	[spmem:s16] =	stream.linear.scatter [tilespmem:s30], [sflag:$0x2], $0x2000, $0x38;
	[tilespmem:$0x1D800] =	vst v63  }
0x7c: {  	_ = 	snop  }
0x7d: {  	[spmem:s17] =	stream.linear.scatter [tilespmem:s30], [sflag:$0x2], $0x2000, $0x38;
	[tilespmem:$0x1D800] =	vst v63  }
0x7e: {  	_ = 	snop  }
0x7f: {  	[spmem:s18] =	stream.linear.scatter [tilespmem:s30], [sflag:$0x2], $0x2000, $0x38;
	[tilespmem:$0x1D800] =	vst v63  }
0x80: {  	_ = 	snop  }
0x81: {  	[spmem:s19] =	stream.linear.scatter [tilespmem:s30], [sflag:$0x2], $0x2000, $0x38;
	[tilespmem:$0x1D800] =	vst v63  }
0x82: {  	_ = 	snop  }
0x83: {  	[spmem:s20] =	stream.linear.scatter [tilespmem:s30], [sflag:$0x2], $0x2000, $0x38;
	[tilespmem:$0x1D800] =	vst v63  }
0x84: {  	s13 =	rddreg [dreg:$0x15]  }
0x85: {  	[tilespmem:s0], [sflag:$0x1] =	stream.strided.gather [hbm4b:s13+s31], $0x4000, s23, s31, $0x38;
	[tilespmem:$0x1D800] =	vst v63  }
0x86: {  	s22 =	rddreg [dreg:$0x16]  }
0x87: {  	[tilespmem:s1], [sflag:$0x1] =	stream.strided.gather [hbm4b:s22+s31], $0x4000, s23, s31, $0x38;
	[tilespmem:$0x1D800] =	vst v63  }
0x88: {  	_ =	swait.ge [sflag:s3], $0x200  }
0x89: {  	[sflag:s3] =	ssyncset.done $0x0  }
0x8a: {  	[sflag:s3] =	ssyncadd.s32 $0xFFFFFE00  }
0x8b: {  	_ =	swait.ge [sflag:s3], $0x180  }
0x8c: {  	[sflag:s3] =	ssyncset.done $0x0  }
0x8d: {  	[sflag:s3] =	ssyncadd.s32 $0xFFFFFE80  }
0x8e: {  	_ =	swait.ge [sflag:s4], $0x2000  }
0x8f: {  	[sflag:s4] =	ssyncset.done $0x0  }
0x90: {  	[sflag:s4] =	ssyncadd.s32 $0xFFFFE000  }
0x91: {  	_ =	swait.ge [sflag:s4], $0x2000  }
0x92: {  	[sflag:s4] =	ssyncset.done $0x0  }
0x93: {  	[sflag:s4] =	ssyncadd.s32 $0xFFFFE000  }
0x94: {  	_ =	swait.ge [sflag:s4], $0x2000  }
0x95: {  	[sflag:s4] =	ssyncset.done $0x0  }
0x96: {  	[sflag:s4] =	ssyncadd.s32 $0xFFFFE000  }
0x97: {  	_ =	swait.ge [sflag:s4], $0x2000  }
0x98: {  	[sflag:s4] =	ssyncset.done $0x0  }
0x99: {  	[sflag:s4] =	ssyncadd.s32 $0xFFFFE000  }
0x9a: {  	_ =	swait.ge [sflag:s4], $0x2000  }
0x9b: {  	[sflag:s4] =	ssyncset.done $0x0  }
0x9c: {  	[sflag:s4] =	ssyncadd.s32 $0xFFFFE000  }
0x9d: {  	_ =	swait.ge [sflag:s4], $0x2000  }
0x9e: {  	[sflag:s4] =	ssyncset.done $0x0  }
0x9f: {  	[sflag:s4] =	ssyncadd.s32 $0xFFFFE000  }
0xa0: {  	[bflag:$0x0] =	sbarrier.arrive $0xFFFF  }
0xa1: {  	_ =	swait.ge [sflag:s25], $0x4000  }
0xa2: {  	[sflag:s25] =	ssyncset.done $0x0  }
0xa3: {  	[sflag:s25] =	ssyncadd.s32 $0xFFFFC000  }
0xa4: {  	[spmem:s28] =	stream.indirect.scatter.add.f32 [tilespmem:s0], [sflag:$0x2], $0x80, s6, s21, $0xb8;
	[tilespmem:$0x1D800] =	vst v63  }
0xa5: {  	_ =	swait.ge [sflag:s4], $0x4000  }
0xa6: {  	[sflag:s4] =	ssyncset.done $0x0  }
0xa7: {  	s12 =	rddreg [dreg:$0x17];
	[sflag:s4] =	ssyncadd.s32 $0xFFFFC000  }
0xa8: {  	[tilespmem:s0], [sflag:$0x1] =	stream.strided.gather [hbm4b:s12+s31], $0x4000, s23, s31, $0x38;
	[tilespmem:$0x1D800] =	vst v63  }
0xa9: {  	_ =	swait.ge [sflag:s25], $0x4000  }
0xaa: {  	[sflag:s25] =	ssyncset.done $0x0  }
0xab: {  	[sflag:s25] =	ssyncadd.s32 $0xFFFFC000  }
0xac: {  	[spmem:s28] =	stream.indirect.scatter.add.f32 [tilespmem:s1], [sflag:$0x2], $0x80, s7, s21, $0xb8;
	[tilespmem:$0x1D800] =	vst v63  }
0xad: {  	_ =	swait.ge [sflag:s4], $0x4000  }
0xae: {  	[sflag:s4] =	ssyncset.done $0x0  }
0xaf: {  	s13 =	rddreg [dreg:$0x18];
	[sflag:s4] =	ssyncadd.s32 $0xFFFFC000  }
0xb0: {  	[tilespmem:s1], [sflag:$0x1] =	stream.strided.gather [hbm4b:s13+s31], $0x4000, s23, s31, $0x38;
	[tilespmem:$0x1D800] =	vst v63  }
0xb1: {  	_ =	swait.ge [sflag:s25], $0x4000  }
0xb2: {  	[sflag:s25] =	ssyncset.done $0x0  }
0xb3: {  	[sflag:s25] =	ssyncadd.s32 $0xFFFFC000  }
0xb4: {  	[spmem:s28] =	stream.indirect.scatter.add.f32 [tilespmem:s0], [sflag:$0x2], $0x80, s8, s21, $0xb8;
	[tilespmem:$0x1D800] =	vst v63  }
0xb5: {  	_ =	swait.ge [sflag:s4], $0x4000  }
0xb6: {  	[sflag:s4] =	ssyncset.done $0x0  }
0xb7: {  	s22 =	rddreg [dreg:$0x9];
	[sflag:s4] =	ssyncadd.s32 $0xFFFFC000  }
0xb8: {  	[tilespmem:s0], [sflag:$0x1] =	stream.strided.gather [hbm4b:s22+s31], $0x4000, s23, s31, $0x38;
	[tilespmem:$0x1D800] =	vst v63  }
0xb9: {  	_ =	swait.ge [sflag:s25], $0x4000  }
0xba: {  	[sflag:s25] =	ssyncset.done $0x0  }
0xbb: {  	[sflag:s25] =	ssyncadd.s32 $0xFFFFC000  }
0xbc: {  	[spmem:s28] =	stream.indirect.scatter.add.f32 [tilespmem:s1], [sflag:$0x2], $0x80, s9, s21, $0xb8;
	[tilespmem:$0x1D800] =	vst v63  }
0xbd: {  	_ =	swait.ge [sflag:s4], $0x4000  }
0xbe: {  	[sflag:s4] =	ssyncset.done $0x0  }
0xbf: {  	s12 =	rddreg [dreg:$0xa];
	[sflag:s4] =	ssyncadd.s32 $0xFFFFC000  }
0xc0: {  	[tilespmem:s1], [sflag:$0x1] =	stream.strided.gather [hbm4b:s12+s31], $0x4000, s23, s31, $0x38;
	[tilespmem:$0x1D800] =	vst v63  }
0xc1: {  	[bflag:$0x0] =	sbarrier.arrive $0xFFFF  }
0xc2: {  	s10 =	sld [smem:$0x7F7]  }
0xc3: {  	s13 =	rddreg [dreg:$0x6]  }
0xc4: {  	s22 =	simm.s32 $0x8;
	s12 =	sor.u32 $0x1C03, s13;
	s13 =	sshrl.u32 s5, $0x3  }
0xc5: {  	[hbm:s10@s2], [sflag:s12] =	dma.strided [spmem:s13@s21], $0x1800, s22, $0x10   }
0xc6: {  	_ =	swait.ge [sflag:s3], $0x1800  }
0xc7: {  	[sflag:s3] =	ssyncset.done $0x0  }
0xc8: {  	[sflag:s3] =	ssyncadd.s32 $0xFFFFE800  }
0xc9: {  	[spmem:s5] =	stream.linear.scatter [tilespmem:s30], [sflag:$0x3], $0x2000, $0x38;
	[tilespmem:$0x1D800] =	vst v63  }
0xca: {  	_ = 	snop  }
0xcb: {  	[spmem:s16] =	stream.linear.scatter [tilespmem:s30], [sflag:$0x3], $0x2000, $0x38;
	[tilespmem:$0x1D800] =	vst v63  }
0xcc: {  	_ = 	snop  }
0xcd: {  	[spmem:s17] =	stream.linear.scatter [tilespmem:s30], [sflag:$0x3], $0x2000, $0x38;
	[tilespmem:$0x1D800] =	vst v63  }
0xce: {  	_ = 	snop  }
0xcf: {  	[spmem:s18] =	stream.linear.scatter [tilespmem:s30], [sflag:$0x3], $0x2000, $0x38;
	[tilespmem:$0x1D800] =	vst v63  }
0xd0: {  	_ = 	snop  }
0xd1: {  	[spmem:s19] =	stream.linear.scatter [tilespmem:s30], [sflag:$0x3], $0x2000, $0x38;
	[tilespmem:$0x1D800] =	vst v63  }
0xd2: {  	_ = 	snop  }
0xd3: {  	[spmem:s20] =	stream.linear.scatter [tilespmem:s30], [sflag:$0x3], $0x2000, $0x38;
	[tilespmem:$0x1D800] =	vst v63  }
0xd4: {  	_ =	swait.ge [sflag:s3], $0x2000  }
0xd5: {  	[sflag:s3] =	ssyncset.done $0x0  }
0xd6: {  	[sflag:s3] =	ssyncadd.s32 $0xFFFFE000  }
0xd7: {  	_ =	swait.ge [sflag:s3], $0x2000  }
0xd8: {  	[sflag:s3] =	ssyncset.done $0x0  }
0xd9: {  	[sflag:s3] =	ssyncadd.s32 $0xFFFFE000  }
0xda: {  	_ =	swait.ge [sflag:s3], $0x2000  }
0xdb: {  	[sflag:s3] =	ssyncset.done $0x0  }
0xdc: {  	[sflag:s3] =	ssyncadd.s32 $0xFFFFE000  }
0xdd: {  	_ =	swait.ge [sflag:s3], $0x2000  }
0xde: {  	[sflag:s3] =	ssyncset.done $0x0  }
0xdf: {  	[sflag:s3] =	ssyncadd.s32 $0xFFFFE000  }
0xe0: {  	_ =	swait.ge [sflag:s3], $0x2000  }
0xe1: {  	[sflag:s3] =	ssyncset.done $0x0  }
0xe2: {  	[sflag:s3] =	ssyncadd.s32 $0xFFFFE000  }
0xe3: {  	_ =	swait.ge [sflag:s3], $0x2000  }
0xe4: {  	[sflag:s3] =	ssyncset.done $0x0  }
0xe5: {  	[sflag:s3] =	ssyncadd.s32 $0xFFFFE000  }
0xe6: {  	[bflag:$0x0] =	sbarrier.arrive $0xFFFF  }
0xe7: {  	_ =	swait.ge [sflag:s25], $0x4000  }
0xe8: {  	[sflag:s25] =	ssyncset.done $0x0  }
0xe9: {  	[sflag:s25] =	ssyncadd.s32 $0xFFFFC000  }
0xea: {  	[spmem:s28] =	stream.indirect.scatter.add.f32 [tilespmem:s0], [sflag:$0x2], $0x80, s6, s21, $0xb8;
	[tilespmem:$0x1D800] =	vst v63  }
0xeb: {  	_ =	swait.ge [sflag:s4], $0x4000  }
0xec: {  	[sflag:s4] =	ssyncset.done $0x0  }
0xed: {  	s10 =	rddreg [dreg:$0xb];
	[sflag:s4] =	ssyncadd.s32 $0xFFFFC000  }
0xee: {  	[tilespmem:s0], [sflag:$0x1] =	stream.strided.gather [hbm4b:s10+s31], $0x4000, s23, s31, $0x38;
	[tilespmem:$0x1D800] =	vst v63  }
0xef: {  	_ =	swait.ge [sflag:s25], $0x4000  }
0xf0: {  	[sflag:s25] =	ssyncset.done $0x0  }
0xf1: {  	[sflag:s25] =	ssyncadd.s32 $0xFFFFC000  }
0xf2: {  	[spmem:s28] =	stream.indirect.scatter.add.f32 [tilespmem:s1], [sflag:$0x2], $0x80, s7, s21, $0xb8;
	[tilespmem:$0x1D800] =	vst v63  }
0xf3: {  	_ =	swait.ge [sflag:s4], $0x4000  }
0xf4: {  	[sflag:s4] =	ssyncset.done $0x0  }
0xf5: {  	s10 =	rddreg [dreg:$0xc];
	[sflag:s4] =	ssyncadd.s32 $0xFFFFC000  }
0xf6: {  	[tilespmem:s1], [sflag:$0x1] =	stream.strided.gather [hbm4b:s10+s31], $0x4000, s23, s31, $0x38;
	[tilespmem:$0x1D800] =	vst v63  }
0xf7: {  	_ =	swait.ge [sflag:s25], $0x4000  }
0xf8: {  	[sflag:s25] =	ssyncset.done $0x0  }
0xf9: {  	[sflag:s25] =	ssyncadd.s32 $0xFFFFC000  }
0xfa: {  	[spmem:s28] =	stream.indirect.scatter.add.f32 [tilespmem:s0], [sflag:$0x2], $0x80, s8, s21, $0xb8;
	[tilespmem:$0x1D800] =	vst v63  }
0xfb: {  	_ =	swait.ge [sflag:s4], $0x4000  }
0xfc: {  	[sflag:s4] =	ssyncset.done $0x0  }
0xfd: {  	s10 =	rddreg [dreg:$0xd];
	[sflag:s4] =	ssyncadd.s32 $0xFFFFC000  }
0xfe: {  	[tilespmem:s0], [sflag:$0x1] =	stream.strided.gather [hbm4b:s10+s31], $0x4000, s23, s31, $0x38;
	[tilespmem:$0x1D800] =	vst v63  }
0xff: {  	_ =	swait.ge [sflag:s25], $0x4000  }
0x100: {  	[sflag:s25] =	ssyncset.done $0x0  }
0x101: {  	[sflag:s25] =	ssyncadd.s32 $0xFFFFC000  }
0x102: {  	[spmem:s28] =	stream.indirect.scatter.add.f32 [tilespmem:s1], [sflag:$0x2], $0x80, s9, s21, $0xb8;
	[tilespmem:$0x1D800] =	vst v63  }
0x103: {  	_ =	swait.ge [sflag:s4], $0x4000  }
0x104: {  	[sflag:s4] =	ssyncset.done $0x0  }
0x105: {  	s10 =	rddreg [dreg:$0xe];
	[sflag:s4] =	ssyncadd.s32 $0xFFFFC000  }
0x106: {  	[tilespmem:s1], [sflag:$0x1] =	stream.strided.gather [hbm4b:s10+s31], $0x4000, s23, s31, $0x38;
	[tilespmem:$0x1D800] =	vst v63  }
0x107: {  	[bflag:$0x0] =	sbarrier.arrive $0xFFFF  }
0x108: {  	s10 =	sld [smem:$0x7F8];
	_ =	sdelay $0x2  }
0x109: {  	[hbm:s10@s2], [sflag:s12] =	dma.strided [spmem:s13@s21], $0x1800, s22, $0x10   }
0x10a: {  	_ =	swait.ge [sflag:s3], $0x1800  }
0x10b: {  	[sflag:s3] =	ssyncset.done $0x0  }
0x10c: {  	[sflag:s3] =	ssyncadd.s32 $0xFFFFE800  }
0x10d: {  	[spmem:s5] =	stream.linear.scatter [tilespmem:s30], [sflag:$0x3], $0x2000, $0x38;
	[tilespmem:$0x1D800] =	vst v63  }
0x10e: {  	_ = 	snop  }
0x10f: {  	[spmem:s16] =	stream.linear.scatter [tilespmem:s30], [sflag:$0x3], $0x2000, $0x38;
	[tilespmem:$0x1D800] =	vst v63  }
0x110: {  	_ = 	snop  }
0x111: {  	[spmem:s17] =	stream.linear.scatter [tilespmem:s30], [sflag:$0x3], $0x2000, $0x38;
	[tilespmem:$0x1D800] =	vst v63  }
0x112: {  	_ = 	snop  }
0x113: {  	[spmem:s18] =	stream.linear.scatter [tilespmem:s30], [sflag:$0x3], $0x2000, $0x38;
	[tilespmem:$0x1D800] =	vst v63  }
0x114: {  	_ = 	snop  }
0x115: {  	[spmem:s19] =	stream.linear.scatter [tilespmem:s30], [sflag:$0x3], $0x2000, $0x38;
	[tilespmem:$0x1D800] =	vst v63  }
0x116: {  	_ = 	snop  }
0x117: {  	[spmem:s20] =	stream.linear.scatter [tilespmem:s30], [sflag:$0x3], $0x2000, $0x38;
	[tilespmem:$0x1D800] =	vst v63  }
0x118: {  	_ =	swait.ge [sflag:s3], $0x2000  }
0x119: {  	[sflag:s3] =	ssyncset.done $0x0  }
0x11a: {  	[sflag:s3] =	ssyncadd.s32 $0xFFFFE000  }
0x11b: {  	_ =	swait.ge [sflag:s3], $0x2000  }
0x11c: {  	[sflag:s3] =	ssyncset.done $0x0  }
0x11d: {  	[sflag:s3] =	ssyncadd.s32 $0xFFFFE000  }
0x11e: {  	_ =	swait.ge [sflag:s3], $0x2000  }
0x11f: {  	[sflag:s3] =	ssyncset.done $0x0  }
0x120: {  	[sflag:s3] =	ssyncadd.s32 $0xFFFFE000  }
0x121: {  	_ =	swait.ge [sflag:s3], $0x2000  }
0x122: {  	[sflag:s3] =	ssyncset.done $0x0  }
0x123: {  	[sflag:s3] =	ssyncadd.s32 $0xFFFFE000  }
0x124: {  	_ =	swait.ge [sflag:s3], $0x2000  }
0x125: {  	[sflag:s3] =	ssyncset.done $0x0  }
0x126: {  	[sflag:s3] =	ssyncadd.s32 $0xFFFFE000  }
0x127: {  	_ =	swait.ge [sflag:s3], $0x2000  }
0x128: {  	[sflag:s3] =	ssyncset.done $0x0  }
0x129: {  	[sflag:s3] =	ssyncadd.s32 $0xFFFFE000  }
0x12a: {  	[bflag:$0x0] =	sbarrier.arrive $0xFFFF  }
0x12b: {  	_ =	swait.ge [sflag:s25], $0x4000  }
0x12c: {  	[sflag:s25] =	ssyncset.done $0x0  }
0x12d: {  	[sflag:s25] =	ssyncadd.s32 $0xFFFFC000  }
0x12e: {  	[spmem:s28] =	stream.indirect.scatter.add.f32 [tilespmem:s0], [sflag:$0x2], $0x80, s6, s21, $0xb8;
	[tilespmem:$0x1D800] =	vst v63  }
0x12f: {  	_ =	swait.ge [sflag:s4], $0x4000  }
0x130: {  	[sflag:s4] =	ssyncset.done $0x0  }
0x131: {  	s10 =	rddreg [dreg:$0xf];
	[sflag:s4] =	ssyncadd.s32 $0xFFFFC000  }
0x132: {  	[tilespmem:s0], [sflag:$0x1] =	stream.strided.gather [hbm4b:s10+s31], $0x4000, s23, s31, $0x38;
	[tilespmem:$0x1D800] =	vst v63  }
0x133: {  	_ =	swait.ge [sflag:s25], $0x4000  }
0x134: {  	[sflag:s25] =	ssyncset.done $0x0  }
0x135: {  	[sflag:s25] =	ssyncadd.s32 $0xFFFFC000  }
0x136: {  	[spmem:s28] =	stream.indirect.scatter.add.f32 [tilespmem:s1], [sflag:$0x2], $0x80, s7, s21, $0xb8;
	[tilespmem:$0x1D800] =	vst v63  }
0x137: {  	_ =	swait.ge [sflag:s4], $0x4000  }
0x138: {  	[sflag:s4] =	ssyncset.done $0x0  }
0x139: {  	s10 =	rddreg [dreg:$0x10];
	[sflag:s4] =	ssyncadd.s32 $0xFFFFC000  }
0x13a: {  	[tilespmem:s1], [sflag:$0x1] =	stream.strided.gather [hbm4b:s10+s31], $0x4000, s23, s31, $0x38;
	[tilespmem:$0x1D800] =	vst v63  }
0x13b: {  	_ =	swait.ge [sflag:s25], $0x4000  }
0x13c: {  	[sflag:s25] =	ssyncset.done $0x0  }
0x13d: {  	[sflag:s25] =	ssyncadd.s32 $0xFFFFC000  }
0x13e: {  	[spmem:s28] =	stream.indirect.scatter.add.f32 [tilespmem:s0], [sflag:$0x2], $0x80, s8, s21, $0xb8;
	[tilespmem:$0x1D800] =	vst v63  }
0x13f: {  	_ =	swait.ge [sflag:s4], $0x4000  }
0x140: {  	[sflag:s4] =	ssyncset.done $0x0  }
0x141: {  	s10 =	rddreg [dreg:$0x11];
	[sflag:s4] =	ssyncadd.s32 $0xFFFFC000  }
0x142: {  	[tilespmem:s0], [sflag:$0x1] =	stream.strided.gather [hbm4b:s10+s31], $0x4000, s23, s31, $0x38;
	[tilespmem:$0x1D800] =	vst v63  }
0x143: {  	_ =	swait.ge [sflag:s25], $0x4000  }
0x144: {  	[sflag:s25] =	ssyncset.done $0x0  }
0x145: {  	[sflag:s25] =	ssyncadd.s32 $0xFFFFC000  }
0x146: {  	[spmem:s28] =	stream.indirect.scatter.add.f32 [tilespmem:s1], [sflag:$0x2], $0x80, s9, s21, $0xb8;
	[tilespmem:$0x1D800] =	vst v63  }
0x147: {  	_ =	swait.ge [sflag:s4], $0x4000  }
0x148: {  	[sflag:s4] =	ssyncset.done $0x0  }
0x149: {  	s10 =	rddreg [dreg:$0x12];
	[sflag:s4] =	ssyncadd.s32 $0xFFFFC000  }
0x14a: {  	[tilespmem:s1], [sflag:$0x1] =	stream.strided.gather [hbm4b:s10+s31], $0x4000, s23, s31, $0x38;
	[tilespmem:$0x1D800] =	vst v63  }
0x14b: {  	[bflag:$0x0] =	sbarrier.arrive $0xFFFF  }
0x14c: {  	s10 =	sld [smem:$0x7F9];
	_ =	sdelay $0x2  }
0x14d: {  	[hbm:s10@s2], [sflag:s12] =	dma.strided [spmem:s13@s21], $0x1800, s22, $0x10   }
0x14e: {  	_ =	swait.ge [sflag:s3], $0x1800  }
0x14f: {  	[sflag:s3] =	ssyncset.done $0x0  }
0x150: {  	[sflag:s3] =	ssyncadd.s32 $0xFFFFE800  }
0x151: {  	[spmem:s5] =	stream.linear.scatter [tilespmem:s30], [sflag:$0x3], $0x2000, $0x38;
	[tilespmem:$0x1D800] =	vst v63  }
0x152: {  	_ = 	snop  }
0x153: {  	[spmem:s16] =	stream.linear.scatter [tilespmem:s30], [sflag:$0x3], $0x2000, $0x38;
	[tilespmem:$0x1D800] =	vst v63  }
0x154: {  	_ = 	snop  }
0x155: {  	[spmem:s17] =	stream.linear.scatter [tilespmem:s30], [sflag:$0x3], $0x2000, $0x38;
	[tilespmem:$0x1D800] =	vst v63  }
0x156: {  	_ = 	snop  }
0x157: {  	[spmem:s18] =	stream.linear.scatter [tilespmem:s30], [sflag:$0x3], $0x2000, $0x38;
	[tilespmem:$0x1D800] =	vst v63  }
0x158: {  	_ = 	snop  }
0x159: {  	[spmem:s19] =	stream.linear.scatter [tilespmem:s30], [sflag:$0x3], $0x2000, $0x38;
	[tilespmem:$0x1D800] =	vst v63  }
0x15a: {  	_ = 	snop  }
0x15b: {  	[spmem:s20] =	stream.linear.scatter [tilespmem:s30], [sflag:$0x3], $0x2000, $0x38;
	[tilespmem:$0x1D800] =	vst v63  }
0x15c: {  	_ =	swait.ge [sflag:s3], $0x2000  }
0x15d: {  	[sflag:s3] =	ssyncset.done $0x0  }
0x15e: {  	[sflag:s3] =	ssyncadd.s32 $0xFFFFE000  }
0x15f: {  	_ =	swait.ge [sflag:s3], $0x2000  }
0x160: {  	[sflag:s3] =	ssyncset.done $0x0  }
0x161: {  	[sflag:s3] =	ssyncadd.s32 $0xFFFFE000  }
0x162: {  	_ =	swait.ge [sflag:s3], $0x2000  }
0x163: {  	[sflag:s3] =	ssyncset.done $0x0  }
0x164: {  	[sflag:s3] =	ssyncadd.s32 $0xFFFFE000  }
0x165: {  	_ =	swait.ge [sflag:s3], $0x2000  }
0x166: {  	[sflag:s3] =	ssyncset.done $0x0  }
0x167: {  	[sflag:s3] =	ssyncadd.s32 $0xFFFFE000  }
0x168: {  	_ =	swait.ge [sflag:s3], $0x2000  }
0x169: {  	[sflag:s3] =	ssyncset.done $0x0  }
0x16a: {  	[sflag:s3] =	ssyncadd.s32 $0xFFFFE000  }
0x16b: {  	_ =	swait.ge [sflag:s3], $0x2000  }
0x16c: {  	[sflag:s3] =	ssyncset.done $0x0  }
0x16d: {  	[sflag:s3] =	ssyncadd.s32 $0xFFFFE000  }
0x16e: {  	[bflag:$0x0] =	sbarrier.arrive $0xFFFF  }
0x16f: {  	_ =	swait.ge [sflag:s25], $0x4000  }
0x170: {  	[sflag:s25] =	ssyncset.done $0x0  }
0x171: {  	[sflag:s25] =	ssyncadd.s32 $0xFFFFC000  }
0x172: {  	[spmem:s28] =	stream.indirect.scatter.add.f32 [tilespmem:s0], [sflag:$0x2], $0x80, s6, s21, $0xb8;
	[tilespmem:$0x1D800] =	vst v63  }
0x173: {  	_ =	swait.ge [sflag:s4], $0x4000  }
0x174: {  	[sflag:s4] =	ssyncset.done $0x0  }
0x175: {  	s10 =	rddreg [dreg:$0x13];
	[sflag:s4] =	ssyncadd.s32 $0xFFFFC000  }
0x176: {  	[tilespmem:s0], [sflag:$0x1] =	stream.strided.gather [hbm4b:s10+s31], $0x4000, s23, s31, $0x38;
	[tilespmem:$0x1D800] =	vst v63  }
0x177: {  	_ =	swait.ge [sflag:s25], $0x4000  }
0x178: {  	[sflag:s25] =	ssyncset.done $0x0  }
0x179: {  	[sflag:s25] =	ssyncadd.s32 $0xFFFFC000  }
0x17a: {  	[spmem:s28] =	stream.indirect.scatter.add.f32 [tilespmem:s1], [sflag:$0x2], $0x80, s7, s21, $0xb8;
	[tilespmem:$0x1D800] =	vst v63  }
0x17b: {  	_ =	swait.ge [sflag:s4], $0x4000  }
0x17c: {  	[sflag:s4] =	ssyncset.done $0x0  }
0x17d: {  	s10 =	rddreg [dreg:$0x14];
	[sflag:s4] =	ssyncadd.s32 $0xFFFFC000  }
0x17e: {  	[tilespmem:s1], [sflag:$0x1] =	stream.strided.gather [hbm4b:s10+s31], $0x4000, s23, s31, $0x38;
	[tilespmem:$0x1D800] =	vst v63  }
0x17f: {  	_ =	swait.ge [sflag:s25], $0x4000  }
0x180: {  	[sflag:s25] =	ssyncset.done $0x0  }
0x181: {  	[sflag:s25] =	ssyncadd.s32 $0xFFFFC000  }
0x182: {  	[spmem:s28] =	stream.indirect.scatter.add.f32 [tilespmem:s0], [sflag:$0x2], $0x80, s8, s21, $0xb8;
	[tilespmem:$0x1D800] =	vst v63  }
0x183: {  	_ =	swait.ge [sflag:s4], $0x4000  }
0x184: {  	[sflag:s4] =	ssyncset.done $0x0  }
0x185: {  	s10 =	rddreg [dreg:$0x19];
	[sflag:s4] =	ssyncadd.s32 $0xFFFFC000  }
0x186: {  	[tilespmem:s0], [sflag:$0x1] =	stream.strided.gather [hbm4b:s10+s31], $0x4000, s23, s31, $0x38;
	[tilespmem:$0x1D800] =	vst v63  }
0x187: {  	_ =	swait.ge [sflag:s25], $0x4000  }
0x188: {  	[sflag:s25] =	ssyncset.done $0x0  }
0x189: {  	[sflag:s25] =	ssyncadd.s32 $0xFFFFC000  }
0x18a: {  	[spmem:s28] =	stream.indirect.scatter.add.f32 [tilespmem:s1], [sflag:$0x2], $0x80, s9, s21, $0xb8;
	[tilespmem:$0x1D800] =	vst v63  }
0x18b: {  	_ =	swait.ge [sflag:s4], $0x4000  }
0x18c: {  	[sflag:s4] =	ssyncset.done $0x0  }
0x18d: {  	s10 =	rddreg [dreg:$0x1a];
	[sflag:s4] =	ssyncadd.s32 $0xFFFFC000  }
0x18e: {  	[tilespmem:s1], [sflag:$0x1] =	stream.strided.gather [hbm4b:s10+s31], $0x4000, s23, s31, $0x38;
	[tilespmem:$0x1D800] =	vst v63  }
0x18f: {  	[bflag:$0x0] =	sbarrier.arrive $0xFFFF  }
0x190: {  	s10 =	sld [smem:$0x7FA];
	_ =	sdelay $0x2  }
0x191: {  	[hbm:s10@s2], [sflag:s12] =	dma.strided [spmem:s13@s21], $0x1800, s22, $0x10   }
0x192: {  	_ =	swait.ge [sflag:s3], $0x1800  }
0x193: {  	[sflag:s3] =	ssyncset.done $0x0  }
0x194: {  	[sflag:s3] =	ssyncadd.s32 $0xFFFFE800  }
0x195: {  	[spmem:s5] =	stream.linear.scatter [tilespmem:s30], [sflag:$0x3], $0x2000, $0x38;
	[tilespmem:$0x1D800] =	vst v63  }
0x196: {  	_ = 	snop  }
0x197: {  	[spmem:s16] =	stream.linear.scatter [tilespmem:s30], [sflag:$0x3], $0x2000, $0x38;
	[tilespmem:$0x1D800] =	vst v63  }
0x198: {  	_ = 	snop  }
0x199: {  	[spmem:s17] =	stream.linear.scatter [tilespmem:s30], [sflag:$0x3], $0x2000, $0x38;
	[tilespmem:$0x1D800] =	vst v63  }
0x19a: {  	_ = 	snop  }
0x19b: {  	[spmem:s18] =	stream.linear.scatter [tilespmem:s30], [sflag:$0x3], $0x2000, $0x38;
	[tilespmem:$0x1D800] =	vst v63  }
0x19c: {  	_ = 	snop  }
0x19d: {  	[spmem:s19] =	stream.linear.scatter [tilespmem:s30], [sflag:$0x3], $0x2000, $0x38;
	[tilespmem:$0x1D800] =	vst v63  }
0x19e: {  	_ = 	snop  }
0x19f: {  	[spmem:s20] =	stream.linear.scatter [tilespmem:s30], [sflag:$0x3], $0x2000, $0x38;
	[tilespmem:$0x1D800] =	vst v63  }
0x1a0: {  	_ =	swait.ge [sflag:s3], $0x2000  }
0x1a1: {  	[sflag:s3] =	ssyncset.done $0x0  }
0x1a2: {  	[sflag:s3] =	ssyncadd.s32 $0xFFFFE000  }
0x1a3: {  	_ =	swait.ge [sflag:s3], $0x2000  }
0x1a4: {  	[sflag:s3] =	ssyncset.done $0x0  }
0x1a5: {  	[sflag:s3] =	ssyncadd.s32 $0xFFFFE000  }
0x1a6: {  	_ =	swait.ge [sflag:s3], $0x2000  }
0x1a7: {  	[sflag:s3] =	ssyncset.done $0x0  }
0x1a8: {  	[sflag:s3] =	ssyncadd.s32 $0xFFFFE000  }
0x1a9: {  	_ =	swait.ge [sflag:s3], $0x2000  }
0x1aa: {  	[sflag:s3] =	ssyncset.done $0x0  }
0x1ab: {  	[sflag:s3] =	ssyncadd.s32 $0xFFFFE000  }
0x1ac: {  	_ =	swait.ge [sflag:s3], $0x2000  }
0x1ad: {  	[sflag:s3] =	ssyncset.done $0x0  }
0x1ae: {  	[sflag:s3] =	ssyncadd.s32 $0xFFFFE000  }
0x1af: {  	_ =	swait.ge [sflag:s3], $0x2000  }
0x1b0: {  	[sflag:s3] =	ssyncset.done $0x0  }
0x1b1: {  	[sflag:s3] =	ssyncadd.s32 $0xFFFFE000  }
0x1b2: {  	[bflag:$0x0] =	sbarrier.arrive $0xFFFF  }
0x1b3: {  	_ =	swait.ge [sflag:s25], $0x4000  }
0x1b4: {  	[sflag:s25] =	ssyncset.done $0x0  }
0x1b5: {  	[sflag:s25] =	ssyncadd.s32 $0xFFFFC000  }
0x1b6: {  	[spmem:s28] =	stream.indirect.scatter.add.f32 [tilespmem:s0], [sflag:$0x2], $0x80, s6, s21, $0xb8;
	[tilespmem:$0x1D800] =	vst v63  }
0x1b7: {  	_ =	swait.ge [sflag:s4], $0x4000  }
0x1b8: {  	[sflag:s4] =	ssyncset.done $0x0  }
0x1b9: {  	s10 =	rddreg [dreg:$0x1b];
	[sflag:s4] =	ssyncadd.s32 $0xFFFFC000  }
0x1ba: {  	[tilespmem:s0], [sflag:$0x1] =	stream.strided.gather [hbm4b:s10+s31], $0x4000, s23, s31, $0x38;
	[tilespmem:$0x1D800] =	vst v63  }
0x1bb: {  	_ =	swait.ge [sflag:s25], $0x4000  }
0x1bc: {  	[sflag:s25] =	ssyncset.done $0x0  }
0x1bd: {  	[sflag:s25] =	ssyncadd.s32 $0xFFFFC000  }
0x1be: {  	[spmem:s28] =	stream.indirect.scatter.add.f32 [tilespmem:s1], [sflag:$0x2], $0x80, s7, s21, $0xb8;
	[tilespmem:$0x1D800] =	vst v63  }
0x1bf: {  	_ =	swait.ge [sflag:s4], $0x4000  }
0x1c0: {  	[sflag:s4] =	ssyncset.done $0x0  }
0x1c1: {  	s10 =	rddreg [dreg:$0x1c];
	[sflag:s4] =	ssyncadd.s32 $0xFFFFC000  }
0x1c2: {  	[tilespmem:s1], [sflag:$0x1] =	stream.strided.gather [hbm4b:s10+s31], $0x4000, s23, s31, $0x38;
	[tilespmem:$0x1D800] =	vst v63  }
0x1c3: {  	_ =	swait.ge [sflag:s25], $0x4000  }
0x1c4: {  	[sflag:s25] =	ssyncset.done $0x0  }
0x1c5: {  	[sflag:s25] =	ssyncadd.s32 $0xFFFFC000  }
0x1c6: {  	[spmem:s28] =	stream.indirect.scatter.add.f32 [tilespmem:s0], [sflag:$0x2], $0x80, s8, s21, $0xb8;
	[tilespmem:$0x1D800] =	vst v63  }
0x1c7: {  	_ =	swait.ge [sflag:s4], $0x4000  }
0x1c8: {  	[sflag:s4] =	ssyncset.done $0x0  }
0x1c9: {  	s10 =	rddreg [dreg:$0x1d];
	[sflag:s4] =	ssyncadd.s32 $0xFFFFC000  }
0x1ca: {  	[tilespmem:s0], [sflag:$0x1] =	stream.strided.gather [hbm4b:s10+s31], $0x4000, s23, s31, $0x38;
	[tilespmem:$0x1D800] =	vst v63  }
0x1cb: {  	_ =	swait.ge [sflag:s25], $0x4000  }
0x1cc: {  	[sflag:s25] =	ssyncset.done $0x0  }
0x1cd: {  	[sflag:s25] =	ssyncadd.s32 $0xFFFFC000  }
0x1ce: {  	[spmem:s28] =	stream.indirect.scatter.add.f32 [tilespmem:s1], [sflag:$0x2], $0x80, s9, s21, $0xb8;
	[tilespmem:$0x1D800] =	vst v63  }
0x1cf: {  	_ =	swait.ge [sflag:s4], $0x4000  }
0x1d0: {  	[sflag:s4] =	ssyncset.done $0x0  }
0x1d1: {  	s10 =	rddreg [dreg:$0x1e];
	[sflag:s4] =	ssyncadd.s32 $0xFFFFC000  }
0x1d2: {  	[tilespmem:s1], [sflag:$0x1] =	stream.strided.gather [hbm4b:s10+s31], $0x4000, s23, s31, $0x38;
	[tilespmem:$0x1D800] =	vst v63  }
0x1d3: {  	[bflag:$0x0] =	sbarrier.arrive $0xFFFF  }
0x1d4: {  	s10 =	sld [smem:$0x7FB];
	_ =	sdelay $0x2  }
0x1d5: {  	[hbm:s10@s2], [sflag:s12] =	dma.strided [spmem:s13@s21], $0x1800, s22, $0x10   }
0x1d6: {  	_ =	swait.ge [sflag:s3], $0x1800  }
0x1d7: {  	[sflag:s3] =	ssyncset.done $0x0  }
0x1d8: {  	[sflag:s3] =	ssyncadd.s32 $0xFFFFE800  }
0x1d9: {  	[spmem:s5] =	stream.linear.scatter [tilespmem:s30], [sflag:$0x3], $0x2000, $0x38;
	[tilespmem:$0x1D800] =	vst v63  }
0x1da: {  	_ = 	snop  }
0x1db: {  	[spmem:s16] =	stream.linear.scatter [tilespmem:s30], [sflag:$0x3], $0x2000, $0x38;
	[tilespmem:$0x1D800] =	vst v63  }
0x1dc: {  	_ = 	snop  }
0x1dd: {  	[spmem:s17] =	stream.linear.scatter [tilespmem:s30], [sflag:$0x3], $0x2000, $0x38;
	[tilespmem:$0x1D800] =	vst v63  }
0x1de: {  	_ = 	snop  }
0x1df: {  	[spmem:s18] =	stream.linear.scatter [tilespmem:s30], [sflag:$0x3], $0x2000, $0x38;
	[tilespmem:$0x1D800] =	vst v63  }
0x1e0: {  	_ = 	snop  }
0x1e1: {  	[spmem:s19] =	stream.linear.scatter [tilespmem:s30], [sflag:$0x3], $0x2000, $0x38;
	[tilespmem:$0x1D800] =	vst v63  }
0x1e2: {  	_ = 	snop  }
0x1e3: {  	[spmem:s20] =	stream.linear.scatter [tilespmem:s30], [sflag:$0x3], $0x2000, $0x38;
	[tilespmem:$0x1D800] =	vst v63  }
0x1e4: {  	_ =	swait.ge [sflag:s3], $0x2000  }
0x1e5: {  	[sflag:s3] =	ssyncset.done $0x0  }
0x1e6: {  	[sflag:s3] =	ssyncadd.s32 $0xFFFFE000  }
0x1e7: {  	_ =	swait.ge [sflag:s3], $0x2000  }
0x1e8: {  	[sflag:s3] =	ssyncset.done $0x0  }
0x1e9: {  	[sflag:s3] =	ssyncadd.s32 $0xFFFFE000  }
0x1ea: {  	_ =	swait.ge [sflag:s3], $0x2000  }
0x1eb: {  	[sflag:s3] =	ssyncset.done $0x0  }
0x1ec: {  	[sflag:s3] =	ssyncadd.s32 $0xFFFFE000  }
0x1ed: {  	_ =	swait.ge [sflag:s3], $0x2000  }
0x1ee: {  	[sflag:s3] =	ssyncset.done $0x0  }
0x1ef: {  	[sflag:s3] =	ssyncadd.s32 $0xFFFFE000  }
0x1f0: {  	_ =	swait.ge [sflag:s3], $0x2000  }
0x1f1: {  	[sflag:s3] =	ssyncset.done $0x0  }
0x1f2: {  	[sflag:s3] =	ssyncadd.s32 $0xFFFFE000  }
0x1f3: {  	_ =	swait.ge [sflag:s3], $0x2000  }
0x1f4: {  	[sflag:s3] =	ssyncset.done $0x0  }
0x1f5: {  	[sflag:s3] =	ssyncadd.s32 $0xFFFFE000  }
0x1f6: {  	[bflag:$0x0] =	sbarrier.arrive $0xFFFF  }
0x1f7: {  	_ =	swait.ge [sflag:s25], $0x4000  }
0x1f8: {  	[sflag:s25] =	ssyncset.done $0x0  }
0x1f9: {  	[sflag:s25] =	ssyncadd.s32 $0xFFFFC000  }
0x1fa: {  	[spmem:s28] =	stream.indirect.scatter.add.f32 [tilespmem:s0], [sflag:$0x2], $0x80, s6, s21, $0xb8;
	[tilespmem:$0x1D800] =	vst v63  }
0x1fb: {  	_ =	swait.ge [sflag:s4], $0x4000  }
0x1fc: {  	[sflag:s4] =	ssyncset.done $0x0  }
0x1fd: {  	s10 =	rddreg [dreg:$0x1f];
	[sflag:s4] =	ssyncadd.s32 $0xFFFFC000  }
0x1fe: {  	[tilespmem:s0], [sflag:$0x1] =	stream.strided.gather [hbm4b:s10+s31], $0x4000, s23, s31, $0x38;
	[tilespmem:$0x1D800] =	vst v63  }
0x1ff: {  	_ =	swait.ge [sflag:s25], $0x4000  }
0x200: {  	[sflag:s25] =	ssyncset.done $0x0  }
0x201: {  	[sflag:s25] =	ssyncadd.s32 $0xFFFFC000  }
0x202: {  	[spmem:s28] =	stream.indirect.scatter.add.f32 [tilespmem:s1], [sflag:$0x2], $0x80, s7, s21, $0xb8;
	[tilespmem:$0x1D800] =	vst v63  }
0x203: {  	_ =	swait.ge [sflag:s4], $0x4000  }
0x204: {  	s10 =	sld [smem:$0x7F1]  }
0x205: {  	[sflag:s4] =	ssyncset.done $0x0  }
0x206: {  	[sflag:s4] =	ssyncadd.s32 $0xFFFFC000  }
0x207: {  	[tilespmem:s1], [sflag:$0x1] =	stream.strided.gather [hbm4b:s10+s31], $0x4000, s23, s31, $0x38;
	[tilespmem:$0x1D800] =	vst v63  }
0x208: {  	_ =	swait.ge [sflag:s25], $0x4000  }
0x209: {  	[sflag:s25] =	ssyncset.done $0x0  }
0x20a: {  	[sflag:s25] =	ssyncadd.s32 $0xFFFFC000  }
0x20b: {  	[spmem:s28] =	stream.indirect.scatter.add.f32 [tilespmem:s0], [sflag:$0x2], $0x80, s8, s21, $0xb8;
	[tilespmem:$0x1D800] =	vst v63  }
0x20c: {  	_ =	swait.ge [sflag:s4], $0x4000  }
0x20d: {  	[sflag:s4] =	ssyncset.done $0x0  }
0x20e: {  	[sflag:s4] =	ssyncadd.s32 $0xFFFFC000  }
0x20f: {  	_ =	swait.ge [sflag:s25], $0x4000  }
0x210: {  	[sflag:s25] =	ssyncset.done $0x0  }
0x211: {  	[sflag:s25] =	ssyncadd.s32 $0xFFFFC000  }
0x212: {  	[spmem:s28] =	stream.indirect.scatter.add.f32 [tilespmem:s1], [sflag:$0x2], $0x80, s9, s21, $0xb8;
	[tilespmem:$0x1D800] =	vst v63  }
0x213: {  	_ =	swait.ge [sflag:s4], $0x4000  }
0x214: {  	[sflag:s4] =	ssyncset.done $0x0  }
0x215: {  	[sflag:s4] =	ssyncadd.s32 $0xFFFFC000  }
0x216: {  	[bflag:$0x0] =	sbarrier.arrive $0xFFFF  }
0x217: {  	s10 =	sld [smem:$0x7FC];
	_ =	sdelay $0x2  }
0x218: {  	[hbm:s10@s2], [sflag:s12] =	dma.strided [spmem:s13@s21], $0x1800, s22, $0x10   }
0x219: {  	_ =	swait.ge [sflag:s3], $0x1800  }
0x21a: {  	s22 =	sld [smem:$0x7FD];
	_ =	sdelay $0x1  }
0x21b: {  	s11 =	sadd.s32 $0x1, s11  }
0x21c: {  	p0 =	sne.s32 s11, s22  }
.Ltmp3:
0x21d: {  	_ = 	snop;
	(pc) =	sbr.rel @p0 .LBB2_1-.Ltmp3, $3  }
0x21e: {  	[sflag:s3] =	ssyncset.done $0x0  }
0x21f: {  	[sflag:s3] =	ssyncadd.s32 $0xFFFFE800  }
0x220: {  	[bflag:$0x0] =	sbarrier.arrive $0xFFFF;
	_ =	sdelay $0x1  }
0x221: {  	_ =	sfence.sel $0x180000  }
0x222: {  	[bflag:$0x0] =	sbarrier.arrive $0xFFFF  }
0x223: {  	_ =	strace $0x90000047  }
0x224: {  	s0 =	stileid.u32;
	[bflag:$0x2] =	sbarrier.arrive $0xFFFF  }
0x225: {  	p0 =	sne.s32 s0, $0x0;
	s0 =	rddreg [dreg:$0x5]  }
0x226: {  	s0 =	sadd.s32 @!p0 $0x100000, s0  }
0x227: {  	[sflag:s0] =	ssyncadd.tile.s32 @!p0 $0x1;
	_ =	shalt  }
.Lfunc_end2:
_tile_overlayer_lowered:
.L_overlay_start_2:
0x228: {  	(tag) =	ssettag $0x2  }
0x229: {  	s0 =	rddreg [dreg:$0x0];
	s2 =	stileid.u32  }
0x22a: {  	s1 =	rddreg [dreg:$0x1];
	p0 =	sne.s32 s2, $0x0  }
0x22b: {  	s3 =	rddreg [dreg:$0x2];
	[bflag:$0x3] =	sbarrier.arrive $0xFFFF;
	s2 =	simm.s32 @!p0 $0x1C04  }
0x22c: {  	[timem:s3], [sflag:s2] =	dma.local @!p0 [hbm:s0], s1  }
0x22d: {  	s0 =	simm.s32 @!p0 $0x4  }
0x22e: {  	_ =	swait.ge @!p0 [sflag:s0], s1  }
0x22f: {  	s1 =	ssub.s32 @!p0 $0x0, s1;
	[sflag:s0] =	ssyncset.done @!p0 $0x0  }
0x230: {  	[sflag:s0] =	ssyncadd.s32 @!p0 s1  }
0x231: {  	[bflag:$0x3] =	sbarrier.arrive $0xFFFF  }
0x232: {  	_ =	shalt  }

</sc_bundles>
